<compile_context>
chip_gen: v7x
topology: tpu7x:2x2x1
jax: 0.10.2.dev20260603
libtpu: 0.0.44.dev20260713+nightly
codegen_flags: <defaults>
</compile_context>

<pallas_src>
import jax
import jax.numpy as jnp
from jax import lax
from jax.experimental import pallas as pl
from jax.experimental.pallas import tpu as pltpu
from jax.experimental.pallas import tpu_sc as plsc

VOCAB = 1000000
EMB_DIM = 64
BATCH = 16384

_NC = 2
_NS = 16
_LANES = 16
_NW = _NC * _NS
_BPW = BATCH // _NW
_CHUNK = 128
_NCHUNK = _BPW // _CHUNK
_NBUF = 6
_IOTA = lambda: lax.iota(jnp.int32, _LANES)


def _vec_at(arr_v, r):
    return arr_v[lax.shift_right_logical(r, 7),
                 pl.ds(lax.bitwise_and(r, 0x70), _LANES)]


def _splat_at(arr_v, r):
    v = _vec_at(arr_v, r)
    return v[lax.broadcast(lax.bitwise_and(r, 0xF), (_LANES,))]


def _scalar_at(arr_v, r):
    return _splat_at(arr_v, r)[0]


def _emb_mul_kernel(sidx_hbm, ord_hbm, rep_hbm, tabt_hbm, out_hbm,
                    sidx_v, ord_v, slots_v, flags_v, dbuck_v, cbuf_v,
                    ring_v, rep_v, ob_v, gsem, rsem, osem):
    wid = lax.axis_index("s") * _NC + lax.axis_index("c")

    pltpu.sync_copy(sidx_hbm.at[pl.ds(wid * (_BPW // 128), _BPW // 128)],
                    sidx_v)
    pltpu.sync_copy(ord_hbm.at[pl.ds(wid * (_BPW // 128), _BPW // 128)],
                    ord_v)

    cbuf_v[pl.ds(0, _LANES)] = lax.broadcast(jnp.int32(-1), (_LANES,))
    for t in range(_BPW // _LANES):
        j, off = t // 8, (t % 8) * _LANES
        c = lax.shift_right_logical(sidx_v[j, pl.ds(off, _LANES)], 7)
        cbuf_v[pl.ds(1 + t * _LANES, _LANES)] = c
    run = jnp.int32(0)
    for t in range(_BPW // _LANES):
        j, off = t // 8, (t % 8) * _LANES
        sl = pl.ds(off, _LANES)
        c = cbuf_v[pl.ds(1 + t * _LANES, _LANES)]
        pcs = cbuf_v[pl.ds(t * _LANES, _LANES)]
        flag = (c != pcs).astype(jnp.int32)
        cum = plsc.cumsum(flag)
        slots_v[j, sl] = lax.broadcast(run, (_LANES,)) + cum - 1
        flags_v[j, sl] = flag
        plsc.store_compressed(dbuck_v.at[pl.ds(run, _LANES)], c,
                              mask=flag == 1)
        run = run + cum[_LANES - 1]
    ndist = run

    def fetch(d, slot):
        v = dbuck_v[pl.ds(lax.bitwise_and(d, ~0xF), _LANES)]
        bucket = v[lax.broadcast(lax.bitwise_and(d, 0xF), (_LANES,))][0]
        col = pl.multiple_of(lax.shift_left(bucket, 7), 128)
        pltpu.async_copy(tabt_hbm.at[:, pl.ds(col, 128)],
                         ring_v.at[slot], gsem)

    def slot_wait():
        pltpu.make_async_copy(
            tabt_hbm.at[:, pl.ds(0, 128)], ring_v.at[0], gsem).wait()

    for s in range(_NBUF):
        @pl.when(s < ndist)
        def _():
            fetch(jnp.int32(s), s)

    def rep_fire_chunk(j, slot):
        def rep_fire(r2, carry):
            ob = _scalar_at(ord_v, j * _CHUNK + r2)
            pltpu.async_copy(rep_hbm.at[pl.ds(ob, 1)],
                             rep_v.at[slot, pl.ds(r2, 1)], rsem)
            return carry
        lax.fori_loop(0, _CHUNK, rep_fire, 0)

    rep_fire_chunk(0, 0)

    for j in range(_NCHUNK):
        pj = j % 2
        if j + 1 < _NCHUNK:
            rep_fire_chunk(j + 1, (j + 1) % 2)
        pltpu.make_async_copy(
            rep_hbm.at[pl.ds(0, _CHUNK)], rep_v.at[pj], rsem).wait()
        if j >= 2:
            pltpu.make_async_copy(
                ob_v.at[pj], out_hbm.at[pl.ds(0, _CHUNK)], osem).wait()

        def row_body(r2, carry):
            r = j * _CHUNK + r2
            slot = _scalar_at(slots_v, r)
            flag = _scalar_at(flags_v, r)

            @pl.when(flag == 1)
            def _():
                slot_wait()
                nd = slot - 1 + _NBUF
                @pl.when(jnp.logical_and(slot >= 1, nd < ndist))
                def _():
                    fetch(nd, lax.rem(slot - 1, _NBUF))

            lane_splat = lax.bitwise_and(_splat_at(sidx_v, r), 127)
            slot_splat = lax.broadcast(lax.rem(slot, _NBUF), (_LANES,))
            for c in range(EMB_DIM // _LANES):
                jidx = _IOTA() + c * _LANES
                g16 = plsc.load_gather(
                    ring_v, [slot_splat, jidx, lane_splat])
                sl = pl.ds(c * _LANES, _LANES)
                ob_v[pj, r2, sl] = g16 * rep_v[pj, r2, sl]
            return carry

        lax.fori_loop(0, _CHUNK, row_body, 0)

        def out_fire(r2, carry):
            ob = _scalar_at(ord_v, j * _CHUNK + r2)
            pltpu.async_copy(ob_v.at[pj, pl.ds(r2, 1)],
                             out_hbm.at[pl.ds(ob, 1)], osem)
            return carry
        lax.fori_loop(0, _CHUNK, out_fire, 0)

    for _ in range(min(2, _NCHUNK)):
        pltpu.make_async_copy(
            ob_v.at[0], out_hbm.at[pl.ds(0, _CHUNK)], osem).wait()


@jax.jit
def kernel(_next_types, representation, table):
    idx = _next_types.astype(jnp.int32)
    sidx, order = jax.lax.sort_key_val(
        idx, lax.iota(jnp.int32, BATCH))
    sidx = sidx.reshape(BATCH // 128, 128)
    order = order.reshape(BATCH // 128, 128)
    rep = representation.reshape(BATCH, EMB_DIM)
    tabt = table.T

    mesh = plsc.VectorSubcoreMesh(core_axis_name="c", subcore_axis_name="s")
    out = pl.kernel(
        _emb_mul_kernel,
        out_type=jax.ShapeDtypeStruct((BATCH, EMB_DIM), jnp.float32),
        mesh=mesh,
        compiler_params=pltpu.CompilerParams(
            use_tc_tiling_on_sc=True, needs_layout_passes=False),
        scratch_types=[
            pltpu.VMEM((_BPW // 128, 128), jnp.int32),
            pltpu.VMEM((_BPW // 128, 128), jnp.int32),
            pltpu.VMEM((_BPW // 128, 128), jnp.int32),
            pltpu.VMEM((_BPW // 128, 128), jnp.int32),
            pltpu.VMEM((_BPW + _LANES,), jnp.int32),
            pltpu.VMEM((_BPW + 2 * _LANES,), jnp.int32),
            pltpu.VMEM((_NBUF, EMB_DIM, 128), jnp.float32),
            pltpu.VMEM((2, _CHUNK, EMB_DIM), jnp.float32),
            pltpu.VMEM((2, _CHUNK, EMB_DIM), jnp.float32),
            pltpu.SemaphoreType.DMA,
            pltpu.SemaphoreType.DMA,
            pltpu.SemaphoreType.DMA,
        ],
    )(sidx, order, rep, tabt)
    return out.reshape(BATCH, 1, EMB_DIM)

# --- scband reference (transcript-rebuilt; emitter-appended) ---
"""Pipeline reference for scband-embedding-multiplication-63900523430498 (READ-ONLY COPY).

The authoritative reference and input builder live on the scoring server;
editing this copy changes nothing except your own understanding.
"""

import jax, jax.numpy as jnp
import numpy as np

VOCAB = 1000000
EMB_DIM = 64
BATCH = 16384


def setup_inputs(seed: int = 0) -> dict:
    key = jax.random.key(seed)
    k1, k2, k3 = jax.random.split(key, 3)
    types = jax.random.randint(k1, (BATCH,), 0, VOCAB, dtype=jnp.int64 if jax.config.jax_enable_x64 else jnp.int32)
    representation = jax.random.normal(k2, (BATCH, 1, EMB_DIM), dtype=jnp.float32)
    table = jax.random.normal(k3, (VOCAB, EMB_DIM), dtype=jnp.float32) * 0.02
    return {"_next_types": types, "representation": representation, "table": table}


def reference(_next_types, representation, table):
    # types is 1-D: emb = embedding(types.view(B, 1)) -> [B, 1, emb_dim]
    emb = jnp.take(table, _next_types, axis=0)          # [B, emb_dim]
    emb = emb[:, None, :]                               # [B, 1, emb_dim]
    # repr last dim == emb last dim, so no padding branch
    features = representation * emb                     # [B, 1, emb_dim]
    return features

if __name__ == "__main__":
    import jax
    _d = setup_inputs()
    print(jax.jit(kernel)(*tuple(_d.values())))

</pallas_src>

<mosaic_0001>
#map = affine_map<(d0, d1) -> (0, 0)>
module attributes {stable_mosaic.version = 14 : i64} {
  func.func @_emb_mul_kernel(%arg0: i32, %arg1: i32, %arg2: memref<128x128xi32, #tpu.memory_space<hbm>>, %arg3: memref<128x128xi32, #tpu.memory_space<hbm>>, %arg4: memref<16384x64xf32, #tpu.memory_space<hbm>>, %arg5: memref<64x1000000xf32, #tpu.memory_space<hbm>>, %arg6: memref<16384x64xf32, #tpu.memory_space<hbm>>, %arg7: memref<4x128xi32, #tpu.memory_space<vmem>>, %arg8: memref<4x128xi32, #tpu.memory_space<vmem>>, %arg9: memref<4x128xi32, #tpu.memory_space<vmem>>, %arg10: memref<4x128xi32, #tpu.memory_space<vmem>>, %arg11: memref<528xi32, #tpu.memory_space<vmem>>, %arg12: memref<544xi32, #tpu.memory_space<vmem>>, %arg13: memref<6x64x128xf32, #tpu.memory_space<vmem>>, %arg14: memref<2x128x64xf32, #tpu.memory_space<vmem>>, %arg15: memref<2x128x64xf32, #tpu.memory_space<vmem>>, %arg16: memref<!tpu.dma_semaphore, #tpu.memory_space<semaphore_mem>>, %arg17: memref<!tpu.dma_semaphore, #tpu.memory_space<semaphore_mem>>, %arg18: memref<!tpu.dma_semaphore, #tpu.memory_space<semaphore_mem>>) attributes {dimension_semantics = [#tpu.dimension_semantics<core_parallel>, #tpu.dimension_semantics<subcore_parallel>], iteration_bounds = array<i64: 2, 16>, scalar_prefetch = 0 : i64, scratch_operands = 12 : i64, tpu.core_type = #tpu.core_type<sc_vector_subcore>, window_params = [{transform_indices = #map}, {transform_indices = #map}, {transform_indices = #map}, {transform_indices = #map}, {transform_indices = #map}]} {
    %mul3A = arith.constant 2 : i32
    %mul3A_0 = arith.muli %arg1, %mul3A : i32
    %add3A = arith.addi %mul3A_0, %arg0 : i32
    %mul3A_1 = arith.constant 4 : i32
    %mul3A_2 = arith.muli %add3A, %mul3A_1 : i32
    "tpu.region"() ({
      %run_scoped3A = tpu.sem_alloc : memref<!tpu.dma_semaphore, #tpu.memory_space<semaphore_mem>>
      %dma_start3A = arith.constant 0 : i32
      %dma_start3A_1467 = tpu.memref_slice %arg2[%mul3A_2, %dma_start3A] : memref<128x128xi32, #tpu.memory_space<hbm>> -> memref<4x128xi32, #tpu.memory_space<hbm>>
      %dma_start3A_1468 = arith.constant 0 : i32
      %dma_start3A_1469 = tpu.memref_slice %arg2[%mul3A_2, %dma_start3A_1468] : memref<128x128xi32, #tpu.memory_space<hbm>> -> memref<4x128xi32, #tpu.memory_space<hbm>>
      tpu.enqueue_dma source(%dma_start3A_1469 : memref<4x128xi32, #tpu.memory_space<hbm>>) target(%arg7 : memref<4x128xi32, #tpu.memory_space<vmem>>) target_semaphore(%run_scoped3A : memref<!tpu.dma_semaphore, #tpu.memory_space<semaphore_mem>>)
      %dma_wait3A_1470 = arith.constant 0 : i32
      %dma_wait3A_1471 = tpu.memref_slice %arg2[%mul3A_2, %dma_wait3A_1470] : memref<128x128xi32, #tpu.memory_space<hbm>> -> memref<4x128xi32, #tpu.memory_space<hbm>>
      %dma_wait3A_1472 = arith.constant 0 : i32
      %dma_wait3A_1473 = tpu.memref_slice %arg2[%mul3A_2, %dma_wait3A_1472] : memref<128x128xi32, #tpu.memory_space<hbm>> -> memref<4x128xi32, #tpu.memory_space<hbm>>
      tpu.wait_dma2 semaphore(%run_scoped3A : memref<!tpu.dma_semaphore, #tpu.memory_space<semaphore_mem>>) src(%dma_wait3A_1473 : memref<4x128xi32, #tpu.memory_space<hbm>>) dst(%arg7 : memref<4x128xi32, #tpu.memory_space<vmem>>)
      tpu.yield
    }) : () -> ()
    %mul3A_3 = arith.constant 4 : i32
    %mul3A_4 = arith.muli %add3A, %mul3A_3 : i32
    "tpu.region"() ({
      %run_scoped3A = tpu.sem_alloc : memref<!tpu.dma_semaphore, #tpu.memory_space<semaphore_mem>>
      %dma_start3A = arith.constant 0 : i32
      %dma_start3A_1467 = tpu.memref_slice %arg3[%mul3A_4, %dma_start3A] : memref<128x128xi32, #tpu.memory_space<hbm>> -> memref<4x128xi32, #tpu.memory_space<hbm>>
      %dma_start3A_1468 = arith.constant 0 : i32
      %dma_start3A_1469 = tpu.memref_slice %arg3[%mul3A_4, %dma_start3A_1468] : memref<128x128xi32, #tpu.memory_space<hbm>> -> memref<4x128xi32, #tpu.memory_space<hbm>>
      tpu.enqueue_dma source(%dma_start3A_1469 : memref<4x128xi32, #tpu.memory_space<hbm>>) target(%arg8 : memref<4x128xi32, #tpu.memory_space<vmem>>) target_semaphore(%run_scoped3A : memref<!tpu.dma_semaphore, #tpu.memory_space<semaphore_mem>>)
      %dma_wait3A_1470 = arith.constant 0 : i32
      %dma_wait3A_1471 = tpu.memref_slice %arg3[%mul3A_4, %dma_wait3A_1470] : memref<128x128xi32, #tpu.memory_space<hbm>> -> memref<4x128xi32, #tpu.memory_space<hbm>>
      %dma_wait3A_1472 = arith.constant 0 : i32
      %dma_wait3A_1473 = tpu.memref_slice %arg3[%mul3A_4, %dma_wait3A_1472] : memref<128x128xi32, #tpu.memory_space<hbm>> -> memref<4x128xi32, #tpu.memory_space<hbm>>
      tpu.wait_dma2 semaphore(%run_scoped3A : memref<!tpu.dma_semaphore, #tpu.memory_space<semaphore_mem>>) src(%dma_wait3A_1473 : memref<4x128xi32, #tpu.memory_space<hbm>>) dst(%arg8 : memref<4x128xi32, #tpu.memory_space<vmem>>)
      tpu.yield
    }) : () -> ()
    %broadcast_in_dim3A = arith.constant -1 : i32
    %broadcast_in_dim3A_5 = vector.broadcast %broadcast_in_dim3A : i32 to vector<16xi32>
    %swap3A = arith.constant 0 : index
    %swap3A_6 = tpu.vector_load %arg12[%swap3A] {strides = array<i32>} : memref<544xi32, #tpu.memory_space<vmem>>, vector<16xi32>,
    tpu.vector_store %arg12[%swap3A], %broadcast_in_dim3A_5 {strides = array<i32>} : memref<544xi32, #tpu.memory_space<vmem>>, vector<16xi32>,
    %get3A = arith.constant 0 : i32
    %get3A_7 = arith.index_cast %get3A : i32 to index
    %get3A_8 = arith.constant 0 : index
    %get3A_9 = tpu.vector_load %arg7[%get3A_7, %get3A_8] {strides = array<i32>} : memref<4x128xi32, #tpu.memory_space<vmem>>, vector<16xi32>,
    %shift_right_logical3A = arith.constant 7 : i32
    %shift_right_logical3A_10 = vector.broadcast %shift_right_logical3A : i32 to vector<16xi32>
    %shift_right_logical3A_11 = arith.shrui %get3A_9, %shift_right_logical3A_10 : vector<16xi32>
    %swap3A_12 = arith.constant 1 : index
    %swap3A_13 = tpu.vector_load %arg12[%swap3A_12] {strides = array<i32>} : memref<544xi32, #tpu.memory_space<vmem>>, vector<16xi32>,
    tpu.vector_store %arg12[%swap3A_12], %shift_right_logical3A_11 {strides = array<i32>} : memref<544xi32, #tpu.memory_space<vmem>>, vector<16xi32>,
    %get3A_14 = arith.constant 0 : i32
    %get3A_15 = arith.index_cast %get3A_14 : i32 to index
    %get3A_16 = arith.constant 16 : index
    %get3A_17 = tpu.vector_load %arg7[%get3A_15, %get3A_16] {strides = array<i32>} : memref<4x128xi32, #tpu.memory_space<vmem>>, vector<16xi32>,
    %shift_right_logical3A_18 = arith.constant 7 : i32
    %shift_right_logical3A_19 = vector.broadcast %shift_right_logical3A_18 : i32 to vector<16xi32>
    %shift_right_logical3A_20 = arith.shrui %get3A_17, %shift_right_logical3A_19 : vector<16xi32>
    %swap3A_21 = arith.constant 17 : index
    %swap3A_22 = tpu.vector_load %arg12[%swap3A_21] {strides = array<i32>} : memref<544xi32, #tpu.memory_space<vmem>>, vector<16xi32>,
    tpu.vector_store %arg12[%swap3A_21], %shift_right_logical3A_20 {strides = array<i32>} : memref<544xi32, #tpu.memory_space<vmem>>, vector<16xi32>,
    %get3A_23 = arith.constant 0 : i32
    %get3A_24 = arith.index_cast %get3A_23 : i32 to index
    %get3A_25 = arith.constant 32 : index
    %get3A_26 = tpu.vector_load %arg7[%get3A_24, %get3A_25] {strides = array<i32>} : memref<4x128xi32, #tpu.memory_space<vmem>>, vector<16xi32>,
    %shift_right_logical3A_27 = arith.constant 7 : i32
    %shift_right_logical3A_28 = vector.broadcast %shift_right_logical3A_27 : i32 to vector<16xi32>
    %shift_right_logical3A_29 = arith.shrui %get3A_26, %shift_right_logical3A_28 : vector<16xi32>
    %swap3A_30 = arith.constant 33 : index
    %swap3A_31 = tpu.vector_load %arg12[%swap3A_30] {strides = array<i32>} : memref<544xi32, #tpu.memory_space<vmem>>, vector<16xi32>,
    tpu.vector_store %arg12[%swap3A_30], %shift_right_logical3A_29 {strides = array<i32>} : memref<544xi32, #tpu.memory_space<vmem>>, vector<16xi32>,
    %get3A_32 = arith.constant 0 : i32
    %get3A_33 = arith.index_cast %get3A_32 : i32 to index
    %get3A_34 = arith.constant 48 : index
    %get3A_35 = tpu.vector_load %arg7[%get3A_33, %get3A_34] {strides = array<i32>} : memref<4x128xi32, #tpu.memory_space<vmem>>, vector<16xi32>,
    %shift_right_logical3A_36 = arith.constant 7 : i32
    %shift_right_logical3A_37 = vector.broadcast %shift_right_logical3A_36 : i32 to vector<16xi32>
    %shift_right_logical3A_38 = arith.shrui %get3A_35, %shift_right_logical3A_37 : vector<16xi32>
    %swap3A_39 = arith.constant 49 : index
    %swap3A_40 = tpu.vector_load %arg12[%swap3A_39] {strides = array<i32>} : memref<544xi32, #tpu.memory_space<vmem>>, vector<16xi32>,
    tpu.vector_store %arg12[%swap3A_39], %shift_right_logical3A_38 {strides = array<i32>} : memref<544xi32, #tpu.memory_space<vmem>>, vector<16xi32>,
    %get3A_41 = arith.constant 0 : i32
    %get3A_42 = arith.index_cast %get3A_41 : i32 to index
    %get3A_43 = arith.constant 64 : index
    %get3A_44 = tpu.vector_load %arg7[%get3A_42, %get3A_43] {strides = array<i32>} : memref<4x128xi32, #tpu.memory_space<vmem>>, vector<16xi32>,
    %shift_right_logical3A_45 = arith.constant 7 : i32
    %shift_right_logical3A_46 = vector.broadcast %shift_right_logical3A_45 : i32 to vector<16xi32>
    %shift_right_logical3A_47 = arith.shrui %get3A_44, %shift_right_logical3A_46 : vector<16xi32>
    %swap3A_48 = arith.constant 65 : index
    %swap3A_49 = tpu.vector_load %arg12[%swap3A_48] {strides = array<i32>} : memref<544xi32, #tpu.memory_space<vmem>>, vector<16xi32>,
    tpu.vector_store %arg12[%swap3A_48], %shift_right_logical3A_47 {strides = array<i32>} : memref<544xi32, #tpu.memory_space<vmem>>, vector<16xi32>,
    %get3A_50 = arith.constant 0 : i32
    %get3A_51 = arith.index_cast %get3A_50 : i32 to index
    %get3A_52 = arith.constant 80 : index
    %get3A_53 = tpu.vector_load %arg7[%get3A_51, %get3A_52] {strides = array<i32>} : memref<4x128xi32, #tpu.memory_space<vmem>>, vector<16xi32>,
    %shift_right_logical3A_54 = arith.constant 7 : i32
    %shift_right_logical3A_55 = vector.broadcast %shift_right_logical3A_54 : i32 to vector<16xi32>
    %shift_right_logical3A_56 = arith.shrui %get3A_53, %shift_right_logical3A_55 : vector<16xi32>
    %swap3A_57 = arith.constant 81 : index
    %swap3A_58 = tpu.vector_load %arg12[%swap3A_57] {strides = array<i32>} : memref<544xi32, #tpu.memory_space<vmem>>, vector<16xi32>,
    tpu.vector_store %arg12[%swap3A_57], %shift_right_logical3A_56 {strides = array<i32>} : memref<544xi32, #tpu.memory_space<vmem>>, vector<16xi32>,
    %get3A_59 = arith.constant 0 : i32
    %get3A_60 = arith.index_cast %get3A_59 : i32 to index
    %get3A_61 = arith.constant 96 : index
    %get3A_62 = tpu.vector_load %arg7[%get3A_60, %get3A_61] {strides = array<i32>} : memref<4x128xi32, #tpu.memory_space<vmem>>, vector<16xi32>,
    %shift_right_logical3A_63 = arith.constant 7 : i32
    %shift_right_logical3A_64 = vector.broadcast %shift_right_logical3A_63 : i32 to vector<16xi32>
    %shift_right_logical3A_65 = arith.shrui %get3A_62, %shift_right_logical3A_64 : vector<16xi32>
    %swap3A_66 = arith.constant 97 : index
    %swap3A_67 = tpu.vector_load %arg12[%swap3A_66] {strides = array<i32>} : memref<544xi32, #tpu.memory_space<vmem>>, vector<16xi32>,
    tpu.vector_store %arg12[%swap3A_66], %shift_right_logical3A_65 {strides = array<i32>} : memref<544xi32, #tpu.memory_space<vmem>>, vector<16xi32>,
    %get3A_68 = arith.constant 0 : i32
    %get3A_69 = arith.index_cast %get3A_68 : i32 to index
    %get3A_70 = arith.constant 112 : index
    %get3A_71 = tpu.vector_load %arg7[%get3A_69, %get3A_70] {strides = array<i32>} : memref<4x128xi32, #tpu.memory_space<vmem>>, vector<16xi32>,
    %shift_right_logical3A_72 = arith.constant 7 : i32
    %shift_right_logical3A_73 = vector.broadcast %shift_right_logical3A_72 : i32 to vector<16xi32>
    %shift_right_logical3A_74 = arith.shrui %get3A_71, %shift_right_logical3A_73 : vector<16xi32>
    %swap3A_75 = arith.constant 113 : index
    %swap3A_76 = tpu.vector_load %arg12[%swap3A_75] {strides = array<i32>} : memref<544xi32, #tpu.memory_space<vmem>>, vector<16xi32>,
    tpu.vector_store %arg12[%swap3A_75], %shift_right_logical3A_74 {strides = array<i32>} : memref<544xi32, #tpu.memory_space<vmem>>, vector<16xi32>,
    %get3A_77 = arith.constant 1 : i32
    %get3A_78 = arith.index_cast %get3A_77 : i32 to index
    %get3A_79 = arith.constant 0 : index
    %get3A_80 = tpu.vector_load %arg7[%get3A_78, %get3A_79] {strides = array<i32>} : memref<4x128xi32, #tpu.memory_space<vmem>>, vector<16xi32>,
    %shift_right_logical3A_81 = arith.constant 7 : i32
    %shift_right_logical3A_82 = vector.broadcast %shift_right_logical3A_81 : i32 to vector<16xi32>
    %shift_right_logical3A_83 = arith.shrui %get3A_80, %shift_right_logical3A_82 : vector<16xi32>
    %swap3A_84 = arith.constant 129 : index
    %swap3A_85 = tpu.vector_load %arg12[%swap3A_84] {strides = array<i32>} : memref<544xi32, #tpu.memory_space<vmem>>, vector<16xi32>,
    tpu.vector_store %arg12[%swap3A_84], %shift_right_logical3A_83 {strides = array<i32>} : memref<544xi32, #tpu.memory_space<vmem>>, vector<16xi32>,
    %get3A_86 = arith.constant 1 : i32
    %get3A_87 = arith.index_cast %get3A_86 : i32 to index
    %get3A_88 = arith.constant 16 : index
    %get3A_89 = tpu.vector_load %arg7[%get3A_87, %get3A_88] {strides = array<i32>} : memref<4x128xi32, #tpu.memory_space<vmem>>, vector<16xi32>,
    %shift_right_logical3A_90 = arith.constant 7 : i32
    %shift_right_logical3A_91 = vector.broadcast %shift_right_logical3A_90 : i32 to vector<16xi32>
    %shift_right_logical3A_92 = arith.shrui %get3A_89, %shift_right_logical3A_91 : vector<16xi32>
    %swap3A_93 = arith.constant 145 : index
    %swap3A_94 = tpu.vector_load %arg12[%swap3A_93] {strides = array<i32>} : memref<544xi32, #tpu.memory_space<vmem>>, vector<16xi32>,
    tpu.vector_store %arg12[%swap3A_93], %shift_right_logical3A_92 {strides = array<i32>} : memref<544xi32, #tpu.memory_space<vmem>>, vector<16xi32>,
    %get3A_95 = arith.constant 1 : i32
    %get3A_96 = arith.index_cast %get3A_95 : i32 to index
    %get3A_97 = arith.constant 32 : index
    %get3A_98 = tpu.vector_load %arg7[%get3A_96, %get3A_97] {strides = array<i32>} : memref<4x128xi32, #tpu.memory_space<vmem>>, vector<16xi32>,
    %shift_right_logical3A_99 = arith.constant 7 : i32
    %shift_right_logical3A_100 = vector.broadcast %shift_right_logical3A_99 : i32 to vector<16xi32>
    %shift_right_logical3A_101 = arith.shrui %get3A_98, %shift_right_logical3A_100 : vector<16xi32>
    %swap3A_102 = arith.constant 161 : index
    %swap3A_103 = tpu.vector_load %arg12[%swap3A_102] {strides = array<i32>} : memref<544xi32, #tpu.memory_space<vmem>>, vector<16xi32>,
    tpu.vector_store %arg12[%swap3A_102], %shift_right_logical3A_101 {strides = array<i32>} : memref<544xi32, #tpu.memory_space<vmem>>, vector<16xi32>,
    %get3A_104 = arith.constant 1 : i32
    %get3A_105 = arith.index_cast %get3A_104 : i32 to index
    %get3A_106 = arith.constant 48 : index
    %get3A_107 = tpu.vector_load %arg7[%get3A_105, %get3A_106] {strides = array<i32>} : memref<4x128xi32, #tpu.memory_space<vmem>>, vector<16xi32>,
    %shift_right_logical3A_108 = arith.constant 7 : i32
    %shift_right_logical3A_109 = vector.broadcast %shift_right_logical3A_108 : i32 to vector<16xi32>
    %shift_right_logical3A_110 = arith.shrui %get3A_107, %shift_right_logical3A_109 : vector<16xi32>
    %swap3A_111 = arith.constant 177 : index
    %swap3A_112 = tpu.vector_load %arg12[%swap3A_111] {strides = array<i32>} : memref<544xi32, #tpu.memory_space<vmem>>, vector<16xi32>,
    tpu.vector_store %arg12[%swap3A_111], %shift_right_logical3A_110 {strides = array<i32>} : memref<544xi32, #tpu.memory_space<vmem>>, vector<16xi32>,
    %get3A_113 = arith.constant 1 : i32
    %get3A_114 = arith.index_cast %get3A_113 : i32 to index
    %get3A_115 = arith.constant 64 : index
    %get3A_116 = tpu.vector_load %arg7[%get3A_114, %get3A_115] {strides = array<i32>} : memref<4x128xi32, #tpu.memory_space<vmem>>, vector<16xi32>,
    %shift_right_logical3A_117 = arith.constant 7 : i32
    %shift_right_logical3A_118 = vector.broadcast %shift_right_logical3A_117 : i32 to vector<16xi32>
    %shift_right_logical3A_119 = arith.shrui %get3A_116, %shift_right_logical3A_118 : vector<16xi32>
    %swap3A_120 = arith.constant 193 : index
    %swap3A_121 = tpu.vector_load %arg12[%swap3A_120] {strides = array<i32>} : memref<544xi32, #tpu.memory_space<vmem>>, vector<16xi32>,
    tpu.vector_store %arg12[%swap3A_120], %shift_right_logical3A_119 {strides = array<i32>} : memref<544xi32, #tpu.memory_space<vmem>>, vector<16xi32>,
    %get3A_122 = arith.constant 1 : i32
    %get3A_123 = arith.index_cast %get3A_122 : i32 to index
    %get3A_124 = arith.constant 80 : index
    %get3A_125 = tpu.vector_load %arg7[%get3A_123, %get3A_124] {strides = array<i32>} : memref<4x128xi32, #tpu.memory_space<vmem>>, vector<16xi32>,
    %shift_right_logical3A_126 = arith.constant 7 : i32
    %shift_right_logical3A_127 = vector.broadcast %shift_right_logical3A_126 : i32 to vector<16xi32>
    %shift_right_logical3A_128 = arith.shrui %get3A_125, %shift_right_logical3A_127 : vector<16xi32>
    %swap3A_129 = arith.constant 209 : index
    %swap3A_130 = tpu.vector_load %arg12[%swap3A_129] {strides = array<i32>} : memref<544xi32, #tpu.memory_space<vmem>>, vector<16xi32>,
    tpu.vector_store %arg12[%swap3A_129], %shift_right_logical3A_128 {strides = array<i32>} : memref<544xi32, #tpu.memory_space<vmem>>, vector<16xi32>,
    %get3A_131 = arith.constant 1 : i32
    %get3A_132 = arith.index_cast %get3A_131 : i32 to index
    %get3A_133 = arith.constant 96 : index
    %get3A_134 = tpu.vector_load %arg7[%get3A_132, %get3A_133] {strides = array<i32>} : memref<4x128xi32, #tpu.memory_space<vmem>>, vector<16xi32>,
    %shift_right_logical3A_135 = arith.constant 7 : i32
    %shift_right_logical3A_136 = vector.broadcast %shift_right_logical3A_135 : i32 to vector<16xi32>
    %shift_right_logical3A_137 = arith.shrui %get3A_134, %shift_right_logical3A_136 : vector<16xi32>
    %swap3A_138 = arith.constant 225 : index
    %swap3A_139 = tpu.vector_load %arg12[%swap3A_138] {strides = array<i32>} : memref<544xi32, #tpu.memory_space<vmem>>, vector<16xi32>,
    tpu.vector_store %arg12[%swap3A_138], %shift_right_logical3A_137 {strides = array<i32>} : memref<544xi32, #tpu.memory_space<vmem>>, vector<16xi32>,
    %get3A_140 = arith.constant 1 : i32
    %get3A_141 = arith.index_cast %get3A_140 : i32 to index
    %get3A_142 = arith.constant 112 : index
    %get3A_143 = tpu.vector_load %arg7[%get3A_141, %get3A_142] {strides = array<i32>} : memref<4x128xi32, #tpu.memory_space<vmem>>, vector<16xi32>,
    %shift_right_logical3A_144 = arith.constant 7 : i32
    %shift_right_logical3A_145 = vector.broadcast %shift_right_logical3A_144 : i32 to vector<16xi32>
    %shift_right_logical3A_146 = arith.shrui %get3A_143, %shift_right_logical3A_145 : vector<16xi32>
    %swap3A_147 = arith.constant 241 : index
    %swap3A_148 = tpu.vector_load %arg12[%swap3A_147] {strides = array<i32>} : memref<544xi32, #tpu.memory_space<vmem>>, vector<16xi32>,
    tpu.vector_store %arg12[%swap3A_147], %shift_right_logical3A_146 {strides = array<i32>} : memref<544xi32, #tpu.memory_space<vmem>>, vector<16xi32>,
    %get3A_149 = arith.constant 2 : i32
    %get3A_150 = arith.index_cast %get3A_149 : i32 to index
    %get3A_151 = arith.constant 0 : index
    %get3A_152 = tpu.vector_load %arg7[%get3A_150, %get3A_151] {strides = array<i32>} : memref<4x128xi32, #tpu.memory_space<vmem>>, vector<16xi32>,
    %shift_right_logical3A_153 = arith.constant 7 : i32
    %shift_right_logical3A_154 = vector.broadcast %shift_right_logical3A_153 : i32 to vector<16xi32>
    %shift_right_logical3A_155 = arith.shrui %get3A_152, %shift_right_logical3A_154 : vector<16xi32>
    %swap3A_156 = arith.constant 257 : index
    %swap3A_157 = tpu.vector_load %arg12[%swap3A_156] {strides = array<i32>} : memref<544xi32, #tpu.memory_space<vmem>>, vector<16xi32>,
    tpu.vector_store %arg12[%swap3A_156], %shift_right_logical3A_155 {strides = array<i32>} : memref<544xi32, #tpu.memory_space<vmem>>, vector<16xi32>,
    %get3A_158 = arith.constant 2 : i32
    %get3A_159 = arith.index_cast %get3A_158 : i32 to index
    %get3A_160 = arith.constant 16 : index
    %get3A_161 = tpu.vector_load %arg7[%get3A_159, %get3A_160] {strides = array<i32>} : memref<4x128xi32, #tpu.memory_space<vmem>>, vector<16xi32>,
    %shift_right_logical3A_162 = arith.constant 7 : i32
    %shift_right_logical3A_163 = vector.broadcast %shift_right_logical3A_162 : i32 to vector<16xi32>
    %shift_right_logical3A_164 = arith.shrui %get3A_161, %shift_right_logical3A_163 : vector<16xi32>
    %swap3A_165 = arith.constant 273 : index
    %swap3A_166 = tpu.vector_load %arg12[%swap3A_165] {strides = array<i32>} : memref<544xi32, #tpu.memory_space<vmem>>, vector<16xi32>,
    tpu.vector_store %arg12[%swap3A_165], %shift_right_logical3A_164 {strides = array<i32>} : memref<544xi32, #tpu.memory_space<vmem>>, vector<16xi32>,
    %get3A_167 = arith.constant 2 : i32
    %get3A_168 = arith.index_cast %get3A_167 : i32 to index
    %get3A_169 = arith.constant 32 : index
    %get3A_170 = tpu.vector_load %arg7[%get3A_168, %get3A_169] {strides = array<i32>} : memref<4x128xi32, #tpu.memory_space<vmem>>, vector<16xi32>,
    %shift_right_logical3A_171 = arith.constant 7 : i32
    %shift_right_logical3A_172 = vector.broadcast %shift_right_logical3A_171 : i32 to vector<16xi32>
    %shift_right_logical3A_173 = arith.shrui %get3A_170, %shift_right_logical3A_172 : vector<16xi32>
    %swap3A_174 = arith.constant 289 : index
    %swap3A_175 = tpu.vector_load %arg12[%swap3A_174] {strides = array<i32>} : memref<544xi32, #tpu.memory_space<vmem>>, vector<16xi32>,
    tpu.vector_store %arg12[%swap3A_174], %shift_right_logical3A_173 {strides = array<i32>} : memref<544xi32, #tpu.memory_space<vmem>>, vector<16xi32>,
    %get3A_176 = arith.constant 2 : i32
    %get3A_177 = arith.index_cast %get3A_176 : i32 to index
    %get3A_178 = arith.constant 48 : index
    %get3A_179 = tpu.vector_load %arg7[%get3A_177, %get3A_178] {strides = array<i32>} : memref<4x128xi32, #tpu.memory_space<vmem>>, vector<16xi32>,
    %shift_right_logical3A_180 = arith.constant 7 : i32
    %shift_right_logical3A_181 = vector.broadcast %shift_right_logical3A_180 : i32 to vector<16xi32>
    %shift_right_logical3A_182 = arith.shrui %get3A_179, %shift_right_logical3A_181 : vector<16xi32>
    %swap3A_183 = arith.constant 305 : index
    %swap3A_184 = tpu.vector_load %arg12[%swap3A_183] {strides = array<i32>} : memref<544xi32, #tpu.memory_space<vmem>>, vector<16xi32>,
    tpu.vector_store %arg12[%swap3A_183], %shift_right_logical3A_182 {strides = array<i32>} : memref<544xi32, #tpu.memory_space<vmem>>, vector<16xi32>,
    %get3A_185 = arith.constant 2 : i32
    %get3A_186 = arith.index_cast %get3A_185 : i32 to index
    %get3A_187 = arith.constant 64 : index
    %get3A_188 = tpu.vector_load %arg7[%get3A_186, %get3A_187] {strides = array<i32>} : memref<4x128xi32, #tpu.memory_space<vmem>>, vector<16xi32>,
    %shift_right_logical3A_189 = arith.constant 7 : i32
    %shift_right_logical3A_190 = vector.broadcast %shift_right_logical3A_189 : i32 to vector<16xi32>
    %shift_right_logical3A_191 = arith.shrui %get3A_188, %shift_right_logical3A_190 : vector<16xi32>
    %swap3A_192 = arith.constant 321 : index
    %swap3A_193 = tpu.vector_load %arg12[%swap3A_192] {strides = array<i32>} : memref<544xi32, #tpu.memory_space<vmem>>, vector<16xi32>,
    tpu.vector_store %arg12[%swap3A_192], %shift_right_logical3A_191 {strides = array<i32>} : memref<544xi32, #tpu.memory_space<vmem>>, vector<16xi32>,
    %get3A_194 = arith.constant 2 : i32
    %get3A_195 = arith.index_cast %get3A_194 : i32 to index
    %get3A_196 = arith.constant 80 : index
    %get3A_197 = tpu.vector_load %arg7[%get3A_195, %get3A_196] {strides = array<i32>} : memref<4x128xi32, #tpu.memory_space<vmem>>, vector<16xi32>,
    %shift_right_logical3A_198 = arith.constant 7 : i32
    %shift_right_logical3A_199 = vector.broadcast %shift_right_logical3A_198 : i32 to vector<16xi32>
    %shift_right_logical3A_200 = arith.shrui %get3A_197, %shift_right_logical3A_199 : vector<16xi32>
    %swap3A_201 = arith.constant 337 : index
    %swap3A_202 = tpu.vector_load %arg12[%swap3A_201] {strides = array<i32>} : memref<544xi32, #tpu.memory_space<vmem>>, vector<16xi32>,
    tpu.vector_store %arg12[%swap3A_201], %shift_right_logical3A_200 {strides = array<i32>} : memref<544xi32, #tpu.memory_space<vmem>>, vector<16xi32>,
    %get3A_203 = arith.constant 2 : i32
    %get3A_204 = arith.index_cast %get3A_203 : i32 to index
    %get3A_205 = arith.constant 96 : index
    %get3A_206 = tpu.vector_load %arg7[%get3A_204, %get3A_205] {strides = array<i32>} : memref<4x128xi32, #tpu.memory_space<vmem>>, vector<16xi32>,
    %shift_right_logical3A_207 = arith.constant 7 : i32
    %shift_right_logical3A_208 = vector.broadcast %shift_right_logical3A_207 : i32 to vector<16xi32>
    %shift_right_logical3A_209 = arith.shrui %get3A_206, %shift_right_logical3A_208 : vector<16xi32>
    %swap3A_210 = arith.constant 353 : index
    %swap3A_211 = tpu.vector_load %arg12[%swap3A_210] {strides = array<i32>} : memref<544xi32, #tpu.memory_space<vmem>>, vector<16xi32>,
    tpu.vector_store %arg12[%swap3A_210], %shift_right_logical3A_209 {strides = array<i32>} : memref<544xi32, #tpu.memory_space<vmem>>, vector<16xi32>,
    %get3A_212 = arith.constant 2 : i32
    %get3A_213 = arith.index_cast %get3A_212 : i32 to index
    %get3A_214 = arith.constant 112 : index
    %get3A_215 = tpu.vector_load %arg7[%get3A_213, %get3A_214] {strides = array<i32>} : memref<4x128xi32, #tpu.memory_space<vmem>>, vector<16xi32>,
    %shift_right_logical3A_216 = arith.constant 7 : i32
    %shift_right_logical3A_217 = vector.broadcast %shift_right_logical3A_216 : i32 to vector<16xi32>
    %shift_right_logical3A_218 = arith.shrui %get3A_215, %shift_right_logical3A_217 : vector<16xi32>
    %swap3A_219 = arith.constant 369 : index
    %swap3A_220 = tpu.vector_load %arg12[%swap3A_219] {strides = array<i32>} : memref<544xi32, #tpu.memory_space<vmem>>, vector<16xi32>,
    tpu.vector_store %arg12[%swap3A_219], %shift_right_logical3A_218 {strides = array<i32>} : memref<544xi32, #tpu.memory_space<vmem>>, vector<16xi32>,
    %get3A_221 = arith.constant 3 : i32
    %get3A_222 = arith.index_cast %get3A_221 : i32 to index
    %get3A_223 = arith.constant 0 : index
    %get3A_224 = tpu.vector_load %arg7[%get3A_222, %get3A_223] {strides = array<i32>} : memref<4x128xi32, #tpu.memory_space<vmem>>, vector<16xi32>,
    %shift_right_logical3A_225 = arith.constant 7 : i32
    %shift_right_logical3A_226 = vector.broadcast %shift_right_logical3A_225 : i32 to vector<16xi32>
    %shift_right_logical3A_227 = arith.shrui %get3A_224, %shift_right_logical3A_226 : vector<16xi32>
    %swap3A_228 = arith.constant 385 : index
    %swap3A_229 = tpu.vector_load %arg12[%swap3A_228] {strides = array<i32>} : memref<544xi32, #tpu.memory_space<vmem>>, vector<16xi32>,
    tpu.vector_store %arg12[%swap3A_228], %shift_right_logical3A_227 {strides = array<i32>} : memref<544xi32, #tpu.memory_space<vmem>>, vector<16xi32>,
    %get3A_230 = arith.constant 3 : i32
    %get3A_231 = arith.index_cast %get3A_230 : i32 to index
    %get3A_232 = arith.constant 16 : index
    %get3A_233 = tpu.vector_load %arg7[%get3A_231, %get3A_232] {strides = array<i32>} : memref<4x128xi32, #tpu.memory_space<vmem>>, vector<16xi32>,
    %shift_right_logical3A_234 = arith.constant 7 : i32
    %shift_right_logical3A_235 = vector.broadcast %shift_right_logical3A_234 : i32 to vector<16xi32>
    %shift_right_logical3A_236 = arith.shrui %get3A_233, %shift_right_logical3A_235 : vector<16xi32>
    %swap3A_237 = arith.constant 401 : index
    %swap3A_238 = tpu.vector_load %arg12[%swap3A_237] {strides = array<i32>} : memref<544xi32, #tpu.memory_space<vmem>>, vector<16xi32>,
    tpu.vector_store %arg12[%swap3A_237], %shift_right_logical3A_236 {strides = array<i32>} : memref<544xi32, #tpu.memory_space<vmem>>, vector<16xi32>,
    %get3A_239 = arith.constant 3 : i32
    %get3A_240 = arith.index_cast %get3A_239 : i32 to index
    %get3A_241 = arith.constant 32 : index
    %get3A_242 = tpu.vector_load %arg7[%get3A_240, %get3A_241] {strides = array<i32>} : memref<4x128xi32, #tpu.memory_space<vmem>>, vector<16xi32>,
    %shift_right_logical3A_243 = arith.constant 7 : i32
    %shift_right_logical3A_244 = vector.broadcast %shift_right_logical3A_243 : i32 to vector<16xi32>
    %shift_right_logical3A_245 = arith.shrui %get3A_242, %shift_right_logical3A_244 : vector<16xi32>
    %swap3A_246 = arith.constant 417 : index
    %swap3A_247 = tpu.vector_load %arg12[%swap3A_246] {strides = array<i32>} : memref<544xi32, #tpu.memory_space<vmem>>, vector<16xi32>,
    tpu.vector_store %arg12[%swap3A_246], %shift_right_logical3A_245 {strides = array<i32>} : memref<544xi32, #tpu.memory_space<vmem>>, vector<16xi32>,
    %get3A_248 = arith.constant 3 : i32
    %get3A_249 = arith.index_cast %get3A_248 : i32 to index
    %get3A_250 = arith.constant 48 : index
    %get3A_251 = tpu.vector_load %arg7[%get3A_249, %get3A_250] {strides = array<i32>} : memref<4x128xi32, #tpu.memory_space<vmem>>, vector<16xi32>,
    %shift_right_logical3A_252 = arith.constant 7 : i32
    %shift_right_logical3A_253 = vector.broadcast %shift_right_logical3A_252 : i32 to vector<16xi32>
    %shift_right_logical3A_254 = arith.shrui %get3A_251, %shift_right_logical3A_253 : vector<16xi32>
    %swap3A_255 = arith.constant 433 : index
    %swap3A_256 = tpu.vector_load %arg12[%swap3A_255] {strides = array<i32>} : memref<544xi32, #tpu.memory_space<vmem>>, vector<16xi32>,
    tpu.vector_store %arg12[%swap3A_255], %shift_right_logical3A_254 {strides = array<i32>} : memref<544xi32, #tpu.memory_space<vmem>>, vector<16xi32>,
    %get3A_257 = arith.constant 3 : i32
    %get3A_258 = arith.index_cast %get3A_257 : i32 to index
    %get3A_259 = arith.constant 64 : index
    %get3A_260 = tpu.vector_load %arg7[%get3A_258, %get3A_259] {strides = array<i32>} : memref<4x128xi32, #tpu.memory_space<vmem>>, vector<16xi32>,
    %shift_right_logical3A_261 = arith.constant 7 : i32
    %shift_right_logical3A_262 = vector.broadcast %shift_right_logical3A_261 : i32 to vector<16xi32>
    %shift_right_logical3A_263 = arith.shrui %get3A_260, %shift_right_logical3A_262 : vector<16xi32>
    %swap3A_264 = arith.constant 449 : index
    %swap3A_265 = tpu.vector_load %arg12[%swap3A_264] {strides = array<i32>} : memref<544xi32, #tpu.memory_space<vmem>>, vector<16xi32>,
    tpu.vector_store %arg12[%swap3A_264], %shift_right_logical3A_263 {strides = array<i32>} : memref<544xi32, #tpu.memory_space<vmem>>, vector<16xi32>,
    %get3A_266 = arith.constant 3 : i32
    %get3A_267 = arith.index_cast %get3A_266 : i32 to index
    %get3A_268 = arith.constant 80 : index
    %get3A_269 = tpu.vector_load %arg7[%get3A_267, %get3A_268] {strides = array<i32>} : memref<4x128xi32, #tpu.memory_space<vmem>>, vector<16xi32>,
    %shift_right_logical3A_270 = arith.constant 7 : i32
    %shift_right_logical3A_271 = vector.broadcast %shift_right_logical3A_270 : i32 to vector<16xi32>
    %shift_right_logical3A_272 = arith.shrui %get3A_269, %shift_right_logical3A_271 : vector<16xi32>
    %swap3A_273 = arith.constant 465 : index
    %swap3A_274 = tpu.vector_load %arg12[%swap3A_273] {strides = array<i32>} : memref<544xi32, #tpu.memory_space<vmem>>, vector<16xi32>,
    tpu.vector_store %arg12[%swap3A_273], %shift_right_logical3A_272 {strides = array<i32>} : memref<544xi32, #tpu.memory_space<vmem>>, vector<16xi32>,
    %get3A_275 = arith.constant 3 : i32
    %get3A_276 = arith.index_cast %get3A_275 : i32 to index
    %get3A_277 = arith.constant 96 : index
    %get3A_278 = tpu.vector_load %arg7[%get3A_276, %get3A_277] {strides = array<i32>} : memref<4x128xi32, #tpu.memory_space<vmem>>, vector<16xi32>,
    %shift_right_logical3A_279 = arith.constant 7 : i32
    %shift_right_logical3A_280 = vector.broadcast %shift_right_logical3A_279 : i32 to vector<16xi32>
    %shift_right_logical3A_281 = arith.shrui %get3A_278, %shift_right_logical3A_280 : vector<16xi32>
    %swap3A_282 = arith.constant 481 : index
    %swap3A_283 = tpu.vector_load %arg12[%swap3A_282] {strides = array<i32>} : memref<544xi32, #tpu.memory_space<vmem>>, vector<16xi32>,
    tpu.vector_store %arg12[%swap3A_282], %shift_right_logical3A_281 {strides = array<i32>} : memref<544xi32, #tpu.memory_space<vmem>>, vector<16xi32>,
    %get3A_284 = arith.constant 3 : i32
    %get3A_285 = arith.index_cast %get3A_284 : i32 to index
    %get3A_286 = arith.constant 112 : index
    %get3A_287 = tpu.vector_load %arg7[%get3A_285, %get3A_286] {strides = array<i32>} : memref<4x128xi32, #tpu.memory_space<vmem>>, vector<16xi32>,
    %shift_right_logical3A_288 = arith.constant 7 : i32
    %shift_right_logical3A_289 = vector.broadcast %shift_right_logical3A_288 : i32 to vector<16xi32>
    %shift_right_logical3A_290 = arith.shrui %get3A_287, %shift_right_logical3A_289 : vector<16xi32>
    %swap3A_291 = arith.constant 497 : index
    %swap3A_292 = tpu.vector_load %arg12[%swap3A_291] {strides = array<i32>} : memref<544xi32, #tpu.memory_space<vmem>>, vector<16xi32>,
    tpu.vector_store %arg12[%swap3A_291], %shift_right_logical3A_290 {strides = array<i32>} : memref<544xi32, #tpu.memory_space<vmem>>, vector<16xi32>,
    %get3A_293 = arith.constant 1 : index
    %get3A_294 = tpu.vector_load %arg12[%get3A_293] {strides = array<i32>} : memref<544xi32, #tpu.memory_space<vmem>>, vector<16xi32>,
    %get3A_295 = arith.constant 0 : index
    %get3A_296 = tpu.vector_load %arg12[%get3A_295] {strides = array<i32>} : memref<544xi32, #tpu.memory_space<vmem>>, vector<16xi32>,
    %ne3A = arith.cmpi ne, %get3A_294, %get3A_296 : vector<16xi32>
    %convert_element_type3A = arith.extui %ne3A : vector<16xi1> to vector<16xi32>
    %broadcast_in_dim3A_297 = arith.constant true
    %broadcast_in_dim3A_298 = vector.broadcast %broadcast_in_dim3A_297 : i1 to vector<16xi1>
    %masked_cumsum3A = tpu.scan <sum>, %convert_element_type3A masked %broadcast_in_dim3A_298 : vector<16xi32>, vector<16xi1> -> vector<16xi32>
    %broadcast_in_dim3A_299 = arith.constant 0 : i32
    %broadcast_in_dim3A_300 = vector.broadcast %broadcast_in_dim3A_299 : i32 to vector<16xi32>
    %add3A_301 = arith.addi %broadcast_in_dim3A_300, %masked_cumsum3A : vector<16xi32>
    %sub3A = arith.constant 1 : i32
    %sub3A_302 = vector.broadcast %sub3A : i32 to vector<16xi32>
    %sub3A_303 = arith.subi %add3A_301, %sub3A_302 : vector<16xi32>
    %swap3A_304 = arith.constant 0 : i32
    %swap3A_305 = arith.index_cast %swap3A_304 : i32 to index
    %swap3A_306 = arith.constant 0 : index
    %swap3A_307 = tpu.vector_load %arg9[%swap3A_305, %swap3A_306] {strides = array<i32>} : memref<4x128xi32, #tpu.memory_space<vmem>>, vector<16xi32>,
    tpu.vector_store %arg9[%swap3A_305, %swap3A_306], %sub3A_303 {strides = array<i32>} : memref<4x128xi32, #tpu.memory_space<vmem>>, vector<16xi32>,
    %swap3A_308 = arith.constant 0 : i32
    %swap3A_309 = arith.index_cast %swap3A_308 : i32 to index
    %swap3A_310 = arith.constant 0 : index
    %swap3A_311 = tpu.vector_load %arg10[%swap3A_309, %swap3A_310] {strides = array<i32>} : memref<4x128xi32, #tpu.memory_space<vmem>>, vector<16xi32>,
    tpu.vector_store %arg10[%swap3A_309, %swap3A_310], %convert_element_type3A {strides = array<i32>} : memref<4x128xi32, #tpu.memory_space<vmem>>, vector<16xi32>,
    %eq3A = arith.constant 1 : i32
    %eq3A_312 = vector.broadcast %eq3A : i32 to vector<16xi32>
    %eq3A_313 = arith.cmpi eq, %convert_element_type3A, %eq3A_312 : vector<16xi32>
    %swap3A_314 = arith.constant 0 : i32
    %swap3A_315 = arith.index_cast %swap3A_314 : i32 to index
    %swap3A_316 = tpu.vector_load %arg11[%swap3A_315] masked %eq3A_313 {strides = array<i32>} : memref<528xi32, #tpu.memory_space<vmem>>, vector<16xi32>, vector<16xi1>
    tpu.vector_store %arg11[%swap3A_315], %get3A_294 masked %eq3A_313 {strides = array<i32>} : memref<528xi32, #tpu.memory_space<vmem>>, vector<16xi32>, vector<16xi1>
    %slice3A = vector.extract_strided_slice %masked_cumsum3A {offsets = [15], sizes = [1], strides = [1]} : vector<16xi32> to vector<1xi32>
    %squeeze3A = vector.extract %slice3A[0] : i32 from vector<1xi32>
    %add3A_317 = arith.constant 0 : i32
    %add3A_318 = arith.addi %add3A_317, %squeeze3A : i32
    %get3A_319 = arith.constant 17 : index
    %get3A_320 = tpu.vector_load %arg12[%get3A_319] {strides = array<i32>} : memref<544xi32, #tpu.memory_space<vmem>>, vector<16xi32>,
    %get3A_321 = arith.constant 16 : index
    %get3A_322 = tpu.vector_load %arg12[%get3A_321] {strides = array<i32>} : memref<544xi32, #tpu.memory_space<vmem>>, vector<16xi32>,
    %ne3A_323 = arith.cmpi ne, %get3A_320, %get3A_322 : vector<16xi32>
    %convert_element_type3A_324 = arith.extui %ne3A_323 : vector<16xi1> to vector<16xi32>
    %broadcast_in_dim3A_325 = arith.constant true
    %broadcast_in_dim3A_326 = vector.broadcast %broadcast_in_dim3A_325 : i1 to vector<16xi1>
    %masked_cumsum3A_327 = tpu.scan <sum>, %convert_element_type3A_324 masked %broadcast_in_dim3A_326 : vector<16xi32>, vector<16xi1> -> vector<16xi32>
    %broadcast_in_dim3A_328 = vector.broadcast %add3A_318 : i32 to vector<16xi32>
    %add3A_329 = arith.addi %broadcast_in_dim3A_328, %masked_cumsum3A_327 : vector<16xi32>
    %sub3A_330 = arith.constant 1 : i32
    %sub3A_331 = vector.broadcast %sub3A_330 : i32 to vector<16xi32>
    %sub3A_332 = arith.subi %add3A_329, %sub3A_331 : vector<16xi32>
    %swap3A_333 = arith.constant 0 : i32
    %swap3A_334 = arith.index_cast %swap3A_333 : i32 to index
    %swap3A_335 = arith.constant 16 : index
    %swap3A_336 = tpu.vector_load %arg9[%swap3A_334, %swap3A_335] {strides = array<i32>} : memref<4x128xi32, #tpu.memory_space<vmem>>, vector<16xi32>,
    tpu.vector_store %arg9[%swap3A_334, %swap3A_335], %sub3A_332 {strides = array<i32>} : memref<4x128xi32, #tpu.memory_space<vmem>>, vector<16xi32>,
    %swap3A_337 = arith.constant 0 : i32
    %swap3A_338 = arith.index_cast %swap3A_337 : i32 to index
    %swap3A_339 = arith.constant 16 : index
    %swap3A_340 = tpu.vector_load %arg10[%swap3A_338, %swap3A_339] {strides = array<i32>} : memref<4x128xi32, #tpu.memory_space<vmem>>, vector<16xi32>,
    tpu.vector_store %arg10[%swap3A_338, %swap3A_339], %convert_element_type3A_324 {strides = array<i32>} : memref<4x128xi32, #tpu.memory_space<vmem>>, vector<16xi32>,
    %eq3A_341 = arith.constant 1 : i32
    %eq3A_342 = vector.broadcast %eq3A_341 : i32 to vector<16xi32>
    %eq3A_343 = arith.cmpi eq, %convert_element_type3A_324, %eq3A_342 : vector<16xi32>
    %swap3A_344 = arith.index_cast %add3A_318 : i32 to index
    %swap3A_345 = tpu.vector_load %arg11[%swap3A_344] masked %eq3A_343 {strides = array<i32>} : memref<528xi32, #tpu.memory_space<vmem>>, vector<16xi32>, vector<16xi1>
    tpu.vector_store %arg11[%swap3A_344], %get3A_320 masked %eq3A_343 {strides = array<i32>} : memref<528xi32, #tpu.memory_space<vmem>>, vector<16xi32>, vector<16xi1>
    %slice3A_346 = vector.extract_strided_slice %masked_cumsum3A_327 {offsets = [15], sizes = [1], strides = [1]} : vector<16xi32> to vector<1xi32>
    %squeeze3A_347 = vector.extract %slice3A_346[0] : i32 from vector<1xi32>
    %add3A_348 = arith.addi %add3A_318, %squeeze3A_347 : i32
    %get3A_349 = arith.constant 33 : index
    %get3A_350 = tpu.vector_load %arg12[%get3A_349] {strides = array<i32>} : memref<544xi32, #tpu.memory_space<vmem>>, vector<16xi32>,
    %get3A_351 = arith.constant 32 : index
    %get3A_352 = tpu.vector_load %arg12[%get3A_351] {strides = array<i32>} : memref<544xi32, #tpu.memory_space<vmem>>, vector<16xi32>,
    %ne3A_353 = arith.cmpi ne, %get3A_350, %get3A_352 : vector<16xi32>
    %convert_element_type3A_354 = arith.extui %ne3A_353 : vector<16xi1> to vector<16xi32>
    %broadcast_in_dim3A_355 = arith.constant true
    %broadcast_in_dim3A_356 = vector.broadcast %broadcast_in_dim3A_355 : i1 to vector<16xi1>
    %masked_cumsum3A_357 = tpu.scan <sum>, %convert_element_type3A_354 masked %broadcast_in_dim3A_356 : vector<16xi32>, vector<16xi1> -> vector<16xi32>
    %broadcast_in_dim3A_358 = vector.broadcast %add3A_348 : i32 to vector<16xi32>
    %add3A_359 = arith.addi %broadcast_in_dim3A_358, %masked_cumsum3A_357 : vector<16xi32>
    %sub3A_360 = arith.constant 1 : i32
    %sub3A_361 = vector.broadcast %sub3A_360 : i32 to vector<16xi32>
    %sub3A_362 = arith.subi %add3A_359, %sub3A_361 : vector<16xi32>
    %swap3A_363 = arith.constant 0 : i32
    %swap3A_364 = arith.index_cast %swap3A_363 : i32 to index
    %swap3A_365 = arith.constant 32 : index
    %swap3A_366 = tpu.vector_load %arg9[%swap3A_364, %swap3A_365] {strides = array<i32>} : memref<4x128xi32, #tpu.memory_space<vmem>>, vector<16xi32>,
    tpu.vector_store %arg9[%swap3A_364, %swap3A_365], %sub3A_362 {strides = array<i32>} : memref<4x128xi32, #tpu.memory_space<vmem>>, vector<16xi32>,
    %swap3A_367 = arith.constant 0 : i32
    %swap3A_368 = arith.index_cast %swap3A_367 : i32 to index
    %swap3A_369 = arith.constant 32 : index
    %swap3A_370 = tpu.vector_load %arg10[%swap3A_368, %swap3A_369] {strides = array<i32>} : memref<4x128xi32, #tpu.memory_space<vmem>>, vector<16xi32>,
    tpu.vector_store %arg10[%swap3A_368, %swap3A_369], %convert_element_type3A_354 {strides = array<i32>} : memref<4x128xi32, #tpu.memory_space<vmem>>, vector<16xi32>,
    %eq3A_371 = arith.constant 1 : i32
    %eq3A_372 = vector.broadcast %eq3A_371 : i32 to vector<16xi32>
    %eq3A_373 = arith.cmpi eq, %convert_element_type3A_354, %eq3A_372 : vector<16xi32>
    %swap3A_374 = arith.index_cast %add3A_348 : i32 to index
    %swap3A_375 = tpu.vector_load %arg11[%swap3A_374] masked %eq3A_373 {strides = array<i32>} : memref<528xi32, #tpu.memory_space<vmem>>, vector<16xi32>, vector<16xi1>
    tpu.vector_store %arg11[%swap3A_374], %get3A_350 masked %eq3A_373 {strides = array<i32>} : memref<528xi32, #tpu.memory_space<vmem>>, vector<16xi32>, vector<16xi1>
    %slice3A_376 = vector.extract_strided_slice %masked_cumsum3A_357 {offsets = [15], sizes = [1], strides = [1]} : vector<16xi32> to vector<1xi32>
    %squeeze3A_377 = vector.extract %slice3A_376[0] : i32 from vector<1xi32>
    %add3A_378 = arith.addi %add3A_348, %squeeze3A_377 : i32
    %get3A_379 = arith.constant 49 : index
    %get3A_380 = tpu.vector_load %arg12[%get3A_379] {strides = array<i32>} : memref<544xi32, #tpu.memory_space<vmem>>, vector<16xi32>,
    %get3A_381 = arith.constant 48 : index
    %get3A_382 = tpu.vector_load %arg12[%get3A_381] {strides = array<i32>} : memref<544xi32, #tpu.memory_space<vmem>>, vector<16xi32>,
    %ne3A_383 = arith.cmpi ne, %get3A_380, %get3A_382 : vector<16xi32>
    %convert_element_type3A_384 = arith.extui %ne3A_383 : vector<16xi1> to vector<16xi32>
    %broadcast_in_dim3A_385 = arith.constant true
    %broadcast_in_dim3A_386 = vector.broadcast %broadcast_in_dim3A_385 : i1 to vector<16xi1>
    %masked_cumsum3A_387 = tpu.scan <sum>, %convert_element_type3A_384 masked %broadcast_in_dim3A_386 : vector<16xi32>, vector<16xi1> -> vector<16xi32>
    %broadcast_in_dim3A_388 = vector.broadcast %add3A_378 : i32 to vector<16xi32>
    %add3A_389 = arith.addi %broadcast_in_dim3A_388, %masked_cumsum3A_387 : vector<16xi32>
    %sub3A_390 = arith.constant 1 : i32
    %sub3A_391 = vector.broadcast %sub3A_390 : i32 to vector<16xi32>
    %sub3A_392 = arith.subi %add3A_389, %sub3A_391 : vector<16xi32>
    %swap3A_393 = arith.constant 0 : i32
    %swap3A_394 = arith.index_cast %swap3A_393 : i32 to index
    %swap3A_395 = arith.constant 48 : index
    %swap3A_396 = tpu.vector_load %arg9[%swap3A_394, %swap3A_395] {strides = array<i32>} : memref<4x128xi32, #tpu.memory_space<vmem>>, vector<16xi32>,
    tpu.vector_store %arg9[%swap3A_394, %swap3A_395], %sub3A_392 {strides = array<i32>} : memref<4x128xi32, #tpu.memory_space<vmem>>, vector<16xi32>,
    %swap3A_397 = arith.constant 0 : i32
    %swap3A_398 = arith.index_cast %swap3A_397 : i32 to index
    %swap3A_399 = arith.constant 48 : index
    %swap3A_400 = tpu.vector_load %arg10[%swap3A_398, %swap3A_399] {strides = array<i32>} : memref<4x128xi32, #tpu.memory_space<vmem>>, vector<16xi32>,
    tpu.vector_store %arg10[%swap3A_398, %swap3A_399], %convert_element_type3A_384 {strides = array<i32>} : memref<4x128xi32, #tpu.memory_space<vmem>>, vector<16xi32>,
    %eq3A_401 = arith.constant 1 : i32
    %eq3A_402 = vector.broadcast %eq3A_401 : i32 to vector<16xi32>
    %eq3A_403 = arith.cmpi eq, %convert_element_type3A_384, %eq3A_402 : vector<16xi32>
    %swap3A_404 = arith.index_cast %add3A_378 : i32 to index
    %swap3A_405 = tpu.vector_load %arg11[%swap3A_404] masked %eq3A_403 {strides = array<i32>} : memref<528xi32, #tpu.memory_space<vmem>>, vector<16xi32>, vector<16xi1>
    tpu.vector_store %arg11[%swap3A_404], %get3A_380 masked %eq3A_403 {strides = array<i32>} : memref<528xi32, #tpu.memory_space<vmem>>, vector<16xi32>, vector<16xi1>
    %slice3A_406 = vector.extract_strided_slice %masked_cumsum3A_387 {offsets = [15], sizes = [1], strides = [1]} : vector<16xi32> to vector<1xi32>
    %squeeze3A_407 = vector.extract %slice3A_406[0] : i32 from vector<1xi32>
    %add3A_408 = arith.addi %add3A_378, %squeeze3A_407 : i32
    %get3A_409 = arith.constant 65 : index
    %get3A_410 = tpu.vector_load %arg12[%get3A_409] {strides = array<i32>} : memref<544xi32, #tpu.memory_space<vmem>>, vector<16xi32>,
    %get3A_411 = arith.constant 64 : index
    %get3A_412 = tpu.vector_load %arg12[%get3A_411] {strides = array<i32>} : memref<544xi32, #tpu.memory_space<vmem>>, vector<16xi32>,
    %ne3A_413 = arith.cmpi ne, %get3A_410, %get3A_412 : vector<16xi32>
    %convert_element_type3A_414 = arith.extui %ne3A_413 : vector<16xi1> to vector<16xi32>
    %broadcast_in_dim3A_415 = arith.constant true
    %broadcast_in_dim3A_416 = vector.broadcast %broadcast_in_dim3A_415 : i1 to vector<16xi1>
    %masked_cumsum3A_417 = tpu.scan <sum>, %convert_element_type3A_414 masked %broadcast_in_dim3A_416 : vector<16xi32>, vector<16xi1> -> vector<16xi32>
    %broadcast_in_dim3A_418 = vector.broadcast %add3A_408 : i32 to vector<16xi32>
    %add3A_419 = arith.addi %broadcast_in_dim3A_418, %masked_cumsum3A_417 : vector<16xi32>
    %sub3A_420 = arith.constant 1 : i32
    %sub3A_421 = vector.broadcast %sub3A_420 : i32 to vector<16xi32>
    %sub3A_422 = arith.subi %add3A_419, %sub3A_421 : vector<16xi32>
    %swap3A_423 = arith.constant 0 : i32
    %swap3A_424 = arith.index_cast %swap3A_423 : i32 to index
    %swap3A_425 = arith.constant 64 : index
    %swap3A_426 = tpu.vector_load %arg9[%swap3A_424, %swap3A_425] {strides = array<i32>} : memref<4x128xi32, #tpu.memory_space<vmem>>, vector<16xi32>,
    tpu.vector_store %arg9[%swap3A_424, %swap3A_425], %sub3A_422 {strides = array<i32>} : memref<4x128xi32, #tpu.memory_space<vmem>>, vector<16xi32>,
    %swap3A_427 = arith.constant 0 : i32
    %swap3A_428 = arith.index_cast %swap3A_427 : i32 to index
    %swap3A_429 = arith.constant 64 : index
    %swap3A_430 = tpu.vector_load %arg10[%swap3A_428, %swap3A_429] {strides = array<i32>} : memref<4x128xi32, #tpu.memory_space<vmem>>, vector<16xi32>,
    tpu.vector_store %arg10[%swap3A_428, %swap3A_429], %convert_element_type3A_414 {strides = array<i32>} : memref<4x128xi32, #tpu.memory_space<vmem>>, vector<16xi32>,
    %eq3A_431 = arith.constant 1 : i32
    %eq3A_432 = vector.broadcast %eq3A_431 : i32 to vector<16xi32>
    %eq3A_433 = arith.cmpi eq, %convert_element_type3A_414, %eq3A_432 : vector<16xi32>
    %swap3A_434 = arith.index_cast %add3A_408 : i32 to index
    %swap3A_435 = tpu.vector_load %arg11[%swap3A_434] masked %eq3A_433 {strides = array<i32>} : memref<528xi32, #tpu.memory_space<vmem>>, vector<16xi32>, vector<16xi1>
    tpu.vector_store %arg11[%swap3A_434], %get3A_410 masked %eq3A_433 {strides = array<i32>} : memref<528xi32, #tpu.memory_space<vmem>>, vector<16xi32>, vector<16xi1>
    %slice3A_436 = vector.extract_strided_slice %masked_cumsum3A_417 {offsets = [15], sizes = [1], strides = [1]} : vector<16xi32> to vector<1xi32>
    %squeeze3A_437 = vector.extract %slice3A_436[0] : i32 from vector<1xi32>
    %add3A_438 = arith.addi %add3A_408, %squeeze3A_437 : i32
    %get3A_439 = arith.constant 81 : index
    %get3A_440 = tpu.vector_load %arg12[%get3A_439] {strides = array<i32>} : memref<544xi32, #tpu.memory_space<vmem>>, vector<16xi32>,
    %get3A_441 = arith.constant 80 : index
    %get3A_442 = tpu.vector_load %arg12[%get3A_441] {strides = array<i32>} : memref<544xi32, #tpu.memory_space<vmem>>, vector<16xi32>,
    %ne3A_443 = arith.cmpi ne, %get3A_440, %get3A_442 : vector<16xi32>
    %convert_element_type3A_444 = arith.extui %ne3A_443 : vector<16xi1> to vector<16xi32>
    %broadcast_in_dim3A_445 = arith.constant true
    %broadcast_in_dim3A_446 = vector.broadcast %broadcast_in_dim3A_445 : i1 to vector<16xi1>
    %masked_cumsum3A_447 = tpu.scan <sum>, %convert_element_type3A_444 masked %broadcast_in_dim3A_446 : vector<16xi32>, vector<16xi1> -> vector<16xi32>
    %broadcast_in_dim3A_448 = vector.broadcast %add3A_438 : i32 to vector<16xi32>
    %add3A_449 = arith.addi %broadcast_in_dim3A_448, %masked_cumsum3A_447 : vector<16xi32>
    %sub3A_450 = arith.constant 1 : i32
    %sub3A_451 = vector.broadcast %sub3A_450 : i32 to vector<16xi32>
    %sub3A_452 = arith.subi %add3A_449, %sub3A_451 : vector<16xi32>
    %swap3A_453 = arith.constant 0 : i32
    %swap3A_454 = arith.index_cast %swap3A_453 : i32 to index
    %swap3A_455 = arith.constant 80 : index
    %swap3A_456 = tpu.vector_load %arg9[%swap3A_454, %swap3A_455] {strides = array<i32>} : memref<4x128xi32, #tpu.memory_space<vmem>>, vector<16xi32>,
    tpu.vector_store %arg9[%swap3A_454, %swap3A_455], %sub3A_452 {strides = array<i32>} : memref<4x128xi32, #tpu.memory_space<vmem>>, vector<16xi32>,
    %swap3A_457 = arith.constant 0 : i32
    %swap3A_458 = arith.index_cast %swap3A_457 : i32 to index
    %swap3A_459 = arith.constant 80 : index
    %swap3A_460 = tpu.vector_load %arg10[%swap3A_458, %swap3A_459] {strides = array<i32>} : memref<4x128xi32, #tpu.memory_space<vmem>>, vector<16xi32>,
    tpu.vector_store %arg10[%swap3A_458, %swap3A_459], %convert_element_type3A_444 {strides = array<i32>} : memref<4x128xi32, #tpu.memory_space<vmem>>, vector<16xi32>,
    %eq3A_461 = arith.constant 1 : i32
    %eq3A_462 = vector.broadcast %eq3A_461 : i32 to vector<16xi32>
    %eq3A_463 = arith.cmpi eq, %convert_element_type3A_444, %eq3A_462 : vector<16xi32>
    %swap3A_464 = arith.index_cast %add3A_438 : i32 to index
    %swap3A_465 = tpu.vector_load %arg11[%swap3A_464] masked %eq3A_463 {strides = array<i32>} : memref<528xi32, #tpu.memory_space<vmem>>, vector<16xi32>, vector<16xi1>
    tpu.vector_store %arg11[%swap3A_464], %get3A_440 masked %eq3A_463 {strides = array<i32>} : memref<528xi32, #tpu.memory_space<vmem>>, vector<16xi32>, vector<16xi1>
    %slice3A_466 = vector.extract_strided_slice %masked_cumsum3A_447 {offsets = [15], sizes = [1], strides = [1]} : vector<16xi32> to vector<1xi32>
    %squeeze3A_467 = vector.extract %slice3A_466[0] : i32 from vector<1xi32>
    %add3A_468 = arith.addi %add3A_438, %squeeze3A_467 : i32
    %get3A_469 = arith.constant 97 : index
    %get3A_470 = tpu.vector_load %arg12[%get3A_469] {strides = array<i32>} : memref<544xi32, #tpu.memory_space<vmem>>, vector<16xi32>,
    %get3A_471 = arith.constant 96 : index
    %get3A_472 = tpu.vector_load %arg12[%get3A_471] {strides = array<i32>} : memref<544xi32, #tpu.memory_space<vmem>>, vector<16xi32>,
    %ne3A_473 = arith.cmpi ne, %get3A_470, %get3A_472 : vector<16xi32>
    %convert_element_type3A_474 = arith.extui %ne3A_473 : vector<16xi1> to vector<16xi32>
    %broadcast_in_dim3A_475 = arith.constant true
    %broadcast_in_dim3A_476 = vector.broadcast %broadcast_in_dim3A_475 : i1 to vector<16xi1>
    %masked_cumsum3A_477 = tpu.scan <sum>, %convert_element_type3A_474 masked %broadcast_in_dim3A_476 : vector<16xi32>, vector<16xi1> -> vector<16xi32>
    %broadcast_in_dim3A_478 = vector.broadcast %add3A_468 : i32 to vector<16xi32>
    %add3A_479 = arith.addi %broadcast_in_dim3A_478, %masked_cumsum3A_477 : vector<16xi32>
    %sub3A_480 = arith.constant 1 : i32
    %sub3A_481 = vector.broadcast %sub3A_480 : i32 to vector<16xi32>
    %sub3A_482 = arith.subi %add3A_479, %sub3A_481 : vector<16xi32>
    %swap3A_483 = arith.constant 0 : i32
    %swap3A_484 = arith.index_cast %swap3A_483 : i32 to index
    %swap3A_485 = arith.constant 96 : index
    %swap3A_486 = tpu.vector_load %arg9[%swap3A_484, %swap3A_485] {strides = array<i32>} : memref<4x128xi32, #tpu.memory_space<vmem>>, vector<16xi32>,
    tpu.vector_store %arg9[%swap3A_484, %swap3A_485], %sub3A_482 {strides = array<i32>} : memref<4x128xi32, #tpu.memory_space<vmem>>, vector<16xi32>,
    %swap3A_487 = arith.constant 0 : i32
    %swap3A_488 = arith.index_cast %swap3A_487 : i32 to index
    %swap3A_489 = arith.constant 96 : index
    %swap3A_490 = tpu.vector_load %arg10[%swap3A_488, %swap3A_489] {strides = array<i32>} : memref<4x128xi32, #tpu.memory_space<vmem>>, vector<16xi32>,
    tpu.vector_store %arg10[%swap3A_488, %swap3A_489], %convert_element_type3A_474 {strides = array<i32>} : memref<4x128xi32, #tpu.memory_space<vmem>>, vector<16xi32>,
    %eq3A_491 = arith.constant 1 : i32
    %eq3A_492 = vector.broadcast %eq3A_491 : i32 to vector<16xi32>
    %eq3A_493 = arith.cmpi eq, %convert_element_type3A_474, %eq3A_492 : vector<16xi32>
    %swap3A_494 = arith.index_cast %add3A_468 : i32 to index
    %swap3A_495 = tpu.vector_load %arg11[%swap3A_494] masked %eq3A_493 {strides = array<i32>} : memref<528xi32, #tpu.memory_space<vmem>>, vector<16xi32>, vector<16xi1>
    tpu.vector_store %arg11[%swap3A_494], %get3A_470 masked %eq3A_493 {strides = array<i32>} : memref<528xi32, #tpu.memory_space<vmem>>, vector<16xi32>, vector<16xi1>
    %slice3A_496 = vector.extract_strided_slice %masked_cumsum3A_477 {offsets = [15], sizes = [1], strides = [1]} : vector<16xi32> to vector<1xi32>
    %squeeze3A_497 = vector.extract %slice3A_496[0] : i32 from vector<1xi32>
    %add3A_498 = arith.addi %add3A_468, %squeeze3A_497 : i32
    %get3A_499 = arith.constant 113 : index
    %get3A_500 = tpu.vector_load %arg12[%get3A_499] {strides = array<i32>} : memref<544xi32, #tpu.memory_space<vmem>>, vector<16xi32>,
    %get3A_501 = arith.constant 112 : index
    %get3A_502 = tpu.vector_load %arg12[%get3A_501] {strides = array<i32>} : memref<544xi32, #tpu.memory_space<vmem>>, vector<16xi32>,
    %ne3A_503 = arith.cmpi ne, %get3A_500, %get3A_502 : vector<16xi32>
    %convert_element_type3A_504 = arith.extui %ne3A_503 : vector<16xi1> to vector<16xi32>
    %broadcast_in_dim3A_505 = arith.constant true
    %broadcast_in_dim3A_506 = vector.broadcast %broadcast_in_dim3A_505 : i1 to vector<16xi1>
    %masked_cumsum3A_507 = tpu.scan <sum>, %convert_element_type3A_504 masked %broadcast_in_dim3A_506 : vector<16xi32>, vector<16xi1> -> vector<16xi32>
    %broadcast_in_dim3A_508 = vector.broadcast %add3A_498 : i32 to vector<16xi32>
    %add3A_509 = arith.addi %broadcast_in_dim3A_508, %masked_cumsum3A_507 : vector<16xi32>
    %sub3A_510 = arith.constant 1 : i32
    %sub3A_511 = vector.broadcast %sub3A_510 : i32 to vector<16xi32>
    %sub3A_512 = arith.subi %add3A_509, %sub3A_511 : vector<16xi32>
    %swap3A_513 = arith.constant 0 : i32
    %swap3A_514 = arith.index_cast %swap3A_513 : i32 to index
    %swap3A_515 = arith.constant 112 : index
    %swap3A_516 = tpu.vector_load %arg9[%swap3A_514, %swap3A_515] {strides = array<i32>} : memref<4x128xi32, #tpu.memory_space<vmem>>, vector<16xi32>,
    tpu.vector_store %arg9[%swap3A_514, %swap3A_515], %sub3A_512 {strides = array<i32>} : memref<4x128xi32, #tpu.memory_space<vmem>>, vector<16xi32>,
    %swap3A_517 = arith.constant 0 : i32
    %swap3A_518 = arith.index_cast %swap3A_517 : i32 to index
    %swap3A_519 = arith.constant 112 : index
    %swap3A_520 = tpu.vector_load %arg10[%swap3A_518, %swap3A_519] {strides = array<i32>} : memref<4x128xi32, #tpu.memory_space<vmem>>, vector<16xi32>,
    tpu.vector_store %arg10[%swap3A_518, %swap3A_519], %convert_element_type3A_504 {strides = array<i32>} : memref<4x128xi32, #tpu.memory_space<vmem>>, vector<16xi32>,
    %eq3A_521 = arith.constant 1 : i32
    %eq3A_522 = vector.broadcast %eq3A_521 : i32 to vector<16xi32>
    %eq3A_523 = arith.cmpi eq, %convert_element_type3A_504, %eq3A_522 : vector<16xi32>
    %swap3A_524 = arith.index_cast %add3A_498 : i32 to index
    %swap3A_525 = tpu.vector_load %arg11[%swap3A_524] masked %eq3A_523 {strides = array<i32>} : memref<528xi32, #tpu.memory_space<vmem>>, vector<16xi32>, vector<16xi1>
    tpu.vector_store %arg11[%swap3A_524], %get3A_500 masked %eq3A_523 {strides = array<i32>} : memref<528xi32, #tpu.memory_space<vmem>>, vector<16xi32>, vector<16xi1>
    %slice3A_526 = vector.extract_strided_slice %masked_cumsum3A_507 {offsets = [15], sizes = [1], strides = [1]} : vector<16xi32> to vector<1xi32>
    %squeeze3A_527 = vector.extract %slice3A_526[0] : i32 from vector<1xi32>
    %add3A_528 = arith.addi %add3A_498, %squeeze3A_527 : i32
    %get3A_529 = arith.constant 129 : index
    %get3A_530 = tpu.vector_load %arg12[%get3A_529] {strides = array<i32>} : memref<544xi32, #tpu.memory_space<vmem>>, vector<16xi32>,
    %get3A_531 = arith.constant 128 : index
    %get3A_532 = tpu.vector_load %arg12[%get3A_531] {strides = array<i32>} : memref<544xi32, #tpu.memory_space<vmem>>, vector<16xi32>,
    %ne3A_533 = arith.cmpi ne, %get3A_530, %get3A_532 : vector<16xi32>
    %convert_element_type3A_534 = arith.extui %ne3A_533 : vector<16xi1> to vector<16xi32>
    %broadcast_in_dim3A_535 = arith.constant true
    %broadcast_in_dim3A_536 = vector.broadcast %broadcast_in_dim3A_535 : i1 to vector<16xi1>
    %masked_cumsum3A_537 = tpu.scan <sum>, %convert_element_type3A_534 masked %broadcast_in_dim3A_536 : vector<16xi32>, vector<16xi1> -> vector<16xi32>
    %broadcast_in_dim3A_538 = vector.broadcast %add3A_528 : i32 to vector<16xi32>
    %add3A_539 = arith.addi %broadcast_in_dim3A_538, %masked_cumsum3A_537 : vector<16xi32>
    %sub3A_540 = arith.constant 1 : i32
    %sub3A_541 = vector.broadcast %sub3A_540 : i32 to vector<16xi32>
    %sub3A_542 = arith.subi %add3A_539, %sub3A_541 : vector<16xi32>
    %swap3A_543 = arith.constant 1 : i32
    %swap3A_544 = arith.index_cast %swap3A_543 : i32 to index
    %swap3A_545 = arith.constant 0 : index
    %swap3A_546 = tpu.vector_load %arg9[%swap3A_544, %swap3A_545] {strides = array<i32>} : memref<4x128xi32, #tpu.memory_space<vmem>>, vector<16xi32>,
    tpu.vector_store %arg9[%swap3A_544, %swap3A_545], %sub3A_542 {strides = array<i32>} : memref<4x128xi32, #tpu.memory_space<vmem>>, vector<16xi32>,
    %swap3A_547 = arith.constant 1 : i32
    %swap3A_548 = arith.index_cast %swap3A_547 : i32 to index
    %swap3A_549 = arith.constant 0 : index
    %swap3A_550 = tpu.vector_load %arg10[%swap3A_548, %swap3A_549] {strides = array<i32>} : memref<4x128xi32, #tpu.memory_space<vmem>>, vector<16xi32>,
    tpu.vector_store %arg10[%swap3A_548, %swap3A_549], %convert_element_type3A_534 {strides = array<i32>} : memref<4x128xi32, #tpu.memory_space<vmem>>, vector<16xi32>,
    %eq3A_551 = arith.constant 1 : i32
    %eq3A_552 = vector.broadcast %eq3A_551 : i32 to vector<16xi32>
    %eq3A_553 = arith.cmpi eq, %convert_element_type3A_534, %eq3A_552 : vector<16xi32>
    %swap3A_554 = arith.index_cast %add3A_528 : i32 to index
    %swap3A_555 = tpu.vector_load %arg11[%swap3A_554] masked %eq3A_553 {strides = array<i32>} : memref<528xi32, #tpu.memory_space<vmem>>, vector<16xi32>, vector<16xi1>
    tpu.vector_store %arg11[%swap3A_554], %get3A_530 masked %eq3A_553 {strides = array<i32>} : memref<528xi32, #tpu.memory_space<vmem>>, vector<16xi32>, vector<16xi1>
    %slice3A_556 = vector.extract_strided_slice %masked_cumsum3A_537 {offsets = [15], sizes = [1], strides = [1]} : vector<16xi32> to vector<1xi32>
    %squeeze3A_557 = vector.extract %slice3A_556[0] : i32 from vector<1xi32>
    %add3A_558 = arith.addi %add3A_528, %squeeze3A_557 : i32
    %get3A_559 = arith.constant 145 : index
    %get3A_560 = tpu.vector_load %arg12[%get3A_559] {strides = array<i32>} : memref<544xi32, #tpu.memory_space<vmem>>, vector<16xi32>,
    %get3A_561 = arith.constant 144 : index
    %get3A_562 = tpu.vector_load %arg12[%get3A_561] {strides = array<i32>} : memref<544xi32, #tpu.memory_space<vmem>>, vector<16xi32>,
    %ne3A_563 = arith.cmpi ne, %get3A_560, %get3A_562 : vector<16xi32>
    %convert_element_type3A_564 = arith.extui %ne3A_563 : vector<16xi1> to vector<16xi32>
    %broadcast_in_dim3A_565 = arith.constant true
    %broadcast_in_dim3A_566 = vector.broadcast %broadcast_in_dim3A_565 : i1 to vector<16xi1>
    %masked_cumsum3A_567 = tpu.scan <sum>, %convert_element_type3A_564 masked %broadcast_in_dim3A_566 : vector<16xi32>, vector<16xi1> -> vector<16xi32>
    %broadcast_in_dim3A_568 = vector.broadcast %add3A_558 : i32 to vector<16xi32>
    %add3A_569 = arith.addi %broadcast_in_dim3A_568, %masked_cumsum3A_567 : vector<16xi32>
    %sub3A_570 = arith.constant 1 : i32
    %sub3A_571 = vector.broadcast %sub3A_570 : i32 to vector<16xi32>
    %sub3A_572 = arith.subi %add3A_569, %sub3A_571 : vector<16xi32>
    %swap3A_573 = arith.constant 1 : i32
    %swap3A_574 = arith.index_cast %swap3A_573 : i32 to index
    %swap3A_575 = arith.constant 16 : index
    %swap3A_576 = tpu.vector_load %arg9[%swap3A_574, %swap3A_575] {strides = array<i32>} : memref<4x128xi32, #tpu.memory_space<vmem>>, vector<16xi32>,
    tpu.vector_store %arg9[%swap3A_574, %swap3A_575], %sub3A_572 {strides = array<i32>} : memref<4x128xi32, #tpu.memory_space<vmem>>, vector<16xi32>,
    %swap3A_577 = arith.constant 1 : i32
    %swap3A_578 = arith.index_cast %swap3A_577 : i32 to index
    %swap3A_579 = arith.constant 16 : index
    %swap3A_580 = tpu.vector_load %arg10[%swap3A_578, %swap3A_579] {strides = array<i32>} : memref<4x128xi32, #tpu.memory_space<vmem>>, vector<16xi32>,
    tpu.vector_store %arg10[%swap3A_578, %swap3A_579], %convert_element_type3A_564 {strides = array<i32>} : memref<4x128xi32, #tpu.memory_space<vmem>>, vector<16xi32>,
    %eq3A_581 = arith.constant 1 : i32
    %eq3A_582 = vector.broadcast %eq3A_581 : i32 to vector<16xi32>
    %eq3A_583 = arith.cmpi eq, %convert_element_type3A_564, %eq3A_582 : vector<16xi32>
    %swap3A_584 = arith.index_cast %add3A_558 : i32 to index
    %swap3A_585 = tpu.vector_load %arg11[%swap3A_584] masked %eq3A_583 {strides = array<i32>} : memref<528xi32, #tpu.memory_space<vmem>>, vector<16xi32>, vector<16xi1>
    tpu.vector_store %arg11[%swap3A_584], %get3A_560 masked %eq3A_583 {strides = array<i32>} : memref<528xi32, #tpu.memory_space<vmem>>, vector<16xi32>, vector<16xi1>
    %slice3A_586 = vector.extract_strided_slice %masked_cumsum3A_567 {offsets = [15], sizes = [1], strides = [1]} : vector<16xi32> to vector<1xi32>
    %squeeze3A_587 = vector.extract %slice3A_586[0] : i32 from vector<1xi32>
    %add3A_588 = arith.addi %add3A_558, %squeeze3A_587 : i32
    %get3A_589 = arith.constant 161 : index
    %get3A_590 = tpu.vector_load %arg12[%get3A_589] {strides = array<i32>} : memref<544xi32, #tpu.memory_space<vmem>>, vector<16xi32>,
    %get3A_591 = arith.constant 160 : index
    %get3A_592 = tpu.vector_load %arg12[%get3A_591] {strides = array<i32>} : memref<544xi32, #tpu.memory_space<vmem>>, vector<16xi32>,
    %ne3A_593 = arith.cmpi ne, %get3A_590, %get3A_592 : vector<16xi32>
    %convert_element_type3A_594 = arith.extui %ne3A_593 : vector<16xi1> to vector<16xi32>
    %broadcast_in_dim3A_595 = arith.constant true
    %broadcast_in_dim3A_596 = vector.broadcast %broadcast_in_dim3A_595 : i1 to vector<16xi1>
    %masked_cumsum3A_597 = tpu.scan <sum>, %convert_element_type3A_594 masked %broadcast_in_dim3A_596 : vector<16xi32>, vector<16xi1> -> vector<16xi32>
    %broadcast_in_dim3A_598 = vector.broadcast %add3A_588 : i32 to vector<16xi32>
    %add3A_599 = arith.addi %broadcast_in_dim3A_598, %masked_cumsum3A_597 : vector<16xi32>
    %sub3A_600 = arith.constant 1 : i32
    %sub3A_601 = vector.broadcast %sub3A_600 : i32 to vector<16xi32>
    %sub3A_602 = arith.subi %add3A_599, %sub3A_601 : vector<16xi32>
    %swap3A_603 = arith.constant 1 : i32
    %swap3A_604 = arith.index_cast %swap3A_603 : i32 to index
    %swap3A_605 = arith.constant 32 : index
    %swap3A_606 = tpu.vector_load %arg9[%swap3A_604, %swap3A_605] {strides = array<i32>} : memref<4x128xi32, #tpu.memory_space<vmem>>, vector<16xi32>,
    tpu.vector_store %arg9[%swap3A_604, %swap3A_605], %sub3A_602 {strides = array<i32>} : memref<4x128xi32, #tpu.memory_space<vmem>>, vector<16xi32>,
    %swap3A_607 = arith.constant 1 : i32
    %swap3A_608 = arith.index_cast %swap3A_607 : i32 to index
    %swap3A_609 = arith.constant 32 : index
    %swap3A_610 = tpu.vector_load %arg10[%swap3A_608, %swap3A_609] {strides = array<i32>} : memref<4x128xi32, #tpu.memory_space<vmem>>, vector<16xi32>,
    tpu.vector_store %arg10[%swap3A_608, %swap3A_609], %convert_element_type3A_594 {strides = array<i32>} : memref<4x128xi32, #tpu.memory_space<vmem>>, vector<16xi32>,
    %eq3A_611 = arith.constant 1 : i32
    %eq3A_612 = vector.broadcast %eq3A_611 : i32 to vector<16xi32>
    %eq3A_613 = arith.cmpi eq, %convert_element_type3A_594, %eq3A_612 : vector<16xi32>
    %swap3A_614 = arith.index_cast %add3A_588 : i32 to index
    %swap3A_615 = tpu.vector_load %arg11[%swap3A_614] masked %eq3A_613 {strides = array<i32>} : memref<528xi32, #tpu.memory_space<vmem>>, vector<16xi32>, vector<16xi1>
    tpu.vector_store %arg11[%swap3A_614], %get3A_590 masked %eq3A_613 {strides = array<i32>} : memref<528xi32, #tpu.memory_space<vmem>>, vector<16xi32>, vector<16xi1>
    %slice3A_616 = vector.extract_strided_slice %masked_cumsum3A_597 {offsets = [15], sizes = [1], strides = [1]} : vector<16xi32> to vector<1xi32>
    %squeeze3A_617 = vector.extract %slice3A_616[0] : i32 from vector<1xi32>
    %add3A_618 = arith.addi %add3A_588, %squeeze3A_617 : i32
    %get3A_619 = arith.constant 177 : index
    %get3A_620 = tpu.vector_load %arg12[%get3A_619] {strides = array<i32>} : memref<544xi32, #tpu.memory_space<vmem>>, vector<16xi32>,
    %get3A_621 = arith.constant 176 : index
    %get3A_622 = tpu.vector_load %arg12[%get3A_621] {strides = array<i32>} : memref<544xi32, #tpu.memory_space<vmem>>, vector<16xi32>,
    %ne3A_623 = arith.cmpi ne, %get3A_620, %get3A_622 : vector<16xi32>
    %convert_element_type3A_624 = arith.extui %ne3A_623 : vector<16xi1> to vector<16xi32>
    %broadcast_in_dim3A_625 = arith.constant true
    %broadcast_in_dim3A_626 = vector.broadcast %broadcast_in_dim3A_625 : i1 to vector<16xi1>
    %masked_cumsum3A_627 = tpu.scan <sum>, %convert_element_type3A_624 masked %broadcast_in_dim3A_626 : vector<16xi32>, vector<16xi1> -> vector<16xi32>
    %broadcast_in_dim3A_628 = vector.broadcast %add3A_618 : i32 to vector<16xi32>
    %add3A_629 = arith.addi %broadcast_in_dim3A_628, %masked_cumsum3A_627 : vector<16xi32>
    %sub3A_630 = arith.constant 1 : i32
    %sub3A_631 = vector.broadcast %sub3A_630 : i32 to vector<16xi32>
    %sub3A_632 = arith.subi %add3A_629, %sub3A_631 : vector<16xi32>
    %swap3A_633 = arith.constant 1 : i32
    %swap3A_634 = arith.index_cast %swap3A_633 : i32 to index
    %swap3A_635 = arith.constant 48 : index
    %swap3A_636 = tpu.vector_load %arg9[%swap3A_634, %swap3A_635] {strides = array<i32>} : memref<4x128xi32, #tpu.memory_space<vmem>>, vector<16xi32>,
    tpu.vector_store %arg9[%swap3A_634, %swap3A_635], %sub3A_632 {strides = array<i32>} : memref<4x128xi32, #tpu.memory_space<vmem>>, vector<16xi32>,
    %swap3A_637 = arith.constant 1 : i32
    %swap3A_638 = arith.index_cast %swap3A_637 : i32 to index
    %swap3A_639 = arith.constant 48 : index
    %swap3A_640 = tpu.vector_load %arg10[%swap3A_638, %swap3A_639] {strides = array<i32>} : memref<4x128xi32, #tpu.memory_space<vmem>>, vector<16xi32>,
    tpu.vector_store %arg10[%swap3A_638, %swap3A_639], %convert_element_type3A_624 {strides = array<i32>} : memref<4x128xi32, #tpu.memory_space<vmem>>, vector<16xi32>,
    %eq3A_641 = arith.constant 1 : i32
    %eq3A_642 = vector.broadcast %eq3A_641 : i32 to vector<16xi32>
    %eq3A_643 = arith.cmpi eq, %convert_element_type3A_624, %eq3A_642 : vector<16xi32>
    %swap3A_644 = arith.index_cast %add3A_618 : i32 to index
    %swap3A_645 = tpu.vector_load %arg11[%swap3A_644] masked %eq3A_643 {strides = array<i32>} : memref<528xi32, #tpu.memory_space<vmem>>, vector<16xi32>, vector<16xi1>
    tpu.vector_store %arg11[%swap3A_644], %get3A_620 masked %eq3A_643 {strides = array<i32>} : memref<528xi32, #tpu.memory_space<vmem>>, vector<16xi32>, vector<16xi1>
    %slice3A_646 = vector.extract_strided_slice %masked_cumsum3A_627 {offsets = [15], sizes = [1], strides = [1]} : vector<16xi32> to vector<1xi32>
    %squeeze3A_647 = vector.extract %slice3A_646[0] : i32 from vector<1xi32>
    %add3A_648 = arith.addi %add3A_618, %squeeze3A_647 : i32
    %get3A_649 = arith.constant 193 : index
    %get3A_650 = tpu.vector_load %arg12[%get3A_649] {strides = array<i32>} : memref<544xi32, #tpu.memory_space<vmem>>, vector<16xi32>,
    %get3A_651 = arith.constant 192 : index
    %get3A_652 = tpu.vector_load %arg12[%get3A_651] {strides = array<i32>} : memref<544xi32, #tpu.memory_space<vmem>>, vector<16xi32>,
    %ne3A_653 = arith.cmpi ne, %get3A_650, %get3A_652 : vector<16xi32>
    %convert_element_type3A_654 = arith.extui %ne3A_653 : vector<16xi1> to vector<16xi32>
    %broadcast_in_dim3A_655 = arith.constant true
    %broadcast_in_dim3A_656 = vector.broadcast %broadcast_in_dim3A_655 : i1 to vector<16xi1>
    %masked_cumsum3A_657 = tpu.scan <sum>, %convert_element_type3A_654 masked %broadcast_in_dim3A_656 : vector<16xi32>, vector<16xi1> -> vector<16xi32>
    %broadcast_in_dim3A_658 = vector.broadcast %add3A_648 : i32 to vector<16xi32>
    %add3A_659 = arith.addi %broadcast_in_dim3A_658, %masked_cumsum3A_657 : vector<16xi32>
    %sub3A_660 = arith.constant 1 : i32
    %sub3A_661 = vector.broadcast %sub3A_660 : i32 to vector<16xi32>
    %sub3A_662 = arith.subi %add3A_659, %sub3A_661 : vector<16xi32>
    %swap3A_663 = arith.constant 1 : i32
    %swap3A_664 = arith.index_cast %swap3A_663 : i32 to index
    %swap3A_665 = arith.constant 64 : index
    %swap3A_666 = tpu.vector_load %arg9[%swap3A_664, %swap3A_665] {strides = array<i32>} : memref<4x128xi32, #tpu.memory_space<vmem>>, vector<16xi32>,
    tpu.vector_store %arg9[%swap3A_664, %swap3A_665], %sub3A_662 {strides = array<i32>} : memref<4x128xi32, #tpu.memory_space<vmem>>, vector<16xi32>,
    %swap3A_667 = arith.constant 1 : i32
    %swap3A_668 = arith.index_cast %swap3A_667 : i32 to index
    %swap3A_669 = arith.constant 64 : index
    %swap3A_670 = tpu.vector_load %arg10[%swap3A_668, %swap3A_669] {strides = array<i32>} : memref<4x128xi32, #tpu.memory_space<vmem>>, vector<16xi32>,
    tpu.vector_store %arg10[%swap3A_668, %swap3A_669], %convert_element_type3A_654 {strides = array<i32>} : memref<4x128xi32, #tpu.memory_space<vmem>>, vector<16xi32>,
    %eq3A_671 = arith.constant 1 : i32
    %eq3A_672 = vector.broadcast %eq3A_671 : i32 to vector<16xi32>
    %eq3A_673 = arith.cmpi eq, %convert_element_type3A_654, %eq3A_672 : vector<16xi32>
    %swap3A_674 = arith.index_cast %add3A_648 : i32 to index
    %swap3A_675 = tpu.vector_load %arg11[%swap3A_674] masked %eq3A_673 {strides = array<i32>} : memref<528xi32, #tpu.memory_space<vmem>>, vector<16xi32>, vector<16xi1>
    tpu.vector_store %arg11[%swap3A_674], %get3A_650 masked %eq3A_673 {strides = array<i32>} : memref<528xi32, #tpu.memory_space<vmem>>, vector<16xi32>, vector<16xi1>
    %slice3A_676 = vector.extract_strided_slice %masked_cumsum3A_657 {offsets = [15], sizes = [1], strides = [1]} : vector<16xi32> to vector<1xi32>
    %squeeze3A_677 = vector.extract %slice3A_676[0] : i32 from vector<1xi32>
    %add3A_678 = arith.addi %add3A_648, %squeeze3A_677 : i32
    %get3A_679 = arith.constant 209 : index
    %get3A_680 = tpu.vector_load %arg12[%get3A_679] {strides = array<i32>} : memref<544xi32, #tpu.memory_space<vmem>>, vector<16xi32>,
    %get3A_681 = arith.constant 208 : index
    %get3A_682 = tpu.vector_load %arg12[%get3A_681] {strides = array<i32>} : memref<544xi32, #tpu.memory_space<vmem>>, vector<16xi32>,
    %ne3A_683 = arith.cmpi ne, %get3A_680, %get3A_682 : vector<16xi32>
    %convert_element_type3A_684 = arith.extui %ne3A_683 : vector<16xi1> to vector<16xi32>
    %broadcast_in_dim3A_685 = arith.constant true
    %broadcast_in_dim3A_686 = vector.broadcast %broadcast_in_dim3A_685 : i1 to vector<16xi1>
    %masked_cumsum3A_687 = tpu.scan <sum>, %convert_element_type3A_684 masked %broadcast_in_dim3A_686 : vector<16xi32>, vector<16xi1> -> vector<16xi32>
    %broadcast_in_dim3A_688 = vector.broadcast %add3A_678 : i32 to vector<16xi32>
    %add3A_689 = arith.addi %broadcast_in_dim3A_688, %masked_cumsum3A_687 : vector<16xi32>
    %sub3A_690 = arith.constant 1 : i32
    %sub3A_691 = vector.broadcast %sub3A_690 : i32 to vector<16xi32>
    %sub3A_692 = arith.subi %add3A_689, %sub3A_691 : vector<16xi32>
    %swap3A_693 = arith.constant 1 : i32
    %swap3A_694 = arith.index_cast %swap3A_693 : i32 to index
    %swap3A_695 = arith.constant 80 : index
    %swap3A_696 = tpu.vector_load %arg9[%swap3A_694, %swap3A_695] {strides = array<i32>} : memref<4x128xi32, #tpu.memory_space<vmem>>, vector<16xi32>,
    tpu.vector_store %arg9[%swap3A_694, %swap3A_695], %sub3A_692 {strides = array<i32>} : memref<4x128xi32, #tpu.memory_space<vmem>>, vector<16xi32>,
    %swap3A_697 = arith.constant 1 : i32
    %swap3A_698 = arith.index_cast %swap3A_697 : i32 to index
    %swap3A_699 = arith.constant 80 : index
    %swap3A_700 = tpu.vector_load %arg10[%swap3A_698, %swap3A_699] {strides = array<i32>} : memref<4x128xi32, #tpu.memory_space<vmem>>, vector<16xi32>,
    tpu.vector_store %arg10[%swap3A_698, %swap3A_699], %convert_element_type3A_684 {strides = array<i32>} : memref<4x128xi32, #tpu.memory_space<vmem>>, vector<16xi32>,
    %eq3A_701 = arith.constant 1 : i32
    %eq3A_702 = vector.broadcast %eq3A_701 : i32 to vector<16xi32>
    %eq3A_703 = arith.cmpi eq, %convert_element_type3A_684, %eq3A_702 : vector<16xi32>
    %swap3A_704 = arith.index_cast %add3A_678 : i32 to index
    %swap3A_705 = tpu.vector_load %arg11[%swap3A_704] masked %eq3A_703 {strides = array<i32>} : memref<528xi32, #tpu.memory_space<vmem>>, vector<16xi32>, vector<16xi1>
    tpu.vector_store %arg11[%swap3A_704], %get3A_680 masked %eq3A_703 {strides = array<i32>} : memref<528xi32, #tpu.memory_space<vmem>>, vector<16xi32>, vector<16xi1>
    %slice3A_706 = vector.extract_strided_slice %masked_cumsum3A_687 {offsets = [15], sizes = [1], strides = [1]} : vector<16xi32> to vector<1xi32>
    %squeeze3A_707 = vector.extract %slice3A_706[0] : i32 from vector<1xi32>
    %add3A_708 = arith.addi %add3A_678, %squeeze3A_707 : i32
    %get3A_709 = arith.constant 225 : index
    %get3A_710 = tpu.vector_load %arg12[%get3A_709] {strides = array<i32>} : memref<544xi32, #tpu.memory_space<vmem>>, vector<16xi32>,
    %get3A_711 = arith.constant 224 : index
    %get3A_712 = tpu.vector_load %arg12[%get3A_711] {strides = array<i32>} : memref<544xi32, #tpu.memory_space<vmem>>, vector<16xi32>,
    %ne3A_713 = arith.cmpi ne, %get3A_710, %get3A_712 : vector<16xi32>
    %convert_element_type3A_714 = arith.extui %ne3A_713 : vector<16xi1> to vector<16xi32>
    %broadcast_in_dim3A_715 = arith.constant true
    %broadcast_in_dim3A_716 = vector.broadcast %broadcast_in_dim3A_715 : i1 to vector<16xi1>
    %masked_cumsum3A_717 = tpu.scan <sum>, %convert_element_type3A_714 masked %broadcast_in_dim3A_716 : vector<16xi32>, vector<16xi1> -> vector<16xi32>
    %broadcast_in_dim3A_718 = vector.broadcast %add3A_708 : i32 to vector<16xi32>
    %add3A_719 = arith.addi %broadcast_in_dim3A_718, %masked_cumsum3A_717 : vector<16xi32>
    %sub3A_720 = arith.constant 1 : i32
    %sub3A_721 = vector.broadcast %sub3A_720 : i32 to vector<16xi32>
    %sub3A_722 = arith.subi %add3A_719, %sub3A_721 : vector<16xi32>
    %swap3A_723 = arith.constant 1 : i32
    %swap3A_724 = arith.index_cast %swap3A_723 : i32 to index
    %swap3A_725 = arith.constant 96 : index
    %swap3A_726 = tpu.vector_load %arg9[%swap3A_724, %swap3A_725] {strides = array<i32>} : memref<4x128xi32, #tpu.memory_space<vmem>>, vector<16xi32>,
    tpu.vector_store %arg9[%swap3A_724, %swap3A_725], %sub3A_722 {strides = array<i32>} : memref<4x128xi32, #tpu.memory_space<vmem>>, vector<16xi32>,
    %swap3A_727 = arith.constant 1 : i32
    %swap3A_728 = arith.index_cast %swap3A_727 : i32 to index
    %swap3A_729 = arith.constant 96 : index
    %swap3A_730 = tpu.vector_load %arg10[%swap3A_728, %swap3A_729] {strides = array<i32>} : memref<4x128xi32, #tpu.memory_space<vmem>>, vector<16xi32>,
    tpu.vector_store %arg10[%swap3A_728, %swap3A_729], %convert_element_type3A_714 {strides = array<i32>} : memref<4x128xi32, #tpu.memory_space<vmem>>, vector<16xi32>,
    %eq3A_731 = arith.constant 1 : i32
    %eq3A_732 = vector.broadcast %eq3A_731 : i32 to vector<16xi32>
    %eq3A_733 = arith.cmpi eq, %convert_element_type3A_714, %eq3A_732 : vector<16xi32>
    %swap3A_734 = arith.index_cast %add3A_708 : i32 to index
    %swap3A_735 = tpu.vector_load %arg11[%swap3A_734] masked %eq3A_733 {strides = array<i32>} : memref<528xi32, #tpu.memory_space<vmem>>, vector<16xi32>, vector<16xi1>
    tpu.vector_store %arg11[%swap3A_734], %get3A_710 masked %eq3A_733 {strides = array<i32>} : memref<528xi32, #tpu.memory_space<vmem>>, vector<16xi32>, vector<16xi1>
    %slice3A_736 = vector.extract_strided_slice %masked_cumsum3A_717 {offsets = [15], sizes = [1], strides = [1]} : vector<16xi32> to vector<1xi32>
    %squeeze3A_737 = vector.extract %slice3A_736[0] : i32 from vector<1xi32>
    %add3A_738 = arith.addi %add3A_708, %squeeze3A_737 : i32
    %get3A_739 = arith.constant 241 : index
    %get3A_740 = tpu.vector_load %arg12[%get3A_739] {strides = array<i32>} : memref<544xi32, #tpu.memory_space<vmem>>, vector<16xi32>,
    %get3A_741 = arith.constant 240 : index
    %get3A_742 = tpu.vector_load %arg12[%get3A_741] {strides = array<i32>} : memref<544xi32, #tpu.memory_space<vmem>>, vector<16xi32>,
    %ne3A_743 = arith.cmpi ne, %get3A_740, %get3A_742 : vector<16xi32>
    %convert_element_type3A_744 = arith.extui %ne3A_743 : vector<16xi1> to vector<16xi32>
    %broadcast_in_dim3A_745 = arith.constant true
    %broadcast_in_dim3A_746 = vector.broadcast %broadcast_in_dim3A_745 : i1 to vector<16xi1>
    %masked_cumsum3A_747 = tpu.scan <sum>, %convert_element_type3A_744 masked %broadcast_in_dim3A_746 : vector<16xi32>, vector<16xi1> -> vector<16xi32>
    %broadcast_in_dim3A_748 = vector.broadcast %add3A_738 : i32 to vector<16xi32>
    %add3A_749 = arith.addi %broadcast_in_dim3A_748, %masked_cumsum3A_747 : vector<16xi32>
    %sub3A_750 = arith.constant 1 : i32
    %sub3A_751 = vector.broadcast %sub3A_750 : i32 to vector<16xi32>
    %sub3A_752 = arith.subi %add3A_749, %sub3A_751 : vector<16xi32>
    %swap3A_753 = arith.constant 1 : i32
    %swap3A_754 = arith.index_cast %swap3A_753 : i32 to index
    %swap3A_755 = arith.constant 112 : index
    %swap3A_756 = tpu.vector_load %arg9[%swap3A_754, %swap3A_755] {strides = array<i32>} : memref<4x128xi32, #tpu.memory_space<vmem>>, vector<16xi32>,
    tpu.vector_store %arg9[%swap3A_754, %swap3A_755], %sub3A_752 {strides = array<i32>} : memref<4x128xi32, #tpu.memory_space<vmem>>, vector<16xi32>,
    %swap3A_757 = arith.constant 1 : i32
    %swap3A_758 = arith.index_cast %swap3A_757 : i32 to index
    %swap3A_759 = arith.constant 112 : index
    %swap3A_760 = tpu.vector_load %arg10[%swap3A_758, %swap3A_759] {strides = array<i32>} : memref<4x128xi32, #tpu.memory_space<vmem>>, vector<16xi32>,
    tpu.vector_store %arg10[%swap3A_758, %swap3A_759], %convert_element_type3A_744 {strides = array<i32>} : memref<4x128xi32, #tpu.memory_space<vmem>>, vector<16xi32>,
    %eq3A_761 = arith.constant 1 : i32
    %eq3A_762 = vector.broadcast %eq3A_761 : i32 to vector<16xi32>
    %eq3A_763 = arith.cmpi eq, %convert_element_type3A_744, %eq3A_762 : vector<16xi32>
    %swap3A_764 = arith.index_cast %add3A_738 : i32 to index
    %swap3A_765 = tpu.vector_load %arg11[%swap3A_764] masked %eq3A_763 {strides = array<i32>} : memref<528xi32, #tpu.memory_space<vmem>>, vector<16xi32>, vector<16xi1>
    tpu.vector_store %arg11[%swap3A_764], %get3A_740 masked %eq3A_763 {strides = array<i32>} : memref<528xi32, #tpu.memory_space<vmem>>, vector<16xi32>, vector<16xi1>
    %slice3A_766 = vector.extract_strided_slice %masked_cumsum3A_747 {offsets = [15], sizes = [1], strides = [1]} : vector<16xi32> to vector<1xi32>
    %squeeze3A_767 = vector.extract %slice3A_766[0] : i32 from vector<1xi32>
    %add3A_768 = arith.addi %add3A_738, %squeeze3A_767 : i32
    %get3A_769 = arith.constant 257 : index
    %get3A_770 = tpu.vector_load %arg12[%get3A_769] {strides = array<i32>} : memref<544xi32, #tpu.memory_space<vmem>>, vector<16xi32>,
    %get3A_771 = arith.constant 256 : index
    %get3A_772 = tpu.vector_load %arg12[%get3A_771] {strides = array<i32>} : memref<544xi32, #tpu.memory_space<vmem>>, vector<16xi32>,
    %ne3A_773 = arith.cmpi ne, %get3A_770, %get3A_772 : vector<16xi32>
    %convert_element_type3A_774 = arith.extui %ne3A_773 : vector<16xi1> to vector<16xi32>
    %broadcast_in_dim3A_775 = arith.constant true
    %broadcast_in_dim3A_776 = vector.broadcast %broadcast_in_dim3A_775 : i1 to vector<16xi1>
    %masked_cumsum3A_777 = tpu.scan <sum>, %convert_element_type3A_774 masked %broadcast_in_dim3A_776 : vector<16xi32>, vector<16xi1> -> vector<16xi32>
    %broadcast_in_dim3A_778 = vector.broadcast %add3A_768 : i32 to vector<16xi32>
    %add3A_779 = arith.addi %broadcast_in_dim3A_778, %masked_cumsum3A_777 : vector<16xi32>
    %sub3A_780 = arith.constant 1 : i32
    %sub3A_781 = vector.broadcast %sub3A_780 : i32 to vector<16xi32>
    %sub3A_782 = arith.subi %add3A_779, %sub3A_781 : vector<16xi32>
    %swap3A_783 = arith.constant 2 : i32
    %swap3A_784 = arith.index_cast %swap3A_783 : i32 to index
    %swap3A_785 = arith.constant 0 : index
    %swap3A_786 = tpu.vector_load %arg9[%swap3A_784, %swap3A_785] {strides = array<i32>} : memref<4x128xi32, #tpu.memory_space<vmem>>, vector<16xi32>,
    tpu.vector_store %arg9[%swap3A_784, %swap3A_785], %sub3A_782 {strides = array<i32>} : memref<4x128xi32, #tpu.memory_space<vmem>>, vector<16xi32>,
    %swap3A_787 = arith.constant 2 : i32
    %swap3A_788 = arith.index_cast %swap3A_787 : i32 to index
    %swap3A_789 = arith.constant 0 : index
    %swap3A_790 = tpu.vector_load %arg10[%swap3A_788, %swap3A_789] {strides = array<i32>} : memref<4x128xi32, #tpu.memory_space<vmem>>, vector<16xi32>,
    tpu.vector_store %arg10[%swap3A_788, %swap3A_789], %convert_element_type3A_774 {strides = array<i32>} : memref<4x128xi32, #tpu.memory_space<vmem>>, vector<16xi32>,
    %eq3A_791 = arith.constant 1 : i32
    %eq3A_792 = vector.broadcast %eq3A_791 : i32 to vector<16xi32>
    %eq3A_793 = arith.cmpi eq, %convert_element_type3A_774, %eq3A_792 : vector<16xi32>
    %swap3A_794 = arith.index_cast %add3A_768 : i32 to index
    %swap3A_795 = tpu.vector_load %arg11[%swap3A_794] masked %eq3A_793 {strides = array<i32>} : memref<528xi32, #tpu.memory_space<vmem>>, vector<16xi32>, vector<16xi1>
    tpu.vector_store %arg11[%swap3A_794], %get3A_770 masked %eq3A_793 {strides = array<i32>} : memref<528xi32, #tpu.memory_space<vmem>>, vector<16xi32>, vector<16xi1>
    %slice3A_796 = vector.extract_strided_slice %masked_cumsum3A_777 {offsets = [15], sizes = [1], strides = [1]} : vector<16xi32> to vector<1xi32>
    %squeeze3A_797 = vector.extract %slice3A_796[0] : i32 from vector<1xi32>
    %add3A_798 = arith.addi %add3A_768, %squeeze3A_797 : i32
    %get3A_799 = arith.constant 273 : index
    %get3A_800 = tpu.vector_load %arg12[%get3A_799] {strides = array<i32>} : memref<544xi32, #tpu.memory_space<vmem>>, vector<16xi32>,
    %get3A_801 = arith.constant 272 : index
    %get3A_802 = tpu.vector_load %arg12[%get3A_801] {strides = array<i32>} : memref<544xi32, #tpu.memory_space<vmem>>, vector<16xi32>,
    %ne3A_803 = arith.cmpi ne, %get3A_800, %get3A_802 : vector<16xi32>
    %convert_element_type3A_804 = arith.extui %ne3A_803 : vector<16xi1> to vector<16xi32>
    %broadcast_in_dim3A_805 = arith.constant true
    %broadcast_in_dim3A_806 = vector.broadcast %broadcast_in_dim3A_805 : i1 to vector<16xi1>
    %masked_cumsum3A_807 = tpu.scan <sum>, %convert_element_type3A_804 masked %broadcast_in_dim3A_806 : vector<16xi32>, vector<16xi1> -> vector<16xi32>
    %broadcast_in_dim3A_808 = vector.broadcast %add3A_798 : i32 to vector<16xi32>
    %add3A_809 = arith.addi %broadcast_in_dim3A_808, %masked_cumsum3A_807 : vector<16xi32>
    %sub3A_810 = arith.constant 1 : i32
    %sub3A_811 = vector.broadcast %sub3A_810 : i32 to vector<16xi32>
    %sub3A_812 = arith.subi %add3A_809, %sub3A_811 : vector<16xi32>
    %swap3A_813 = arith.constant 2 : i32
    %swap3A_814 = arith.index_cast %swap3A_813 : i32 to index
    %swap3A_815 = arith.constant 16 : index
    %swap3A_816 = tpu.vector_load %arg9[%swap3A_814, %swap3A_815] {strides = array<i32>} : memref<4x128xi32, #tpu.memory_space<vmem>>, vector<16xi32>,
    tpu.vector_store %arg9[%swap3A_814, %swap3A_815], %sub3A_812 {strides = array<i32>} : memref<4x128xi32, #tpu.memory_space<vmem>>, vector<16xi32>,
    %swap3A_817 = arith.constant 2 : i32
    %swap3A_818 = arith.index_cast %swap3A_817 : i32 to index
    %swap3A_819 = arith.constant 16 : index
    %swap3A_820 = tpu.vector_load %arg10[%swap3A_818, %swap3A_819] {strides = array<i32>} : memref<4x128xi32, #tpu.memory_space<vmem>>, vector<16xi32>,
    tpu.vector_store %arg10[%swap3A_818, %swap3A_819], %convert_element_type3A_804 {strides = array<i32>} : memref<4x128xi32, #tpu.memory_space<vmem>>, vector<16xi32>,
    %eq3A_821 = arith.constant 1 : i32
    %eq3A_822 = vector.broadcast %eq3A_821 : i32 to vector<16xi32>
    %eq3A_823 = arith.cmpi eq, %convert_element_type3A_804, %eq3A_822 : vector<16xi32>
    %swap3A_824 = arith.index_cast %add3A_798 : i32 to index
    %swap3A_825 = tpu.vector_load %arg11[%swap3A_824] masked %eq3A_823 {strides = array<i32>} : memref<528xi32, #tpu.memory_space<vmem>>, vector<16xi32>, vector<16xi1>
    tpu.vector_store %arg11[%swap3A_824], %get3A_800 masked %eq3A_823 {strides = array<i32>} : memref<528xi32, #tpu.memory_space<vmem>>, vector<16xi32>, vector<16xi1>
    %slice3A_826 = vector.extract_strided_slice %masked_cumsum3A_807 {offsets = [15], sizes = [1], strides = [1]} : vector<16xi32> to vector<1xi32>
    %squeeze3A_827 = vector.extract %slice3A_826[0] : i32 from vector<1xi32>
    %add3A_828 = arith.addi %add3A_798, %squeeze3A_827 : i32
    %get3A_829 = arith.constant 289 : index
    %get3A_830 = tpu.vector_load %arg12[%get3A_829] {strides = array<i32>} : memref<544xi32, #tpu.memory_space<vmem>>, vector<16xi32>,
    %get3A_831 = arith.constant 288 : index
    %get3A_832 = tpu.vector_load %arg12[%get3A_831] {strides = array<i32>} : memref<544xi32, #tpu.memory_space<vmem>>, vector<16xi32>,
    %ne3A_833 = arith.cmpi ne, %get3A_830, %get3A_832 : vector<16xi32>
    %convert_element_type3A_834 = arith.extui %ne3A_833 : vector<16xi1> to vector<16xi32>
    %broadcast_in_dim3A_835 = arith.constant true
    %broadcast_in_dim3A_836 = vector.broadcast %broadcast_in_dim3A_835 : i1 to vector<16xi1>
    %masked_cumsum3A_837 = tpu.scan <sum>, %convert_element_type3A_834 masked %broadcast_in_dim3A_836 : vector<16xi32>, vector<16xi1> -> vector<16xi32>
    %broadcast_in_dim3A_838 = vector.broadcast %add3A_828 : i32 to vector<16xi32>
    %add3A_839 = arith.addi %broadcast_in_dim3A_838, %masked_cumsum3A_837 : vector<16xi32>
    %sub3A_840 = arith.constant 1 : i32
    %sub3A_841 = vector.broadcast %sub3A_840 : i32 to vector<16xi32>
    %sub3A_842 = arith.subi %add3A_839, %sub3A_841 : vector<16xi32>
    %swap3A_843 = arith.constant 2 : i32
    %swap3A_844 = arith.index_cast %swap3A_843 : i32 to index
    %swap3A_845 = arith.constant 32 : index
    %swap3A_846 = tpu.vector_load %arg9[%swap3A_844, %swap3A_845] {strides = array<i32>} : memref<4x128xi32, #tpu.memory_space<vmem>>, vector<16xi32>,
    tpu.vector_store %arg9[%swap3A_844, %swap3A_845], %sub3A_842 {strides = array<i32>} : memref<4x128xi32, #tpu.memory_space<vmem>>, vector<16xi32>,
    %swap3A_847 = arith.constant 2 : i32
    %swap3A_848 = arith.index_cast %swap3A_847 : i32 to index
    %swap3A_849 = arith.constant 32 : index
    %swap3A_850 = tpu.vector_load %arg10[%swap3A_848, %swap3A_849] {strides = array<i32>} : memref<4x128xi32, #tpu.memory_space<vmem>>, vector<16xi32>,
    tpu.vector_store %arg10[%swap3A_848, %swap3A_849], %convert_element_type3A_834 {strides = array<i32>} : memref<4x128xi32, #tpu.memory_space<vmem>>, vector<16xi32>,
    %eq3A_851 = arith.constant 1 : i32
    %eq3A_852 = vector.broadcast %eq3A_851 : i32 to vector<16xi32>
    %eq3A_853 = arith.cmpi eq, %convert_element_type3A_834, %eq3A_852 : vector<16xi32>
    %swap3A_854 = arith.index_cast %add3A_828 : i32 to index
    %swap3A_855 = tpu.vector_load %arg11[%swap3A_854] masked %eq3A_853 {strides = array<i32>} : memref<528xi32, #tpu.memory_space<vmem>>, vector<16xi32>, vector<16xi1>
    tpu.vector_store %arg11[%swap3A_854], %get3A_830 masked %eq3A_853 {strides = array<i32>} : memref<528xi32, #tpu.memory_space<vmem>>, vector<16xi32>, vector<16xi1>
    %slice3A_856 = vector.extract_strided_slice %masked_cumsum3A_837 {offsets = [15], sizes = [1], strides = [1]} : vector<16xi32> to vector<1xi32>
    %squeeze3A_857 = vector.extract %slice3A_856[0] : i32 from vector<1xi32>
    %add3A_858 = arith.addi %add3A_828, %squeeze3A_857 : i32
    %get3A_859 = arith.constant 305 : index
    %get3A_860 = tpu.vector_load %arg12[%get3A_859] {strides = array<i32>} : memref<544xi32, #tpu.memory_space<vmem>>, vector<16xi32>,
    %get3A_861 = arith.constant 304 : index
    %get3A_862 = tpu.vector_load %arg12[%get3A_861] {strides = array<i32>} : memref<544xi32, #tpu.memory_space<vmem>>, vector<16xi32>,
    %ne3A_863 = arith.cmpi ne, %get3A_860, %get3A_862 : vector<16xi32>
    %convert_element_type3A_864 = arith.extui %ne3A_863 : vector<16xi1> to vector<16xi32>
    %broadcast_in_dim3A_865 = arith.constant true
    %broadcast_in_dim3A_866 = vector.broadcast %broadcast_in_dim3A_865 : i1 to vector<16xi1>
    %masked_cumsum3A_867 = tpu.scan <sum>, %convert_element_type3A_864 masked %broadcast_in_dim3A_866 : vector<16xi32>, vector<16xi1> -> vector<16xi32>
    %broadcast_in_dim3A_868 = vector.broadcast %add3A_858 : i32 to vector<16xi32>
    %add3A_869 = arith.addi %broadcast_in_dim3A_868, %masked_cumsum3A_867 : vector<16xi32>
    %sub3A_870 = arith.constant 1 : i32
    %sub3A_871 = vector.broadcast %sub3A_870 : i32 to vector<16xi32>
    %sub3A_872 = arith.subi %add3A_869, %sub3A_871 : vector<16xi32>
    %swap3A_873 = arith.constant 2 : i32
    %swap3A_874 = arith.index_cast %swap3A_873 : i32 to index
    %swap3A_875 = arith.constant 48 : index
    %swap3A_876 = tpu.vector_load %arg9[%swap3A_874, %swap3A_875] {strides = array<i32>} : memref<4x128xi32, #tpu.memory_space<vmem>>, vector<16xi32>,
    tpu.vector_store %arg9[%swap3A_874, %swap3A_875], %sub3A_872 {strides = array<i32>} : memref<4x128xi32, #tpu.memory_space<vmem>>, vector<16xi32>,
    %swap3A_877 = arith.constant 2 : i32
    %swap3A_878 = arith.index_cast %swap3A_877 : i32 to index
    %swap3A_879 = arith.constant 48 : index
    %swap3A_880 = tpu.vector_load %arg10[%swap3A_878, %swap3A_879] {strides = array<i32>} : memref<4x128xi32, #tpu.memory_space<vmem>>, vector<16xi32>,
    tpu.vector_store %arg10[%swap3A_878, %swap3A_879], %convert_element_type3A_864 {strides = array<i32>} : memref<4x128xi32, #tpu.memory_space<vmem>>, vector<16xi32>,
    %eq3A_881 = arith.constant 1 : i32
    %eq3A_882 = vector.broadcast %eq3A_881 : i32 to vector<16xi32>
    %eq3A_883 = arith.cmpi eq, %convert_element_type3A_864, %eq3A_882 : vector<16xi32>
    %swap3A_884 = arith.index_cast %add3A_858 : i32 to index
    %swap3A_885 = tpu.vector_load %arg11[%swap3A_884] masked %eq3A_883 {strides = array<i32>} : memref<528xi32, #tpu.memory_space<vmem>>, vector<16xi32>, vector<16xi1>
    tpu.vector_store %arg11[%swap3A_884], %get3A_860 masked %eq3A_883 {strides = array<i32>} : memref<528xi32, #tpu.memory_space<vmem>>, vector<16xi32>, vector<16xi1>
    %slice3A_886 = vector.extract_strided_slice %masked_cumsum3A_867 {offsets = [15], sizes = [1], strides = [1]} : vector<16xi32> to vector<1xi32>
    %squeeze3A_887 = vector.extract %slice3A_886[0] : i32 from vector<1xi32>
    %add3A_888 = arith.addi %add3A_858, %squeeze3A_887 : i32
    %get3A_889 = arith.constant 321 : index
    %get3A_890 = tpu.vector_load %arg12[%get3A_889] {strides = array<i32>} : memref<544xi32, #tpu.memory_space<vmem>>, vector<16xi32>,
    %get3A_891 = arith.constant 320 : index
    %get3A_892 = tpu.vector_load %arg12[%get3A_891] {strides = array<i32>} : memref<544xi32, #tpu.memory_space<vmem>>, vector<16xi32>,
    %ne3A_893 = arith.cmpi ne, %get3A_890, %get3A_892 : vector<16xi32>
    %convert_element_type3A_894 = arith.extui %ne3A_893 : vector<16xi1> to vector<16xi32>
    %broadcast_in_dim3A_895 = arith.constant true
    %broadcast_in_dim3A_896 = vector.broadcast %broadcast_in_dim3A_895 : i1 to vector<16xi1>
    %masked_cumsum3A_897 = tpu.scan <sum>, %convert_element_type3A_894 masked %broadcast_in_dim3A_896 : vector<16xi32>, vector<16xi1> -> vector<16xi32>
    %broadcast_in_dim3A_898 = vector.broadcast %add3A_888 : i32 to vector<16xi32>
    %add3A_899 = arith.addi %broadcast_in_dim3A_898, %masked_cumsum3A_897 : vector<16xi32>
    %sub3A_900 = arith.constant 1 : i32
    %sub3A_901 = vector.broadcast %sub3A_900 : i32 to vector<16xi32>
    %sub3A_902 = arith.subi %add3A_899, %sub3A_901 : vector<16xi32>
    %swap3A_903 = arith.constant 2 : i32
    %swap3A_904 = arith.index_cast %swap3A_903 : i32 to index
    %swap3A_905 = arith.constant 64 : index
    %swap3A_906 = tpu.vector_load %arg9[%swap3A_904, %swap3A_905] {strides = array<i32>} : memref<4x128xi32, #tpu.memory_space<vmem>>, vector<16xi32>,
    tpu.vector_store %arg9[%swap3A_904, %swap3A_905], %sub3A_902 {strides = array<i32>} : memref<4x128xi32, #tpu.memory_space<vmem>>, vector<16xi32>,
    %swap3A_907 = arith.constant 2 : i32
    %swap3A_908 = arith.index_cast %swap3A_907 : i32 to index
    %swap3A_909 = arith.constant 64 : index
    %swap3A_910 = tpu.vector_load %arg10[%swap3A_908, %swap3A_909] {strides = array<i32>} : memref<4x128xi32, #tpu.memory_space<vmem>>, vector<16xi32>,
    tpu.vector_store %arg10[%swap3A_908, %swap3A_909], %convert_element_type3A_894 {strides = array<i32>} : memref<4x128xi32, #tpu.memory_space<vmem>>, vector<16xi32>,
    %eq3A_911 = arith.constant 1 : i32
    %eq3A_912 = vector.broadcast %eq3A_911 : i32 to vector<16xi32>
    %eq3A_913 = arith.cmpi eq, %convert_element_type3A_894, %eq3A_912 : vector<16xi32>
    %swap3A_914 = arith.index_cast %add3A_888 : i32 to index
    %swap3A_915 = tpu.vector_load %arg11[%swap3A_914] masked %eq3A_913 {strides = array<i32>} : memref<528xi32, #tpu.memory_space<vmem>>, vector<16xi32>, vector<16xi1>
    tpu.vector_store %arg11[%swap3A_914], %get3A_890 masked %eq3A_913 {strides = array<i32>} : memref<528xi32, #tpu.memory_space<vmem>>, vector<16xi32>, vector<16xi1>
    %slice3A_916 = vector.extract_strided_slice %masked_cumsum3A_897 {offsets = [15], sizes = [1], strides = [1]} : vector<16xi32> to vector<1xi32>
    %squeeze3A_917 = vector.extract %slice3A_916[0] : i32 from vector<1xi32>
    %add3A_918 = arith.addi %add3A_888, %squeeze3A_917 : i32
    %get3A_919 = arith.constant 337 : index
    %get3A_920 = tpu.vector_load %arg12[%get3A_919] {strides = array<i32>} : memref<544xi32, #tpu.memory_space<vmem>>, vector<16xi32>,
    %get3A_921 = arith.constant 336 : index
    %get3A_922 = tpu.vector_load %arg12[%get3A_921] {strides = array<i32>} : memref<544xi32, #tpu.memory_space<vmem>>, vector<16xi32>,
    %ne3A_923 = arith.cmpi ne, %get3A_920, %get3A_922 : vector<16xi32>
    %convert_element_type3A_924 = arith.extui %ne3A_923 : vector<16xi1> to vector<16xi32>
    %broadcast_in_dim3A_925 = arith.constant true
    %broadcast_in_dim3A_926 = vector.broadcast %broadcast_in_dim3A_925 : i1 to vector<16xi1>
    %masked_cumsum3A_927 = tpu.scan <sum>, %convert_element_type3A_924 masked %broadcast_in_dim3A_926 : vector<16xi32>, vector<16xi1> -> vector<16xi32>
    %broadcast_in_dim3A_928 = vector.broadcast %add3A_918 : i32 to vector<16xi32>
    %add3A_929 = arith.addi %broadcast_in_dim3A_928, %masked_cumsum3A_927 : vector<16xi32>
    %sub3A_930 = arith.constant 1 : i32
    %sub3A_931 = vector.broadcast %sub3A_930 : i32 to vector<16xi32>
    %sub3A_932 = arith.subi %add3A_929, %sub3A_931 : vector<16xi32>
    %swap3A_933 = arith.constant 2 : i32
    %swap3A_934 = arith.index_cast %swap3A_933 : i32 to index
    %swap3A_935 = arith.constant 80 : index
    %swap3A_936 = tpu.vector_load %arg9[%swap3A_934, %swap3A_935] {strides = array<i32>} : memref<4x128xi32, #tpu.memory_space<vmem>>, vector<16xi32>,
    tpu.vector_store %arg9[%swap3A_934, %swap3A_935], %sub3A_932 {strides = array<i32>} : memref<4x128xi32, #tpu.memory_space<vmem>>, vector<16xi32>,
    %swap3A_937 = arith.constant 2 : i32
    %swap3A_938 = arith.index_cast %swap3A_937 : i32 to index
    %swap3A_939 = arith.constant 80 : index
    %swap3A_940 = tpu.vector_load %arg10[%swap3A_938, %swap3A_939] {strides = array<i32>} : memref<4x128xi32, #tpu.memory_space<vmem>>, vector<16xi32>,
    tpu.vector_store %arg10[%swap3A_938, %swap3A_939], %convert_element_type3A_924 {strides = array<i32>} : memref<4x128xi32, #tpu.memory_space<vmem>>, vector<16xi32>,
    %eq3A_941 = arith.constant 1 : i32
    %eq3A_942 = vector.broadcast %eq3A_941 : i32 to vector<16xi32>
    %eq3A_943 = arith.cmpi eq, %convert_element_type3A_924, %eq3A_942 : vector<16xi32>
    %swap3A_944 = arith.index_cast %add3A_918 : i32 to index
    %swap3A_945 = tpu.vector_load %arg11[%swap3A_944] masked %eq3A_943 {strides = array<i32>} : memref<528xi32, #tpu.memory_space<vmem>>, vector<16xi32>, vector<16xi1>
    tpu.vector_store %arg11[%swap3A_944], %get3A_920 masked %eq3A_943 {strides = array<i32>} : memref<528xi32, #tpu.memory_space<vmem>>, vector<16xi32>, vector<16xi1>
    %slice3A_946 = vector.extract_strided_slice %masked_cumsum3A_927 {offsets = [15], sizes = [1], strides = [1]} : vector<16xi32> to vector<1xi32>
    %squeeze3A_947 = vector.extract %slice3A_946[0] : i32 from vector<1xi32>
    %add3A_948 = arith.addi %add3A_918, %squeeze3A_947 : i32
    %get3A_949 = arith.constant 353 : index
    %get3A_950 = tpu.vector_load %arg12[%get3A_949] {strides = array<i32>} : memref<544xi32, #tpu.memory_space<vmem>>, vector<16xi32>,
    %get3A_951 = arith.constant 352 : index
    %get3A_952 = tpu.vector_load %arg12[%get3A_951] {strides = array<i32>} : memref<544xi32, #tpu.memory_space<vmem>>, vector<16xi32>,
    %ne3A_953 = arith.cmpi ne, %get3A_950, %get3A_952 : vector<16xi32>
    %convert_element_type3A_954 = arith.extui %ne3A_953 : vector<16xi1> to vector<16xi32>
    %broadcast_in_dim3A_955 = arith.constant true
    %broadcast_in_dim3A_956 = vector.broadcast %broadcast_in_dim3A_955 : i1 to vector<16xi1>
    %masked_cumsum3A_957 = tpu.scan <sum>, %convert_element_type3A_954 masked %broadcast_in_dim3A_956 : vector<16xi32>, vector<16xi1> -> vector<16xi32>
    %broadcast_in_dim3A_958 = vector.broadcast %add3A_948 : i32 to vector<16xi32>
    %add3A_959 = arith.addi %broadcast_in_dim3A_958, %masked_cumsum3A_957 : vector<16xi32>
    %sub3A_960 = arith.constant 1 : i32
    %sub3A_961 = vector.broadcast %sub3A_960 : i32 to vector<16xi32>
    %sub3A_962 = arith.subi %add3A_959, %sub3A_961 : vector<16xi32>
    %swap3A_963 = arith.constant 2 : i32
    %swap3A_964 = arith.index_cast %swap3A_963 : i32 to index
    %swap3A_965 = arith.constant 96 : index
    %swap3A_966 = tpu.vector_load %arg9[%swap3A_964, %swap3A_965] {strides = array<i32>} : memref<4x128xi32, #tpu.memory_space<vmem>>, vector<16xi32>,
    tpu.vector_store %arg9[%swap3A_964, %swap3A_965], %sub3A_962 {strides = array<i32>} : memref<4x128xi32, #tpu.memory_space<vmem>>, vector<16xi32>,
    %swap3A_967 = arith.constant 2 : i32
    %swap3A_968 = arith.index_cast %swap3A_967 : i32 to index
    %swap3A_969 = arith.constant 96 : index
    %swap3A_970 = tpu.vector_load %arg10[%swap3A_968, %swap3A_969] {strides = array<i32>} : memref<4x128xi32, #tpu.memory_space<vmem>>, vector<16xi32>,
    tpu.vector_store %arg10[%swap3A_968, %swap3A_969], %convert_element_type3A_954 {strides = array<i32>} : memref<4x128xi32, #tpu.memory_space<vmem>>, vector<16xi32>,
    %eq3A_971 = arith.constant 1 : i32
    %eq3A_972 = vector.broadcast %eq3A_971 : i32 to vector<16xi32>
    %eq3A_973 = arith.cmpi eq, %convert_element_type3A_954, %eq3A_972 : vector<16xi32>
    %swap3A_974 = arith.index_cast %add3A_948 : i32 to index
    %swap3A_975 = tpu.vector_load %arg11[%swap3A_974] masked %eq3A_973 {strides = array<i32>} : memref<528xi32, #tpu.memory_space<vmem>>, vector<16xi32>, vector<16xi1>
    tpu.vector_store %arg11[%swap3A_974], %get3A_950 masked %eq3A_973 {strides = array<i32>} : memref<528xi32, #tpu.memory_space<vmem>>, vector<16xi32>, vector<16xi1>
    %slice3A_976 = vector.extract_strided_slice %masked_cumsum3A_957 {offsets = [15], sizes = [1], strides = [1]} : vector<16xi32> to vector<1xi32>
    %squeeze3A_977 = vector.extract %slice3A_976[0] : i32 from vector<1xi32>
    %add3A_978 = arith.addi %add3A_948, %squeeze3A_977 : i32
    %get3A_979 = arith.constant 369 : index
    %get3A_980 = tpu.vector_load %arg12[%get3A_979] {strides = array<i32>} : memref<544xi32, #tpu.memory_space<vmem>>, vector<16xi32>,
    %get3A_981 = arith.constant 368 : index
    %get3A_982 = tpu.vector_load %arg12[%get3A_981] {strides = array<i32>} : memref<544xi32, #tpu.memory_space<vmem>>, vector<16xi32>,
    %ne3A_983 = arith.cmpi ne, %get3A_980, %get3A_982 : vector<16xi32>
    %convert_element_type3A_984 = arith.extui %ne3A_983 : vector<16xi1> to vector<16xi32>
    %broadcast_in_dim3A_985 = arith.constant true
    %broadcast_in_dim3A_986 = vector.broadcast %broadcast_in_dim3A_985 : i1 to vector<16xi1>
    %masked_cumsum3A_987 = tpu.scan <sum>, %convert_element_type3A_984 masked %broadcast_in_dim3A_986 : vector<16xi32>, vector<16xi1> -> vector<16xi32>
    %broadcast_in_dim3A_988 = vector.broadcast %add3A_978 : i32 to vector<16xi32>
    %add3A_989 = arith.addi %broadcast_in_dim3A_988, %masked_cumsum3A_987 : vector<16xi32>
    %sub3A_990 = arith.constant 1 : i32
    %sub3A_991 = vector.broadcast %sub3A_990 : i32 to vector<16xi32>
    %sub3A_992 = arith.subi %add3A_989, %sub3A_991 : vector<16xi32>
    %swap3A_993 = arith.constant 2 : i32
    %swap3A_994 = arith.index_cast %swap3A_993 : i32 to index
    %swap3A_995 = arith.constant 112 : index
    %swap3A_996 = tpu.vector_load %arg9[%swap3A_994, %swap3A_995] {strides = array<i32>} : memref<4x128xi32, #tpu.memory_space<vmem>>, vector<16xi32>,
    tpu.vector_store %arg9[%swap3A_994, %swap3A_995], %sub3A_992 {strides = array<i32>} : memref<4x128xi32, #tpu.memory_space<vmem>>, vector<16xi32>,
    %swap3A_997 = arith.constant 2 : i32
    %swap3A_998 = arith.index_cast %swap3A_997 : i32 to index
    %swap3A_999 = arith.constant 112 : index
    %swap3A_1000 = tpu.vector_load %arg10[%swap3A_998, %swap3A_999] {strides = array<i32>} : memref<4x128xi32, #tpu.memory_space<vmem>>, vector<16xi32>,
    tpu.vector_store %arg10[%swap3A_998, %swap3A_999], %convert_element_type3A_984 {strides = array<i32>} : memref<4x128xi32, #tpu.memory_space<vmem>>, vector<16xi32>,
    %eq3A_1001 = arith.constant 1 : i32
    %eq3A_1002 = vector.broadcast %eq3A_1001 : i32 to vector<16xi32>
    %eq3A_1003 = arith.cmpi eq, %convert_element_type3A_984, %eq3A_1002 : vector<16xi32>
    %swap3A_1004 = arith.index_cast %add3A_978 : i32 to index
    %swap3A_1005 = tpu.vector_load %arg11[%swap3A_1004] masked %eq3A_1003 {strides = array<i32>} : memref<528xi32, #tpu.memory_space<vmem>>, vector<16xi32>, vector<16xi1>
    tpu.vector_store %arg11[%swap3A_1004], %get3A_980 masked %eq3A_1003 {strides = array<i32>} : memref<528xi32, #tpu.memory_space<vmem>>, vector<16xi32>, vector<16xi1>
    %slice3A_1006 = vector.extract_strided_slice %masked_cumsum3A_987 {offsets = [15], sizes = [1], strides = [1]} : vector<16xi32> to vector<1xi32>
    %squeeze3A_1007 = vector.extract %slice3A_1006[0] : i32 from vector<1xi32>
    %add3A_1008 = arith.addi %add3A_978, %squeeze3A_1007 : i32
    %get3A_1009 = arith.constant 385 : index
    %get3A_1010 = tpu.vector_load %arg12[%get3A_1009] {strides = array<i32>} : memref<544xi32, #tpu.memory_space<vmem>>, vector<16xi32>,
    %get3A_1011 = arith.constant 384 : index
    %get3A_1012 = tpu.vector_load %arg12[%get3A_1011] {strides = array<i32>} : memref<544xi32, #tpu.memory_space<vmem>>, vector<16xi32>,
    %ne3A_1013 = arith.cmpi ne, %get3A_1010, %get3A_1012 : vector<16xi32>
    %convert_element_type3A_1014 = arith.extui %ne3A_1013 : vector<16xi1> to vector<16xi32>
    %broadcast_in_dim3A_1015 = arith.constant true
    %broadcast_in_dim3A_1016 = vector.broadcast %broadcast_in_dim3A_1015 : i1 to vector<16xi1>
    %masked_cumsum3A_1017 = tpu.scan <sum>, %convert_element_type3A_1014 masked %broadcast_in_dim3A_1016 : vector<16xi32>, vector<16xi1> -> vector<16xi32>
    %broadcast_in_dim3A_1018 = vector.broadcast %add3A_1008 : i32 to vector<16xi32>
    %add3A_1019 = arith.addi %broadcast_in_dim3A_1018, %masked_cumsum3A_1017 : vector<16xi32>
    %sub3A_1020 = arith.constant 1 : i32
    %sub3A_1021 = vector.broadcast %sub3A_1020 : i32 to vector<16xi32>
    %sub3A_1022 = arith.subi %add3A_1019, %sub3A_1021 : vector<16xi32>
    %swap3A_1023 = arith.constant 3 : i32
    %swap3A_1024 = arith.index_cast %swap3A_1023 : i32 to index
    %swap3A_1025 = arith.constant 0 : index
    %swap3A_1026 = tpu.vector_load %arg9[%swap3A_1024, %swap3A_1025] {strides = array<i32>} : memref<4x128xi32, #tpu.memory_space<vmem>>, vector<16xi32>,
    tpu.vector_store %arg9[%swap3A_1024, %swap3A_1025], %sub3A_1022 {strides = array<i32>} : memref<4x128xi32, #tpu.memory_space<vmem>>, vector<16xi32>,
    %swap3A_1027 = arith.constant 3 : i32
    %swap3A_1028 = arith.index_cast %swap3A_1027 : i32 to index
    %swap3A_1029 = arith.constant 0 : index
    %swap3A_1030 = tpu.vector_load %arg10[%swap3A_1028, %swap3A_1029] {strides = array<i32>} : memref<4x128xi32, #tpu.memory_space<vmem>>, vector<16xi32>,
    tpu.vector_store %arg10[%swap3A_1028, %swap3A_1029], %convert_element_type3A_1014 {strides = array<i32>} : memref<4x128xi32, #tpu.memory_space<vmem>>, vector<16xi32>,
    %eq3A_1031 = arith.constant 1 : i32
    %eq3A_1032 = vector.broadcast %eq3A_1031 : i32 to vector<16xi32>
    %eq3A_1033 = arith.cmpi eq, %convert_element_type3A_1014, %eq3A_1032 : vector<16xi32>
    %swap3A_1034 = arith.index_cast %add3A_1008 : i32 to index
    %swap3A_1035 = tpu.vector_load %arg11[%swap3A_1034] masked %eq3A_1033 {strides = array<i32>} : memref<528xi32, #tpu.memory_space<vmem>>, vector<16xi32>, vector<16xi1>
    tpu.vector_store %arg11[%swap3A_1034], %get3A_1010 masked %eq3A_1033 {strides = array<i32>} : memref<528xi32, #tpu.memory_space<vmem>>, vector<16xi32>, vector<16xi1>
    %slice3A_1036 = vector.extract_strided_slice %masked_cumsum3A_1017 {offsets = [15], sizes = [1], strides = [1]} : vector<16xi32> to vector<1xi32>
    %squeeze3A_1037 = vector.extract %slice3A_1036[0] : i32 from vector<1xi32>
    %add3A_1038 = arith.addi %add3A_1008, %squeeze3A_1037 : i32
    %get3A_1039 = arith.constant 401 : index
    %get3A_1040 = tpu.vector_load %arg12[%get3A_1039] {strides = array<i32>} : memref<544xi32, #tpu.memory_space<vmem>>, vector<16xi32>,
    %get3A_1041 = arith.constant 400 : index
    %get3A_1042 = tpu.vector_load %arg12[%get3A_1041] {strides = array<i32>} : memref<544xi32, #tpu.memory_space<vmem>>, vector<16xi32>,
    %ne3A_1043 = arith.cmpi ne, %get3A_1040, %get3A_1042 : vector<16xi32>
    %convert_element_type3A_1044 = arith.extui %ne3A_1043 : vector<16xi1> to vector<16xi32>
    %broadcast_in_dim3A_1045 = arith.constant true
    %broadcast_in_dim3A_1046 = vector.broadcast %broadcast_in_dim3A_1045 : i1 to vector<16xi1>
    %masked_cumsum3A_1047 = tpu.scan <sum>, %convert_element_type3A_1044 masked %broadcast_in_dim3A_1046 : vector<16xi32>, vector<16xi1> -> vector<16xi32>
    %broadcast_in_dim3A_1048 = vector.broadcast %add3A_1038 : i32 to vector<16xi32>
    %add3A_1049 = arith.addi %broadcast_in_dim3A_1048, %masked_cumsum3A_1047 : vector<16xi32>
    %sub3A_1050 = arith.constant 1 : i32
    %sub3A_1051 = vector.broadcast %sub3A_1050 : i32 to vector<16xi32>
    %sub3A_1052 = arith.subi %add3A_1049, %sub3A_1051 : vector<16xi32>
    %swap3A_1053 = arith.constant 3 : i32
    %swap3A_1054 = arith.index_cast %swap3A_1053 : i32 to index
    %swap3A_1055 = arith.constant 16 : index
    %swap3A_1056 = tpu.vector_load %arg9[%swap3A_1054, %swap3A_1055] {strides = array<i32>} : memref<4x128xi32, #tpu.memory_space<vmem>>, vector<16xi32>,
    tpu.vector_store %arg9[%swap3A_1054, %swap3A_1055], %sub3A_1052 {strides = array<i32>} : memref<4x128xi32, #tpu.memory_space<vmem>>, vector<16xi32>,
    %swap3A_1057 = arith.constant 3 : i32
    %swap3A_1058 = arith.index_cast %swap3A_1057 : i32 to index
    %swap3A_1059 = arith.constant 16 : index
    %swap3A_1060 = tpu.vector_load %arg10[%swap3A_1058, %swap3A_1059] {strides = array<i32>} : memref<4x128xi32, #tpu.memory_space<vmem>>, vector<16xi32>,
    tpu.vector_store %arg10[%swap3A_1058, %swap3A_1059], %convert_element_type3A_1044 {strides = array<i32>} : memref<4x128xi32, #tpu.memory_space<vmem>>, vector<16xi32>,
    %eq3A_1061 = arith.constant 1 : i32
    %eq3A_1062 = vector.broadcast %eq3A_1061 : i32 to vector<16xi32>
    %eq3A_1063 = arith.cmpi eq, %convert_element_type3A_1044, %eq3A_1062 : vector<16xi32>
    %swap3A_1064 = arith.index_cast %add3A_1038 : i32 to index
    %swap3A_1065 = tpu.vector_load %arg11[%swap3A_1064] masked %eq3A_1063 {strides = array<i32>} : memref<528xi32, #tpu.memory_space<vmem>>, vector<16xi32>, vector<16xi1>
    tpu.vector_store %arg11[%swap3A_1064], %get3A_1040 masked %eq3A_1063 {strides = array<i32>} : memref<528xi32, #tpu.memory_space<vmem>>, vector<16xi32>, vector<16xi1>
    %slice3A_1066 = vector.extract_strided_slice %masked_cumsum3A_1047 {offsets = [15], sizes = [1], strides = [1]} : vector<16xi32> to vector<1xi32>
    %squeeze3A_1067 = vector.extract %slice3A_1066[0] : i32 from vector<1xi32>
    %add3A_1068 = arith.addi %add3A_1038, %squeeze3A_1067 : i32
    %get3A_1069 = arith.constant 417 : index
    %get3A_1070 = tpu.vector_load %arg12[%get3A_1069] {strides = array<i32>} : memref<544xi32, #tpu.memory_space<vmem>>, vector<16xi32>,
    %get3A_1071 = arith.constant 416 : index
    %get3A_1072 = tpu.vector_load %arg12[%get3A_1071] {strides = array<i32>} : memref<544xi32, #tpu.memory_space<vmem>>, vector<16xi32>,
    %ne3A_1073 = arith.cmpi ne, %get3A_1070, %get3A_1072 : vector<16xi32>
    %convert_element_type3A_1074 = arith.extui %ne3A_1073 : vector<16xi1> to vector<16xi32>
    %broadcast_in_dim3A_1075 = arith.constant true
    %broadcast_in_dim3A_1076 = vector.broadcast %broadcast_in_dim3A_1075 : i1 to vector<16xi1>
    %masked_cumsum3A_1077 = tpu.scan <sum>, %convert_element_type3A_1074 masked %broadcast_in_dim3A_1076 : vector<16xi32>, vector<16xi1> -> vector<16xi32>
    %broadcast_in_dim3A_1078 = vector.broadcast %add3A_1068 : i32 to vector<16xi32>
    %add3A_1079 = arith.addi %broadcast_in_dim3A_1078, %masked_cumsum3A_1077 : vector<16xi32>
    %sub3A_1080 = arith.constant 1 : i32
    %sub3A_1081 = vector.broadcast %sub3A_1080 : i32 to vector<16xi32>
    %sub3A_1082 = arith.subi %add3A_1079, %sub3A_1081 : vector<16xi32>
    %swap3A_1083 = arith.constant 3 : i32
    %swap3A_1084 = arith.index_cast %swap3A_1083 : i32 to index
    %swap3A_1085 = arith.constant 32 : index
    %swap3A_1086 = tpu.vector_load %arg9[%swap3A_1084, %swap3A_1085] {strides = array<i32>} : memref<4x128xi32, #tpu.memory_space<vmem>>, vector<16xi32>,
    tpu.vector_store %arg9[%swap3A_1084, %swap3A_1085], %sub3A_1082 {strides = array<i32>} : memref<4x128xi32, #tpu.memory_space<vmem>>, vector<16xi32>,
    %swap3A_1087 = arith.constant 3 : i32
    %swap3A_1088 = arith.index_cast %swap3A_1087 : i32 to index
    %swap3A_1089 = arith.constant 32 : index
    %swap3A_1090 = tpu.vector_load %arg10[%swap3A_1088, %swap3A_1089] {strides = array<i32>} : memref<4x128xi32, #tpu.memory_space<vmem>>, vector<16xi32>,
    tpu.vector_store %arg10[%swap3A_1088, %swap3A_1089], %convert_element_type3A_1074 {strides = array<i32>} : memref<4x128xi32, #tpu.memory_space<vmem>>, vector<16xi32>,
    %eq3A_1091 = arith.constant 1 : i32
    %eq3A_1092 = vector.broadcast %eq3A_1091 : i32 to vector<16xi32>
    %eq3A_1093 = arith.cmpi eq, %convert_element_type3A_1074, %eq3A_1092 : vector<16xi32>
    %swap3A_1094 = arith.index_cast %add3A_1068 : i32 to index
    %swap3A_1095 = tpu.vector_load %arg11[%swap3A_1094] masked %eq3A_1093 {strides = array<i32>} : memref<528xi32, #tpu.memory_space<vmem>>, vector<16xi32>, vector<16xi1>
    tpu.vector_store %arg11[%swap3A_1094], %get3A_1070 masked %eq3A_1093 {strides = array<i32>} : memref<528xi32, #tpu.memory_space<vmem>>, vector<16xi32>, vector<16xi1>
    %slice3A_1096 = vector.extract_strided_slice %masked_cumsum3A_1077 {offsets = [15], sizes = [1], strides = [1]} : vector<16xi32> to vector<1xi32>
    %squeeze3A_1097 = vector.extract %slice3A_1096[0] : i32 from vector<1xi32>
    %add3A_1098 = arith.addi %add3A_1068, %squeeze3A_1097 : i32
    %get3A_1099 = arith.constant 433 : index
    %get3A_1100 = tpu.vector_load %arg12[%get3A_1099] {strides = array<i32>} : memref<544xi32, #tpu.memory_space<vmem>>, vector<16xi32>,
    %get3A_1101 = arith.constant 432 : index
    %get3A_1102 = tpu.vector_load %arg12[%get3A_1101] {strides = array<i32>} : memref<544xi32, #tpu.memory_space<vmem>>, vector<16xi32>,
    %ne3A_1103 = arith.cmpi ne, %get3A_1100, %get3A_1102 : vector<16xi32>
    %convert_element_type3A_1104 = arith.extui %ne3A_1103 : vector<16xi1> to vector<16xi32>
    %broadcast_in_dim3A_1105 = arith.constant true
    %broadcast_in_dim3A_1106 = vector.broadcast %broadcast_in_dim3A_1105 : i1 to vector<16xi1>
    %masked_cumsum3A_1107 = tpu.scan <sum>, %convert_element_type3A_1104 masked %broadcast_in_dim3A_1106 : vector<16xi32>, vector<16xi1> -> vector<16xi32>
    %broadcast_in_dim3A_1108 = vector.broadcast %add3A_1098 : i32 to vector<16xi32>
    %add3A_1109 = arith.addi %broadcast_in_dim3A_1108, %masked_cumsum3A_1107 : vector<16xi32>
    %sub3A_1110 = arith.constant 1 : i32
    %sub3A_1111 = vector.broadcast %sub3A_1110 : i32 to vector<16xi32>
    %sub3A_1112 = arith.subi %add3A_1109, %sub3A_1111 : vector<16xi32>
    %swap3A_1113 = arith.constant 3 : i32
    %swap3A_1114 = arith.index_cast %swap3A_1113 : i32 to index
    %swap3A_1115 = arith.constant 48 : index
    %swap3A_1116 = tpu.vector_load %arg9[%swap3A_1114, %swap3A_1115] {strides = array<i32>} : memref<4x128xi32, #tpu.memory_space<vmem>>, vector<16xi32>,
    tpu.vector_store %arg9[%swap3A_1114, %swap3A_1115], %sub3A_1112 {strides = array<i32>} : memref<4x128xi32, #tpu.memory_space<vmem>>, vector<16xi32>,
    %swap3A_1117 = arith.constant 3 : i32
    %swap3A_1118 = arith.index_cast %swap3A_1117 : i32 to index
    %swap3A_1119 = arith.constant 48 : index
    %swap3A_1120 = tpu.vector_load %arg10[%swap3A_1118, %swap3A_1119] {strides = array<i32>} : memref<4x128xi32, #tpu.memory_space<vmem>>, vector<16xi32>,
    tpu.vector_store %arg10[%swap3A_1118, %swap3A_1119], %convert_element_type3A_1104 {strides = array<i32>} : memref<4x128xi32, #tpu.memory_space<vmem>>, vector<16xi32>,
    %eq3A_1121 = arith.constant 1 : i32
    %eq3A_1122 = vector.broadcast %eq3A_1121 : i32 to vector<16xi32>
    %eq3A_1123 = arith.cmpi eq, %convert_element_type3A_1104, %eq3A_1122 : vector<16xi32>
    %swap3A_1124 = arith.index_cast %add3A_1098 : i32 to index
    %swap3A_1125 = tpu.vector_load %arg11[%swap3A_1124] masked %eq3A_1123 {strides = array<i32>} : memref<528xi32, #tpu.memory_space<vmem>>, vector<16xi32>, vector<16xi1>
    tpu.vector_store %arg11[%swap3A_1124], %get3A_1100 masked %eq3A_1123 {strides = array<i32>} : memref<528xi32, #tpu.memory_space<vmem>>, vector<16xi32>, vector<16xi1>
    %slice3A_1126 = vector.extract_strided_slice %masked_cumsum3A_1107 {offsets = [15], sizes = [1], strides = [1]} : vector<16xi32> to vector<1xi32>
    %squeeze3A_1127 = vector.extract %slice3A_1126[0] : i32 from vector<1xi32>
    %add3A_1128 = arith.addi %add3A_1098, %squeeze3A_1127 : i32
    %get3A_1129 = arith.constant 449 : index
    %get3A_1130 = tpu.vector_load %arg12[%get3A_1129] {strides = array<i32>} : memref<544xi32, #tpu.memory_space<vmem>>, vector<16xi32>,
    %get3A_1131 = arith.constant 448 : index
    %get3A_1132 = tpu.vector_load %arg12[%get3A_1131] {strides = array<i32>} : memref<544xi32, #tpu.memory_space<vmem>>, vector<16xi32>,
    %ne3A_1133 = arith.cmpi ne, %get3A_1130, %get3A_1132 : vector<16xi32>
    %convert_element_type3A_1134 = arith.extui %ne3A_1133 : vector<16xi1> to vector<16xi32>
    %broadcast_in_dim3A_1135 = arith.constant true
    %broadcast_in_dim3A_1136 = vector.broadcast %broadcast_in_dim3A_1135 : i1 to vector<16xi1>
    %masked_cumsum3A_1137 = tpu.scan <sum>, %convert_element_type3A_1134 masked %broadcast_in_dim3A_1136 : vector<16xi32>, vector<16xi1> -> vector<16xi32>
    %broadcast_in_dim3A_1138 = vector.broadcast %add3A_1128 : i32 to vector<16xi32>
    %add3A_1139 = arith.addi %broadcast_in_dim3A_1138, %masked_cumsum3A_1137 : vector<16xi32>
    %sub3A_1140 = arith.constant 1 : i32
    %sub3A_1141 = vector.broadcast %sub3A_1140 : i32 to vector<16xi32>
    %sub3A_1142 = arith.subi %add3A_1139, %sub3A_1141 : vector<16xi32>
    %swap3A_1143 = arith.constant 3 : i32
    %swap3A_1144 = arith.index_cast %swap3A_1143 : i32 to index
    %swap3A_1145 = arith.constant 64 : index
    %swap3A_1146 = tpu.vector_load %arg9[%swap3A_1144, %swap3A_1145] {strides = array<i32>} : memref<4x128xi32, #tpu.memory_space<vmem>>, vector<16xi32>,
    tpu.vector_store %arg9[%swap3A_1144, %swap3A_1145], %sub3A_1142 {strides = array<i32>} : memref<4x128xi32, #tpu.memory_space<vmem>>, vector<16xi32>,
    %swap3A_1147 = arith.constant 3 : i32
    %swap3A_1148 = arith.index_cast %swap3A_1147 : i32 to index
    %swap3A_1149 = arith.constant 64 : index
    %swap3A_1150 = tpu.vector_load %arg10[%swap3A_1148, %swap3A_1149] {strides = array<i32>} : memref<4x128xi32, #tpu.memory_space<vmem>>, vector<16xi32>,
    tpu.vector_store %arg10[%swap3A_1148, %swap3A_1149], %convert_element_type3A_1134 {strides = array<i32>} : memref<4x128xi32, #tpu.memory_space<vmem>>, vector<16xi32>,
    %eq3A_1151 = arith.constant 1 : i32
    %eq3A_1152 = vector.broadcast %eq3A_1151 : i32 to vector<16xi32>
    %eq3A_1153 = arith.cmpi eq, %convert_element_type3A_1134, %eq3A_1152 : vector<16xi32>
    %swap3A_1154 = arith.index_cast %add3A_1128 : i32 to index
    %swap3A_1155 = tpu.vector_load %arg11[%swap3A_1154] masked %eq3A_1153 {strides = array<i32>} : memref<528xi32, #tpu.memory_space<vmem>>, vector<16xi32>, vector<16xi1>
    tpu.vector_store %arg11[%swap3A_1154], %get3A_1130 masked %eq3A_1153 {strides = array<i32>} : memref<528xi32, #tpu.memory_space<vmem>>, vector<16xi32>, vector<16xi1>
    %slice3A_1156 = vector.extract_strided_slice %masked_cumsum3A_1137 {offsets = [15], sizes = [1], strides = [1]} : vector<16xi32> to vector<1xi32>
    %squeeze3A_1157 = vector.extract %slice3A_1156[0] : i32 from vector<1xi32>
    %add3A_1158 = arith.addi %add3A_1128, %squeeze3A_1157 : i32
    %get3A_1159 = arith.constant 465 : index
    %get3A_1160 = tpu.vector_load %arg12[%get3A_1159] {strides = array<i32>} : memref<544xi32, #tpu.memory_space<vmem>>, vector<16xi32>,
    %get3A_1161 = arith.constant 464 : index
    %get3A_1162 = tpu.vector_load %arg12[%get3A_1161] {strides = array<i32>} : memref<544xi32, #tpu.memory_space<vmem>>, vector<16xi32>,
    %ne3A_1163 = arith.cmpi ne, %get3A_1160, %get3A_1162 : vector<16xi32>
    %convert_element_type3A_1164 = arith.extui %ne3A_1163 : vector<16xi1> to vector<16xi32>
    %broadcast_in_dim3A_1165 = arith.constant true
    %broadcast_in_dim3A_1166 = vector.broadcast %broadcast_in_dim3A_1165 : i1 to vector<16xi1>
    %masked_cumsum3A_1167 = tpu.scan <sum>, %convert_element_type3A_1164 masked %broadcast_in_dim3A_1166 : vector<16xi32>, vector<16xi1> -> vector<16xi32>
    %broadcast_in_dim3A_1168 = vector.broadcast %add3A_1158 : i32 to vector<16xi32>
    %add3A_1169 = arith.addi %broadcast_in_dim3A_1168, %masked_cumsum3A_1167 : vector<16xi32>
    %sub3A_1170 = arith.constant 1 : i32
    %sub3A_1171 = vector.broadcast %sub3A_1170 : i32 to vector<16xi32>
    %sub3A_1172 = arith.subi %add3A_1169, %sub3A_1171 : vector<16xi32>
    %swap3A_1173 = arith.constant 3 : i32
    %swap3A_1174 = arith.index_cast %swap3A_1173 : i32 to index
    %swap3A_1175 = arith.constant 80 : index
    %swap3A_1176 = tpu.vector_load %arg9[%swap3A_1174, %swap3A_1175] {strides = array<i32>} : memref<4x128xi32, #tpu.memory_space<vmem>>, vector<16xi32>,
    tpu.vector_store %arg9[%swap3A_1174, %swap3A_1175], %sub3A_1172 {strides = array<i32>} : memref<4x128xi32, #tpu.memory_space<vmem>>, vector<16xi32>,
    %swap3A_1177 = arith.constant 3 : i32
    %swap3A_1178 = arith.index_cast %swap3A_1177 : i32 to index
    %swap3A_1179 = arith.constant 80 : index
    %swap3A_1180 = tpu.vector_load %arg10[%swap3A_1178, %swap3A_1179] {strides = array<i32>} : memref<4x128xi32, #tpu.memory_space<vmem>>, vector<16xi32>,
    tpu.vector_store %arg10[%swap3A_1178, %swap3A_1179], %convert_element_type3A_1164 {strides = array<i32>} : memref<4x128xi32, #tpu.memory_space<vmem>>, vector<16xi32>,
    %eq3A_1181 = arith.constant 1 : i32
    %eq3A_1182 = vector.broadcast %eq3A_1181 : i32 to vector<16xi32>
    %eq3A_1183 = arith.cmpi eq, %convert_element_type3A_1164, %eq3A_1182 : vector<16xi32>
    %swap3A_1184 = arith.index_cast %add3A_1158 : i32 to index
    %swap3A_1185 = tpu.vector_load %arg11[%swap3A_1184] masked %eq3A_1183 {strides = array<i32>} : memref<528xi32, #tpu.memory_space<vmem>>, vector<16xi32>, vector<16xi1>
    tpu.vector_store %arg11[%swap3A_1184], %get3A_1160 masked %eq3A_1183 {strides = array<i32>} : memref<528xi32, #tpu.memory_space<vmem>>, vector<16xi32>, vector<16xi1>
    %slice3A_1186 = vector.extract_strided_slice %masked_cumsum3A_1167 {offsets = [15], sizes = [1], strides = [1]} : vector<16xi32> to vector<1xi32>
    %squeeze3A_1187 = vector.extract %slice3A_1186[0] : i32 from vector<1xi32>
    %add3A_1188 = arith.addi %add3A_1158, %squeeze3A_1187 : i32
    %get3A_1189 = arith.constant 481 : index
    %get3A_1190 = tpu.vector_load %arg12[%get3A_1189] {strides = array<i32>} : memref<544xi32, #tpu.memory_space<vmem>>, vector<16xi32>,
    %get3A_1191 = arith.constant 480 : index
    %get3A_1192 = tpu.vector_load %arg12[%get3A_1191] {strides = array<i32>} : memref<544xi32, #tpu.memory_space<vmem>>, vector<16xi32>,
    %ne3A_1193 = arith.cmpi ne, %get3A_1190, %get3A_1192 : vector<16xi32>
    %convert_element_type3A_1194 = arith.extui %ne3A_1193 : vector<16xi1> to vector<16xi32>
    %broadcast_in_dim3A_1195 = arith.constant true
    %broadcast_in_dim3A_1196 = vector.broadcast %broadcast_in_dim3A_1195 : i1 to vector<16xi1>
    %masked_cumsum3A_1197 = tpu.scan <sum>, %convert_element_type3A_1194 masked %broadcast_in_dim3A_1196 : vector<16xi32>, vector<16xi1> -> vector<16xi32>
    %broadcast_in_dim3A_1198 = vector.broadcast %add3A_1188 : i32 to vector<16xi32>
    %add3A_1199 = arith.addi %broadcast_in_dim3A_1198, %masked_cumsum3A_1197 : vector<16xi32>
    %sub3A_1200 = arith.constant 1 : i32
    %sub3A_1201 = vector.broadcast %sub3A_1200 : i32 to vector<16xi32>
    %sub3A_1202 = arith.subi %add3A_1199, %sub3A_1201 : vector<16xi32>
    %swap3A_1203 = arith.constant 3 : i32
    %swap3A_1204 = arith.index_cast %swap3A_1203 : i32 to index
    %swap3A_1205 = arith.constant 96 : index
    %swap3A_1206 = tpu.vector_load %arg9[%swap3A_1204, %swap3A_1205] {strides = array<i32>} : memref<4x128xi32, #tpu.memory_space<vmem>>, vector<16xi32>,
    tpu.vector_store %arg9[%swap3A_1204, %swap3A_1205], %sub3A_1202 {strides = array<i32>} : memref<4x128xi32, #tpu.memory_space<vmem>>, vector<16xi32>,
    %swap3A_1207 = arith.constant 3 : i32
    %swap3A_1208 = arith.index_cast %swap3A_1207 : i32 to index
    %swap3A_1209 = arith.constant 96 : index
    %swap3A_1210 = tpu.vector_load %arg10[%swap3A_1208, %swap3A_1209] {strides = array<i32>} : memref<4x128xi32, #tpu.memory_space<vmem>>, vector<16xi32>,
    tpu.vector_store %arg10[%swap3A_1208, %swap3A_1209], %convert_element_type3A_1194 {strides = array<i32>} : memref<4x128xi32, #tpu.memory_space<vmem>>, vector<16xi32>,
    %eq3A_1211 = arith.constant 1 : i32
    %eq3A_1212 = vector.broadcast %eq3A_1211 : i32 to vector<16xi32>
    %eq3A_1213 = arith.cmpi eq, %convert_element_type3A_1194, %eq3A_1212 : vector<16xi32>
    %swap3A_1214 = arith.index_cast %add3A_1188 : i32 to index
    %swap3A_1215 = tpu.vector_load %arg11[%swap3A_1214] masked %eq3A_1213 {strides = array<i32>} : memref<528xi32, #tpu.memory_space<vmem>>, vector<16xi32>, vector<16xi1>
    tpu.vector_store %arg11[%swap3A_1214], %get3A_1190 masked %eq3A_1213 {strides = array<i32>} : memref<528xi32, #tpu.memory_space<vmem>>, vector<16xi32>, vector<16xi1>
    %slice3A_1216 = vector.extract_strided_slice %masked_cumsum3A_1197 {offsets = [15], sizes = [1], strides = [1]} : vector<16xi32> to vector<1xi32>
    %squeeze3A_1217 = vector.extract %slice3A_1216[0] : i32 from vector<1xi32>
    %add3A_1218 = arith.addi %add3A_1188, %squeeze3A_1217 : i32
    %get3A_1219 = arith.constant 497 : index
    %get3A_1220 = tpu.vector_load %arg12[%get3A_1219] {strides = array<i32>} : memref<544xi32, #tpu.memory_space<vmem>>, vector<16xi32>,
    %get3A_1221 = arith.constant 496 : index
    %get3A_1222 = tpu.vector_load %arg12[%get3A_1221] {strides = array<i32>} : memref<544xi32, #tpu.memory_space<vmem>>, vector<16xi32>,
    %ne3A_1223 = arith.cmpi ne, %get3A_1220, %get3A_1222 : vector<16xi32>
    %convert_element_type3A_1224 = arith.extui %ne3A_1223 : vector<16xi1> to vector<16xi32>
    %broadcast_in_dim3A_1225 = arith.constant true
    %broadcast_in_dim3A_1226 = vector.broadcast %broadcast_in_dim3A_1225 : i1 to vector<16xi1>
    %masked_cumsum3A_1227 = tpu.scan <sum>, %convert_element_type3A_1224 masked %broadcast_in_dim3A_1226 : vector<16xi32>, vector<16xi1> -> vector<16xi32>
    %broadcast_in_dim3A_1228 = vector.broadcast %add3A_1218 : i32 to vector<16xi32>
    %add3A_1229 = arith.addi %broadcast_in_dim3A_1228, %masked_cumsum3A_1227 : vector<16xi32>
    %sub3A_1230 = arith.constant 1 : i32
    %sub3A_1231 = vector.broadcast %sub3A_1230 : i32 to vector<16xi32>
    %sub3A_1232 = arith.subi %add3A_1229, %sub3A_1231 : vector<16xi32>
    %swap3A_1233 = arith.constant 3 : i32
    %swap3A_1234 = arith.index_cast %swap3A_1233 : i32 to index
    %swap3A_1235 = arith.constant 112 : index
    %swap3A_1236 = tpu.vector_load %arg9[%swap3A_1234, %swap3A_1235] {strides = array<i32>} : memref<4x128xi32, #tpu.memory_space<vmem>>, vector<16xi32>,
    tpu.vector_store %arg9[%swap3A_1234, %swap3A_1235], %sub3A_1232 {strides = array<i32>} : memref<4x128xi32, #tpu.memory_space<vmem>>, vector<16xi32>,
    %swap3A_1237 = arith.constant 3 : i32
    %swap3A_1238 = arith.index_cast %swap3A_1237 : i32 to index
    %swap3A_1239 = arith.constant 112 : index
    %swap3A_1240 = tpu.vector_load %arg10[%swap3A_1238, %swap3A_1239] {strides = array<i32>} : memref<4x128xi32, #tpu.memory_space<vmem>>, vector<16xi32>,
    tpu.vector_store %arg10[%swap3A_1238, %swap3A_1239], %convert_element_type3A_1224 {strides = array<i32>} : memref<4x128xi32, #tpu.memory_space<vmem>>, vector<16xi32>,
    %eq3A_1241 = arith.constant 1 : i32
    %eq3A_1242 = vector.broadcast %eq3A_1241 : i32 to vector<16xi32>
    %eq3A_1243 = arith.cmpi eq, %convert_element_type3A_1224, %eq3A_1242 : vector<16xi32>
    %swap3A_1244 = arith.index_cast %add3A_1218 : i32 to index
    %swap3A_1245 = tpu.vector_load %arg11[%swap3A_1244] masked %eq3A_1243 {strides = array<i32>} : memref<528xi32, #tpu.memory_space<vmem>>, vector<16xi32>, vector<16xi1>
    tpu.vector_store %arg11[%swap3A_1244], %get3A_1220 masked %eq3A_1243 {strides = array<i32>} : memref<528xi32, #tpu.memory_space<vmem>>, vector<16xi32>, vector<16xi1>
    %slice3A_1246 = vector.extract_strided_slice %masked_cumsum3A_1227 {offsets = [15], sizes = [1], strides = [1]} : vector<16xi32> to vector<1xi32>
    %squeeze3A_1247 = vector.extract %slice3A_1246[0] : i32 from vector<1xi32>
    %add3A_1248 = arith.addi %add3A_1218, %squeeze3A_1247 : i32
    %gt3A = arith.constant 0 : i32
    %gt3A_1249 = arith.cmpi sgt, %add3A_1248, %gt3A : i32
    %convert_element_type3A_1250 = arith.extui %gt3A_1249 : i1 to i32
    %cond3A = arith.constant 0 : i32
    %cond3A_1251 = arith.cmpi ne, %convert_element_type3A_1250, %cond3A : i32
    scf.if %cond3A_1251 {
      %and3A = arith.constant 0 : i32
      %and3A_1467 = arith.constant -16 : i32
      %and3A_1468 = arith.andi %and3A, %and3A_1467 : i32
      %get3A_1469 = arith.index_cast %and3A_1468 : i32 to index
      %get3A_1470 = tpu.vector_load %arg11[%get3A_1469] {strides = array<i32>} : memref<528xi32, #tpu.memory_space<vmem>>, vector<16xi32>,
      %and3A_1471 = arith.constant 0 : i32
      %and3A_1472 = arith.constant 15 : i32
      %and3A_1473 = arith.andi %and3A_1471, %and3A_1472 : i32
      %broadcast_in_dim3A_1474 = vector.broadcast %and3A_1473 : i32 to vector<16xi32>
      %lt3A = arith.constant 0 : i32
      %lt3A_1475 = vector.broadcast %lt3A : i32 to vector<16xi32>
      %lt3A_1476 = arith.cmpi slt, %broadcast_in_dim3A_1474, %lt3A_1475 : vector<16xi32>
      %add3A_1477 = arith.constant 16 : i32
      %add3A_1478 = vector.broadcast %add3A_1477 : i32 to vector<16xi32>
      %add3A_1479 = arith.addi %broadcast_in_dim3A_1474, %add3A_1478 : vector<16xi32>
      %select_n3A = arith.select %lt3A_1476, %add3A_1479, %broadcast_in_dim3A_1474 : vector<16xi1>, vector<16xi32>
      %broadcast_in_dim3A_1480 = vector.shape_cast %select_n3A : vector<16xi32> to vector<16x1xi32>
      %gather3A = vector.shape_cast %broadcast_in_dim3A_1480 : vector<16x1xi32> to vector<16xi32>
      %gather3A_1481 = tpu.dynamic_gather %get3A_1470[%gather3A] in [0] : vector<16xi32>, vector<16xi32> -> vector<16xi32>
      %slice3A_1482 = vector.extract_strided_slice %gather3A_1481 {offsets = [0], sizes = [1], strides = [1]} : vector<16xi32> to vector<1xi32>
      %squeeze3A_1483 = vector.extract %slice3A_1482[0] : i32 from vector<1xi32>
      %shift_left3A = arith.constant 7 : i32
      %shift_left3A_1484 = arith.shli %squeeze3A_1483, %shift_left3A : i32
      %multiple_of3A = tpu.assume_multiple %shift_left3A_1484, 128 : i32
      %dma_start3A = arith.constant 0 : i32
      %dma_start3A_1485 = arith.constant 0 : i32
      %dma_start3A_1486 = arith.constant 0 : i32
      %dma_start3A_1487 = tpu.memref_slice %arg13[%dma_start3A, %dma_start3A_1485, %dma_start3A_1486] : memref<6x64x128xf32, #tpu.memory_space<vmem>> -> memref<1x64x128xf32, #tpu.memory_space<vmem>>
      %dma_start3A_1488 = tpu.memref_squeeze %dma_start3A_1487 : memref<1x64x128xf32, #tpu.memory_space<vmem>> -> memref<64x128xf32, #tpu.memory_space<vmem>>
      %dma_start3A_1489 = arith.constant 0 : i32
      %dma_start3A_1490 = tpu.memref_slice %arg5[%dma_start3A_1489, %multiple_of3A] : memref<64x1000000xf32, #tpu.memory_space<hbm>> -> memref<64x128xf32, #tpu.memory_space<hbm>>
      %dma_start3A_1491 = arith.constant 0 : i32
      %dma_start3A_1492 = arith.constant 0 : i32
      %dma_start3A_1493 = tpu.memref_slice %arg13[%dma_start3A, %dma_start3A_1491, %dma_start3A_1492] : memref<6x64x128xf32, #tpu.memory_space<vmem>> -> memref<1x64x128xf32, #tpu.memory_space<vmem>>
      %dma_start3A_1494 = tpu.memref_squeeze %dma_start3A_1493 : memref<1x64x128xf32, #tpu.memory_space<vmem>> -> memref<64x128xf32, #tpu.memory_space<vmem>>
      %dma_start3A_1495 = arith.constant 0 : i32
      %dma_start3A_1496 = tpu.memref_slice %arg5[%dma_start3A_1495, %multiple_of3A] : memref<64x1000000xf32, #tpu.memory_space<hbm>> -> memref<64x128xf32, #tpu.memory_space<hbm>>
      tpu.enqueue_dma source(%dma_start3A_1496 : memref<64x128xf32, #tpu.memory_space<hbm>>) target(%dma_start3A_1494 : memref<64x128xf32, #tpu.memory_space<vmem>>) target_semaphore(%arg16 : memref<!tpu.dma_semaphore, #tpu.memory_space<semaphore_mem>>)
    } else {
    }
    %gt3A_1252 = arith.constant 1 : i32
    %gt3A_1253 = arith.cmpi sgt, %add3A_1248, %gt3A_1252 : i32
    %convert_element_type3A_1254 = arith.extui %gt3A_1253 : i1 to i32
    %cond3A_1255 = arith.constant 0 : i32
    %cond3A_1256 = arith.cmpi ne, %convert_element_type3A_1254, %cond3A_1255 : i32
    scf.if %cond3A_1256 {
      %and3A = arith.constant 1 : i32
      %and3A_1467 = arith.constant -16 : i32
      %and3A_1468 = arith.andi %and3A, %and3A_1467 : i32
      %get3A_1469 = arith.index_cast %and3A_1468 : i32 to index
      %get3A_1470 = tpu.vector_load %arg11[%get3A_1469] {strides = array<i32>} : memref<528xi32, #tpu.memory_space<vmem>>, vector<16xi32>,
      %and3A_1471 = arith.constant 1 : i32
      %and3A_1472 = arith.constant 15 : i32
      %and3A_1473 = arith.andi %and3A_1471, %and3A_1472 : i32
      %broadcast_in_dim3A_1474 = vector.broadcast %and3A_1473 : i32 to vector<16xi32>
      %lt3A = arith.constant 0 : i32
      %lt3A_1475 = vector.broadcast %lt3A : i32 to vector<16xi32>
      %lt3A_1476 = arith.cmpi slt, %broadcast_in_dim3A_1474, %lt3A_1475 : vector<16xi32>
      %add3A_1477 = arith.constant 16 : i32
      %add3A_1478 = vector.broadcast %add3A_1477 : i32 to vector<16xi32>
      %add3A_1479 = arith.addi %broadcast_in_dim3A_1474, %add3A_1478 : vector<16xi32>
      %select_n3A = arith.select %lt3A_1476, %add3A_1479, %broadcast_in_dim3A_1474 : vector<16xi1>, vector<16xi32>
      %broadcast_in_dim3A_1480 = vector.shape_cast %select_n3A : vector<16xi32> to vector<16x1xi32>
      %gather3A = vector.shape_cast %broadcast_in_dim3A_1480 : vector<16x1xi32> to vector<16xi32>
      %gather3A_1481 = tpu.dynamic_gather %get3A_1470[%gather3A] in [0] : vector<16xi32>, vector<16xi32> -> vector<16xi32>
      %slice3A_1482 = vector.extract_strided_slice %gather3A_1481 {offsets = [0], sizes = [1], strides = [1]} : vector<16xi32> to vector<1xi32>
      %squeeze3A_1483 = vector.extract %slice3A_1482[0] : i32 from vector<1xi32>
      %shift_left3A = arith.constant 7 : i32
      %shift_left3A_1484 = arith.shli %squeeze3A_1483, %shift_left3A : i32
      %multiple_of3A = tpu.assume_multiple %shift_left3A_1484, 128 : i32
      %dma_start3A = arith.constant 1 : i32
      %dma_start3A_1485 = arith.constant 0 : i32
      %dma_start3A_1486 = arith.constant 0 : i32
      %dma_start3A_1487 = tpu.memref_slice %arg13[%dma_start3A, %dma_start3A_1485, %dma_start3A_1486] : memref<6x64x128xf32, #tpu.memory_space<vmem>> -> memref<1x64x128xf32, #tpu.memory_space<vmem>>
      %dma_start3A_1488 = tpu.memref_squeeze %dma_start3A_1487 : memref<1x64x128xf32, #tpu.memory_space<vmem>> -> memref<64x128xf32, #tpu.memory_space<vmem>>
      %dma_start3A_1489 = arith.constant 0 : i32
      %dma_start3A_1490 = tpu.memref_slice %arg5[%dma_start3A_1489, %multiple_of3A] : memref<64x1000000xf32, #tpu.memory_space<hbm>> -> memref<64x128xf32, #tpu.memory_space<hbm>>
      %dma_start3A_1491 = arith.constant 0 : i32
      %dma_start3A_1492 = arith.constant 0 : i32
      %dma_start3A_1493 = tpu.memref_slice %arg13[%dma_start3A, %dma_start3A_1491, %dma_start3A_1492] : memref<6x64x128xf32, #tpu.memory_space<vmem>> -> memref<1x64x128xf32, #tpu.memory_space<vmem>>
      %dma_start3A_1494 = tpu.memref_squeeze %dma_start3A_1493 : memref<1x64x128xf32, #tpu.memory_space<vmem>> -> memref<64x128xf32, #tpu.memory_space<vmem>>
      %dma_start3A_1495 = arith.constant 0 : i32
      %dma_start3A_1496 = tpu.memref_slice %arg5[%dma_start3A_1495, %multiple_of3A] : memref<64x1000000xf32, #tpu.memory_space<hbm>> -> memref<64x128xf32, #tpu.memory_space<hbm>>
      tpu.enqueue_dma source(%dma_start3A_1496 : memref<64x128xf32, #tpu.memory_space<hbm>>) target(%dma_start3A_1494 : memref<64x128xf32, #tpu.memory_space<vmem>>) target_semaphore(%arg16 : memref<!tpu.dma_semaphore, #tpu.memory_space<semaphore_mem>>)
    } else {
    }
    %gt3A_1257 = arith.constant 2 : i32
    %gt3A_1258 = arith.cmpi sgt, %add3A_1248, %gt3A_1257 : i32
    %convert_element_type3A_1259 = arith.extui %gt3A_1258 : i1 to i32
    %cond3A_1260 = arith.constant 0 : i32
    %cond3A_1261 = arith.cmpi ne, %convert_element_type3A_1259, %cond3A_1260 : i32
    scf.if %cond3A_1261 {
      %and3A = arith.constant 2 : i32
      %and3A_1467 = arith.constant -16 : i32
      %and3A_1468 = arith.andi %and3A, %and3A_1467 : i32
      %get3A_1469 = arith.index_cast %and3A_1468 : i32 to index
      %get3A_1470 = tpu.vector_load %arg11[%get3A_1469] {strides = array<i32>} : memref<528xi32, #tpu.memory_space<vmem>>, vector<16xi32>,
      %and3A_1471 = arith.constant 2 : i32
      %and3A_1472 = arith.constant 15 : i32
      %and3A_1473 = arith.andi %and3A_1471, %and3A_1472 : i32
      %broadcast_in_dim3A_1474 = vector.broadcast %and3A_1473 : i32 to vector<16xi32>
      %lt3A = arith.constant 0 : i32
      %lt3A_1475 = vector.broadcast %lt3A : i32 to vector<16xi32>
      %lt3A_1476 = arith.cmpi slt, %broadcast_in_dim3A_1474, %lt3A_1475 : vector<16xi32>
      %add3A_1477 = arith.constant 16 : i32
      %add3A_1478 = vector.broadcast %add3A_1477 : i32 to vector<16xi32>
      %add3A_1479 = arith.addi %broadcast_in_dim3A_1474, %add3A_1478 : vector<16xi32>
      %select_n3A = arith.select %lt3A_1476, %add3A_1479, %broadcast_in_dim3A_1474 : vector<16xi1>, vector<16xi32>
      %broadcast_in_dim3A_1480 = vector.shape_cast %select_n3A : vector<16xi32> to vector<16x1xi32>
      %gather3A = vector.shape_cast %broadcast_in_dim3A_1480 : vector<16x1xi32> to vector<16xi32>
      %gather3A_1481 = tpu.dynamic_gather %get3A_1470[%gather3A] in [0] : vector<16xi32>, vector<16xi32> -> vector<16xi32>
      %slice3A_1482 = vector.extract_strided_slice %gather3A_1481 {offsets = [0], sizes = [1], strides = [1]} : vector<16xi32> to vector<1xi32>
      %squeeze3A_1483 = vector.extract %slice3A_1482[0] : i32 from vector<1xi32>
      %shift_left3A = arith.constant 7 : i32
      %shift_left3A_1484 = arith.shli %squeeze3A_1483, %shift_left3A : i32
      %multiple_of3A = tpu.assume_multiple %shift_left3A_1484, 128 : i32
      %dma_start3A = arith.constant 2 : i32
      %dma_start3A_1485 = arith.constant 0 : i32
      %dma_start3A_1486 = arith.constant 0 : i32
      %dma_start3A_1487 = tpu.memref_slice %arg13[%dma_start3A, %dma_start3A_1485, %dma_start3A_1486] : memref<6x64x128xf32, #tpu.memory_space<vmem>> -> memref<1x64x128xf32, #tpu.memory_space<vmem>>
      %dma_start3A_1488 = tpu.memref_squeeze %dma_start3A_1487 : memref<1x64x128xf32, #tpu.memory_space<vmem>> -> memref<64x128xf32, #tpu.memory_space<vmem>>
      %dma_start3A_1489 = arith.constant 0 : i32
      %dma_start3A_1490 = tpu.memref_slice %arg5[%dma_start3A_1489, %multiple_of3A] : memref<64x1000000xf32, #tpu.memory_space<hbm>> -> memref<64x128xf32, #tpu.memory_space<hbm>>
      %dma_start3A_1491 = arith.constant 0 : i32
      %dma_start3A_1492 = arith.constant 0 : i32
      %dma_start3A_1493 = tpu.memref_slice %arg13[%dma_start3A, %dma_start3A_1491, %dma_start3A_1492] : memref<6x64x128xf32, #tpu.memory_space<vmem>> -> memref<1x64x128xf32, #tpu.memory_space<vmem>>
      %dma_start3A_1494 = tpu.memref_squeeze %dma_start3A_1493 : memref<1x64x128xf32, #tpu.memory_space<vmem>> -> memref<64x128xf32, #tpu.memory_space<vmem>>
      %dma_start3A_1495 = arith.constant 0 : i32
      %dma_start3A_1496 = tpu.memref_slice %arg5[%dma_start3A_1495, %multiple_of3A] : memref<64x1000000xf32, #tpu.memory_space<hbm>> -> memref<64x128xf32, #tpu.memory_space<hbm>>
      tpu.enqueue_dma source(%dma_start3A_1496 : memref<64x128xf32, #tpu.memory_space<hbm>>) target(%dma_start3A_1494 : memref<64x128xf32, #tpu.memory_space<vmem>>) target_semaphore(%arg16 : memref<!tpu.dma_semaphore, #tpu.memory_space<semaphore_mem>>)
    } else {
    }
    %gt3A_1262 = arith.constant 3 : i32
    %gt3A_1263 = arith.cmpi sgt, %add3A_1248, %gt3A_1262 : i32
    %convert_element_type3A_1264 = arith.extui %gt3A_1263 : i1 to i32
    %cond3A_1265 = arith.constant 0 : i32
    %cond3A_1266 = arith.cmpi ne, %convert_element_type3A_1264, %cond3A_1265 : i32
    scf.if %cond3A_1266 {
      %and3A = arith.constant 3 : i32
      %and3A_1467 = arith.constant -16 : i32
      %and3A_1468 = arith.andi %and3A, %and3A_1467 : i32
      %get3A_1469 = arith.index_cast %and3A_1468 : i32 to index
      %get3A_1470 = tpu.vector_load %arg11[%get3A_1469] {strides = array<i32>} : memref<528xi32, #tpu.memory_space<vmem>>, vector<16xi32>,
      %and3A_1471 = arith.constant 3 : i32
      %and3A_1472 = arith.constant 15 : i32
      %and3A_1473 = arith.andi %and3A_1471, %and3A_1472 : i32
      %broadcast_in_dim3A_1474 = vector.broadcast %and3A_1473 : i32 to vector<16xi32>
      %lt3A = arith.constant 0 : i32
      %lt3A_1475 = vector.broadcast %lt3A : i32 to vector<16xi32>
      %lt3A_1476 = arith.cmpi slt, %broadcast_in_dim3A_1474, %lt3A_1475 : vector<16xi32>
      %add3A_1477 = arith.constant 16 : i32
      %add3A_1478 = vector.broadcast %add3A_1477 : i32 to vector<16xi32>
      %add3A_1479 = arith.addi %broadcast_in_dim3A_1474, %add3A_1478 : vector<16xi32>
      %select_n3A = arith.select %lt3A_1476, %add3A_1479, %broadcast_in_dim3A_1474 : vector<16xi1>, vector<16xi32>
      %broadcast_in_dim3A_1480 = vector.shape_cast %select_n3A : vector<16xi32> to vector<16x1xi32>
      %gather3A = vector.shape_cast %broadcast_in_dim3A_1480 : vector<16x1xi32> to vector<16xi32>
      %gather3A_1481 = tpu.dynamic_gather %get3A_1470[%gather3A] in [0] : vector<16xi32>, vector<16xi32> -> vector<16xi32>
      %slice3A_1482 = vector.extract_strided_slice %gather3A_1481 {offsets = [0], sizes = [1], strides = [1]} : vector<16xi32> to vector<1xi32>
      %squeeze3A_1483 = vector.extract %slice3A_1482[0] : i32 from vector<1xi32>
      %shift_left3A = arith.constant 7 : i32
      %shift_left3A_1484 = arith.shli %squeeze3A_1483, %shift_left3A : i32
      %multiple_of3A = tpu.assume_multiple %shift_left3A_1484, 128 : i32
      %dma_start3A = arith.constant 3 : i32
      %dma_start3A_1485 = arith.constant 0 : i32
      %dma_start3A_1486 = arith.constant 0 : i32
      %dma_start3A_1487 = tpu.memref_slice %arg13[%dma_start3A, %dma_start3A_1485, %dma_start3A_1486] : memref<6x64x128xf32, #tpu.memory_space<vmem>> -> memref<1x64x128xf32, #tpu.memory_space<vmem>>
      %dma_start3A_1488 = tpu.memref_squeeze %dma_start3A_1487 : memref<1x64x128xf32, #tpu.memory_space<vmem>> -> memref<64x128xf32, #tpu.memory_space<vmem>>
      %dma_start3A_1489 = arith.constant 0 : i32
      %dma_start3A_1490 = tpu.memref_slice %arg5[%dma_start3A_1489, %multiple_of3A] : memref<64x1000000xf32, #tpu.memory_space<hbm>> -> memref<64x128xf32, #tpu.memory_space<hbm>>
      %dma_start3A_1491 = arith.constant 0 : i32
      %dma_start3A_1492 = arith.constant 0 : i32
      %dma_start3A_1493 = tpu.memref_slice %arg13[%dma_start3A, %dma_start3A_1491, %dma_start3A_1492] : memref<6x64x128xf32, #tpu.memory_space<vmem>> -> memref<1x64x128xf32, #tpu.memory_space<vmem>>
      %dma_start3A_1494 = tpu.memref_squeeze %dma_start3A_1493 : memref<1x64x128xf32, #tpu.memory_space<vmem>> -> memref<64x128xf32, #tpu.memory_space<vmem>>
      %dma_start3A_1495 = arith.constant 0 : i32
      %dma_start3A_1496 = tpu.memref_slice %arg5[%dma_start3A_1495, %multiple_of3A] : memref<64x1000000xf32, #tpu.memory_space<hbm>> -> memref<64x128xf32, #tpu.memory_space<hbm>>
      tpu.enqueue_dma source(%dma_start3A_1496 : memref<64x128xf32, #tpu.memory_space<hbm>>) target(%dma_start3A_1494 : memref<64x128xf32, #tpu.memory_space<vmem>>) target_semaphore(%arg16 : memref<!tpu.dma_semaphore, #tpu.memory_space<semaphore_mem>>)
    } else {
    }
    %gt3A_1267 = arith.constant 4 : i32
    %gt3A_1268 = arith.cmpi sgt, %add3A_1248, %gt3A_1267 : i32
    %convert_element_type3A_1269 = arith.extui %gt3A_1268 : i1 to i32
    %cond3A_1270 = arith.constant 0 : i32
    %cond3A_1271 = arith.cmpi ne, %convert_element_type3A_1269, %cond3A_1270 : i32
    scf.if %cond3A_1271 {
      %and3A = arith.constant 4 : i32
      %and3A_1467 = arith.constant -16 : i32
      %and3A_1468 = arith.andi %and3A, %and3A_1467 : i32
      %get3A_1469 = arith.index_cast %and3A_1468 : i32 to index
      %get3A_1470 = tpu.vector_load %arg11[%get3A_1469] {strides = array<i32>} : memref<528xi32, #tpu.memory_space<vmem>>, vector<16xi32>,
      %and3A_1471 = arith.constant 4 : i32
      %and3A_1472 = arith.constant 15 : i32
      %and3A_1473 = arith.andi %and3A_1471, %and3A_1472 : i32
      %broadcast_in_dim3A_1474 = vector.broadcast %and3A_1473 : i32 to vector<16xi32>
      %lt3A = arith.constant 0 : i32
      %lt3A_1475 = vector.broadcast %lt3A : i32 to vector<16xi32>
      %lt3A_1476 = arith.cmpi slt, %broadcast_in_dim3A_1474, %lt3A_1475 : vector<16xi32>
      %add3A_1477 = arith.constant 16 : i32
      %add3A_1478 = vector.broadcast %add3A_1477 : i32 to vector<16xi32>
      %add3A_1479 = arith.addi %broadcast_in_dim3A_1474, %add3A_1478 : vector<16xi32>
      %select_n3A = arith.select %lt3A_1476, %add3A_1479, %broadcast_in_dim3A_1474 : vector<16xi1>, vector<16xi32>
      %broadcast_in_dim3A_1480 = vector.shape_cast %select_n3A : vector<16xi32> to vector<16x1xi32>
      %gather3A = vector.shape_cast %broadcast_in_dim3A_1480 : vector<16x1xi32> to vector<16xi32>
      %gather3A_1481 = tpu.dynamic_gather %get3A_1470[%gather3A] in [0] : vector<16xi32>, vector<16xi32> -> vector<16xi32>
      %slice3A_1482 = vector.extract_strided_slice %gather3A_1481 {offsets = [0], sizes = [1], strides = [1]} : vector<16xi32> to vector<1xi32>
      %squeeze3A_1483 = vector.extract %slice3A_1482[0] : i32 from vector<1xi32>
      %shift_left3A = arith.constant 7 : i32
      %shift_left3A_1484 = arith.shli %squeeze3A_1483, %shift_left3A : i32
      %multiple_of3A = tpu.assume_multiple %shift_left3A_1484, 128 : i32
      %dma_start3A = arith.constant 4 : i32
      %dma_start3A_1485 = arith.constant 0 : i32
      %dma_start3A_1486 = arith.constant 0 : i32
      %dma_start3A_1487 = tpu.memref_slice %arg13[%dma_start3A, %dma_start3A_1485, %dma_start3A_1486] : memref<6x64x128xf32, #tpu.memory_space<vmem>> -> memref<1x64x128xf32, #tpu.memory_space<vmem>>
      %dma_start3A_1488 = tpu.memref_squeeze %dma_start3A_1487 : memref<1x64x128xf32, #tpu.memory_space<vmem>> -> memref<64x128xf32, #tpu.memory_space<vmem>>
      %dma_start3A_1489 = arith.constant 0 : i32
      %dma_start3A_1490 = tpu.memref_slice %arg5[%dma_start3A_1489, %multiple_of3A] : memref<64x1000000xf32, #tpu.memory_space<hbm>> -> memref<64x128xf32, #tpu.memory_space<hbm>>
      %dma_start3A_1491 = arith.constant 0 : i32
      %dma_start3A_1492 = arith.constant 0 : i32
      %dma_start3A_1493 = tpu.memref_slice %arg13[%dma_start3A, %dma_start3A_1491, %dma_start3A_1492] : memref<6x64x128xf32, #tpu.memory_space<vmem>> -> memref<1x64x128xf32, #tpu.memory_space<vmem>>
      %dma_start3A_1494 = tpu.memref_squeeze %dma_start3A_1493 : memref<1x64x128xf32, #tpu.memory_space<vmem>> -> memref<64x128xf32, #tpu.memory_space<vmem>>
      %dma_start3A_1495 = arith.constant 0 : i32
      %dma_start3A_1496 = tpu.memref_slice %arg5[%dma_start3A_1495, %multiple_of3A] : memref<64x1000000xf32, #tpu.memory_space<hbm>> -> memref<64x128xf32, #tpu.memory_space<hbm>>
      tpu.enqueue_dma source(%dma_start3A_1496 : memref<64x128xf32, #tpu.memory_space<hbm>>) target(%dma_start3A_1494 : memref<64x128xf32, #tpu.memory_space<vmem>>) target_semaphore(%arg16 : memref<!tpu.dma_semaphore, #tpu.memory_space<semaphore_mem>>)
    } else {
    }
    %gt3A_1272 = arith.constant 5 : i32
    %gt3A_1273 = arith.cmpi sgt, %add3A_1248, %gt3A_1272 : i32
    %convert_element_type3A_1274 = arith.extui %gt3A_1273 : i1 to i32
    %cond3A_1275 = arith.constant 0 : i32
    %cond3A_1276 = arith.cmpi ne, %convert_element_type3A_1274, %cond3A_1275 : i32
    scf.if %cond3A_1276 {
      %and3A = arith.constant 5 : i32
      %and3A_1467 = arith.constant -16 : i32
      %and3A_1468 = arith.andi %and3A, %and3A_1467 : i32
      %get3A_1469 = arith.index_cast %and3A_1468 : i32 to index
      %get3A_1470 = tpu.vector_load %arg11[%get3A_1469] {strides = array<i32>} : memref<528xi32, #tpu.memory_space<vmem>>, vector<16xi32>,
      %and3A_1471 = arith.constant 5 : i32
      %and3A_1472 = arith.constant 15 : i32
      %and3A_1473 = arith.andi %and3A_1471, %and3A_1472 : i32
      %broadcast_in_dim3A_1474 = vector.broadcast %and3A_1473 : i32 to vector<16xi32>
      %lt3A = arith.constant 0 : i32
      %lt3A_1475 = vector.broadcast %lt3A : i32 to vector<16xi32>
      %lt3A_1476 = arith.cmpi slt, %broadcast_in_dim3A_1474, %lt3A_1475 : vector<16xi32>
      %add3A_1477 = arith.constant 16 : i32
      %add3A_1478 = vector.broadcast %add3A_1477 : i32 to vector<16xi32>
      %add3A_1479 = arith.addi %broadcast_in_dim3A_1474, %add3A_1478 : vector<16xi32>
      %select_n3A = arith.select %lt3A_1476, %add3A_1479, %broadcast_in_dim3A_1474 : vector<16xi1>, vector<16xi32>
      %broadcast_in_dim3A_1480 = vector.shape_cast %select_n3A : vector<16xi32> to vector<16x1xi32>
      %gather3A = vector.shape_cast %broadcast_in_dim3A_1480 : vector<16x1xi32> to vector<16xi32>
      %gather3A_1481 = tpu.dynamic_gather %get3A_1470[%gather3A] in [0] : vector<16xi32>, vector<16xi32> -> vector<16xi32>
      %slice3A_1482 = vector.extract_strided_slice %gather3A_1481 {offsets = [0], sizes = [1], strides = [1]} : vector<16xi32> to vector<1xi32>
      %squeeze3A_1483 = vector.extract %slice3A_1482[0] : i32 from vector<1xi32>
      %shift_left3A = arith.constant 7 : i32
      %shift_left3A_1484 = arith.shli %squeeze3A_1483, %shift_left3A : i32
      %multiple_of3A = tpu.assume_multiple %shift_left3A_1484, 128 : i32
      %dma_start3A = arith.constant 5 : i32
      %dma_start3A_1485 = arith.constant 0 : i32
      %dma_start3A_1486 = arith.constant 0 : i32
      %dma_start3A_1487 = tpu.memref_slice %arg13[%dma_start3A, %dma_start3A_1485, %dma_start3A_1486] : memref<6x64x128xf32, #tpu.memory_space<vmem>> -> memref<1x64x128xf32, #tpu.memory_space<vmem>>
      %dma_start3A_1488 = tpu.memref_squeeze %dma_start3A_1487 : memref<1x64x128xf32, #tpu.memory_space<vmem>> -> memref<64x128xf32, #tpu.memory_space<vmem>>
      %dma_start3A_1489 = arith.constant 0 : i32
      %dma_start3A_1490 = tpu.memref_slice %arg5[%dma_start3A_1489, %multiple_of3A] : memref<64x1000000xf32, #tpu.memory_space<hbm>> -> memref<64x128xf32, #tpu.memory_space<hbm>>
      %dma_start3A_1491 = arith.constant 0 : i32
      %dma_start3A_1492 = arith.constant 0 : i32
      %dma_start3A_1493 = tpu.memref_slice %arg13[%dma_start3A, %dma_start3A_1491, %dma_start3A_1492] : memref<6x64x128xf32, #tpu.memory_space<vmem>> -> memref<1x64x128xf32, #tpu.memory_space<vmem>>
      %dma_start3A_1494 = tpu.memref_squeeze %dma_start3A_1493 : memref<1x64x128xf32, #tpu.memory_space<vmem>> -> memref<64x128xf32, #tpu.memory_space<vmem>>
      %dma_start3A_1495 = arith.constant 0 : i32
      %dma_start3A_1496 = tpu.memref_slice %arg5[%dma_start3A_1495, %multiple_of3A] : memref<64x1000000xf32, #tpu.memory_space<hbm>> -> memref<64x128xf32, #tpu.memory_space<hbm>>
      tpu.enqueue_dma source(%dma_start3A_1496 : memref<64x128xf32, #tpu.memory_space<hbm>>) target(%dma_start3A_1494 : memref<64x128xf32, #tpu.memory_space<vmem>>) target_semaphore(%arg16 : memref<!tpu.dma_semaphore, #tpu.memory_space<semaphore_mem>>)
    } else {
    }
    %scan3A = arith.constant 0 : i32
    %scan3A_1277 = arith.constant 0 : i32
    %scan3A_1278 = arith.constant 128 : i32
    %scan3A_1279 = arith.addi %scan3A_1277, %scan3A_1278 : i32
    %scan3A_1280 = arith.constant 1 : i32
    scf.for %scan3A_1467 = %scan3A_1277 to %scan3A_1279 step %scan3A_1280  : i32 {
      %add3A_1468 = arith.constant 0 : i32
      %add3A_1469 = arith.addi %add3A_1468, %scan3A_1467 : i32
      %shift_right_logical3A_1470 = arith.constant 7 : i32
      %shift_right_logical3A_1471 = arith.shrui %add3A_1469, %shift_right_logical3A_1470 : i32
      %and3A = arith.constant 112 : i32
      %and3A_1472 = arith.andi %add3A_1469, %and3A : i32
      %get3A_1473 = arith.index_cast %shift_right_logical3A_1471 : i32 to index
      %get3A_1474 = arith.index_cast %and3A_1472 : i32 to index
      %get3A_1475 = tpu.vector_load %arg8[%get3A_1473, %get3A_1474] {strides = array<i32>} : memref<4x128xi32, #tpu.memory_space<vmem>>, vector<16xi32>,
      %and3A_1476 = arith.constant 15 : i32
      %and3A_1477 = arith.andi %add3A_1469, %and3A_1476 : i32
      %broadcast_in_dim3A_1478 = vector.broadcast %and3A_1477 : i32 to vector<16xi32>
      %lt3A = arith.constant 0 : i32
      %lt3A_1479 = vector.broadcast %lt3A : i32 to vector<16xi32>
      %lt3A_1480 = arith.cmpi slt, %broadcast_in_dim3A_1478, %lt3A_1479 : vector<16xi32>
      %add3A_1481 = arith.constant 16 : i32
      %add3A_1482 = vector.broadcast %add3A_1481 : i32 to vector<16xi32>
      %add3A_1483 = arith.addi %broadcast_in_dim3A_1478, %add3A_1482 : vector<16xi32>
      %select_n3A = arith.select %lt3A_1480, %add3A_1483, %broadcast_in_dim3A_1478 : vector<16xi1>, vector<16xi32>
      %broadcast_in_dim3A_1484 = vector.shape_cast %select_n3A : vector<16xi32> to vector<16x1xi32>
      %gather3A = vector.shape_cast %broadcast_in_dim3A_1484 : vector<16x1xi32> to vector<16xi32>
      %gather3A_1485 = tpu.dynamic_gather %get3A_1475[%gather3A] in [0] : vector<16xi32>, vector<16xi32> -> vector<16xi32>
      %slice3A_1486 = vector.extract_strided_slice %gather3A_1485 {offsets = [0], sizes = [1], strides = [1]} : vector<16xi32> to vector<1xi32>
      %squeeze3A_1487 = vector.extract %slice3A_1486[0] : i32 from vector<1xi32>
      %dma_start3A = arith.constant 0 : i32
      %dma_start3A_1488 = arith.constant 0 : i32
      %dma_start3A_1489 = tpu.memref_slice %arg14[%dma_start3A, %scan3A_1467, %dma_start3A_1488] : memref<2x128x64xf32, #tpu.memory_space<vmem>> -> memref<1x1x64xf32, #tpu.memory_space<vmem>>
      %dma_start3A_1490 = tpu.memref_squeeze %dma_start3A_1489 : memref<1x1x64xf32, #tpu.memory_space<vmem>> -> memref<1x64xf32, #tpu.memory_space<vmem>>
      %dma_start3A_1491 = arith.constant 0 : i32
      %dma_start3A_1492 = tpu.memref_slice %arg4[%squeeze3A_1487, %dma_start3A_1491] : memref<16384x64xf32, #tpu.memory_space<hbm>> -> memref<1x64xf32, #tpu.memory_space<hbm>>
      %dma_start3A_1493 = arith.constant 0 : i32
      %dma_start3A_1494 = tpu.memref_slice %arg14[%dma_start3A, %scan3A_1467, %dma_start3A_1493] : memref<2x128x64xf32, #tpu.memory_space<vmem>> -> memref<1x1x64xf32, #tpu.memory_space<vmem>>
      %dma_start3A_1495 = tpu.memref_squeeze %dma_start3A_1494 : memref<1x1x64xf32, #tpu.memory_space<vmem>> -> memref<1x64xf32, #tpu.memory_space<vmem>>
      %dma_start3A_1496 = arith.constant 0 : i32
      %dma_start3A_1497 = tpu.memref_slice %arg4[%squeeze3A_1487, %dma_start3A_1496] : memref<16384x64xf32, #tpu.memory_space<hbm>> -> memref<1x64xf32, #tpu.memory_space<hbm>>
      tpu.enqueue_dma source(%dma_start3A_1497 : memref<1x64xf32, #tpu.memory_space<hbm>>) target(%dma_start3A_1495 : memref<1x64xf32, #tpu.memory_space<vmem>>) target_semaphore(%arg17 : memref<!tpu.dma_semaphore, #tpu.memory_space<semaphore_mem>>)
    }
    %scan3A_1281 = arith.constant 128 : i32
    %scan3A_1282 = arith.constant 0 : i32
    %scan3A_1283 = arith.constant 0 : i32
    %scan3A_1284 = arith.constant 128 : i32
    %scan3A_1285 = arith.addi %scan3A_1283, %scan3A_1284 : i32
    %scan3A_1286 = arith.constant 1 : i32
    scf.for %scan3A_1467 = %scan3A_1283 to %scan3A_1285 step %scan3A_1286  : i32 {
      %add3A_1468 = arith.constant 128 : i32
      %add3A_1469 = arith.addi %add3A_1468, %scan3A_1467 : i32
      %shift_right_logical3A_1470 = arith.constant 7 : i32
      %shift_right_logical3A_1471 = arith.shrui %add3A_1469, %shift_right_logical3A_1470 : i32
      %and3A = arith.constant 112 : i32
      %and3A_1472 = arith.andi %add3A_1469, %and3A : i32
      %get3A_1473 = arith.index_cast %shift_right_logical3A_1471 : i32 to index
      %get3A_1474 = arith.index_cast %and3A_1472 : i32 to index
      %get3A_1475 = tpu.vector_load %arg8[%get3A_1473, %get3A_1474] {strides = array<i32>} : memref<4x128xi32, #tpu.memory_space<vmem>>, vector<16xi32>,
      %and3A_1476 = arith.constant 15 : i32
      %and3A_1477 = arith.andi %add3A_1469, %and3A_1476 : i32
      %broadcast_in_dim3A_1478 = vector.broadcast %and3A_1477 : i32 to vector<16xi32>
      %lt3A = arith.constant 0 : i32
      %lt3A_1479 = vector.broadcast %lt3A : i32 to vector<16xi32>
      %lt3A_1480 = arith.cmpi slt, %broadcast_in_dim3A_1478, %lt3A_1479 : vector<16xi32>
      %add3A_1481 = arith.constant 16 : i32
      %add3A_1482 = vector.broadcast %add3A_1481 : i32 to vector<16xi32>
      %add3A_1483 = arith.addi %broadcast_in_dim3A_1478, %add3A_1482 : vector<16xi32>
      %select_n3A = arith.select %lt3A_1480, %add3A_1483, %broadcast_in_dim3A_1478 : vector<16xi1>, vector<16xi32>
      %broadcast_in_dim3A_1484 = vector.shape_cast %select_n3A : vector<16xi32> to vector<16x1xi32>
      %gather3A = vector.shape_cast %broadcast_in_dim3A_1484 : vector<16x1xi32> to vector<16xi32>
      %gather3A_1485 = tpu.dynamic_gather %get3A_1475[%gather3A] in [0] : vector<16xi32>, vector<16xi32> -> vector<16xi32>
      %slice3A_1486 = vector.extract_strided_slice %gather3A_1485 {offsets = [0], sizes = [1], strides = [1]} : vector<16xi32> to vector<1xi32>
      %squeeze3A_1487 = vector.extract %slice3A_1486[0] : i32 from vector<1xi32>
      %dma_start3A = arith.constant 1 : i32
      %dma_start3A_1488 = arith.constant 0 : i32
      %dma_start3A_1489 = tpu.memref_slice %arg14[%dma_start3A, %scan3A_1467, %dma_start3A_1488] : memref<2x128x64xf32, #tpu.memory_space<vmem>> -> memref<1x1x64xf32, #tpu.memory_space<vmem>>
      %dma_start3A_1490 = tpu.memref_squeeze %dma_start3A_1489 : memref<1x1x64xf32, #tpu.memory_space<vmem>> -> memref<1x64xf32, #tpu.memory_space<vmem>>
      %dma_start3A_1491 = arith.constant 0 : i32
      %dma_start3A_1492 = tpu.memref_slice %arg4[%squeeze3A_1487, %dma_start3A_1491] : memref<16384x64xf32, #tpu.memory_space<hbm>> -> memref<1x64xf32, #tpu.memory_space<hbm>>
      %dma_start3A_1493 = arith.constant 0 : i32
      %dma_start3A_1494 = tpu.memref_slice %arg14[%dma_start3A, %scan3A_1467, %dma_start3A_1493] : memref<2x128x64xf32, #tpu.memory_space<vmem>> -> memref<1x1x64xf32, #tpu.memory_space<vmem>>
      %dma_start3A_1495 = tpu.memref_squeeze %dma_start3A_1494 : memref<1x1x64xf32, #tpu.memory_space<vmem>> -> memref<1x64xf32, #tpu.memory_space<vmem>>
      %dma_start3A_1496 = arith.constant 0 : i32
      %dma_start3A_1497 = tpu.memref_slice %arg4[%squeeze3A_1487, %dma_start3A_1496] : memref<16384x64xf32, #tpu.memory_space<hbm>> -> memref<1x64xf32, #tpu.memory_space<hbm>>
      tpu.enqueue_dma source(%dma_start3A_1497 : memref<1x64xf32, #tpu.memory_space<hbm>>) target(%dma_start3A_1495 : memref<1x64xf32, #tpu.memory_space<vmem>>) target_semaphore(%arg17 : memref<!tpu.dma_semaphore, #tpu.memory_space<semaphore_mem>>)
    }
    %scan3A_1287 = arith.constant 128 : i32
    %dma_wait3A = arith.constant 0 : i32
    %dma_wait3A_1288 = arith.constant 0 : i32
    %dma_wait3A_1289 = arith.constant 0 : i32
    %dma_wait3A_1290 = tpu.memref_slice %arg14[%dma_wait3A, %dma_wait3A_1288, %dma_wait3A_1289] : memref<2x128x64xf32, #tpu.memory_space<vmem>> -> memref<1x128x64xf32, #tpu.memory_space<vmem>>
    %dma_wait3A_1291 = tpu.memref_squeeze %dma_wait3A_1290 : memref<1x128x64xf32, #tpu.memory_space<vmem>> -> memref<128x64xf32, #tpu.memory_space<vmem>>
    %dma_wait3A_1292 = arith.constant 0 : i32
    %dma_wait3A_1293 = arith.constant 0 : i32
    %dma_wait3A_1294 = tpu.memref_slice %arg4[%dma_wait3A_1292, %dma_wait3A_1293] : memref<16384x64xf32, #tpu.memory_space<hbm>> -> memref<128x64xf32, #tpu.memory_space<hbm>>
    %dma_wait3A_1295 = arith.constant 0 : i32
    %dma_wait3A_1296 = arith.constant 0 : i32
    %dma_wait3A_1297 = tpu.memref_slice %arg14[%dma_wait3A, %dma_wait3A_1295, %dma_wait3A_1296] : memref<2x128x64xf32, #tpu.memory_space<vmem>> -> memref<1x128x64xf32, #tpu.memory_space<vmem>>
    %dma_wait3A_1298 = tpu.memref_squeeze %dma_wait3A_1297 : memref<1x128x64xf32, #tpu.memory_space<vmem>> -> memref<128x64xf32, #tpu.memory_space<vmem>>
    %dma_wait3A_1299 = arith.constant 0 : i32
    %dma_wait3A_1300 = arith.constant 0 : i32
    %dma_wait3A_1301 = tpu.memref_slice %arg4[%dma_wait3A_1299, %dma_wait3A_1300] : memref<16384x64xf32, #tpu.memory_space<hbm>> -> memref<128x64xf32, #tpu.memory_space<hbm>>
    tpu.wait_dma2 semaphore(%arg17 : memref<!tpu.dma_semaphore, #tpu.memory_space<semaphore_mem>>) src(%dma_wait3A_1301 : memref<128x64xf32, #tpu.memory_space<hbm>>) dst(%dma_wait3A_1298 : memref<128x64xf32, #tpu.memory_space<vmem>>)
    %scan3A_1302 = arith.constant 0 : i32
    %scan3A_1303 = arith.constant 0 : i32
    %scan3A_1304 = arith.constant 128 : i32
    %scan3A_1305 = arith.addi %scan3A_1303, %scan3A_1304 : i32
    %scan3A_1306 = arith.constant 1 : i32
    scf.for %scan3A_1467 = %scan3A_1303 to %scan3A_1305 step %scan3A_1306  : i32 {
      %add3A_1468 = arith.constant 0 : i32
      %add3A_1469 = arith.addi %add3A_1468, %scan3A_1467 : i32
      %shift_right_logical3A_1470 = arith.constant 7 : i32
      %shift_right_logical3A_1471 = arith.shrui %add3A_1469, %shift_right_logical3A_1470 : i32
      %and3A = arith.constant 112 : i32
      %and3A_1472 = arith.andi %add3A_1469, %and3A : i32
      %get3A_1473 = arith.index_cast %shift_right_logical3A_1471 : i32 to index
      %get3A_1474 = arith.index_cast %and3A_1472 : i32 to index
      %get3A_1475 = tpu.vector_load %arg9[%get3A_1473, %get3A_1474] {strides = array<i32>} : memref<4x128xi32, #tpu.memory_space<vmem>>, vector<16xi32>,
      %and3A_1476 = arith.constant 15 : i32
      %and3A_1477 = arith.andi %add3A_1469, %and3A_1476 : i32
      %broadcast_in_dim3A_1478 = vector.broadcast %and3A_1477 : i32 to vector<16xi32>
      %lt3A = arith.constant 0 : i32
      %lt3A_1479 = vector.broadcast %lt3A : i32 to vector<16xi32>
      %lt3A_1480 = arith.cmpi slt, %broadcast_in_dim3A_1478, %lt3A_1479 : vector<16xi32>
      %add3A_1481 = arith.constant 16 : i32
      %add3A_1482 = vector.broadcast %add3A_1481 : i32 to vector<16xi32>
      %add3A_1483 = arith.addi %broadcast_in_dim3A_1478, %add3A_1482 : vector<16xi32>
      %select_n3A = arith.select %lt3A_1480, %add3A_1483, %broadcast_in_dim3A_1478 : vector<16xi1>, vector<16xi32>
      %broadcast_in_dim3A_1484 = vector.shape_cast %select_n3A : vector<16xi32> to vector<16x1xi32>
      %gather3A = vector.shape_cast %broadcast_in_dim3A_1484 : vector<16x1xi32> to vector<16xi32>
      %gather3A_1485 = tpu.dynamic_gather %get3A_1475[%gather3A] in [0] : vector<16xi32>, vector<16xi32> -> vector<16xi32>
      %slice3A_1486 = vector.extract_strided_slice %gather3A_1485 {offsets = [0], sizes = [1], strides = [1]} : vector<16xi32> to vector<1xi32>
      %squeeze3A_1487 = vector.extract %slice3A_1486[0] : i32 from vector<1xi32>
      %shift_right_logical3A_1488 = arith.constant 7 : i32
      %shift_right_logical3A_1489 = arith.shrui %add3A_1469, %shift_right_logical3A_1488 : i32
      %and3A_1490 = arith.constant 112 : i32
      %and3A_1491 = arith.andi %add3A_1469, %and3A_1490 : i32
      %get3A_1492 = arith.index_cast %shift_right_logical3A_1489 : i32 to index
      %get3A_1493 = arith.index_cast %and3A_1491 : i32 to index
      %get3A_1494 = tpu.vector_load %arg10[%get3A_1492, %get3A_1493] {strides = array<i32>} : memref<4x128xi32, #tpu.memory_space<vmem>>, vector<16xi32>,
      %and3A_1495 = arith.constant 15 : i32
      %and3A_1496 = arith.andi %add3A_1469, %and3A_1495 : i32
      %broadcast_in_dim3A_1497 = vector.broadcast %and3A_1496 : i32 to vector<16xi32>
      %lt3A_1498 = arith.constant 0 : i32
      %lt3A_1499 = vector.broadcast %lt3A_1498 : i32 to vector<16xi32>
      %lt3A_1500 = arith.cmpi slt, %broadcast_in_dim3A_1497, %lt3A_1499 : vector<16xi32>
      %add3A_1501 = arith.constant 16 : i32
      %add3A_1502 = vector.broadcast %add3A_1501 : i32 to vector<16xi32>
      %add3A_1503 = arith.addi %broadcast_in_dim3A_1497, %add3A_1502 : vector<16xi32>
      %select_n3A_1504 = arith.select %lt3A_1500, %add3A_1503, %broadcast_in_dim3A_1497 : vector<16xi1>, vector<16xi32>
      %broadcast_in_dim3A_1505 = vector.shape_cast %select_n3A_1504 : vector<16xi32> to vector<16x1xi32>
      %gather3A_1506 = vector.shape_cast %broadcast_in_dim3A_1505 : vector<16x1xi32> to vector<16xi32>
      %gather3A_1507 = tpu.dynamic_gather %get3A_1494[%gather3A_1506] in [0] : vector<16xi32>, vector<16xi32> -> vector<16xi32>
      %slice3A_1508 = vector.extract_strided_slice %gather3A_1507 {offsets = [0], sizes = [1], strides = [1]} : vector<16xi32> to vector<1xi32>
      %squeeze3A_1509 = vector.extract %slice3A_1508[0] : i32 from vector<1xi32>
      %eq3A_1510 = arith.constant 1 : i32
      %eq3A_1511 = arith.cmpi eq, %squeeze3A_1509, %eq3A_1510 : i32
      %convert_element_type3A_1512 = arith.extui %eq3A_1511 : i1 to i32
      %cond3A_1513 = arith.constant 0 : i32
      %cond3A_1514 = arith.cmpi ne, %convert_element_type3A_1512, %cond3A_1513 : i32
      scf.if %cond3A_1514 {
        %dma_wait3A_1603 = arith.constant 0 : i32
        %dma_wait3A_1604 = arith.constant 0 : i32
        %dma_wait3A_1605 = arith.constant 0 : i32
        %dma_wait3A_1606 = tpu.memref_slice %arg13[%dma_wait3A_1603, %dma_wait3A_1604, %dma_wait3A_1605] : memref<6x64x128xf32, #tpu.memory_space<vmem>> -> memref<1x64x128xf32, #tpu.memory_space<vmem>>
        %dma_wait3A_1607 = tpu.memref_squeeze %dma_wait3A_1606 : memref<1x64x128xf32, #tpu.memory_space<vmem>> -> memref<64x128xf32, #tpu.memory_space<vmem>>
        %dma_wait3A_1608 = arith.constant 0 : i32
        %dma_wait3A_1609 = arith.constant 0 : i32
        %dma_wait3A_1610 = tpu.memref_slice %arg5[%dma_wait3A_1608, %dma_wait3A_1609] : memref<64x1000000xf32, #tpu.memory_space<hbm>> -> memref<64x128xf32, #tpu.memory_space<hbm>>
        %dma_wait3A_1611 = arith.constant 0 : i32
        %dma_wait3A_1612 = arith.constant 0 : i32
        %dma_wait3A_1613 = tpu.memref_slice %arg13[%dma_wait3A_1603, %dma_wait3A_1611, %dma_wait3A_1612] : memref<6x64x128xf32, #tpu.memory_space<vmem>> -> memref<1x64x128xf32, #tpu.memory_space<vmem>>
        %dma_wait3A_1614 = tpu.memref_squeeze %dma_wait3A_1613 : memref<1x64x128xf32, #tpu.memory_space<vmem>> -> memref<64x128xf32, #tpu.memory_space<vmem>>
        %dma_wait3A_1615 = arith.constant 0 : i32
        %dma_wait3A_1616 = arith.constant 0 : i32
        %dma_wait3A_1617 = tpu.memref_slice %arg5[%dma_wait3A_1615, %dma_wait3A_1616] : memref<64x1000000xf32, #tpu.memory_space<hbm>> -> memref<64x128xf32, #tpu.memory_space<hbm>>
        tpu.wait_dma2 semaphore(%arg16 : memref<!tpu.dma_semaphore, #tpu.memory_space<semaphore_mem>>) src(%dma_wait3A_1617 : memref<64x128xf32, #tpu.memory_space<hbm>>) dst(%dma_wait3A_1614 : memref<64x128xf32, #tpu.memory_space<vmem>>)
        %sub3A_1618 = arith.constant 1 : i32
        %sub3A_1619 = arith.subi %squeeze3A_1487, %sub3A_1618 : i32
        %add3A_1620 = arith.constant 6 : i32
        %add3A_1621 = arith.addi %sub3A_1619, %add3A_1620 : i32
        %ge3A = arith.constant 1 : i32
        %ge3A_1622 = arith.cmpi sge, %squeeze3A_1487, %ge3A : i32
        %lt3A_1623 = arith.cmpi slt, %add3A_1621, %add3A_1248 : i32
        %and3A_1624 = arith.andi %ge3A_1622, %lt3A_1623 : i1
        %convert_element_type3A_1625 = arith.extui %and3A_1624 : i1 to i32
        %cond3A_1626 = arith.constant 0 : i32
        %cond3A_1627 = arith.cmpi ne, %convert_element_type3A_1625, %cond3A_1626 : i32
        scf.if %cond3A_1627 {
          %sub3A_1628 = arith.constant 1 : i32
          %sub3A_1629 = arith.subi %squeeze3A_1487, %sub3A_1628 : i32
          %rem3A_1630 = arith.constant 6 : i32
          %rem3A_1631 = arith.remsi %sub3A_1629, %rem3A_1630 : i32
          %and3A_1632 = arith.constant -16 : i32
          %and3A_1633 = arith.andi %add3A_1621, %and3A_1632 : i32
          %get3A_1634 = arith.index_cast %and3A_1633 : i32 to index
          %get3A_1635 = tpu.vector_load %arg11[%get3A_1634] {strides = array<i32>} : memref<528xi32, #tpu.memory_space<vmem>>, vector<16xi32>,
          %and3A_1636 = arith.constant 15 : i32
          %and3A_1637 = arith.andi %add3A_1621, %and3A_1636 : i32
          %broadcast_in_dim3A_1638 = vector.broadcast %and3A_1637 : i32 to vector<16xi32>
          %lt3A_1639 = arith.constant 0 : i32
          %lt3A_1640 = vector.broadcast %lt3A_1639 : i32 to vector<16xi32>
          %lt3A_1641 = arith.cmpi slt, %broadcast_in_dim3A_1638, %lt3A_1640 : vector<16xi32>
          %add3A_1642 = arith.constant 16 : i32
          %add3A_1643 = vector.broadcast %add3A_1642 : i32 to vector<16xi32>
          %add3A_1644 = arith.addi %broadcast_in_dim3A_1638, %add3A_1643 : vector<16xi32>
          %select_n3A_1645 = arith.select %lt3A_1641, %add3A_1644, %broadcast_in_dim3A_1638 : vector<16xi1>, vector<16xi32>
          %broadcast_in_dim3A_1646 = vector.shape_cast %select_n3A_1645 : vector<16xi32> to vector<16x1xi32>
          %gather3A_1647 = vector.shape_cast %broadcast_in_dim3A_1646 : vector<16x1xi32> to vector<16xi32>
          %gather3A_1648 = tpu.dynamic_gather %get3A_1635[%gather3A_1647] in [0] : vector<16xi32>, vector<16xi32> -> vector<16xi32>
          %slice3A_1649 = vector.extract_strided_slice %gather3A_1648 {offsets = [0], sizes = [1], strides = [1]} : vector<16xi32> to vector<1xi32>
          %squeeze3A_1650 = vector.extract %slice3A_1649[0] : i32 from vector<1xi32>
          %shift_left3A = arith.constant 7 : i32
          %shift_left3A_1651 = arith.shli %squeeze3A_1650, %shift_left3A : i32
          %multiple_of3A = tpu.assume_multiple %shift_left3A_1651, 128 : i32
          %dma_start3A = arith.constant 0 : i32
          %dma_start3A_1652 = arith.constant 0 : i32
          %dma_start3A_1653 = tpu.memref_slice %arg13[%rem3A_1631, %dma_start3A, %dma_start3A_1652] : memref<6x64x128xf32, #tpu.memory_space<vmem>> -> memref<1x64x128xf32, #tpu.memory_space<vmem>>
          %dma_start3A_1654 = tpu.memref_squeeze %dma_start3A_1653 : memref<1x64x128xf32, #tpu.memory_space<vmem>> -> memref<64x128xf32, #tpu.memory_space<vmem>>
          %dma_start3A_1655 = arith.constant 0 : i32
          %dma_start3A_1656 = tpu.memref_slice %arg5[%dma_start3A_1655, %multiple_of3A] : memref<64x1000000xf32, #tpu.memory_space<hbm>> -> memref<64x128xf32, #tpu.memory_space<hbm>>
          %dma_start3A_1657 = arith.constant 0 : i32
          %dma_start3A_1658 = arith.constant 0 : i32
          %dma_start3A_1659 = tpu.memref_slice %arg13[%rem3A_1631, %dma_start3A_1657, %dma_start3A_1658] : memref<6x64x128xf32, #tpu.memory_space<vmem>> -> memref<1x64x128xf32, #tpu.memory_space<vmem>>
          %dma_start3A_1660 = tpu.memref_squeeze %dma_start3A_1659 : memref<1x64x128xf32, #tpu.memory_space<vmem>> -> memref<64x128xf32, #tpu.memory_space<vmem>>
          %dma_start3A_1661 = arith.constant 0 : i32
          %dma_start3A_1662 = tpu.memref_slice %arg5[%dma_start3A_1661, %multiple_of3A] : memref<64x1000000xf32, #tpu.memory_space<hbm>> -> memref<64x128xf32, #tpu.memory_space<hbm>>
          tpu.enqueue_dma source(%dma_start3A_1662 : memref<64x128xf32, #tpu.memory_space<hbm>>) target(%dma_start3A_1660 : memref<64x128xf32, #tpu.memory_space<vmem>>) target_semaphore(%arg16 : memref<!tpu.dma_semaphore, #tpu.memory_space<semaphore_mem>>)
        } else {
        }
      } else {
      }
      %shift_right_logical3A_1515 = arith.constant 7 : i32
      %shift_right_logical3A_1516 = arith.shrui %add3A_1469, %shift_right_logical3A_1515 : i32
      %and3A_1517 = arith.constant 112 : i32
      %and3A_1518 = arith.andi %add3A_1469, %and3A_1517 : i32
      %get3A_1519 = arith.index_cast %shift_right_logical3A_1516 : i32 to index
      %get3A_1520 = arith.index_cast %and3A_1518 : i32 to index
      %get3A_1521 = tpu.vector_load %arg7[%get3A_1519, %get3A_1520] {strides = array<i32>} : memref<4x128xi32, #tpu.memory_space<vmem>>, vector<16xi32>,
      %and3A_1522 = arith.constant 15 : i32
      %and3A_1523 = arith.andi %add3A_1469, %and3A_1522 : i32
      %broadcast_in_dim3A_1524 = vector.broadcast %and3A_1523 : i32 to vector<16xi32>
      %lt3A_1525 = arith.constant 0 : i32
      %lt3A_1526 = vector.broadcast %lt3A_1525 : i32 to vector<16xi32>
      %lt3A_1527 = arith.cmpi slt, %broadcast_in_dim3A_1524, %lt3A_1526 : vector<16xi32>
      %add3A_1528 = arith.constant 16 : i32
      %add3A_1529 = vector.broadcast %add3A_1528 : i32 to vector<16xi32>
      %add3A_1530 = arith.addi %broadcast_in_dim3A_1524, %add3A_1529 : vector<16xi32>
      %select_n3A_1531 = arith.select %lt3A_1527, %add3A_1530, %broadcast_in_dim3A_1524 : vector<16xi1>, vector<16xi32>
      %broadcast_in_dim3A_1532 = vector.shape_cast %select_n3A_1531 : vector<16xi32> to vector<16x1xi32>
      %gather3A_1533 = vector.shape_cast %broadcast_in_dim3A_1532 : vector<16x1xi32> to vector<16xi32>
      %gather3A_1534 = tpu.dynamic_gather %get3A_1521[%gather3A_1533] in [0] : vector<16xi32>, vector<16xi32> -> vector<16xi32>
      %and3A_1535 = arith.constant 127 : i32
      %and3A_1536 = vector.broadcast %and3A_1535 : i32 to vector<16xi32>
      %and3A_1537 = arith.andi %gather3A_1534, %and3A_1536 : vector<16xi32>
      %rem3A = arith.constant 6 : i32
      %rem3A_1538 = arith.remsi %squeeze3A_1487, %rem3A : i32
      %broadcast_in_dim3A_1539 = vector.broadcast %rem3A_1538 : i32 to vector<16xi32>
      %iota3A = tpu.iota {dimensions = array<i32: 0>} : vector<16xi32>
      %add3A_1540 = arith.constant 0 : i32
      %add3A_1541 = vector.broadcast %add3A_1540 : i32 to vector<16xi32>
      %add3A_1542 = arith.addi %iota3A, %add3A_1541 : vector<16xi32>
      %gather3A_1543 = tpu.vector_load_idx %arg13[%broadcast_in_dim3A_1539, %add3A_1542, %and3A_1537] : memref<6x64x128xf32, #tpu.memory_space<vmem>>[vector<16xi32>, vector<16xi32>, vector<16xi32>], vector<16xf32>,
      %get3A_1544 = arith.constant 0 : i32
      %get3A_1545 = arith.index_cast %get3A_1544 : i32 to index
      %get3A_1546 = arith.index_cast %scan3A_1467 : i32 to index
      %get3A_1547 = arith.constant 0 : index
      %get3A_1548 = tpu.vector_load %arg14[%get3A_1545, %get3A_1546, %get3A_1547] {strides = array<i32>} : memref<2x128x64xf32, #tpu.memory_space<vmem>>, vector<16xf32>,
      %mul3A_1549 = arith.mulf %gather3A_1543, %get3A_1548 : vector<16xf32>
      %swap3A_1550 = arith.constant 0 : i32
      %swap3A_1551 = arith.index_cast %swap3A_1550 : i32 to index
      %swap3A_1552 = arith.index_cast %scan3A_1467 : i32 to index
      %swap3A_1553 = arith.constant 0 : index
      %swap3A_1554 = tpu.vector_load %arg15[%swap3A_1551, %swap3A_1552, %swap3A_1553] {strides = array<i32>} : memref<2x128x64xf32, #tpu.memory_space<vmem>>, vector<16xf32>,
      tpu.vector_store %arg15[%swap3A_1551, %swap3A_1552, %swap3A_1553], %mul3A_1549 {strides = array<i32>} : memref<2x128x64xf32, #tpu.memory_space<vmem>>, vector<16xf32>,
      %iota3A_1555 = tpu.iota {dimensions = array<i32: 0>} : vector<16xi32>
      %add3A_1556 = arith.constant 16 : i32
      %add3A_1557 = vector.broadcast %add3A_1556 : i32 to vector<16xi32>
      %add3A_1558 = arith.addi %iota3A_1555, %add3A_1557 : vector<16xi32>
      %gather3A_1559 = tpu.vector_load_idx %arg13[%broadcast_in_dim3A_1539, %add3A_1558, %and3A_1537] : memref<6x64x128xf32, #tpu.memory_space<vmem>>[vector<16xi32>, vector<16xi32>, vector<16xi32>], vector<16xf32>,
      %get3A_1560 = arith.constant 0 : i32
      %get3A_1561 = arith.index_cast %get3A_1560 : i32 to index
      %get3A_1562 = arith.index_cast %scan3A_1467 : i32 to index
      %get3A_1563 = arith.constant 16 : index
      %get3A_1564 = tpu.vector_load %arg14[%get3A_1561, %get3A_1562, %get3A_1563] {strides = array<i32>} : memref<2x128x64xf32, #tpu.memory_space<vmem>>, vector<16xf32>,
      %mul3A_1565 = arith.mulf %gather3A_1559, %get3A_1564 : vector<16xf32>
      %swap3A_1566 = arith.constant 0 : i32
      %swap3A_1567 = arith.index_cast %swap3A_1566 : i32 to index
      %swap3A_1568 = arith.index_cast %scan3A_1467 : i32 to index
      %swap3A_1569 = arith.constant 16 : index
      %swap3A_1570 = tpu.vector_load %arg15[%swap3A_1567, %swap3A_1568, %swap3A_1569] {strides = array<i32>} : memref<2x128x64xf32, #tpu.memory_space<vmem>>, vector<16xf32>,
      tpu.vector_store %arg15[%swap3A_1567, %swap3A_1568, %swap3A_1569], %mul3A_1565 {strides = array<i32>} : memref<2x128x64xf32, #tpu.memory_space<vmem>>, vector<16xf32>,
      %iota3A_1571 = tpu.iota {dimensions = array<i32: 0>} : vector<16xi32>
      %add3A_1572 = arith.constant 32 : i32
      %add3A_1573 = vector.broadcast %add3A_1572 : i32 to vector<16xi32>
      %add3A_1574 = arith.addi %iota3A_1571, %add3A_1573 : vector<16xi32>
      %gather3A_1575 = tpu.vector_load_idx %arg13[%broadcast_in_dim3A_1539, %add3A_1574, %and3A_1537] : memref<6x64x128xf32, #tpu.memory_space<vmem>>[vector<16xi32>, vector<16xi32>, vector<16xi32>], vector<16xf32>,
      %get3A_1576 = arith.constant 0 : i32
      %get3A_1577 = arith.index_cast %get3A_1576 : i32 to index
      %get3A_1578 = arith.index_cast %scan3A_1467 : i32 to index
      %get3A_1579 = arith.constant 32 : index
      %get3A_1580 = tpu.vector_load %arg14[%get3A_1577, %get3A_1578, %get3A_1579] {strides = array<i32>} : memref<2x128x64xf32, #tpu.memory_space<vmem>>, vector<16xf32>,
      %mul3A_1581 = arith.mulf %gather3A_1575, %get3A_1580 : vector<16xf32>
      %swap3A_1582 = arith.constant 0 : i32
      %swap3A_1583 = arith.index_cast %swap3A_1582 : i32 to index
      %swap3A_1584 = arith.index_cast %scan3A_1467 : i32 to index
      %swap3A_1585 = arith.constant 32 : index
      %swap3A_1586 = tpu.vector_load %arg15[%swap3A_1583, %swap3A_1584, %swap3A_1585] {strides = array<i32>} : memref<2x128x64xf32, #tpu.memory_space<vmem>>, vector<16xf32>,
      tpu.vector_store %arg15[%swap3A_1583, %swap3A_1584, %swap3A_1585], %mul3A_1581 {strides = array<i32>} : memref<2x128x64xf32, #tpu.memory_space<vmem>>, vector<16xf32>,
      %iota3A_1587 = tpu.iota {dimensions = array<i32: 0>} : vector<16xi32>
      %add3A_1588 = arith.constant 48 : i32
      %add3A_1589 = vector.broadcast %add3A_1588 : i32 to vector<16xi32>
      %add3A_1590 = arith.addi %iota3A_1587, %add3A_1589 : vector<16xi32>
      %gather3A_1591 = tpu.vector_load_idx %arg13[%broadcast_in_dim3A_1539, %add3A_1590, %and3A_1537] : memref<6x64x128xf32, #tpu.memory_space<vmem>>[vector<16xi32>, vector<16xi32>, vector<16xi32>], vector<16xf32>,
      %get3A_1592 = arith.constant 0 : i32
      %get3A_1593 = arith.index_cast %get3A_1592 : i32 to index
      %get3A_1594 = arith.index_cast %scan3A_1467 : i32 to index
      %get3A_1595 = arith.constant 48 : index
      %get3A_1596 = tpu.vector_load %arg14[%get3A_1593, %get3A_1594, %get3A_1595] {strides = array<i32>} : memref<2x128x64xf32, #tpu.memory_space<vmem>>, vector<16xf32>,
      %mul3A_1597 = arith.mulf %gather3A_1591, %get3A_1596 : vector<16xf32>
      %swap3A_1598 = arith.constant 0 : i32
      %swap3A_1599 = arith.index_cast %swap3A_1598 : i32 to index
      %swap3A_1600 = arith.index_cast %scan3A_1467 : i32 to index
      %swap3A_1601 = arith.constant 48 : index
      %swap3A_1602 = tpu.vector_load %arg15[%swap3A_1599, %swap3A_1600, %swap3A_1601] {strides = array<i32>} : memref<2x128x64xf32, #tpu.memory_space<vmem>>, vector<16xf32>,
      tpu.vector_store %arg15[%swap3A_1599, %swap3A_1600, %swap3A_1601], %mul3A_1597 {strides = array<i32>} : memref<2x128x64xf32, #tpu.memory_space<vmem>>, vector<16xf32>,
    }
    %scan3A_1307 = arith.constant 128 : i32
    %scan3A_1308 = arith.constant 0 : i32
    %scan3A_1309 = arith.constant 0 : i32
    %scan3A_1310 = arith.constant 128 : i32
    %scan3A_1311 = arith.addi %scan3A_1309, %scan3A_1310 : i32
    %scan3A_1312 = arith.constant 1 : i32
    scf.for %scan3A_1467 = %scan3A_1309 to %scan3A_1311 step %scan3A_1312  : i32 {
      %add3A_1468 = arith.constant 0 : i32
      %add3A_1469 = arith.addi %add3A_1468, %scan3A_1467 : i32
      %shift_right_logical3A_1470 = arith.constant 7 : i32
      %shift_right_logical3A_1471 = arith.shrui %add3A_1469, %shift_right_logical3A_1470 : i32
      %and3A = arith.constant 112 : i32
      %and3A_1472 = arith.andi %add3A_1469, %and3A : i32
      %get3A_1473 = arith.index_cast %shift_right_logical3A_1471 : i32 to index
      %get3A_1474 = arith.index_cast %and3A_1472 : i32 to index
      %get3A_1475 = tpu.vector_load %arg8[%get3A_1473, %get3A_1474] {strides = array<i32>} : memref<4x128xi32, #tpu.memory_space<vmem>>, vector<16xi32>,
      %and3A_1476 = arith.constant 15 : i32
      %and3A_1477 = arith.andi %add3A_1469, %and3A_1476 : i32
      %broadcast_in_dim3A_1478 = vector.broadcast %and3A_1477 : i32 to vector<16xi32>
      %lt3A = arith.constant 0 : i32
      %lt3A_1479 = vector.broadcast %lt3A : i32 to vector<16xi32>
      %lt3A_1480 = arith.cmpi slt, %broadcast_in_dim3A_1478, %lt3A_1479 : vector<16xi32>
      %add3A_1481 = arith.constant 16 : i32
      %add3A_1482 = vector.broadcast %add3A_1481 : i32 to vector<16xi32>
      %add3A_1483 = arith.addi %broadcast_in_dim3A_1478, %add3A_1482 : vector<16xi32>
      %select_n3A = arith.select %lt3A_1480, %add3A_1483, %broadcast_in_dim3A_1478 : vector<16xi1>, vector<16xi32>
      %broadcast_in_dim3A_1484 = vector.shape_cast %select_n3A : vector<16xi32> to vector<16x1xi32>
      %gather3A = vector.shape_cast %broadcast_in_dim3A_1484 : vector<16x1xi32> to vector<16xi32>
      %gather3A_1485 = tpu.dynamic_gather %get3A_1475[%gather3A] in [0] : vector<16xi32>, vector<16xi32> -> vector<16xi32>
      %slice3A_1486 = vector.extract_strided_slice %gather3A_1485 {offsets = [0], sizes = [1], strides = [1]} : vector<16xi32> to vector<1xi32>
      %squeeze3A_1487 = vector.extract %slice3A_1486[0] : i32 from vector<1xi32>
      %dma_start3A = arith.constant 0 : i32
      %dma_start3A_1488 = arith.constant 0 : i32
      %dma_start3A_1489 = tpu.memref_slice %arg15[%dma_start3A, %scan3A_1467, %dma_start3A_1488] : memref<2x128x64xf32, #tpu.memory_space<vmem>> -> memref<1x1x64xf32, #tpu.memory_space<vmem>>
      %dma_start3A_1490 = tpu.memref_squeeze %dma_start3A_1489 : memref<1x1x64xf32, #tpu.memory_space<vmem>> -> memref<1x64xf32, #tpu.memory_space<vmem>>
      %dma_start3A_1491 = arith.constant 0 : i32
      %dma_start3A_1492 = tpu.memref_slice %arg6[%squeeze3A_1487, %dma_start3A_1491] : memref<16384x64xf32, #tpu.memory_space<hbm>> -> memref<1x64xf32, #tpu.memory_space<hbm>>
      %dma_start3A_1493 = arith.constant 0 : i32
      %dma_start3A_1494 = tpu.memref_slice %arg6[%squeeze3A_1487, %dma_start3A_1493] : memref<16384x64xf32, #tpu.memory_space<hbm>> -> memref<1x64xf32, #tpu.memory_space<hbm>>
      %dma_start3A_1495 = arith.constant 0 : i32
      %dma_start3A_1496 = tpu.memref_slice %arg15[%dma_start3A, %scan3A_1467, %dma_start3A_1495] : memref<2x128x64xf32, #tpu.memory_space<vmem>> -> memref<1x1x64xf32, #tpu.memory_space<vmem>>
      %dma_start3A_1497 = tpu.memref_squeeze %dma_start3A_1496 : memref<1x1x64xf32, #tpu.memory_space<vmem>> -> memref<1x64xf32, #tpu.memory_space<vmem>>
      tpu.enqueue_dma source(%dma_start3A_1497 : memref<1x64xf32, #tpu.memory_space<vmem>>) target(%dma_start3A_1494 : memref<1x64xf32, #tpu.memory_space<hbm>>) target_semaphore(%arg18 : memref<!tpu.dma_semaphore, #tpu.memory_space<semaphore_mem>>)
    }
    %scan3A_1313 = arith.constant 128 : i32
    %scan3A_1314 = arith.constant 0 : i32
    %scan3A_1315 = arith.constant 0 : i32
    %scan3A_1316 = arith.constant 128 : i32
    %scan3A_1317 = arith.addi %scan3A_1315, %scan3A_1316 : i32
    %scan3A_1318 = arith.constant 1 : i32
    scf.for %scan3A_1467 = %scan3A_1315 to %scan3A_1317 step %scan3A_1318  : i32 {
      %add3A_1468 = arith.constant 256 : i32
      %add3A_1469 = arith.addi %add3A_1468, %scan3A_1467 : i32
      %shift_right_logical3A_1470 = arith.constant 7 : i32
      %shift_right_logical3A_1471 = arith.shrui %add3A_1469, %shift_right_logical3A_1470 : i32
      %and3A = arith.constant 112 : i32
      %and3A_1472 = arith.andi %add3A_1469, %and3A : i32
      %get3A_1473 = arith.index_cast %shift_right_logical3A_1471 : i32 to index
      %get3A_1474 = arith.index_cast %and3A_1472 : i32 to index
      %get3A_1475 = tpu.vector_load %arg8[%get3A_1473, %get3A_1474] {strides = array<i32>} : memref<4x128xi32, #tpu.memory_space<vmem>>, vector<16xi32>,
      %and3A_1476 = arith.constant 15 : i32
      %and3A_1477 = arith.andi %add3A_1469, %and3A_1476 : i32
      %broadcast_in_dim3A_1478 = vector.broadcast %and3A_1477 : i32 to vector<16xi32>
      %lt3A = arith.constant 0 : i32
      %lt3A_1479 = vector.broadcast %lt3A : i32 to vector<16xi32>
      %lt3A_1480 = arith.cmpi slt, %broadcast_in_dim3A_1478, %lt3A_1479 : vector<16xi32>
      %add3A_1481 = arith.constant 16 : i32
      %add3A_1482 = vector.broadcast %add3A_1481 : i32 to vector<16xi32>
      %add3A_1483 = arith.addi %broadcast_in_dim3A_1478, %add3A_1482 : vector<16xi32>
      %select_n3A = arith.select %lt3A_1480, %add3A_1483, %broadcast_in_dim3A_1478 : vector<16xi1>, vector<16xi32>
      %broadcast_in_dim3A_1484 = vector.shape_cast %select_n3A : vector<16xi32> to vector<16x1xi32>
      %gather3A = vector.shape_cast %broadcast_in_dim3A_1484 : vector<16x1xi32> to vector<16xi32>
      %gather3A_1485 = tpu.dynamic_gather %get3A_1475[%gather3A] in [0] : vector<16xi32>, vector<16xi32> -> vector<16xi32>
      %slice3A_1486 = vector.extract_strided_slice %gather3A_1485 {offsets = [0], sizes = [1], strides = [1]} : vector<16xi32> to vector<1xi32>
      %squeeze3A_1487 = vector.extract %slice3A_1486[0] : i32 from vector<1xi32>
      %dma_start3A = arith.constant 0 : i32
      %dma_start3A_1488 = arith.constant 0 : i32
      %dma_start3A_1489 = tpu.memref_slice %arg14[%dma_start3A, %scan3A_1467, %dma_start3A_1488] : memref<2x128x64xf32, #tpu.memory_space<vmem>> -> memref<1x1x64xf32, #tpu.memory_space<vmem>>
      %dma_start3A_1490 = tpu.memref_squeeze %dma_start3A_1489 : memref<1x1x64xf32, #tpu.memory_space<vmem>> -> memref<1x64xf32, #tpu.memory_space<vmem>>
      %dma_start3A_1491 = arith.constant 0 : i32
      %dma_start3A_1492 = tpu.memref_slice %arg4[%squeeze3A_1487, %dma_start3A_1491] : memref<16384x64xf32, #tpu.memory_space<hbm>> -> memref<1x64xf32, #tpu.memory_space<hbm>>
      %dma_start3A_1493 = arith.constant 0 : i32
      %dma_start3A_1494 = tpu.memref_slice %arg14[%dma_start3A, %scan3A_1467, %dma_start3A_1493] : memref<2x128x64xf32, #tpu.memory_space<vmem>> -> memref<1x1x64xf32, #tpu.memory_space<vmem>>
      %dma_start3A_1495 = tpu.memref_squeeze %dma_start3A_1494 : memref<1x1x64xf32, #tpu.memory_space<vmem>> -> memref<1x64xf32, #tpu.memory_space<vmem>>
      %dma_start3A_1496 = arith.constant 0 : i32
      %dma_start3A_1497 = tpu.memref_slice %arg4[%squeeze3A_1487, %dma_start3A_1496] : memref<16384x64xf32, #tpu.memory_space<hbm>> -> memref<1x64xf32, #tpu.memory_space<hbm>>
      tpu.enqueue_dma source(%dma_start3A_1497 : memref<1x64xf32, #tpu.memory_space<hbm>>) target(%dma_start3A_1495 : memref<1x64xf32, #tpu.memory_space<vmem>>) target_semaphore(%arg17 : memref<!tpu.dma_semaphore, #tpu.memory_space<semaphore_mem>>)
    }
    %scan3A_1319 = arith.constant 128 : i32
    %dma_wait3A_1320 = arith.constant 1 : i32
    %dma_wait3A_1321 = arith.constant 0 : i32
    %dma_wait3A_1322 = arith.constant 0 : i32
    %dma_wait3A_1323 = tpu.memref_slice %arg14[%dma_wait3A_1320, %dma_wait3A_1321, %dma_wait3A_1322] : memref<2x128x64xf32, #tpu.memory_space<vmem>> -> memref<1x128x64xf32, #tpu.memory_space<vmem>>
    %dma_wait3A_1324 = tpu.memref_squeeze %dma_wait3A_1323 : memref<1x128x64xf32, #tpu.memory_space<vmem>> -> memref<128x64xf32, #tpu.memory_space<vmem>>
    %dma_wait3A_1325 = arith.constant 0 : i32
    %dma_wait3A_1326 = arith.constant 0 : i32
    %dma_wait3A_1327 = tpu.memref_slice %arg4[%dma_wait3A_1325, %dma_wait3A_1326] : memref<16384x64xf32, #tpu.memory_space<hbm>> -> memref<128x64xf32, #tpu.memory_space<hbm>>
    %dma_wait3A_1328 = arith.constant 0 : i32
    %dma_wait3A_1329 = arith.constant 0 : i32
    %dma_wait3A_1330 = tpu.memref_slice %arg14[%dma_wait3A_1320, %dma_wait3A_1328, %dma_wait3A_1329] : memref<2x128x64xf32, #tpu.memory_space<vmem>> -> memref<1x128x64xf32, #tpu.memory_space<vmem>>
    %dma_wait3A_1331 = tpu.memref_squeeze %dma_wait3A_1330 : memref<1x128x64xf32, #tpu.memory_space<vmem>> -> memref<128x64xf32, #tpu.memory_space<vmem>>
    %dma_wait3A_1332 = arith.constant 0 : i32
    %dma_wait3A_1333 = arith.constant 0 : i32
    %dma_wait3A_1334 = tpu.memref_slice %arg4[%dma_wait3A_1332, %dma_wait3A_1333] : memref<16384x64xf32, #tpu.memory_space<hbm>> -> memref<128x64xf32, #tpu.memory_space<hbm>>
    tpu.wait_dma2 semaphore(%arg17 : memref<!tpu.dma_semaphore, #tpu.memory_space<semaphore_mem>>) src(%dma_wait3A_1334 : memref<128x64xf32, #tpu.memory_space<hbm>>) dst(%dma_wait3A_1331 : memref<128x64xf32, #tpu.memory_space<vmem>>)
    %scan3A_1335 = arith.constant 0 : i32
    %scan3A_1336 = arith.constant 0 : i32
    %scan3A_1337 = arith.constant 128 : i32
    %scan3A_1338 = arith.addi %scan3A_1336, %scan3A_1337 : i32
    %scan3A_1339 = arith.constant 1 : i32
    scf.for %scan3A_1467 = %scan3A_1336 to %scan3A_1338 step %scan3A_1339  : i32 {
      %add3A_1468 = arith.constant 128 : i32
      %add3A_1469 = arith.addi %add3A_1468, %scan3A_1467 : i32
      %shift_right_logical3A_1470 = arith.constant 7 : i32
      %shift_right_logical3A_1471 = arith.shrui %add3A_1469, %shift_right_logical3A_1470 : i32
      %and3A = arith.constant 112 : i32
      %and3A_1472 = arith.andi %add3A_1469, %and3A : i32
      %get3A_1473 = arith.index_cast %shift_right_logical3A_1471 : i32 to index
      %get3A_1474 = arith.index_cast %and3A_1472 : i32 to index
      %get3A_1475 = tpu.vector_load %arg9[%get3A_1473, %get3A_1474] {strides = array<i32>} : memref<4x128xi32, #tpu.memory_space<vmem>>, vector<16xi32>,
      %and3A_1476 = arith.constant 15 : i32
      %and3A_1477 = arith.andi %add3A_1469, %and3A_1476 : i32
      %broadcast_in_dim3A_1478 = vector.broadcast %and3A_1477 : i32 to vector<16xi32>
      %lt3A = arith.constant 0 : i32
      %lt3A_1479 = vector.broadcast %lt3A : i32 to vector<16xi32>
      %lt3A_1480 = arith.cmpi slt, %broadcast_in_dim3A_1478, %lt3A_1479 : vector<16xi32>
      %add3A_1481 = arith.constant 16 : i32
      %add3A_1482 = vector.broadcast %add3A_1481 : i32 to vector<16xi32>
      %add3A_1483 = arith.addi %broadcast_in_dim3A_1478, %add3A_1482 : vector<16xi32>
      %select_n3A = arith.select %lt3A_1480, %add3A_1483, %broadcast_in_dim3A_1478 : vector<16xi1>, vector<16xi32>
      %broadcast_in_dim3A_1484 = vector.shape_cast %select_n3A : vector<16xi32> to vector<16x1xi32>
      %gather3A = vector.shape_cast %broadcast_in_dim3A_1484 : vector<16x1xi32> to vector<16xi32>
      %gather3A_1485 = tpu.dynamic_gather %get3A_1475[%gather3A] in [0] : vector<16xi32>, vector<16xi32> -> vector<16xi32>
      %slice3A_1486 = vector.extract_strided_slice %gather3A_1485 {offsets = [0], sizes = [1], strides = [1]} : vector<16xi32> to vector<1xi32>
      %squeeze3A_1487 = vector.extract %slice3A_1486[0] : i32 from vector<1xi32>
      %shift_right_logical3A_1488 = arith.constant 7 : i32
      %shift_right_logical3A_1489 = arith.shrui %add3A_1469, %shift_right_logical3A_1488 : i32
      %and3A_1490 = arith.constant 112 : i32
      %and3A_1491 = arith.andi %add3A_1469, %and3A_1490 : i32
      %get3A_1492 = arith.index_cast %shift_right_logical3A_1489 : i32 to index
      %get3A_1493 = arith.index_cast %and3A_1491 : i32 to index
      %get3A_1494 = tpu.vector_load %arg10[%get3A_1492, %get3A_1493] {strides = array<i32>} : memref<4x128xi32, #tpu.memory_space<vmem>>, vector<16xi32>,
      %and3A_1495 = arith.constant 15 : i32
      %and3A_1496 = arith.andi %add3A_1469, %and3A_1495 : i32
      %broadcast_in_dim3A_1497 = vector.broadcast %and3A_1496 : i32 to vector<16xi32>
      %lt3A_1498 = arith.constant 0 : i32
      %lt3A_1499 = vector.broadcast %lt3A_1498 : i32 to vector<16xi32>
      %lt3A_1500 = arith.cmpi slt, %broadcast_in_dim3A_1497, %lt3A_1499 : vector<16xi32>
      %add3A_1501 = arith.constant 16 : i32
      %add3A_1502 = vector.broadcast %add3A_1501 : i32 to vector<16xi32>
      %add3A_1503 = arith.addi %broadcast_in_dim3A_1497, %add3A_1502 : vector<16xi32>
      %select_n3A_1504 = arith.select %lt3A_1500, %add3A_1503, %broadcast_in_dim3A_1497 : vector<16xi1>, vector<16xi32>
      %broadcast_in_dim3A_1505 = vector.shape_cast %select_n3A_1504 : vector<16xi32> to vector<16x1xi32>
      %gather3A_1506 = vector.shape_cast %broadcast_in_dim3A_1505 : vector<16x1xi32> to vector<16xi32>
      %gather3A_1507 = tpu.dynamic_gather %get3A_1494[%gather3A_1506] in [0] : vector<16xi32>, vector<16xi32> -> vector<16xi32>
      %slice3A_1508 = vector.extract_strided_slice %gather3A_1507 {offsets = [0], sizes = [1], strides = [1]} : vector<16xi32> to vector<1xi32>
      %squeeze3A_1509 = vector.extract %slice3A_1508[0] : i32 from vector<1xi32>
      %eq3A_1510 = arith.constant 1 : i32
      %eq3A_1511 = arith.cmpi eq, %squeeze3A_1509, %eq3A_1510 : i32
      %convert_element_type3A_1512 = arith.extui %eq3A_1511 : i1 to i32
      %cond3A_1513 = arith.constant 0 : i32
      %cond3A_1514 = arith.cmpi ne, %convert_element_type3A_1512, %cond3A_1513 : i32
      scf.if %cond3A_1514 {
        %dma_wait3A_1603 = arith.constant 0 : i32
        %dma_wait3A_1604 = arith.constant 0 : i32
        %dma_wait3A_1605 = arith.constant 0 : i32
        %dma_wait3A_1606 = tpu.memref_slice %arg13[%dma_wait3A_1603, %dma_wait3A_1604, %dma_wait3A_1605] : memref<6x64x128xf32, #tpu.memory_space<vmem>> -> memref<1x64x128xf32, #tpu.memory_space<vmem>>
        %dma_wait3A_1607 = tpu.memref_squeeze %dma_wait3A_1606 : memref<1x64x128xf32, #tpu.memory_space<vmem>> -> memref<64x128xf32, #tpu.memory_space<vmem>>
        %dma_wait3A_1608 = arith.constant 0 : i32
        %dma_wait3A_1609 = arith.constant 0 : i32
        %dma_wait3A_1610 = tpu.memref_slice %arg5[%dma_wait3A_1608, %dma_wait3A_1609] : memref<64x1000000xf32, #tpu.memory_space<hbm>> -> memref<64x128xf32, #tpu.memory_space<hbm>>
        %dma_wait3A_1611 = arith.constant 0 : i32
        %dma_wait3A_1612 = arith.constant 0 : i32
        %dma_wait3A_1613 = tpu.memref_slice %arg13[%dma_wait3A_1603, %dma_wait3A_1611, %dma_wait3A_1612] : memref<6x64x128xf32, #tpu.memory_space<vmem>> -> memref<1x64x128xf32, #tpu.memory_space<vmem>>
        %dma_wait3A_1614 = tpu.memref_squeeze %dma_wait3A_1613 : memref<1x64x128xf32, #tpu.memory_space<vmem>> -> memref<64x128xf32, #tpu.memory_space<vmem>>
        %dma_wait3A_1615 = arith.constant 0 : i32
        %dma_wait3A_1616 = arith.constant 0 : i32
        %dma_wait3A_1617 = tpu.memref_slice %arg5[%dma_wait3A_1615, %dma_wait3A_1616] : memref<64x1000000xf32, #tpu.memory_space<hbm>> -> memref<64x128xf32, #tpu.memory_space<hbm>>
        tpu.wait_dma2 semaphore(%arg16 : memref<!tpu.dma_semaphore, #tpu.memory_space<semaphore_mem>>) src(%dma_wait3A_1617 : memref<64x128xf32, #tpu.memory_space<hbm>>) dst(%dma_wait3A_1614 : memref<64x128xf32, #tpu.memory_space<vmem>>)
        %sub3A_1618 = arith.constant 1 : i32
        %sub3A_1619 = arith.subi %squeeze3A_1487, %sub3A_1618 : i32
        %add3A_1620 = arith.constant 6 : i32
        %add3A_1621 = arith.addi %sub3A_1619, %add3A_1620 : i32
        %ge3A = arith.constant 1 : i32
        %ge3A_1622 = arith.cmpi sge, %squeeze3A_1487, %ge3A : i32
        %lt3A_1623 = arith.cmpi slt, %add3A_1621, %add3A_1248 : i32
        %and3A_1624 = arith.andi %ge3A_1622, %lt3A_1623 : i1
        %convert_element_type3A_1625 = arith.extui %and3A_1624 : i1 to i32
        %cond3A_1626 = arith.constant 0 : i32
        %cond3A_1627 = arith.cmpi ne, %convert_element_type3A_1625, %cond3A_1626 : i32
        scf.if %cond3A_1627 {
          %sub3A_1628 = arith.constant 1 : i32
          %sub3A_1629 = arith.subi %squeeze3A_1487, %sub3A_1628 : i32
          %rem3A_1630 = arith.constant 6 : i32
          %rem3A_1631 = arith.remsi %sub3A_1629, %rem3A_1630 : i32
          %and3A_1632 = arith.constant -16 : i32
          %and3A_1633 = arith.andi %add3A_1621, %and3A_1632 : i32
          %get3A_1634 = arith.index_cast %and3A_1633 : i32 to index
          %get3A_1635 = tpu.vector_load %arg11[%get3A_1634] {strides = array<i32>} : memref<528xi32, #tpu.memory_space<vmem>>, vector<16xi32>,
          %and3A_1636 = arith.constant 15 : i32
          %and3A_1637 = arith.andi %add3A_1621, %and3A_1636 : i32
          %broadcast_in_dim3A_1638 = vector.broadcast %and3A_1637 : i32 to vector<16xi32>
          %lt3A_1639 = arith.constant 0 : i32
          %lt3A_1640 = vector.broadcast %lt3A_1639 : i32 to vector<16xi32>
          %lt3A_1641 = arith.cmpi slt, %broadcast_in_dim3A_1638, %lt3A_1640 : vector<16xi32>
          %add3A_1642 = arith.constant 16 : i32
          %add3A_1643 = vector.broadcast %add3A_1642 : i32 to vector<16xi32>
          %add3A_1644 = arith.addi %broadcast_in_dim3A_1638, %add3A_1643 : vector<16xi32>
          %select_n3A_1645 = arith.select %lt3A_1641, %add3A_1644, %broadcast_in_dim3A_1638 : vector<16xi1>, vector<16xi32>
          %broadcast_in_dim3A_1646 = vector.shape_cast %select_n3A_1645 : vector<16xi32> to vector<16x1xi32>
          %gather3A_1647 = vector.shape_cast %broadcast_in_dim3A_1646 : vector<16x1xi32> to vector<16xi32>
          %gather3A_1648 = tpu.dynamic_gather %get3A_1635[%gather3A_1647] in [0] : vector<16xi32>, vector<16xi32> -> vector<16xi32>
          %slice3A_1649 = vector.extract_strided_slice %gather3A_1648 {offsets = [0], sizes = [1], strides = [1]} : vector<16xi32> to vector<1xi32>
          %squeeze3A_1650 = vector.extract %slice3A_1649[0] : i32 from vector<1xi32>
          %shift_left3A = arith.constant 7 : i32
          %shift_left3A_1651 = arith.shli %squeeze3A_1650, %shift_left3A : i32
          %multiple_of3A = tpu.assume_multiple %shift_left3A_1651, 128 : i32
          %dma_start3A = arith.constant 0 : i32
          %dma_start3A_1652 = arith.constant 0 : i32
          %dma_start3A_1653 = tpu.memref_slice %arg13[%rem3A_1631, %dma_start3A, %dma_start3A_1652] : memref<6x64x128xf32, #tpu.memory_space<vmem>> -> memref<1x64x128xf32, #tpu.memory_space<vmem>>
          %dma_start3A_1654 = tpu.memref_squeeze %dma_start3A_1653 : memref<1x64x128xf32, #tpu.memory_space<vmem>> -> memref<64x128xf32, #tpu.memory_space<vmem>>
          %dma_start3A_1655 = arith.constant 0 : i32
          %dma_start3A_1656 = tpu.memref_slice %arg5[%dma_start3A_1655, %multiple_of3A] : memref<64x1000000xf32, #tpu.memory_space<hbm>> -> memref<64x128xf32, #tpu.memory_space<hbm>>
          %dma_start3A_1657 = arith.constant 0 : i32
          %dma_start3A_1658 = arith.constant 0 : i32
          %dma_start3A_1659 = tpu.memref_slice %arg13[%rem3A_1631, %dma_start3A_1657, %dma_start3A_1658] : memref<6x64x128xf32, #tpu.memory_space<vmem>> -> memref<1x64x128xf32, #tpu.memory_space<vmem>>
          %dma_start3A_1660 = tpu.memref_squeeze %dma_start3A_1659 : memref<1x64x128xf32, #tpu.memory_space<vmem>> -> memref<64x128xf32, #tpu.memory_space<vmem>>
          %dma_start3A_1661 = arith.constant 0 : i32
          %dma_start3A_1662 = tpu.memref_slice %arg5[%dma_start3A_1661, %multiple_of3A] : memref<64x1000000xf32, #tpu.memory_space<hbm>> -> memref<64x128xf32, #tpu.memory_space<hbm>>
          tpu.enqueue_dma source(%dma_start3A_1662 : memref<64x128xf32, #tpu.memory_space<hbm>>) target(%dma_start3A_1660 : memref<64x128xf32, #tpu.memory_space<vmem>>) target_semaphore(%arg16 : memref<!tpu.dma_semaphore, #tpu.memory_space<semaphore_mem>>)
        } else {
        }
      } else {
      }
      %shift_right_logical3A_1515 = arith.constant 7 : i32
      %shift_right_logical3A_1516 = arith.shrui %add3A_1469, %shift_right_logical3A_1515 : i32
      %and3A_1517 = arith.constant 112 : i32
      %and3A_1518 = arith.andi %add3A_1469, %and3A_1517 : i32
      %get3A_1519 = arith.index_cast %shift_right_logical3A_1516 : i32 to index
      %get3A_1520 = arith.index_cast %and3A_1518 : i32 to index
      %get3A_1521 = tpu.vector_load %arg7[%get3A_1519, %get3A_1520] {strides = array<i32>} : memref<4x128xi32, #tpu.memory_space<vmem>>, vector<16xi32>,
      %and3A_1522 = arith.constant 15 : i32
      %and3A_1523 = arith.andi %add3A_1469, %and3A_1522 : i32
      %broadcast_in_dim3A_1524 = vector.broadcast %and3A_1523 : i32 to vector<16xi32>
      %lt3A_1525 = arith.constant 0 : i32
      %lt3A_1526 = vector.broadcast %lt3A_1525 : i32 to vector<16xi32>
      %lt3A_1527 = arith.cmpi slt, %broadcast_in_dim3A_1524, %lt3A_1526 : vector<16xi32>
      %add3A_1528 = arith.constant 16 : i32
      %add3A_1529 = vector.broadcast %add3A_1528 : i32 to vector<16xi32>
      %add3A_1530 = arith.addi %broadcast_in_dim3A_1524, %add3A_1529 : vector<16xi32>
      %select_n3A_1531 = arith.select %lt3A_1527, %add3A_1530, %broadcast_in_dim3A_1524 : vector<16xi1>, vector<16xi32>
      %broadcast_in_dim3A_1532 = vector.shape_cast %select_n3A_1531 : vector<16xi32> to vector<16x1xi32>
      %gather3A_1533 = vector.shape_cast %broadcast_in_dim3A_1532 : vector<16x1xi32> to vector<16xi32>
      %gather3A_1534 = tpu.dynamic_gather %get3A_1521[%gather3A_1533] in [0] : vector<16xi32>, vector<16xi32> -> vector<16xi32>
      %and3A_1535 = arith.constant 127 : i32
      %and3A_1536 = vector.broadcast %and3A_1535 : i32 to vector<16xi32>
      %and3A_1537 = arith.andi %gather3A_1534, %and3A_1536 : vector<16xi32>
      %rem3A = arith.constant 6 : i32
      %rem3A_1538 = arith.remsi %squeeze3A_1487, %rem3A : i32
      %broadcast_in_dim3A_1539 = vector.broadcast %rem3A_1538 : i32 to vector<16xi32>
      %iota3A = tpu.iota {dimensions = array<i32: 0>} : vector<16xi32>
      %add3A_1540 = arith.constant 0 : i32
      %add3A_1541 = vector.broadcast %add3A_1540 : i32 to vector<16xi32>
      %add3A_1542 = arith.addi %iota3A, %add3A_1541 : vector<16xi32>
      %gather3A_1543 = tpu.vector_load_idx %arg13[%broadcast_in_dim3A_1539, %add3A_1542, %and3A_1537] : memref<6x64x128xf32, #tpu.memory_space<vmem>>[vector<16xi32>, vector<16xi32>, vector<16xi32>], vector<16xf32>,
      %get3A_1544 = arith.constant 1 : i32
      %get3A_1545 = arith.index_cast %get3A_1544 : i32 to index
      %get3A_1546 = arith.index_cast %scan3A_1467 : i32 to index
      %get3A_1547 = arith.constant 0 : index
      %get3A_1548 = tpu.vector_load %arg14[%get3A_1545, %get3A_1546, %get3A_1547] {strides = array<i32>} : memref<2x128x64xf32, #tpu.memory_space<vmem>>, vector<16xf32>,
      %mul3A_1549 = arith.mulf %gather3A_1543, %get3A_1548 : vector<16xf32>
      %swap3A_1550 = arith.constant 1 : i32
      %swap3A_1551 = arith.index_cast %swap3A_1550 : i32 to index
      %swap3A_1552 = arith.index_cast %scan3A_1467 : i32 to index
      %swap3A_1553 = arith.constant 0 : index
      %swap3A_1554 = tpu.vector_load %arg15[%swap3A_1551, %swap3A_1552, %swap3A_1553] {strides = array<i32>} : memref<2x128x64xf32, #tpu.memory_space<vmem>>, vector<16xf32>,
      tpu.vector_store %arg15[%swap3A_1551, %swap3A_1552, %swap3A_1553], %mul3A_1549 {strides = array<i32>} : memref<2x128x64xf32, #tpu.memory_space<vmem>>, vector<16xf32>,
      %iota3A_1555 = tpu.iota {dimensions = array<i32: 0>} : vector<16xi32>
      %add3A_1556 = arith.constant 16 : i32
      %add3A_1557 = vector.broadcast %add3A_1556 : i32 to vector<16xi32>
      %add3A_1558 = arith.addi %iota3A_1555, %add3A_1557 : vector<16xi32>
      %gather3A_1559 = tpu.vector_load_idx %arg13[%broadcast_in_dim3A_1539, %add3A_1558, %and3A_1537] : memref<6x64x128xf32, #tpu.memory_space<vmem>>[vector<16xi32>, vector<16xi32>, vector<16xi32>], vector<16xf32>,
      %get3A_1560 = arith.constant 1 : i32
      %get3A_1561 = arith.index_cast %get3A_1560 : i32 to index
      %get3A_1562 = arith.index_cast %scan3A_1467 : i32 to index
      %get3A_1563 = arith.constant 16 : index
      %get3A_1564 = tpu.vector_load %arg14[%get3A_1561, %get3A_1562, %get3A_1563] {strides = array<i32>} : memref<2x128x64xf32, #tpu.memory_space<vmem>>, vector<16xf32>,
      %mul3A_1565 = arith.mulf %gather3A_1559, %get3A_1564 : vector<16xf32>
      %swap3A_1566 = arith.constant 1 : i32
      %swap3A_1567 = arith.index_cast %swap3A_1566 : i32 to index
      %swap3A_1568 = arith.index_cast %scan3A_1467 : i32 to index
      %swap3A_1569 = arith.constant 16 : index
      %swap3A_1570 = tpu.vector_load %arg15[%swap3A_1567, %swap3A_1568, %swap3A_1569] {strides = array<i32>} : memref<2x128x64xf32, #tpu.memory_space<vmem>>, vector<16xf32>,
      tpu.vector_store %arg15[%swap3A_1567, %swap3A_1568, %swap3A_1569], %mul3A_1565 {strides = array<i32>} : memref<2x128x64xf32, #tpu.memory_space<vmem>>, vector<16xf32>,
      %iota3A_1571 = tpu.iota {dimensions = array<i32: 0>} : vector<16xi32>
      %add3A_1572 = arith.constant 32 : i32
      %add3A_1573 = vector.broadcast %add3A_1572 : i32 to vector<16xi32>
      %add3A_1574 = arith.addi %iota3A_1571, %add3A_1573 : vector<16xi32>
      %gather3A_1575 = tpu.vector_load_idx %arg13[%broadcast_in_dim3A_1539, %add3A_1574, %and3A_1537] : memref<6x64x128xf32, #tpu.memory_space<vmem>>[vector<16xi32>, vector<16xi32>, vector<16xi32>], vector<16xf32>,
      %get3A_1576 = arith.constant 1 : i32
      %get3A_1577 = arith.index_cast %get3A_1576 : i32 to index
      %get3A_1578 = arith.index_cast %scan3A_1467 : i32 to index
      %get3A_1579 = arith.constant 32 : index
      %get3A_1580 = tpu.vector_load %arg14[%get3A_1577, %get3A_1578, %get3A_1579] {strides = array<i32>} : memref<2x128x64xf32, #tpu.memory_space<vmem>>, vector<16xf32>,
      %mul3A_1581 = arith.mulf %gather3A_1575, %get3A_1580 : vector<16xf32>
      %swap3A_1582 = arith.constant 1 : i32
      %swap3A_1583 = arith.index_cast %swap3A_1582 : i32 to index
      %swap3A_1584 = arith.index_cast %scan3A_1467 : i32 to index
      %swap3A_1585 = arith.constant 32 : index
      %swap3A_1586 = tpu.vector_load %arg15[%swap3A_1583, %swap3A_1584, %swap3A_1585] {strides = array<i32>} : memref<2x128x64xf32, #tpu.memory_space<vmem>>, vector<16xf32>,
      tpu.vector_store %arg15[%swap3A_1583, %swap3A_1584, %swap3A_1585], %mul3A_1581 {strides = array<i32>} : memref<2x128x64xf32, #tpu.memory_space<vmem>>, vector<16xf32>,
      %iota3A_1587 = tpu.iota {dimensions = array<i32: 0>} : vector<16xi32>
      %add3A_1588 = arith.constant 48 : i32
      %add3A_1589 = vector.broadcast %add3A_1588 : i32 to vector<16xi32>
      %add3A_1590 = arith.addi %iota3A_1587, %add3A_1589 : vector<16xi32>
      %gather3A_1591 = tpu.vector_load_idx %arg13[%broadcast_in_dim3A_1539, %add3A_1590, %and3A_1537] : memref<6x64x128xf32, #tpu.memory_space<vmem>>[vector<16xi32>, vector<16xi32>, vector<16xi32>], vector<16xf32>,
      %get3A_1592 = arith.constant 1 : i32
      %get3A_1593 = arith.index_cast %get3A_1592 : i32 to index
      %get3A_1594 = arith.index_cast %scan3A_1467 : i32 to index
      %get3A_1595 = arith.constant 48 : index
      %get3A_1596 = tpu.vector_load %arg14[%get3A_1593, %get3A_1594, %get3A_1595] {strides = array<i32>} : memref<2x128x64xf32, #tpu.memory_space<vmem>>, vector<16xf32>,
      %mul3A_1597 = arith.mulf %gather3A_1591, %get3A_1596 : vector<16xf32>
      %swap3A_1598 = arith.constant 1 : i32
      %swap3A_1599 = arith.index_cast %swap3A_1598 : i32 to index
      %swap3A_1600 = arith.index_cast %scan3A_1467 : i32 to index
      %swap3A_1601 = arith.constant 48 : index
      %swap3A_1602 = tpu.vector_load %arg15[%swap3A_1599, %swap3A_1600, %swap3A_1601] {strides = array<i32>} : memref<2x128x64xf32, #tpu.memory_space<vmem>>, vector<16xf32>,
      tpu.vector_store %arg15[%swap3A_1599, %swap3A_1600, %swap3A_1601], %mul3A_1597 {strides = array<i32>} : memref<2x128x64xf32, #tpu.memory_space<vmem>>, vector<16xf32>,
    }
    %scan3A_1340 = arith.constant 128 : i32
    %scan3A_1341 = arith.constant 0 : i32
    %scan3A_1342 = arith.constant 0 : i32
    %scan3A_1343 = arith.constant 128 : i32
    %scan3A_1344 = arith.addi %scan3A_1342, %scan3A_1343 : i32
    %scan3A_1345 = arith.constant 1 : i32
    scf.for %scan3A_1467 = %scan3A_1342 to %scan3A_1344 step %scan3A_1345  : i32 {
      %add3A_1468 = arith.constant 128 : i32
      %add3A_1469 = arith.addi %add3A_1468, %scan3A_1467 : i32
      %shift_right_logical3A_1470 = arith.constant 7 : i32
      %shift_right_logical3A_1471 = arith.shrui %add3A_1469, %shift_right_logical3A_1470 : i32
      %and3A = arith.constant 112 : i32
      %and3A_1472 = arith.andi %add3A_1469, %and3A : i32
      %get3A_1473 = arith.index_cast %shift_right_logical3A_1471 : i32 to index
      %get3A_1474 = arith.index_cast %and3A_1472 : i32 to index
      %get3A_1475 = tpu.vector_load %arg8[%get3A_1473, %get3A_1474] {strides = array<i32>} : memref<4x128xi32, #tpu.memory_space<vmem>>, vector<16xi32>,
      %and3A_1476 = arith.constant 15 : i32
      %and3A_1477 = arith.andi %add3A_1469, %and3A_1476 : i32
      %broadcast_in_dim3A_1478 = vector.broadcast %and3A_1477 : i32 to vector<16xi32>
      %lt3A = arith.constant 0 : i32
      %lt3A_1479 = vector.broadcast %lt3A : i32 to vector<16xi32>
      %lt3A_1480 = arith.cmpi slt, %broadcast_in_dim3A_1478, %lt3A_1479 : vector<16xi32>
      %add3A_1481 = arith.constant 16 : i32
      %add3A_1482 = vector.broadcast %add3A_1481 : i32 to vector<16xi32>
      %add3A_1483 = arith.addi %broadcast_in_dim3A_1478, %add3A_1482 : vector<16xi32>
      %select_n3A = arith.select %lt3A_1480, %add3A_1483, %broadcast_in_dim3A_1478 : vector<16xi1>, vector<16xi32>
      %broadcast_in_dim3A_1484 = vector.shape_cast %select_n3A : vector<16xi32> to vector<16x1xi32>
      %gather3A = vector.shape_cast %broadcast_in_dim3A_1484 : vector<16x1xi32> to vector<16xi32>
      %gather3A_1485 = tpu.dynamic_gather %get3A_1475[%gather3A] in [0] : vector<16xi32>, vector<16xi32> -> vector<16xi32>
      %slice3A_1486 = vector.extract_strided_slice %gather3A_1485 {offsets = [0], sizes = [1], strides = [1]} : vector<16xi32> to vector<1xi32>
      %squeeze3A_1487 = vector.extract %slice3A_1486[0] : i32 from vector<1xi32>
      %dma_start3A = arith.constant 1 : i32
      %dma_start3A_1488 = arith.constant 0 : i32
      %dma_start3A_1489 = tpu.memref_slice %arg15[%dma_start3A, %scan3A_1467, %dma_start3A_1488] : memref<2x128x64xf32, #tpu.memory_space<vmem>> -> memref<1x1x64xf32, #tpu.memory_space<vmem>>
      %dma_start3A_1490 = tpu.memref_squeeze %dma_start3A_1489 : memref<1x1x64xf32, #tpu.memory_space<vmem>> -> memref<1x64xf32, #tpu.memory_space<vmem>>
      %dma_start3A_1491 = arith.constant 0 : i32
      %dma_start3A_1492 = tpu.memref_slice %arg6[%squeeze3A_1487, %dma_start3A_1491] : memref<16384x64xf32, #tpu.memory_space<hbm>> -> memref<1x64xf32, #tpu.memory_space<hbm>>
      %dma_start3A_1493 = arith.constant 0 : i32
      %dma_start3A_1494 = tpu.memref_slice %arg6[%squeeze3A_1487, %dma_start3A_1493] : memref<16384x64xf32, #tpu.memory_space<hbm>> -> memref<1x64xf32, #tpu.memory_space<hbm>>
      %dma_start3A_1495 = arith.constant 0 : i32
      %dma_start3A_1496 = tpu.memref_slice %arg15[%dma_start3A, %scan3A_1467, %dma_start3A_1495] : memref<2x128x64xf32, #tpu.memory_space<vmem>> -> memref<1x1x64xf32, #tpu.memory_space<vmem>>
      %dma_start3A_1497 = tpu.memref_squeeze %dma_start3A_1496 : memref<1x1x64xf32, #tpu.memory_space<vmem>> -> memref<1x64xf32, #tpu.memory_space<vmem>>
      tpu.enqueue_dma source(%dma_start3A_1497 : memref<1x64xf32, #tpu.memory_space<vmem>>) target(%dma_start3A_1494 : memref<1x64xf32, #tpu.memory_space<hbm>>) target_semaphore(%arg18 : memref<!tpu.dma_semaphore, #tpu.memory_space<semaphore_mem>>)
    }
    %scan3A_1346 = arith.constant 128 : i32
    %scan3A_1347 = arith.constant 0 : i32
    %scan3A_1348 = arith.constant 0 : i32
    %scan3A_1349 = arith.constant 128 : i32
    %scan3A_1350 = arith.addi %scan3A_1348, %scan3A_1349 : i32
    %scan3A_1351 = arith.constant 1 : i32
    scf.for %scan3A_1467 = %scan3A_1348 to %scan3A_1350 step %scan3A_1351  : i32 {
      %add3A_1468 = arith.constant 384 : i32
      %add3A_1469 = arith.addi %add3A_1468, %scan3A_1467 : i32
      %shift_right_logical3A_1470 = arith.constant 7 : i32
      %shift_right_logical3A_1471 = arith.shrui %add3A_1469, %shift_right_logical3A_1470 : i32
      %and3A = arith.constant 112 : i32
      %and3A_1472 = arith.andi %add3A_1469, %and3A : i32
      %get3A_1473 = arith.index_cast %shift_right_logical3A_1471 : i32 to index
      %get3A_1474 = arith.index_cast %and3A_1472 : i32 to index
      %get3A_1475 = tpu.vector_load %arg8[%get3A_1473, %get3A_1474] {strides = array<i32>} : memref<4x128xi32, #tpu.memory_space<vmem>>, vector<16xi32>,
      %and3A_1476 = arith.constant 15 : i32
      %and3A_1477 = arith.andi %add3A_1469, %and3A_1476 : i32
      %broadcast_in_dim3A_1478 = vector.broadcast %and3A_1477 : i32 to vector<16xi32>
      %lt3A = arith.constant 0 : i32
      %lt3A_1479 = vector.broadcast %lt3A : i32 to vector<16xi32>
      %lt3A_1480 = arith.cmpi slt, %broadcast_in_dim3A_1478, %lt3A_1479 : vector<16xi32>
      %add3A_1481 = arith.constant 16 : i32
      %add3A_1482 = vector.broadcast %add3A_1481 : i32 to vector<16xi32>
      %add3A_1483 = arith.addi %broadcast_in_dim3A_1478, %add3A_1482 : vector<16xi32>
      %select_n3A = arith.select %lt3A_1480, %add3A_1483, %broadcast_in_dim3A_1478 : vector<16xi1>, vector<16xi32>
      %broadcast_in_dim3A_1484 = vector.shape_cast %select_n3A : vector<16xi32> to vector<16x1xi32>
      %gather3A = vector.shape_cast %broadcast_in_dim3A_1484 : vector<16x1xi32> to vector<16xi32>
      %gather3A_1485 = tpu.dynamic_gather %get3A_1475[%gather3A] in [0] : vector<16xi32>, vector<16xi32> -> vector<16xi32>
      %slice3A_1486 = vector.extract_strided_slice %gather3A_1485 {offsets = [0], sizes = [1], strides = [1]} : vector<16xi32> to vector<1xi32>
      %squeeze3A_1487 = vector.extract %slice3A_1486[0] : i32 from vector<1xi32>
      %dma_start3A = arith.constant 1 : i32
      %dma_start3A_1488 = arith.constant 0 : i32
      %dma_start3A_1489 = tpu.memref_slice %arg14[%dma_start3A, %scan3A_1467, %dma_start3A_1488] : memref<2x128x64xf32, #tpu.memory_space<vmem>> -> memref<1x1x64xf32, #tpu.memory_space<vmem>>
      %dma_start3A_1490 = tpu.memref_squeeze %dma_start3A_1489 : memref<1x1x64xf32, #tpu.memory_space<vmem>> -> memref<1x64xf32, #tpu.memory_space<vmem>>
      %dma_start3A_1491 = arith.constant 0 : i32
      %dma_start3A_1492 = tpu.memref_slice %arg4[%squeeze3A_1487, %dma_start3A_1491] : memref<16384x64xf32, #tpu.memory_space<hbm>> -> memref<1x64xf32, #tpu.memory_space<hbm>>
      %dma_start3A_1493 = arith.constant 0 : i32
      %dma_start3A_1494 = tpu.memref_slice %arg14[%dma_start3A, %scan3A_1467, %dma_start3A_1493] : memref<2x128x64xf32, #tpu.memory_space<vmem>> -> memref<1x1x64xf32, #tpu.memory_space<vmem>>
      %dma_start3A_1495 = tpu.memref_squeeze %dma_start3A_1494 : memref<1x1x64xf32, #tpu.memory_space<vmem>> -> memref<1x64xf32, #tpu.memory_space<vmem>>
      %dma_start3A_1496 = arith.constant 0 : i32
      %dma_start3A_1497 = tpu.memref_slice %arg4[%squeeze3A_1487, %dma_start3A_1496] : memref<16384x64xf32, #tpu.memory_space<hbm>> -> memref<1x64xf32, #tpu.memory_space<hbm>>
      tpu.enqueue_dma source(%dma_start3A_1497 : memref<1x64xf32, #tpu.memory_space<hbm>>) target(%dma_start3A_1495 : memref<1x64xf32, #tpu.memory_space<vmem>>) target_semaphore(%arg17 : memref<!tpu.dma_semaphore, #tpu.memory_space<semaphore_mem>>)
    }
    %scan3A_1352 = arith.constant 128 : i32
    %dma_wait3A_1353 = arith.constant 0 : i32
    %dma_wait3A_1354 = arith.constant 0 : i32
    %dma_wait3A_1355 = arith.constant 0 : i32
    %dma_wait3A_1356 = tpu.memref_slice %arg14[%dma_wait3A_1353, %dma_wait3A_1354, %dma_wait3A_1355] : memref<2x128x64xf32, #tpu.memory_space<vmem>> -> memref<1x128x64xf32, #tpu.memory_space<vmem>>
    %dma_wait3A_1357 = tpu.memref_squeeze %dma_wait3A_1356 : memref<1x128x64xf32, #tpu.memory_space<vmem>> -> memref<128x64xf32, #tpu.memory_space<vmem>>
    %dma_wait3A_1358 = arith.constant 0 : i32
    %dma_wait3A_1359 = arith.constant 0 : i32
    %dma_wait3A_1360 = tpu.memref_slice %arg4[%dma_wait3A_1358, %dma_wait3A_1359] : memref<16384x64xf32, #tpu.memory_space<hbm>> -> memref<128x64xf32, #tpu.memory_space<hbm>>
    %dma_wait3A_1361 = arith.constant 0 : i32
    %dma_wait3A_1362 = arith.constant 0 : i32
    %dma_wait3A_1363 = tpu.memref_slice %arg14[%dma_wait3A_1353, %dma_wait3A_1361, %dma_wait3A_1362] : memref<2x128x64xf32, #tpu.memory_space<vmem>> -> memref<1x128x64xf32, #tpu.memory_space<vmem>>
    %dma_wait3A_1364 = tpu.memref_squeeze %dma_wait3A_1363 : memref<1x128x64xf32, #tpu.memory_space<vmem>> -> memref<128x64xf32, #tpu.memory_space<vmem>>
    %dma_wait3A_1365 = arith.constant 0 : i32
    %dma_wait3A_1366 = arith.constant 0 : i32
    %dma_wait3A_1367 = tpu.memref_slice %arg4[%dma_wait3A_1365, %dma_wait3A_1366] : memref<16384x64xf32, #tpu.memory_space<hbm>> -> memref<128x64xf32, #tpu.memory_space<hbm>>
    tpu.wait_dma2 semaphore(%arg17 : memref<!tpu.dma_semaphore, #tpu.memory_space<semaphore_mem>>) src(%dma_wait3A_1367 : memref<128x64xf32, #tpu.memory_space<hbm>>) dst(%dma_wait3A_1364 : memref<128x64xf32, #tpu.memory_space<vmem>>)
    %dma_wait3A_1368 = arith.constant 0 : i32
    %dma_wait3A_1369 = arith.constant 0 : i32
    %dma_wait3A_1370 = arith.constant 0 : i32
    %dma_wait3A_1371 = tpu.memref_slice %arg15[%dma_wait3A_1368, %dma_wait3A_1369, %dma_wait3A_1370] : memref<2x128x64xf32, #tpu.memory_space<vmem>> -> memref<1x128x64xf32, #tpu.memory_space<vmem>>
    %dma_wait3A_1372 = tpu.memref_squeeze %dma_wait3A_1371 : memref<1x128x64xf32, #tpu.memory_space<vmem>> -> memref<128x64xf32, #tpu.memory_space<vmem>>
    %dma_wait3A_1373 = arith.constant 0 : i32
    %dma_wait3A_1374 = arith.constant 0 : i32
    %dma_wait3A_1375 = tpu.memref_slice %arg6[%dma_wait3A_1373, %dma_wait3A_1374] : memref<16384x64xf32, #tpu.memory_space<hbm>> -> memref<128x64xf32, #tpu.memory_space<hbm>>
    %dma_wait3A_1376 = arith.constant 0 : i32
    %dma_wait3A_1377 = arith.constant 0 : i32
    %dma_wait3A_1378 = tpu.memref_slice %arg6[%dma_wait3A_1376, %dma_wait3A_1377] : memref<16384x64xf32, #tpu.memory_space<hbm>> -> memref<128x64xf32, #tpu.memory_space<hbm>>
    %dma_wait3A_1379 = arith.constant 0 : i32
    %dma_wait3A_1380 = arith.constant 0 : i32
    %dma_wait3A_1381 = tpu.memref_slice %arg15[%dma_wait3A_1368, %dma_wait3A_1379, %dma_wait3A_1380] : memref<2x128x64xf32, #tpu.memory_space<vmem>> -> memref<1x128x64xf32, #tpu.memory_space<vmem>>
    %dma_wait3A_1382 = tpu.memref_squeeze %dma_wait3A_1381 : memref<1x128x64xf32, #tpu.memory_space<vmem>> -> memref<128x64xf32, #tpu.memory_space<vmem>>
    tpu.wait_dma2 semaphore(%arg18 : memref<!tpu.dma_semaphore, #tpu.memory_space<semaphore_mem>>) src(%dma_wait3A_1382 : memref<128x64xf32, #tpu.memory_space<vmem>>) dst(%dma_wait3A_1378 : memref<128x64xf32, #tpu.memory_space<hbm>>)
    %scan3A_1383 = arith.constant 0 : i32
    %scan3A_1384 = arith.constant 0 : i32
    %scan3A_1385 = arith.constant 128 : i32
    %scan3A_1386 = arith.addi %scan3A_1384, %scan3A_1385 : i32
    %scan3A_1387 = arith.constant 1 : i32
    scf.for %scan3A_1467 = %scan3A_1384 to %scan3A_1386 step %scan3A_1387  : i32 {
      %add3A_1468 = arith.constant 256 : i32
      %add3A_1469 = arith.addi %add3A_1468, %scan3A_1467 : i32
      %shift_right_logical3A_1470 = arith.constant 7 : i32
      %shift_right_logical3A_1471 = arith.shrui %add3A_1469, %shift_right_logical3A_1470 : i32
      %and3A = arith.constant 112 : i32
      %and3A_1472 = arith.andi %add3A_1469, %and3A : i32
      %get3A_1473 = arith.index_cast %shift_right_logical3A_1471 : i32 to index
      %get3A_1474 = arith.index_cast %and3A_1472 : i32 to index
      %get3A_1475 = tpu.vector_load %arg9[%get3A_1473, %get3A_1474] {strides = array<i32>} : memref<4x128xi32, #tpu.memory_space<vmem>>, vector<16xi32>,
      %and3A_1476 = arith.constant 15 : i32
      %and3A_1477 = arith.andi %add3A_1469, %and3A_1476 : i32
      %broadcast_in_dim3A_1478 = vector.broadcast %and3A_1477 : i32 to vector<16xi32>
      %lt3A = arith.constant 0 : i32
      %lt3A_1479 = vector.broadcast %lt3A : i32 to vector<16xi32>
      %lt3A_1480 = arith.cmpi slt, %broadcast_in_dim3A_1478, %lt3A_1479 : vector<16xi32>
      %add3A_1481 = arith.constant 16 : i32
      %add3A_1482 = vector.broadcast %add3A_1481 : i32 to vector<16xi32>
      %add3A_1483 = arith.addi %broadcast_in_dim3A_1478, %add3A_1482 : vector<16xi32>
      %select_n3A = arith.select %lt3A_1480, %add3A_1483, %broadcast_in_dim3A_1478 : vector<16xi1>, vector<16xi32>
      %broadcast_in_dim3A_1484 = vector.shape_cast %select_n3A : vector<16xi32> to vector<16x1xi32>
      %gather3A = vector.shape_cast %broadcast_in_dim3A_1484 : vector<16x1xi32> to vector<16xi32>
      %gather3A_1485 = tpu.dynamic_gather %get3A_1475[%gather3A] in [0] : vector<16xi32>, vector<16xi32> -> vector<16xi32>
      %slice3A_1486 = vector.extract_strided_slice %gather3A_1485 {offsets = [0], sizes = [1], strides = [1]} : vector<16xi32> to vector<1xi32>
      %squeeze3A_1487 = vector.extract %slice3A_1486[0] : i32 from vector<1xi32>
      %shift_right_logical3A_1488 = arith.constant 7 : i32
      %shift_right_logical3A_1489 = arith.shrui %add3A_1469, %shift_right_logical3A_1488 : i32
      %and3A_1490 = arith.constant 112 : i32
      %and3A_1491 = arith.andi %add3A_1469, %and3A_1490 : i32
      %get3A_1492 = arith.index_cast %shift_right_logical3A_1489 : i32 to index
      %get3A_1493 = arith.index_cast %and3A_1491 : i32 to index
      %get3A_1494 = tpu.vector_load %arg10[%get3A_1492, %get3A_1493] {strides = array<i32>} : memref<4x128xi32, #tpu.memory_space<vmem>>, vector<16xi32>,
      %and3A_1495 = arith.constant 15 : i32
      %and3A_1496 = arith.andi %add3A_1469, %and3A_1495 : i32
      %broadcast_in_dim3A_1497 = vector.broadcast %and3A_1496 : i32 to vector<16xi32>
      %lt3A_1498 = arith.constant 0 : i32
      %lt3A_1499 = vector.broadcast %lt3A_1498 : i32 to vector<16xi32>
      %lt3A_1500 = arith.cmpi slt, %broadcast_in_dim3A_1497, %lt3A_1499 : vector<16xi32>
      %add3A_1501 = arith.constant 16 : i32
      %add3A_1502 = vector.broadcast %add3A_1501 : i32 to vector<16xi32>
      %add3A_1503 = arith.addi %broadcast_in_dim3A_1497, %add3A_1502 : vector<16xi32>
      %select_n3A_1504 = arith.select %lt3A_1500, %add3A_1503, %broadcast_in_dim3A_1497 : vector<16xi1>, vector<16xi32>
      %broadcast_in_dim3A_1505 = vector.shape_cast %select_n3A_1504 : vector<16xi32> to vector<16x1xi32>
      %gather3A_1506 = vector.shape_cast %broadcast_in_dim3A_1505 : vector<16x1xi32> to vector<16xi32>
      %gather3A_1507 = tpu.dynamic_gather %get3A_1494[%gather3A_1506] in [0] : vector<16xi32>, vector<16xi32> -> vector<16xi32>
      %slice3A_1508 = vector.extract_strided_slice %gather3A_1507 {offsets = [0], sizes = [1], strides = [1]} : vector<16xi32> to vector<1xi32>
      %squeeze3A_1509 = vector.extract %slice3A_1508[0] : i32 from vector<1xi32>
      %eq3A_1510 = arith.constant 1 : i32
      %eq3A_1511 = arith.cmpi eq, %squeeze3A_1509, %eq3A_1510 : i32
      %convert_element_type3A_1512 = arith.extui %eq3A_1511 : i1 to i32
      %cond3A_1513 = arith.constant 0 : i32
      %cond3A_1514 = arith.cmpi ne, %convert_element_type3A_1512, %cond3A_1513 : i32
      scf.if %cond3A_1514 {
        %dma_wait3A_1603 = arith.constant 0 : i32
        %dma_wait3A_1604 = arith.constant 0 : i32
        %dma_wait3A_1605 = arith.constant 0 : i32
        %dma_wait3A_1606 = tpu.memref_slice %arg13[%dma_wait3A_1603, %dma_wait3A_1604, %dma_wait3A_1605] : memref<6x64x128xf32, #tpu.memory_space<vmem>> -> memref<1x64x128xf32, #tpu.memory_space<vmem>>
        %dma_wait3A_1607 = tpu.memref_squeeze %dma_wait3A_1606 : memref<1x64x128xf32, #tpu.memory_space<vmem>> -> memref<64x128xf32, #tpu.memory_space<vmem>>
        %dma_wait3A_1608 = arith.constant 0 : i32
        %dma_wait3A_1609 = arith.constant 0 : i32
        %dma_wait3A_1610 = tpu.memref_slice %arg5[%dma_wait3A_1608, %dma_wait3A_1609] : memref<64x1000000xf32, #tpu.memory_space<hbm>> -> memref<64x128xf32, #tpu.memory_space<hbm>>
        %dma_wait3A_1611 = arith.constant 0 : i32
        %dma_wait3A_1612 = arith.constant 0 : i32
        %dma_wait3A_1613 = tpu.memref_slice %arg13[%dma_wait3A_1603, %dma_wait3A_1611, %dma_wait3A_1612] : memref<6x64x128xf32, #tpu.memory_space<vmem>> -> memref<1x64x128xf32, #tpu.memory_space<vmem>>
        %dma_wait3A_1614 = tpu.memref_squeeze %dma_wait3A_1613 : memref<1x64x128xf32, #tpu.memory_space<vmem>> -> memref<64x128xf32, #tpu.memory_space<vmem>>
        %dma_wait3A_1615 = arith.constant 0 : i32
        %dma_wait3A_1616 = arith.constant 0 : i32
        %dma_wait3A_1617 = tpu.memref_slice %arg5[%dma_wait3A_1615, %dma_wait3A_1616] : memref<64x1000000xf32, #tpu.memory_space<hbm>> -> memref<64x128xf32, #tpu.memory_space<hbm>>
        tpu.wait_dma2 semaphore(%arg16 : memref<!tpu.dma_semaphore, #tpu.memory_space<semaphore_mem>>) src(%dma_wait3A_1617 : memref<64x128xf32, #tpu.memory_space<hbm>>) dst(%dma_wait3A_1614 : memref<64x128xf32, #tpu.memory_space<vmem>>)
        %sub3A_1618 = arith.constant 1 : i32
        %sub3A_1619 = arith.subi %squeeze3A_1487, %sub3A_1618 : i32
        %add3A_1620 = arith.constant 6 : i32
        %add3A_1621 = arith.addi %sub3A_1619, %add3A_1620 : i32
        %ge3A = arith.constant 1 : i32
        %ge3A_1622 = arith.cmpi sge, %squeeze3A_1487, %ge3A : i32
        %lt3A_1623 = arith.cmpi slt, %add3A_1621, %add3A_1248 : i32
        %and3A_1624 = arith.andi %ge3A_1622, %lt3A_1623 : i1
        %convert_element_type3A_1625 = arith.extui %and3A_1624 : i1 to i32
        %cond3A_1626 = arith.constant 0 : i32
        %cond3A_1627 = arith.cmpi ne, %convert_element_type3A_1625, %cond3A_1626 : i32
        scf.if %cond3A_1627 {
          %sub3A_1628 = arith.constant 1 : i32
          %sub3A_1629 = arith.subi %squeeze3A_1487, %sub3A_1628 : i32
          %rem3A_1630 = arith.constant 6 : i32
          %rem3A_1631 = arith.remsi %sub3A_1629, %rem3A_1630 : i32
          %and3A_1632 = arith.constant -16 : i32
          %and3A_1633 = arith.andi %add3A_1621, %and3A_1632 : i32
          %get3A_1634 = arith.index_cast %and3A_1633 : i32 to index
          %get3A_1635 = tpu.vector_load %arg11[%get3A_1634] {strides = array<i32>} : memref<528xi32, #tpu.memory_space<vmem>>, vector<16xi32>,
          %and3A_1636 = arith.constant 15 : i32
          %and3A_1637 = arith.andi %add3A_1621, %and3A_1636 : i32
          %broadcast_in_dim3A_1638 = vector.broadcast %and3A_1637 : i32 to vector<16xi32>
          %lt3A_1639 = arith.constant 0 : i32
          %lt3A_1640 = vector.broadcast %lt3A_1639 : i32 to vector<16xi32>
          %lt3A_1641 = arith.cmpi slt, %broadcast_in_dim3A_1638, %lt3A_1640 : vector<16xi32>
          %add3A_1642 = arith.constant 16 : i32
          %add3A_1643 = vector.broadcast %add3A_1642 : i32 to vector<16xi32>
          %add3A_1644 = arith.addi %broadcast_in_dim3A_1638, %add3A_1643 : vector<16xi32>
          %select_n3A_1645 = arith.select %lt3A_1641, %add3A_1644, %broadcast_in_dim3A_1638 : vector<16xi1>, vector<16xi32>
          %broadcast_in_dim3A_1646 = vector.shape_cast %select_n3A_1645 : vector<16xi32> to vector<16x1xi32>
          %gather3A_1647 = vector.shape_cast %broadcast_in_dim3A_1646 : vector<16x1xi32> to vector<16xi32>
          %gather3A_1648 = tpu.dynamic_gather %get3A_1635[%gather3A_1647] in [0] : vector<16xi32>, vector<16xi32> -> vector<16xi32>
          %slice3A_1649 = vector.extract_strided_slice %gather3A_1648 {offsets = [0], sizes = [1], strides = [1]} : vector<16xi32> to vector<1xi32>
          %squeeze3A_1650 = vector.extract %slice3A_1649[0] : i32 from vector<1xi32>
          %shift_left3A = arith.constant 7 : i32
          %shift_left3A_1651 = arith.shli %squeeze3A_1650, %shift_left3A : i32
          %multiple_of3A = tpu.assume_multiple %shift_left3A_1651, 128 : i32
          %dma_start3A = arith.constant 0 : i32
          %dma_start3A_1652 = arith.constant 0 : i32
          %dma_start3A_1653 = tpu.memref_slice %arg13[%rem3A_1631, %dma_start3A, %dma_start3A_1652] : memref<6x64x128xf32, #tpu.memory_space<vmem>> -> memref<1x64x128xf32, #tpu.memory_space<vmem>>
          %dma_start3A_1654 = tpu.memref_squeeze %dma_start3A_1653 : memref<1x64x128xf32, #tpu.memory_space<vmem>> -> memref<64x128xf32, #tpu.memory_space<vmem>>
          %dma_start3A_1655 = arith.constant 0 : i32
          %dma_start3A_1656 = tpu.memref_slice %arg5[%dma_start3A_1655, %multiple_of3A] : memref<64x1000000xf32, #tpu.memory_space<hbm>> -> memref<64x128xf32, #tpu.memory_space<hbm>>
          %dma_start3A_1657 = arith.constant 0 : i32
          %dma_start3A_1658 = arith.constant 0 : i32
          %dma_start3A_1659 = tpu.memref_slice %arg13[%rem3A_1631, %dma_start3A_1657, %dma_start3A_1658] : memref<6x64x128xf32, #tpu.memory_space<vmem>> -> memref<1x64x128xf32, #tpu.memory_space<vmem>>
          %dma_start3A_1660 = tpu.memref_squeeze %dma_start3A_1659 : memref<1x64x128xf32, #tpu.memory_space<vmem>> -> memref<64x128xf32, #tpu.memory_space<vmem>>
          %dma_start3A_1661 = arith.constant 0 : i32
          %dma_start3A_1662 = tpu.memref_slice %arg5[%dma_start3A_1661, %multiple_of3A] : memref<64x1000000xf32, #tpu.memory_space<hbm>> -> memref<64x128xf32, #tpu.memory_space<hbm>>
          tpu.enqueue_dma source(%dma_start3A_1662 : memref<64x128xf32, #tpu.memory_space<hbm>>) target(%dma_start3A_1660 : memref<64x128xf32, #tpu.memory_space<vmem>>) target_semaphore(%arg16 : memref<!tpu.dma_semaphore, #tpu.memory_space<semaphore_mem>>)
        } else {
        }
      } else {
      }
      %shift_right_logical3A_1515 = arith.constant 7 : i32
      %shift_right_logical3A_1516 = arith.shrui %add3A_1469, %shift_right_logical3A_1515 : i32
      %and3A_1517 = arith.constant 112 : i32
      %and3A_1518 = arith.andi %add3A_1469, %and3A_1517 : i32
      %get3A_1519 = arith.index_cast %shift_right_logical3A_1516 : i32 to index
      %get3A_1520 = arith.index_cast %and3A_1518 : i32 to index
      %get3A_1521 = tpu.vector_load %arg7[%get3A_1519, %get3A_1520] {strides = array<i32>} : memref<4x128xi32, #tpu.memory_space<vmem>>, vector<16xi32>,
      %and3A_1522 = arith.constant 15 : i32
      %and3A_1523 = arith.andi %add3A_1469, %and3A_1522 : i32
      %broadcast_in_dim3A_1524 = vector.broadcast %and3A_1523 : i32 to vector<16xi32>
      %lt3A_1525 = arith.constant 0 : i32
      %lt3A_1526 = vector.broadcast %lt3A_1525 : i32 to vector<16xi32>
      %lt3A_1527 = arith.cmpi slt, %broadcast_in_dim3A_1524, %lt3A_1526 : vector<16xi32>
      %add3A_1528 = arith.constant 16 : i32
      %add3A_1529 = vector.broadcast %add3A_1528 : i32 to vector<16xi32>
      %add3A_1530 = arith.addi %broadcast_in_dim3A_1524, %add3A_1529 : vector<16xi32>
      %select_n3A_1531 = arith.select %lt3A_1527, %add3A_1530, %broadcast_in_dim3A_1524 : vector<16xi1>, vector<16xi32>
      %broadcast_in_dim3A_1532 = vector.shape_cast %select_n3A_1531 : vector<16xi32> to vector<16x1xi32>
      %gather3A_1533 = vector.shape_cast %broadcast_in_dim3A_1532 : vector<16x1xi32> to vector<16xi32>
      %gather3A_1534 = tpu.dynamic_gather %get3A_1521[%gather3A_1533] in [0] : vector<16xi32>, vector<16xi32> -> vector<16xi32>
      %and3A_1535 = arith.constant 127 : i32
      %and3A_1536 = vector.broadcast %and3A_1535 : i32 to vector<16xi32>
      %and3A_1537 = arith.andi %gather3A_1534, %and3A_1536 : vector<16xi32>
      %rem3A = arith.constant 6 : i32
      %rem3A_1538 = arith.remsi %squeeze3A_1487, %rem3A : i32
      %broadcast_in_dim3A_1539 = vector.broadcast %rem3A_1538 : i32 to vector<16xi32>
      %iota3A = tpu.iota {dimensions = array<i32: 0>} : vector<16xi32>
      %add3A_1540 = arith.constant 0 : i32
      %add3A_1541 = vector.broadcast %add3A_1540 : i32 to vector<16xi32>
      %add3A_1542 = arith.addi %iota3A, %add3A_1541 : vector<16xi32>
      %gather3A_1543 = tpu.vector_load_idx %arg13[%broadcast_in_dim3A_1539, %add3A_1542, %and3A_1537] : memref<6x64x128xf32, #tpu.memory_space<vmem>>[vector<16xi32>, vector<16xi32>, vector<16xi32>], vector<16xf32>,
      %get3A_1544 = arith.constant 0 : i32
      %get3A_1545 = arith.index_cast %get3A_1544 : i32 to index
      %get3A_1546 = arith.index_cast %scan3A_1467 : i32 to index
      %get3A_1547 = arith.constant 0 : index
      %get3A_1548 = tpu.vector_load %arg14[%get3A_1545, %get3A_1546, %get3A_1547] {strides = array<i32>} : memref<2x128x64xf32, #tpu.memory_space<vmem>>, vector<16xf32>,
      %mul3A_1549 = arith.mulf %gather3A_1543, %get3A_1548 : vector<16xf32>
      %swap3A_1550 = arith.constant 0 : i32
      %swap3A_1551 = arith.index_cast %swap3A_1550 : i32 to index
      %swap3A_1552 = arith.index_cast %scan3A_1467 : i32 to index
      %swap3A_1553 = arith.constant 0 : index
      %swap3A_1554 = tpu.vector_load %arg15[%swap3A_1551, %swap3A_1552, %swap3A_1553] {strides = array<i32>} : memref<2x128x64xf32, #tpu.memory_space<vmem>>, vector<16xf32>,
      tpu.vector_store %arg15[%swap3A_1551, %swap3A_1552, %swap3A_1553], %mul3A_1549 {strides = array<i32>} : memref<2x128x64xf32, #tpu.memory_space<vmem>>, vector<16xf32>,
      %iota3A_1555 = tpu.iota {dimensions = array<i32: 0>} : vector<16xi32>
      %add3A_1556 = arith.constant 16 : i32
      %add3A_1557 = vector.broadcast %add3A_1556 : i32 to vector<16xi32>
      %add3A_1558 = arith.addi %iota3A_1555, %add3A_1557 : vector<16xi32>
      %gather3A_1559 = tpu.vector_load_idx %arg13[%broadcast_in_dim3A_1539, %add3A_1558, %and3A_1537] : memref<6x64x128xf32, #tpu.memory_space<vmem>>[vector<16xi32>, vector<16xi32>, vector<16xi32>], vector<16xf32>,
      %get3A_1560 = arith.constant 0 : i32
      %get3A_1561 = arith.index_cast %get3A_1560 : i32 to index
      %get3A_1562 = arith.index_cast %scan3A_1467 : i32 to index
      %get3A_1563 = arith.constant 16 : index
      %get3A_1564 = tpu.vector_load %arg14[%get3A_1561, %get3A_1562, %get3A_1563] {strides = array<i32>} : memref<2x128x64xf32, #tpu.memory_space<vmem>>, vector<16xf32>,
      %mul3A_1565 = arith.mulf %gather3A_1559, %get3A_1564 : vector<16xf32>
      %swap3A_1566 = arith.constant 0 : i32
      %swap3A_1567 = arith.index_cast %swap3A_1566 : i32 to index
      %swap3A_1568 = arith.index_cast %scan3A_1467 : i32 to index
      %swap3A_1569 = arith.constant 16 : index
      %swap3A_1570 = tpu.vector_load %arg15[%swap3A_1567, %swap3A_1568, %swap3A_1569] {strides = array<i32>} : memref<2x128x64xf32, #tpu.memory_space<vmem>>, vector<16xf32>,
      tpu.vector_store %arg15[%swap3A_1567, %swap3A_1568, %swap3A_1569], %mul3A_1565 {strides = array<i32>} : memref<2x128x64xf32, #tpu.memory_space<vmem>>, vector<16xf32>,
      %iota3A_1571 = tpu.iota {dimensions = array<i32: 0>} : vector<16xi32>
      %add3A_1572 = arith.constant 32 : i32
      %add3A_1573 = vector.broadcast %add3A_1572 : i32 to vector<16xi32>
      %add3A_1574 = arith.addi %iota3A_1571, %add3A_1573 : vector<16xi32>
      %gather3A_1575 = tpu.vector_load_idx %arg13[%broadcast_in_dim3A_1539, %add3A_1574, %and3A_1537] : memref<6x64x128xf32, #tpu.memory_space<vmem>>[vector<16xi32>, vector<16xi32>, vector<16xi32>], vector<16xf32>,
      %get3A_1576 = arith.constant 0 : i32
      %get3A_1577 = arith.index_cast %get3A_1576 : i32 to index
      %get3A_1578 = arith.index_cast %scan3A_1467 : i32 to index
      %get3A_1579 = arith.constant 32 : index
      %get3A_1580 = tpu.vector_load %arg14[%get3A_1577, %get3A_1578, %get3A_1579] {strides = array<i32>} : memref<2x128x64xf32, #tpu.memory_space<vmem>>, vector<16xf32>,
      %mul3A_1581 = arith.mulf %gather3A_1575, %get3A_1580 : vector<16xf32>
      %swap3A_1582 = arith.constant 0 : i32
      %swap3A_1583 = arith.index_cast %swap3A_1582 : i32 to index
      %swap3A_1584 = arith.index_cast %scan3A_1467 : i32 to index
      %swap3A_1585 = arith.constant 32 : index
      %swap3A_1586 = tpu.vector_load %arg15[%swap3A_1583, %swap3A_1584, %swap3A_1585] {strides = array<i32>} : memref<2x128x64xf32, #tpu.memory_space<vmem>>, vector<16xf32>,
      tpu.vector_store %arg15[%swap3A_1583, %swap3A_1584, %swap3A_1585], %mul3A_1581 {strides = array<i32>} : memref<2x128x64xf32, #tpu.memory_space<vmem>>, vector<16xf32>,
      %iota3A_1587 = tpu.iota {dimensions = array<i32: 0>} : vector<16xi32>
      %add3A_1588 = arith.constant 48 : i32
      %add3A_1589 = vector.broadcast %add3A_1588 : i32 to vector<16xi32>
      %add3A_1590 = arith.addi %iota3A_1587, %add3A_1589 : vector<16xi32>
      %gather3A_1591 = tpu.vector_load_idx %arg13[%broadcast_in_dim3A_1539, %add3A_1590, %and3A_1537] : memref<6x64x128xf32, #tpu.memory_space<vmem>>[vector<16xi32>, vector<16xi32>, vector<16xi32>], vector<16xf32>,
      %get3A_1592 = arith.constant 0 : i32
      %get3A_1593 = arith.index_cast %get3A_1592 : i32 to index
      %get3A_1594 = arith.index_cast %scan3A_1467 : i32 to index
      %get3A_1595 = arith.constant 48 : index
      %get3A_1596 = tpu.vector_load %arg14[%get3A_1593, %get3A_1594, %get3A_1595] {strides = array<i32>} : memref<2x128x64xf32, #tpu.memory_space<vmem>>, vector<16xf32>,
      %mul3A_1597 = arith.mulf %gather3A_1591, %get3A_1596 : vector<16xf32>
      %swap3A_1598 = arith.constant 0 : i32
      %swap3A_1599 = arith.index_cast %swap3A_1598 : i32 to index
      %swap3A_1600 = arith.index_cast %scan3A_1467 : i32 to index
      %swap3A_1601 = arith.constant 48 : index
      %swap3A_1602 = tpu.vector_load %arg15[%swap3A_1599, %swap3A_1600, %swap3A_1601] {strides = array<i32>} : memref<2x128x64xf32, #tpu.memory_space<vmem>>, vector<16xf32>,
      tpu.vector_store %arg15[%swap3A_1599, %swap3A_1600, %swap3A_1601], %mul3A_1597 {strides = array<i32>} : memref<2x128x64xf32, #tpu.memory_space<vmem>>, vector<16xf32>,
    }
    %scan3A_1388 = arith.constant 128 : i32
    %scan3A_1389 = arith.constant 0 : i32
    %scan3A_1390 = arith.constant 0 : i32
    %scan3A_1391 = arith.constant 128 : i32
    %scan3A_1392 = arith.addi %scan3A_1390, %scan3A_1391 : i32
    %scan3A_1393 = arith.constant 1 : i32
    scf.for %scan3A_1467 = %scan3A_1390 to %scan3A_1392 step %scan3A_1393  : i32 {
      %add3A_1468 = arith.constant 256 : i32
      %add3A_1469 = arith.addi %add3A_1468, %scan3A_1467 : i32
      %shift_right_logical3A_1470 = arith.constant 7 : i32
      %shift_right_logical3A_1471 = arith.shrui %add3A_1469, %shift_right_logical3A_1470 : i32
      %and3A = arith.constant 112 : i32
      %and3A_1472 = arith.andi %add3A_1469, %and3A : i32
      %get3A_1473 = arith.index_cast %shift_right_logical3A_1471 : i32 to index
      %get3A_1474 = arith.index_cast %and3A_1472 : i32 to index
      %get3A_1475 = tpu.vector_load %arg8[%get3A_1473, %get3A_1474] {strides = array<i32>} : memref<4x128xi32, #tpu.memory_space<vmem>>, vector<16xi32>,
      %and3A_1476 = arith.constant 15 : i32
      %and3A_1477 = arith.andi %add3A_1469, %and3A_1476 : i32
      %broadcast_in_dim3A_1478 = vector.broadcast %and3A_1477 : i32 to vector<16xi32>
      %lt3A = arith.constant 0 : i32
      %lt3A_1479 = vector.broadcast %lt3A : i32 to vector<16xi32>
      %lt3A_1480 = arith.cmpi slt, %broadcast_in_dim3A_1478, %lt3A_1479 : vector<16xi32>
      %add3A_1481 = arith.constant 16 : i32
      %add3A_1482 = vector.broadcast %add3A_1481 : i32 to vector<16xi32>
      %add3A_1483 = arith.addi %broadcast_in_dim3A_1478, %add3A_1482 : vector<16xi32>
      %select_n3A = arith.select %lt3A_1480, %add3A_1483, %broadcast_in_dim3A_1478 : vector<16xi1>, vector<16xi32>
      %broadcast_in_dim3A_1484 = vector.shape_cast %select_n3A : vector<16xi32> to vector<16x1xi32>
      %gather3A = vector.shape_cast %broadcast_in_dim3A_1484 : vector<16x1xi32> to vector<16xi32>
      %gather3A_1485 = tpu.dynamic_gather %get3A_1475[%gather3A] in [0] : vector<16xi32>, vector<16xi32> -> vector<16xi32>
      %slice3A_1486 = vector.extract_strided_slice %gather3A_1485 {offsets = [0], sizes = [1], strides = [1]} : vector<16xi32> to vector<1xi32>
      %squeeze3A_1487 = vector.extract %slice3A_1486[0] : i32 from vector<1xi32>
      %dma_start3A = arith.constant 0 : i32
      %dma_start3A_1488 = arith.constant 0 : i32
      %dma_start3A_1489 = tpu.memref_slice %arg15[%dma_start3A, %scan3A_1467, %dma_start3A_1488] : memref<2x128x64xf32, #tpu.memory_space<vmem>> -> memref<1x1x64xf32, #tpu.memory_space<vmem>>
      %dma_start3A_1490 = tpu.memref_squeeze %dma_start3A_1489 : memref<1x1x64xf32, #tpu.memory_space<vmem>> -> memref<1x64xf32, #tpu.memory_space<vmem>>
      %dma_start3A_1491 = arith.constant 0 : i32
      %dma_start3A_1492 = tpu.memref_slice %arg6[%squeeze3A_1487, %dma_start3A_1491] : memref<16384x64xf32, #tpu.memory_space<hbm>> -> memref<1x64xf32, #tpu.memory_space<hbm>>
      %dma_start3A_1493 = arith.constant 0 : i32
      %dma_start3A_1494 = tpu.memref_slice %arg6[%squeeze3A_1487, %dma_start3A_1493] : memref<16384x64xf32, #tpu.memory_space<hbm>> -> memref<1x64xf32, #tpu.memory_space<hbm>>
      %dma_start3A_1495 = arith.constant 0 : i32
      %dma_start3A_1496 = tpu.memref_slice %arg15[%dma_start3A, %scan3A_1467, %dma_start3A_1495] : memref<2x128x64xf32, #tpu.memory_space<vmem>> -> memref<1x1x64xf32, #tpu.memory_space<vmem>>
      %dma_start3A_1497 = tpu.memref_squeeze %dma_start3A_1496 : memref<1x1x64xf32, #tpu.memory_space<vmem>> -> memref<1x64xf32, #tpu.memory_space<vmem>>
      tpu.enqueue_dma source(%dma_start3A_1497 : memref<1x64xf32, #tpu.memory_space<vmem>>) target(%dma_start3A_1494 : memref<1x64xf32, #tpu.memory_space<hbm>>) target_semaphore(%arg18 : memref<!tpu.dma_semaphore, #tpu.memory_space<semaphore_mem>>)
    }
    %scan3A_1394 = arith.constant 128 : i32
    %dma_wait3A_1395 = arith.constant 1 : i32
    %dma_wait3A_1396 = arith.constant 0 : i32
    %dma_wait3A_1397 = arith.constant 0 : i32
    %dma_wait3A_1398 = tpu.memref_slice %arg14[%dma_wait3A_1395, %dma_wait3A_1396, %dma_wait3A_1397] : memref<2x128x64xf32, #tpu.memory_space<vmem>> -> memref<1x128x64xf32, #tpu.memory_space<vmem>>
    %dma_wait3A_1399 = tpu.memref_squeeze %dma_wait3A_1398 : memref<1x128x64xf32, #tpu.memory_space<vmem>> -> memref<128x64xf32, #tpu.memory_space<vmem>>
    %dma_wait3A_1400 = arith.constant 0 : i32
    %dma_wait3A_1401 = arith.constant 0 : i32
    %dma_wait3A_1402 = tpu.memref_slice %arg4[%dma_wait3A_1400, %dma_wait3A_1401] : memref<16384x64xf32, #tpu.memory_space<hbm>> -> memref<128x64xf32, #tpu.memory_space<hbm>>
    %dma_wait3A_1403 = arith.constant 0 : i32
    %dma_wait3A_1404 = arith.constant 0 : i32
    %dma_wait3A_1405 = tpu.memref_slice %arg14[%dma_wait3A_1395, %dma_wait3A_1403, %dma_wait3A_1404] : memref<2x128x64xf32, #tpu.memory_space<vmem>> -> memref<1x128x64xf32, #tpu.memory_space<vmem>>
    %dma_wait3A_1406 = tpu.memref_squeeze %dma_wait3A_1405 : memref<1x128x64xf32, #tpu.memory_space<vmem>> -> memref<128x64xf32, #tpu.memory_space<vmem>>
    %dma_wait3A_1407 = arith.constant 0 : i32
    %dma_wait3A_1408 = arith.constant 0 : i32
    %dma_wait3A_1409 = tpu.memref_slice %arg4[%dma_wait3A_1407, %dma_wait3A_1408] : memref<16384x64xf32, #tpu.memory_space<hbm>> -> memref<128x64xf32, #tpu.memory_space<hbm>>
    tpu.wait_dma2 semaphore(%arg17 : memref<!tpu.dma_semaphore, #tpu.memory_space<semaphore_mem>>) src(%dma_wait3A_1409 : memref<128x64xf32, #tpu.memory_space<hbm>>) dst(%dma_wait3A_1406 : memref<128x64xf32, #tpu.memory_space<vmem>>)
    %dma_wait3A_1410 = arith.constant 1 : i32
    %dma_wait3A_1411 = arith.constant 0 : i32
    %dma_wait3A_1412 = arith.constant 0 : i32
    %dma_wait3A_1413 = tpu.memref_slice %arg15[%dma_wait3A_1410, %dma_wait3A_1411, %dma_wait3A_1412] : memref<2x128x64xf32, #tpu.memory_space<vmem>> -> memref<1x128x64xf32, #tpu.memory_space<vmem>>
    %dma_wait3A_1414 = tpu.memref_squeeze %dma_wait3A_1413 : memref<1x128x64xf32, #tpu.memory_space<vmem>> -> memref<128x64xf32, #tpu.memory_space<vmem>>
    %dma_wait3A_1415 = arith.constant 0 : i32
    %dma_wait3A_1416 = arith.constant 0 : i32
    %dma_wait3A_1417 = tpu.memref_slice %arg6[%dma_wait3A_1415, %dma_wait3A_1416] : memref<16384x64xf32, #tpu.memory_space<hbm>> -> memref<128x64xf32, #tpu.memory_space<hbm>>
    %dma_wait3A_1418 = arith.constant 0 : i32
    %dma_wait3A_1419 = arith.constant 0 : i32
    %dma_wait3A_1420 = tpu.memref_slice %arg6[%dma_wait3A_1418, %dma_wait3A_1419] : memref<16384x64xf32, #tpu.memory_space<hbm>> -> memref<128x64xf32, #tpu.memory_space<hbm>>
    %dma_wait3A_1421 = arith.constant 0 : i32
    %dma_wait3A_1422 = arith.constant 0 : i32
    %dma_wait3A_1423 = tpu.memref_slice %arg15[%dma_wait3A_1410, %dma_wait3A_1421, %dma_wait3A_1422] : memref<2x128x64xf32, #tpu.memory_space<vmem>> -> memref<1x128x64xf32, #tpu.memory_space<vmem>>
    %dma_wait3A_1424 = tpu.memref_squeeze %dma_wait3A_1423 : memref<1x128x64xf32, #tpu.memory_space<vmem>> -> memref<128x64xf32, #tpu.memory_space<vmem>>
    tpu.wait_dma2 semaphore(%arg18 : memref<!tpu.dma_semaphore, #tpu.memory_space<semaphore_mem>>) src(%dma_wait3A_1424 : memref<128x64xf32, #tpu.memory_space<vmem>>) dst(%dma_wait3A_1420 : memref<128x64xf32, #tpu.memory_space<hbm>>)
    %scan3A_1425 = arith.constant 0 : i32
    %scan3A_1426 = arith.constant 0 : i32
    %scan3A_1427 = arith.constant 128 : i32
    %scan3A_1428 = arith.addi %scan3A_1426, %scan3A_1427 : i32
    %scan3A_1429 = arith.constant 1 : i32
    scf.for %scan3A_1467 = %scan3A_1426 to %scan3A_1428 step %scan3A_1429  : i32 {
      %add3A_1468 = arith.constant 384 : i32
      %add3A_1469 = arith.addi %add3A_1468, %scan3A_1467 : i32
      %shift_right_logical3A_1470 = arith.constant 7 : i32
      %shift_right_logical3A_1471 = arith.shrui %add3A_1469, %shift_right_logical3A_1470 : i32
      %and3A = arith.constant 112 : i32
      %and3A_1472 = arith.andi %add3A_1469, %and3A : i32
      %get3A_1473 = arith.index_cast %shift_right_logical3A_1471 : i32 to index
      %get3A_1474 = arith.index_cast %and3A_1472 : i32 to index
      %get3A_1475 = tpu.vector_load %arg9[%get3A_1473, %get3A_1474] {strides = array<i32>} : memref<4x128xi32, #tpu.memory_space<vmem>>, vector<16xi32>,
      %and3A_1476 = arith.constant 15 : i32
      %and3A_1477 = arith.andi %add3A_1469, %and3A_1476 : i32
      %broadcast_in_dim3A_1478 = vector.broadcast %and3A_1477 : i32 to vector<16xi32>
      %lt3A = arith.constant 0 : i32
      %lt3A_1479 = vector.broadcast %lt3A : i32 to vector<16xi32>
      %lt3A_1480 = arith.cmpi slt, %broadcast_in_dim3A_1478, %lt3A_1479 : vector<16xi32>
      %add3A_1481 = arith.constant 16 : i32
      %add3A_1482 = vector.broadcast %add3A_1481 : i32 to vector<16xi32>
      %add3A_1483 = arith.addi %broadcast_in_dim3A_1478, %add3A_1482 : vector<16xi32>
      %select_n3A = arith.select %lt3A_1480, %add3A_1483, %broadcast_in_dim3A_1478 : vector<16xi1>, vector<16xi32>
      %broadcast_in_dim3A_1484 = vector.shape_cast %select_n3A : vector<16xi32> to vector<16x1xi32>
      %gather3A = vector.shape_cast %broadcast_in_dim3A_1484 : vector<16x1xi32> to vector<16xi32>
      %gather3A_1485 = tpu.dynamic_gather %get3A_1475[%gather3A] in [0] : vector<16xi32>, vector<16xi32> -> vector<16xi32>
      %slice3A_1486 = vector.extract_strided_slice %gather3A_1485 {offsets = [0], sizes = [1], strides = [1]} : vector<16xi32> to vector<1xi32>
      %squeeze3A_1487 = vector.extract %slice3A_1486[0] : i32 from vector<1xi32>
      %shift_right_logical3A_1488 = arith.constant 7 : i32
      %shift_right_logical3A_1489 = arith.shrui %add3A_1469, %shift_right_logical3A_1488 : i32
      %and3A_1490 = arith.constant 112 : i32
      %and3A_1491 = arith.andi %add3A_1469, %and3A_1490 : i32
      %get3A_1492 = arith.index_cast %shift_right_logical3A_1489 : i32 to index
      %get3A_1493 = arith.index_cast %and3A_1491 : i32 to index
      %get3A_1494 = tpu.vector_load %arg10[%get3A_1492, %get3A_1493] {strides = array<i32>} : memref<4x128xi32, #tpu.memory_space<vmem>>, vector<16xi32>,
      %and3A_1495 = arith.constant 15 : i32
      %and3A_1496 = arith.andi %add3A_1469, %and3A_1495 : i32
      %broadcast_in_dim3A_1497 = vector.broadcast %and3A_1496 : i32 to vector<16xi32>
      %lt3A_1498 = arith.constant 0 : i32
      %lt3A_1499 = vector.broadcast %lt3A_1498 : i32 to vector<16xi32>
      %lt3A_1500 = arith.cmpi slt, %broadcast_in_dim3A_1497, %lt3A_1499 : vector<16xi32>
      %add3A_1501 = arith.constant 16 : i32
      %add3A_1502 = vector.broadcast %add3A_1501 : i32 to vector<16xi32>
      %add3A_1503 = arith.addi %broadcast_in_dim3A_1497, %add3A_1502 : vector<16xi32>
      %select_n3A_1504 = arith.select %lt3A_1500, %add3A_1503, %broadcast_in_dim3A_1497 : vector<16xi1>, vector<16xi32>
      %broadcast_in_dim3A_1505 = vector.shape_cast %select_n3A_1504 : vector<16xi32> to vector<16x1xi32>
      %gather3A_1506 = vector.shape_cast %broadcast_in_dim3A_1505 : vector<16x1xi32> to vector<16xi32>
      %gather3A_1507 = tpu.dynamic_gather %get3A_1494[%gather3A_1506] in [0] : vector<16xi32>, vector<16xi32> -> vector<16xi32>
      %slice3A_1508 = vector.extract_strided_slice %gather3A_1507 {offsets = [0], sizes = [1], strides = [1]} : vector<16xi32> to vector<1xi32>
      %squeeze3A_1509 = vector.extract %slice3A_1508[0] : i32 from vector<1xi32>
      %eq3A_1510 = arith.constant 1 : i32
      %eq3A_1511 = arith.cmpi eq, %squeeze3A_1509, %eq3A_1510 : i32
      %convert_element_type3A_1512 = arith.extui %eq3A_1511 : i1 to i32
      %cond3A_1513 = arith.constant 0 : i32
      %cond3A_1514 = arith.cmpi ne, %convert_element_type3A_1512, %cond3A_1513 : i32
      scf.if %cond3A_1514 {
        %dma_wait3A_1603 = arith.constant 0 : i32
        %dma_wait3A_1604 = arith.constant 0 : i32
        %dma_wait3A_1605 = arith.constant 0 : i32
        %dma_wait3A_1606 = tpu.memref_slice %arg13[%dma_wait3A_1603, %dma_wait3A_1604, %dma_wait3A_1605] : memref<6x64x128xf32, #tpu.memory_space<vmem>> -> memref<1x64x128xf32, #tpu.memory_space<vmem>>
        %dma_wait3A_1607 = tpu.memref_squeeze %dma_wait3A_1606 : memref<1x64x128xf32, #tpu.memory_space<vmem>> -> memref<64x128xf32, #tpu.memory_space<vmem>>
        %dma_wait3A_1608 = arith.constant 0 : i32
        %dma_wait3A_1609 = arith.constant 0 : i32
        %dma_wait3A_1610 = tpu.memref_slice %arg5[%dma_wait3A_1608, %dma_wait3A_1609] : memref<64x1000000xf32, #tpu.memory_space<hbm>> -> memref<64x128xf32, #tpu.memory_space<hbm>>
        %dma_wait3A_1611 = arith.constant 0 : i32
        %dma_wait3A_1612 = arith.constant 0 : i32
        %dma_wait3A_1613 = tpu.memref_slice %arg13[%dma_wait3A_1603, %dma_wait3A_1611, %dma_wait3A_1612] : memref<6x64x128xf32, #tpu.memory_space<vmem>> -> memref<1x64x128xf32, #tpu.memory_space<vmem>>
        %dma_wait3A_1614 = tpu.memref_squeeze %dma_wait3A_1613 : memref<1x64x128xf32, #tpu.memory_space<vmem>> -> memref<64x128xf32, #tpu.memory_space<vmem>>
        %dma_wait3A_1615 = arith.constant 0 : i32
        %dma_wait3A_1616 = arith.constant 0 : i32
        %dma_wait3A_1617 = tpu.memref_slice %arg5[%dma_wait3A_1615, %dma_wait3A_1616] : memref<64x1000000xf32, #tpu.memory_space<hbm>> -> memref<64x128xf32, #tpu.memory_space<hbm>>
        tpu.wait_dma2 semaphore(%arg16 : memref<!tpu.dma_semaphore, #tpu.memory_space<semaphore_mem>>) src(%dma_wait3A_1617 : memref<64x128xf32, #tpu.memory_space<hbm>>) dst(%dma_wait3A_1614 : memref<64x128xf32, #tpu.memory_space<vmem>>)
        %sub3A_1618 = arith.constant 1 : i32
        %sub3A_1619 = arith.subi %squeeze3A_1487, %sub3A_1618 : i32
        %add3A_1620 = arith.constant 6 : i32
        %add3A_1621 = arith.addi %sub3A_1619, %add3A_1620 : i32
        %ge3A = arith.constant 1 : i32
        %ge3A_1622 = arith.cmpi sge, %squeeze3A_1487, %ge3A : i32
        %lt3A_1623 = arith.cmpi slt, %add3A_1621, %add3A_1248 : i32
        %and3A_1624 = arith.andi %ge3A_1622, %lt3A_1623 : i1
        %convert_element_type3A_1625 = arith.extui %and3A_1624 : i1 to i32
        %cond3A_1626 = arith.constant 0 : i32
        %cond3A_1627 = arith.cmpi ne, %convert_element_type3A_1625, %cond3A_1626 : i32
        scf.if %cond3A_1627 {
          %sub3A_1628 = arith.constant 1 : i32
          %sub3A_1629 = arith.subi %squeeze3A_1487, %sub3A_1628 : i32
          %rem3A_1630 = arith.constant 6 : i32
          %rem3A_1631 = arith.remsi %sub3A_1629, %rem3A_1630 : i32
          %and3A_1632 = arith.constant -16 : i32
          %and3A_1633 = arith.andi %add3A_1621, %and3A_1632 : i32
          %get3A_1634 = arith.index_cast %and3A_1633 : i32 to index
          %get3A_1635 = tpu.vector_load %arg11[%get3A_1634] {strides = array<i32>} : memref<528xi32, #tpu.memory_space<vmem>>, vector<16xi32>,
          %and3A_1636 = arith.constant 15 : i32
          %and3A_1637 = arith.andi %add3A_1621, %and3A_1636 : i32
          %broadcast_in_dim3A_1638 = vector.broadcast %and3A_1637 : i32 to vector<16xi32>
          %lt3A_1639 = arith.constant 0 : i32
          %lt3A_1640 = vector.broadcast %lt3A_1639 : i32 to vector<16xi32>
          %lt3A_1641 = arith.cmpi slt, %broadcast_in_dim3A_1638, %lt3A_1640 : vector<16xi32>
          %add3A_1642 = arith.constant 16 : i32
          %add3A_1643 = vector.broadcast %add3A_1642 : i32 to vector<16xi32>
          %add3A_1644 = arith.addi %broadcast_in_dim3A_1638, %add3A_1643 : vector<16xi32>
          %select_n3A_1645 = arith.select %lt3A_1641, %add3A_1644, %broadcast_in_dim3A_1638 : vector<16xi1>, vector<16xi32>
          %broadcast_in_dim3A_1646 = vector.shape_cast %select_n3A_1645 : vector<16xi32> to vector<16x1xi32>
          %gather3A_1647 = vector.shape_cast %broadcast_in_dim3A_1646 : vector<16x1xi32> to vector<16xi32>
          %gather3A_1648 = tpu.dynamic_gather %get3A_1635[%gather3A_1647] in [0] : vector<16xi32>, vector<16xi32> -> vector<16xi32>
          %slice3A_1649 = vector.extract_strided_slice %gather3A_1648 {offsets = [0], sizes = [1], strides = [1]} : vector<16xi32> to vector<1xi32>
          %squeeze3A_1650 = vector.extract %slice3A_1649[0] : i32 from vector<1xi32>
          %shift_left3A = arith.constant 7 : i32
          %shift_left3A_1651 = arith.shli %squeeze3A_1650, %shift_left3A : i32
          %multiple_of3A = tpu.assume_multiple %shift_left3A_1651, 128 : i32
          %dma_start3A = arith.constant 0 : i32
          %dma_start3A_1652 = arith.constant 0 : i32
          %dma_start3A_1653 = tpu.memref_slice %arg13[%rem3A_1631, %dma_start3A, %dma_start3A_1652] : memref<6x64x128xf32, #tpu.memory_space<vmem>> -> memref<1x64x128xf32, #tpu.memory_space<vmem>>
          %dma_start3A_1654 = tpu.memref_squeeze %dma_start3A_1653 : memref<1x64x128xf32, #tpu.memory_space<vmem>> -> memref<64x128xf32, #tpu.memory_space<vmem>>
          %dma_start3A_1655 = arith.constant 0 : i32
          %dma_start3A_1656 = tpu.memref_slice %arg5[%dma_start3A_1655, %multiple_of3A] : memref<64x1000000xf32, #tpu.memory_space<hbm>> -> memref<64x128xf32, #tpu.memory_space<hbm>>
          %dma_start3A_1657 = arith.constant 0 : i32
          %dma_start3A_1658 = arith.constant 0 : i32
          %dma_start3A_1659 = tpu.memref_slice %arg13[%rem3A_1631, %dma_start3A_1657, %dma_start3A_1658] : memref<6x64x128xf32, #tpu.memory_space<vmem>> -> memref<1x64x128xf32, #tpu.memory_space<vmem>>
          %dma_start3A_1660 = tpu.memref_squeeze %dma_start3A_1659 : memref<1x64x128xf32, #tpu.memory_space<vmem>> -> memref<64x128xf32, #tpu.memory_space<vmem>>
          %dma_start3A_1661 = arith.constant 0 : i32
          %dma_start3A_1662 = tpu.memref_slice %arg5[%dma_start3A_1661, %multiple_of3A] : memref<64x1000000xf32, #tpu.memory_space<hbm>> -> memref<64x128xf32, #tpu.memory_space<hbm>>
          tpu.enqueue_dma source(%dma_start3A_1662 : memref<64x128xf32, #tpu.memory_space<hbm>>) target(%dma_start3A_1660 : memref<64x128xf32, #tpu.memory_space<vmem>>) target_semaphore(%arg16 : memref<!tpu.dma_semaphore, #tpu.memory_space<semaphore_mem>>)
        } else {
        }
      } else {
      }
      %shift_right_logical3A_1515 = arith.constant 7 : i32
      %shift_right_logical3A_1516 = arith.shrui %add3A_1469, %shift_right_logical3A_1515 : i32
      %and3A_1517 = arith.constant 112 : i32
      %and3A_1518 = arith.andi %add3A_1469, %and3A_1517 : i32
      %get3A_1519 = arith.index_cast %shift_right_logical3A_1516 : i32 to index
      %get3A_1520 = arith.index_cast %and3A_1518 : i32 to index
      %get3A_1521 = tpu.vector_load %arg7[%get3A_1519, %get3A_1520] {strides = array<i32>} : memref<4x128xi32, #tpu.memory_space<vmem>>, vector<16xi32>,
      %and3A_1522 = arith.constant 15 : i32
      %and3A_1523 = arith.andi %add3A_1469, %and3A_1522 : i32
      %broadcast_in_dim3A_1524 = vector.broadcast %and3A_1523 : i32 to vector<16xi32>
      %lt3A_1525 = arith.constant 0 : i32
      %lt3A_1526 = vector.broadcast %lt3A_1525 : i32 to vector<16xi32>
      %lt3A_1527 = arith.cmpi slt, %broadcast_in_dim3A_1524, %lt3A_1526 : vector<16xi32>
      %add3A_1528 = arith.constant 16 : i32
      %add3A_1529 = vector.broadcast %add3A_1528 : i32 to vector<16xi32>
      %add3A_1530 = arith.addi %broadcast_in_dim3A_1524, %add3A_1529 : vector<16xi32>
      %select_n3A_1531 = arith.select %lt3A_1527, %add3A_1530, %broadcast_in_dim3A_1524 : vector<16xi1>, vector<16xi32>
      %broadcast_in_dim3A_1532 = vector.shape_cast %select_n3A_1531 : vector<16xi32> to vector<16x1xi32>
      %gather3A_1533 = vector.shape_cast %broadcast_in_dim3A_1532 : vector<16x1xi32> to vector<16xi32>
      %gather3A_1534 = tpu.dynamic_gather %get3A_1521[%gather3A_1533] in [0] : vector<16xi32>, vector<16xi32> -> vector<16xi32>
      %and3A_1535 = arith.constant 127 : i32
      %and3A_1536 = vector.broadcast %and3A_1535 : i32 to vector<16xi32>
      %and3A_1537 = arith.andi %gather3A_1534, %and3A_1536 : vector<16xi32>
      %rem3A = arith.constant 6 : i32
      %rem3A_1538 = arith.remsi %squeeze3A_1487, %rem3A : i32
      %broadcast_in_dim3A_1539 = vector.broadcast %rem3A_1538 : i32 to vector<16xi32>
      %iota3A = tpu.iota {dimensions = array<i32: 0>} : vector<16xi32>
      %add3A_1540 = arith.constant 0 : i32
      %add3A_1541 = vector.broadcast %add3A_1540 : i32 to vector<16xi32>
      %add3A_1542 = arith.addi %iota3A, %add3A_1541 : vector<16xi32>
      %gather3A_1543 = tpu.vector_load_idx %arg13[%broadcast_in_dim3A_1539, %add3A_1542, %and3A_1537] : memref<6x64x128xf32, #tpu.memory_space<vmem>>[vector<16xi32>, vector<16xi32>, vector<16xi32>], vector<16xf32>,
      %get3A_1544 = arith.constant 1 : i32
      %get3A_1545 = arith.index_cast %get3A_1544 : i32 to index
      %get3A_1546 = arith.index_cast %scan3A_1467 : i32 to index
      %get3A_1547 = arith.constant 0 : index
      %get3A_1548 = tpu.vector_load %arg14[%get3A_1545, %get3A_1546, %get3A_1547] {strides = array<i32>} : memref<2x128x64xf32, #tpu.memory_space<vmem>>, vector<16xf32>,
      %mul3A_1549 = arith.mulf %gather3A_1543, %get3A_1548 : vector<16xf32>
      %swap3A_1550 = arith.constant 1 : i32
      %swap3A_1551 = arith.index_cast %swap3A_1550 : i32 to index
      %swap3A_1552 = arith.index_cast %scan3A_1467 : i32 to index
      %swap3A_1553 = arith.constant 0 : index
      %swap3A_1554 = tpu.vector_load %arg15[%swap3A_1551, %swap3A_1552, %swap3A_1553] {strides = array<i32>} : memref<2x128x64xf32, #tpu.memory_space<vmem>>, vector<16xf32>,
      tpu.vector_store %arg15[%swap3A_1551, %swap3A_1552, %swap3A_1553], %mul3A_1549 {strides = array<i32>} : memref<2x128x64xf32, #tpu.memory_space<vmem>>, vector<16xf32>,
      %iota3A_1555 = tpu.iota {dimensions = array<i32: 0>} : vector<16xi32>
      %add3A_1556 = arith.constant 16 : i32
      %add3A_1557 = vector.broadcast %add3A_1556 : i32 to vector<16xi32>
      %add3A_1558 = arith.addi %iota3A_1555, %add3A_1557 : vector<16xi32>
      %gather3A_1559 = tpu.vector_load_idx %arg13[%broadcast_in_dim3A_1539, %add3A_1558, %and3A_1537] : memref<6x64x128xf32, #tpu.memory_space<vmem>>[vector<16xi32>, vector<16xi32>, vector<16xi32>], vector<16xf32>,
      %get3A_1560 = arith.constant 1 : i32
      %get3A_1561 = arith.index_cast %get3A_1560 : i32 to index
      %get3A_1562 = arith.index_cast %scan3A_1467 : i32 to index
      %get3A_1563 = arith.constant 16 : index
      %get3A_1564 = tpu.vector_load %arg14[%get3A_1561, %get3A_1562, %get3A_1563] {strides = array<i32>} : memref<2x128x64xf32, #tpu.memory_space<vmem>>, vector<16xf32>,
      %mul3A_1565 = arith.mulf %gather3A_1559, %get3A_1564 : vector<16xf32>
      %swap3A_1566 = arith.constant 1 : i32
      %swap3A_1567 = arith.index_cast %swap3A_1566 : i32 to index
      %swap3A_1568 = arith.index_cast %scan3A_1467 : i32 to index
      %swap3A_1569 = arith.constant 16 : index
      %swap3A_1570 = tpu.vector_load %arg15[%swap3A_1567, %swap3A_1568, %swap3A_1569] {strides = array<i32>} : memref<2x128x64xf32, #tpu.memory_space<vmem>>, vector<16xf32>,
      tpu.vector_store %arg15[%swap3A_1567, %swap3A_1568, %swap3A_1569], %mul3A_1565 {strides = array<i32>} : memref<2x128x64xf32, #tpu.memory_space<vmem>>, vector<16xf32>,
      %iota3A_1571 = tpu.iota {dimensions = array<i32: 0>} : vector<16xi32>
      %add3A_1572 = arith.constant 32 : i32
      %add3A_1573 = vector.broadcast %add3A_1572 : i32 to vector<16xi32>
      %add3A_1574 = arith.addi %iota3A_1571, %add3A_1573 : vector<16xi32>
      %gather3A_1575 = tpu.vector_load_idx %arg13[%broadcast_in_dim3A_1539, %add3A_1574, %and3A_1537] : memref<6x64x128xf32, #tpu.memory_space<vmem>>[vector<16xi32>, vector<16xi32>, vector<16xi32>], vector<16xf32>,
      %get3A_1576 = arith.constant 1 : i32
      %get3A_1577 = arith.index_cast %get3A_1576 : i32 to index
      %get3A_1578 = arith.index_cast %scan3A_1467 : i32 to index
      %get3A_1579 = arith.constant 32 : index
      %get3A_1580 = tpu.vector_load %arg14[%get3A_1577, %get3A_1578, %get3A_1579] {strides = array<i32>} : memref<2x128x64xf32, #tpu.memory_space<vmem>>, vector<16xf32>,
      %mul3A_1581 = arith.mulf %gather3A_1575, %get3A_1580 : vector<16xf32>
      %swap3A_1582 = arith.constant 1 : i32
      %swap3A_1583 = arith.index_cast %swap3A_1582 : i32 to index
      %swap3A_1584 = arith.index_cast %scan3A_1467 : i32 to index
      %swap3A_1585 = arith.constant 32 : index
      %swap3A_1586 = tpu.vector_load %arg15[%swap3A_1583, %swap3A_1584, %swap3A_1585] {strides = array<i32>} : memref<2x128x64xf32, #tpu.memory_space<vmem>>, vector<16xf32>,
      tpu.vector_store %arg15[%swap3A_1583, %swap3A_1584, %swap3A_1585], %mul3A_1581 {strides = array<i32>} : memref<2x128x64xf32, #tpu.memory_space<vmem>>, vector<16xf32>,
      %iota3A_1587 = tpu.iota {dimensions = array<i32: 0>} : vector<16xi32>
      %add3A_1588 = arith.constant 48 : i32
      %add3A_1589 = vector.broadcast %add3A_1588 : i32 to vector<16xi32>
      %add3A_1590 = arith.addi %iota3A_1587, %add3A_1589 : vector<16xi32>
      %gather3A_1591 = tpu.vector_load_idx %arg13[%broadcast_in_dim3A_1539, %add3A_1590, %and3A_1537] : memref<6x64x128xf32, #tpu.memory_space<vmem>>[vector<16xi32>, vector<16xi32>, vector<16xi32>], vector<16xf32>,
      %get3A_1592 = arith.constant 1 : i32
      %get3A_1593 = arith.index_cast %get3A_1592 : i32 to index
      %get3A_1594 = arith.index_cast %scan3A_1467 : i32 to index
      %get3A_1595 = arith.constant 48 : index
      %get3A_1596 = tpu.vector_load %arg14[%get3A_1593, %get3A_1594, %get3A_1595] {strides = array<i32>} : memref<2x128x64xf32, #tpu.memory_space<vmem>>, vector<16xf32>,
      %mul3A_1597 = arith.mulf %gather3A_1591, %get3A_1596 : vector<16xf32>
      %swap3A_1598 = arith.constant 1 : i32
      %swap3A_1599 = arith.index_cast %swap3A_1598 : i32 to index
      %swap3A_1600 = arith.index_cast %scan3A_1467 : i32 to index
      %swap3A_1601 = arith.constant 48 : index
      %swap3A_1602 = tpu.vector_load %arg15[%swap3A_1599, %swap3A_1600, %swap3A_1601] {strides = array<i32>} : memref<2x128x64xf32, #tpu.memory_space<vmem>>, vector<16xf32>,
      tpu.vector_store %arg15[%swap3A_1599, %swap3A_1600, %swap3A_1601], %mul3A_1597 {strides = array<i32>} : memref<2x128x64xf32, #tpu.memory_space<vmem>>, vector<16xf32>,
    }
    %scan3A_1430 = arith.constant 128 : i32
    %scan3A_1431 = arith.constant 0 : i32
    %scan3A_1432 = arith.constant 0 : i32
    %scan3A_1433 = arith.constant 128 : i32
    %scan3A_1434 = arith.addi %scan3A_1432, %scan3A_1433 : i32
    %scan3A_1435 = arith.constant 1 : i32
    scf.for %scan3A_1467 = %scan3A_1432 to %scan3A_1434 step %scan3A_1435  : i32 {
      %add3A_1468 = arith.constant 384 : i32
      %add3A_1469 = arith.addi %add3A_1468, %scan3A_1467 : i32
      %shift_right_logical3A_1470 = arith.constant 7 : i32
      %shift_right_logical3A_1471 = arith.shrui %add3A_1469, %shift_right_logical3A_1470 : i32
      %and3A = arith.constant 112 : i32
      %and3A_1472 = arith.andi %add3A_1469, %and3A : i32
      %get3A_1473 = arith.index_cast %shift_right_logical3A_1471 : i32 to index
      %get3A_1474 = arith.index_cast %and3A_1472 : i32 to index
      %get3A_1475 = tpu.vector_load %arg8[%get3A_1473, %get3A_1474] {strides = array<i32>} : memref<4x128xi32, #tpu.memory_space<vmem>>, vector<16xi32>,
      %and3A_1476 = arith.constant 15 : i32
      %and3A_1477 = arith.andi %add3A_1469, %and3A_1476 : i32
      %broadcast_in_dim3A_1478 = vector.broadcast %and3A_1477 : i32 to vector<16xi32>
      %lt3A = arith.constant 0 : i32
      %lt3A_1479 = vector.broadcast %lt3A : i32 to vector<16xi32>
      %lt3A_1480 = arith.cmpi slt, %broadcast_in_dim3A_1478, %lt3A_1479 : vector<16xi32>
      %add3A_1481 = arith.constant 16 : i32
      %add3A_1482 = vector.broadcast %add3A_1481 : i32 to vector<16xi32>
      %add3A_1483 = arith.addi %broadcast_in_dim3A_1478, %add3A_1482 : vector<16xi32>
      %select_n3A = arith.select %lt3A_1480, %add3A_1483, %broadcast_in_dim3A_1478 : vector<16xi1>, vector<16xi32>
      %broadcast_in_dim3A_1484 = vector.shape_cast %select_n3A : vector<16xi32> to vector<16x1xi32>
      %gather3A = vector.shape_cast %broadcast_in_dim3A_1484 : vector<16x1xi32> to vector<16xi32>
      %gather3A_1485 = tpu.dynamic_gather %get3A_1475[%gather3A] in [0] : vector<16xi32>, vector<16xi32> -> vector<16xi32>
      %slice3A_1486 = vector.extract_strided_slice %gather3A_1485 {offsets = [0], sizes = [1], strides = [1]} : vector<16xi32> to vector<1xi32>
      %squeeze3A_1487 = vector.extract %slice3A_1486[0] : i32 from vector<1xi32>
      %dma_start3A = arith.constant 1 : i32
      %dma_start3A_1488 = arith.constant 0 : i32
      %dma_start3A_1489 = tpu.memref_slice %arg15[%dma_start3A, %scan3A_1467, %dma_start3A_1488] : memref<2x128x64xf32, #tpu.memory_space<vmem>> -> memref<1x1x64xf32, #tpu.memory_space<vmem>>
      %dma_start3A_1490 = tpu.memref_squeeze %dma_start3A_1489 : memref<1x1x64xf32, #tpu.memory_space<vmem>> -> memref<1x64xf32, #tpu.memory_space<vmem>>
      %dma_start3A_1491 = arith.constant 0 : i32
      %dma_start3A_1492 = tpu.memref_slice %arg6[%squeeze3A_1487, %dma_start3A_1491] : memref<16384x64xf32, #tpu.memory_space<hbm>> -> memref<1x64xf32, #tpu.memory_space<hbm>>
      %dma_start3A_1493 = arith.constant 0 : i32
      %dma_start3A_1494 = tpu.memref_slice %arg6[%squeeze3A_1487, %dma_start3A_1493] : memref<16384x64xf32, #tpu.memory_space<hbm>> -> memref<1x64xf32, #tpu.memory_space<hbm>>
      %dma_start3A_1495 = arith.constant 0 : i32
      %dma_start3A_1496 = tpu.memref_slice %arg15[%dma_start3A, %scan3A_1467, %dma_start3A_1495] : memref<2x128x64xf32, #tpu.memory_space<vmem>> -> memref<1x1x64xf32, #tpu.memory_space<vmem>>
      %dma_start3A_1497 = tpu.memref_squeeze %dma_start3A_1496 : memref<1x1x64xf32, #tpu.memory_space<vmem>> -> memref<1x64xf32, #tpu.memory_space<vmem>>
      tpu.enqueue_dma source(%dma_start3A_1497 : memref<1x64xf32, #tpu.memory_space<vmem>>) target(%dma_start3A_1494 : memref<1x64xf32, #tpu.memory_space<hbm>>) target_semaphore(%arg18 : memref<!tpu.dma_semaphore, #tpu.memory_space<semaphore_mem>>)
    }
    %scan3A_1436 = arith.constant 128 : i32
    %dma_wait3A_1437 = arith.constant 0 : i32
    %dma_wait3A_1438 = arith.constant 0 : i32
    %dma_wait3A_1439 = arith.constant 0 : i32
    %dma_wait3A_1440 = tpu.memref_slice %arg15[%dma_wait3A_1437, %dma_wait3A_1438, %dma_wait3A_1439] : memref<2x128x64xf32, #tpu.memory_space<vmem>> -> memref<1x128x64xf32, #tpu.memory_space<vmem>>
    %dma_wait3A_1441 = tpu.memref_squeeze %dma_wait3A_1440 : memref<1x128x64xf32, #tpu.memory_space<vmem>> -> memref<128x64xf32, #tpu.memory_space<vmem>>
    %dma_wait3A_1442 = arith.constant 0 : i32
    %dma_wait3A_1443 = arith.constant 0 : i32
    %dma_wait3A_1444 = tpu.memref_slice %arg6[%dma_wait3A_1442, %dma_wait3A_1443] : memref<16384x64xf32, #tpu.memory_space<hbm>> -> memref<128x64xf32, #tpu.memory_space<hbm>>
    %dma_wait3A_1445 = arith.constant 0 : i32
    %dma_wait3A_1446 = arith.constant 0 : i32
    %dma_wait3A_1447 = tpu.memref_slice %arg6[%dma_wait3A_1445, %dma_wait3A_1446] : memref<16384x64xf32, #tpu.memory_space<hbm>> -> memref<128x64xf32, #tpu.memory_space<hbm>>
    %dma_wait3A_1448 = arith.constant 0 : i32
    %dma_wait3A_1449 = arith.constant 0 : i32
    %dma_wait3A_1450 = tpu.memref_slice %arg15[%dma_wait3A_1437, %dma_wait3A_1448, %dma_wait3A_1449] : memref<2x128x64xf32, #tpu.memory_space<vmem>> -> memref<1x128x64xf32, #tpu.memory_space<vmem>>
    %dma_wait3A_1451 = tpu.memref_squeeze %dma_wait3A_1450 : memref<1x128x64xf32, #tpu.memory_space<vmem>> -> memref<128x64xf32, #tpu.memory_space<vmem>>
    tpu.wait_dma2 semaphore(%arg18 : memref<!tpu.dma_semaphore, #tpu.memory_space<semaphore_mem>>) src(%dma_wait3A_1451 : memref<128x64xf32, #tpu.memory_space<vmem>>) dst(%dma_wait3A_1447 : memref<128x64xf32, #tpu.memory_space<hbm>>)
    %dma_wait3A_1452 = arith.constant 0 : i32
    %dma_wait3A_1453 = arith.constant 0 : i32
    %dma_wait3A_1454 = arith.constant 0 : i32
    %dma_wait3A_1455 = tpu.memref_slice %arg15[%dma_wait3A_1452, %dma_wait3A_1453, %dma_wait3A_1454] : memref<2x128x64xf32, #tpu.memory_space<vmem>> -> memref<1x128x64xf32, #tpu.memory_space<vmem>>
    %dma_wait3A_1456 = tpu.memref_squeeze %dma_wait3A_1455 : memref<1x128x64xf32, #tpu.memory_space<vmem>> -> memref<128x64xf32, #tpu.memory_space<vmem>>
    %dma_wait3A_1457 = arith.constant 0 : i32
    %dma_wait3A_1458 = arith.constant 0 : i32
    %dma_wait3A_1459 = tpu.memref_slice %arg6[%dma_wait3A_1457, %dma_wait3A_1458] : memref<16384x64xf32, #tpu.memory_space<hbm>> -> memref<128x64xf32, #tpu.memory_space<hbm>>
    %dma_wait3A_1460 = arith.constant 0 : i32
    %dma_wait3A_1461 = arith.constant 0 : i32
    %dma_wait3A_1462 = tpu.memref_slice %arg6[%dma_wait3A_1460, %dma_wait3A_1461] : memref<16384x64xf32, #tpu.memory_space<hbm>> -> memref<128x64xf32, #tpu.memory_space<hbm>>
    %dma_wait3A_1463 = arith.constant 0 : i32
    %dma_wait3A_1464 = arith.constant 0 : i32
    %dma_wait3A_1465 = tpu.memref_slice %arg15[%dma_wait3A_1452, %dma_wait3A_1463, %dma_wait3A_1464] : memref<2x128x64xf32, #tpu.memory_space<vmem>> -> memref<1x128x64xf32, #tpu.memory_space<vmem>>
    %dma_wait3A_1466 = tpu.memref_squeeze %dma_wait3A_1465 : memref<1x128x64xf32, #tpu.memory_space<vmem>> -> memref<128x64xf32, #tpu.memory_space<vmem>>
    tpu.wait_dma2 semaphore(%arg18 : memref<!tpu.dma_semaphore, #tpu.memory_space<semaphore_mem>>) src(%dma_wait3A_1466 : memref<128x64xf32, #tpu.memory_space<vmem>>) dst(%dma_wait3A_1462 : memref<128x64xf32, #tpu.memory_space<hbm>>)
    return
  }
}

</mosaic_0001>

<sc_bundles>
// kernel: kernel.3.cloned.1.call-start
scs
__scs_entry_jumppad:
0x0: {  	(pc) =	sbr.rel $0x88, $3  }
0x1: {  	(tag) =	ssettag $0x0;
	lr =	simm.s32 $0x1  }
0x2: {  	[smem:$0x3F9E] =	sst lr;
	_ =	strace $0xD0000000  }
0x3: {  	_ = 	snop  }
0x4: {  	_ = 	snop  }
0x5: {  	_ = 	snop  }
0x6: {  	_ = 	snop  }
0x7: {  	_ = 	snop  }
__scs_overlays_trampoline_lowered:
0x8: {  	[smem:$0x3FAD] =	sst s0  }
0x9: {  	[smem:$0x3FAE] =	sst s1  }
0xa: {  	[smem:$0x3FAF] =	sst s2  }
0xb: {  	[smem:$0x3FB0] =	sst s3  }
0xc: {  	[smem:$0x3FB1] =	sst s4  }
0xd: {  	[smem:$0x3FB2] =	sst s5  }
0xe: {  	[smem:$0x3FB3] =	sst s6  }
0xf: {  	[smem:$0x3FB4] =	sst s7  }
0x10: {  	[smem:$0x3FB5] =	sst s8  }
0x11: {  	[smem:$0x3FB6] =	sst s9;
	s0 =	simm.s32 @!p0 $0x0  }
0x12: {  	s1 =	sld [smem:$0x3F9C];
	s0 =	simm.s32 @p0 $0x1  }
0x13: {  	[smem:$0x3FB7] =	sst s0;
	s0 =	simm.s32 @!p1 $0x0  }
0x14: {  	s2 =	sld [smem:$0x3F9B];
	s0 =	simm.s32 @p1 $0x1  }
0x15: {  	[smem:$0x3FB8] =	sst s0;
	s0 =	simm.s32 @!p2 $0x0  }
0x16: {  	s3 =	sld [smem:$0x3FDB];
	s0 =	simm.s32 @p2 $0x1  }
0x17: {  	s4 =	simm.s32 $0x1BF5;
	[smem:$0x3FBA] =	sst s0  }
0x18: {  	s0 =	sld [smem:$0x3F9D];
	_ =	swait.ge [sflag:s4], $0x0  }
0x19: {  	s7 =	sld [smem:$0x3F9E]  }
0x1a: {  	s8 =	sadd.s32 $0xFFFFE003, lr  }
0x1b: {  	s9 =	sadd.s32 $0xFFFFFEF7, lr;
	s5 =	simm.s32 $0xFFFFFFFF;
	p2 =	slt.u32 s8, $0xFFFFF086  }
0x1c: {  	p1 =	slt.u32 s9, $0xF7A;
	s5 =	simm.s32 @!p2 $0x0  }
0x1d: {  	s5 =	simm.s32 @p1 $0x1;
	p0 =	seq.s32 s7, s2  }
0x1e: {  	s7 =	smul.u32 @!p0 $0xF7A, s2;
	p2 =	seq.s32 @!p0 s5, $0x0  }
0x1f: {  	s9 =	smul.u32 $0xF7A, s1;
	s8 =	simm.s32 @!p0 $0x1BF5;
	p2 =	por !p2, p0  }
0x20: {  	[sflag:s8] =	ssyncset.s32 @!p0 $0xFFFFF086;
	s6 =	sadd.s32 @!p0 s3, s7;
	s7 =	simm.s32 @!p0 $0x108  }
0x21: {  	s3 =	sadd.s32 s3, s9;
	s6 =	sadd.s32 @!p0 $0x88, s6;
	s7 =	simm.s32 @p2 $0x1082  }
0x22: {  	[simem:s7], [sflag:s8] =	dma.local @!p0 [hbm:s6], $0xF7A  }
0x23: {  	s9 =	sor.u32 $0xD0000000, s2;
	s6 =	simm.s32 $0x108;
	_ =	swait.ge @!p0 [sflag:s8], $0x0  }
0x24: {  	s3 =	sadd.s32 $0x88, s3;
	s6 =	simm.s32 @!p1 $0x1082;
	[sflag:s4] =	ssyncset.s32 $0xFFFFF086  }
0x25: {  	[simem:s6], [sflag:s4] =	dma.local [hbm:s3], $0xF7A  }
0x26: {  	[smem:$0x3F9E] =	sst s1;
	(tag) =	ssettag s2;
	_ =	strace s9  }
0x27: {  	s1 =	sld [smem:$0x3FAE]  }
0x28: {  	s2 =	sld [smem:$0x3FAF]  }
0x29: {  	s4 =	sld [smem:$0x3FB1]  }
0x2a: {  	p0 =	seq.s32 s5, $0x0;
	s5 =	sld [smem:$0x3FB2]  }
0x2b: {  	s6 =	sld [smem:$0x3FB3]  }
0x2c: {  	s7 =	sld [smem:$0x3FB4]  }
0x2d: {  	s3 =	simm.s32 $0x108;
	s8 =	sld [smem:$0x3FB5]  }
0x2e: {  	s3 =	simm.s32 @!p0 $0x1082;
	s9 =	sld [smem:$0x3FB6]  }
0x2f: {  	lr =	sadd.s32 s0, s3;
	s0 =	sld [smem:$0x3FAD]  }
0x30: {  	s3 =	sld [smem:$0x3FB0]  }
0x31: {  	[smem:$0x3FB9] =	sst s10  }
0x32: {  	s10 =	sld [smem:$0x3FB7];
	_ =	sdelay $0x3  }
0x33: {  	p0 =	seq.s32 s10, $0x1;
	s10 =	sld [smem:$0x3FB9];
	_ =	sdelay $0x3  }
0x34: {  	[smem:$0x3FB9] =	sst s10  }
0x35: {  	s10 =	sld [smem:$0x3FB8];
	_ =	sdelay $0x3  }
0x36: {  	p1 =	seq.s32 s10, $0x1;
	s10 =	sld [smem:$0x3FB9];
	_ =	sdelay $0x3  }
0x37: {  	[smem:$0x3FB9] =	sst s10  }
0x38: {  	s10 =	sld [smem:$0x3FBA]  }
0x39: {  	_ = 	snop;
	(pc) =	sbr.ind lr, $3  }
0x3a: {  	_ = 	snop  }
0x3b: {  	_ = 	snop  }
0x3c: {  	p2 =	seq.s32 s10, $0x1;
	s10 =	sld [smem:$0x3FB9]  }
0x3d: {  	_ =	shalt  }
0x3e: {  	_ =	shalt  }
0x3f: {  	_ =	shalt  }
0x40: {  	_ =	shalt  }
0x41: {  	_ =	shalt  }
0x42: {  	_ =	shalt  }
0x43: {  	_ =	shalt  }
0x44: {  	_ =	shalt  }
0x45: {  	_ =	shalt  }
0x46: {  	_ =	shalt  }
0x47: {  	_ =	shalt  }
0x48: {  	_ =	shalt  }
0x49: {  	_ =	shalt  }
0x4a: {  	_ =	shalt  }
0x4b: {  	_ =	shalt  }
0x4c: {  	_ =	shalt  }
0x4d: {  	_ =	shalt  }
0x4e: {  	_ =	shalt  }
0x4f: {  	_ =	shalt  }
0x50: {  	_ =	shalt  }
0x51: {  	_ =	shalt  }
0x52: {  	_ =	shalt  }
0x53: {  	_ =	shalt  }
0x54: {  	_ =	shalt  }
0x55: {  	_ =	shalt  }
0x56: {  	_ =	shalt  }
0x57: {  	_ =	shalt  }
0x58: {  	_ =	shalt  }
0x59: {  	_ =	shalt  }
0x5a: {  	_ =	shalt  }
0x5b: {  	_ =	shalt  }
0x5c: {  	_ =	shalt  }
0x5d: {  	_ =	shalt  }
0x5e: {  	_ =	shalt  }
0x5f: {  	_ =	shalt  }
0x60: {  	_ =	shalt  }
0x61: {  	_ =	shalt  }
0x62: {  	_ =	shalt  }
0x63: {  	_ =	shalt  }
0x64: {  	_ =	shalt  }
0x65: {  	_ =	shalt  }
0x66: {  	_ =	shalt  }
0x67: {  	_ =	shalt  }
0x68: {  	_ =	shalt  }
0x69: {  	_ =	shalt  }
0x6a: {  	_ =	shalt  }
0x6b: {  	_ =	shalt  }
0x6c: {  	_ =	shalt  }
0x6d: {  	_ =	shalt  }
0x6e: {  	_ =	shalt  }
0x6f: {  	_ =	shalt  }
0x70: {  	_ =	shalt  }
0x71: {  	_ =	shalt  }
0x72: {  	_ =	shalt  }
0x73: {  	_ =	shalt  }
0x74: {  	_ =	shalt  }
0x75: {  	_ =	shalt  }
0x76: {  	_ =	shalt  }
0x77: {  	_ =	shalt  }
0x78: {  	_ =	shalt  }
0x79: {  	_ =	shalt  }
0x7a: {  	_ =	shalt  }
0x7b: {  	_ =	shalt  }
0x7c: {  	_ =	shalt  }
0x7d: {  	_ =	shalt  }
0x7e: {  	_ =	shalt  }
0x7f: {  	_ =	shalt  }
0x80: {  	_ =	shalt  }
0x81: {  	_ =	shalt  }
0x82: {  	_ =	shalt  }
0x83: {  	_ =	shalt  }
0x84: {  	_ =	shalt  }
0x85: {  	_ =	shalt  }
0x86: {  	_ =	shalt  }
0x87: {  	_ =	shalt  }
.Lfunc_end0:
.L_simem_size_0:
called_computation_lowered:
.L_overlay_start_0:
0x88: {  	s2 =	sld [smem:$0x3FD9]  }
0x89: {  	s3 =	sld [smem:$0x3FFE];
	_ =	sdelay $0x1  }
0x8a: {  	s1 =	srdreg.scid  }
0x8b: {  	s0 =	sand.u32 $0x1, s1  }
0x8c: {  	s17 =	sshll.u32 s0, $0xA;
	s2 =	sadd.s32 s3, s2  }
0x8d: {  	s2 =	sadd.s32 s2, s17  }
0x8e: {  	[smem:$0x3FC5] =	sst s2  }
0x8f: {  	_ = 	snop  }
0x90: {  	s2 =	sld [smem:$0x3FC7]  }
0x91: {  	s18 =	sld [smem:$0x3FD0];
	(tm) =	ssettm $0x1  }
0x92: {  	s4 =	sld [smem:$0x3FFB];
	_ =	sdelay $0x3  }
0x93: {  	_ =	strace s4  }
0x94: {  	s4 =	sld [smem:$0x3FFC];
	_ =	sdelay $0x3  }
0x95: {  	_ =	strace s4  }
0x96: {  	s4 =	sld [smem:$0x3FFD];
	_ =	sdelay $0x3  }
0x97: {  	_ =	strace s4  }
0x98: {  	_ =	strace $0x8FFFFFFF  }
0x99: {  	s19 =	sld [smem:$0x3FDB];
	_ =	sdelay $0x1  }
0x9a: {  	s5 =	simm.s32 $_scs_section_size  }
0x9b: {  	s6 =	simm.s32 $_size__tile_overlayer_lowered;
	s7 =	simm.s32 $_tile_overlayer_lowered  }
0x9c: {  	s22 =	simm.s32 $0x1BFF;
	s21 =	sshll.u32 s7, $0x1;
	s4 =	sadd.s32 s5, s19  }
0x9d: {  	s8 =	simm.s32 $0x0;
	s20 =	sshll.u32 s6, $0x1;
	s6 =	sadd.s32 s21, s4  }
0x9e: {  	[timem:s8], [sflag:s22] =	dma.local [hbm:s6], s20  }
0x9f: {  	_ =	swait.ge [sflag:s22], s20  }
0xa0: {  	s5 =	ssub.s32 $0x0, s20;
	[sflag:s22] =	ssyncset.done $0x0  }
0xa1: {  	[sflag:s22] =	ssyncadd.s32 s5;
	_ =	sdelay $0x1  }
0xa2: {  	s23 =	simm.s32 $0x1B8B  }
0xa3: {  	_ =	swait.ge [sflag:s23], $0x1  }
0xa4: {  	[sflag:s23] =	ssyncset.done $0x0  }
0xa5: {  	s25 =	simm.s32 $0x1B8E;
	s24 =	sld [smem:$0x3FFE];
	[sflag:s23] =	ssyncadd.s32 $0xFFFFFFFF  }
0xa6: {  	s26 =	simm.s32 $execute0_lowered;
	[smem:$0x3FD2] =	sst s25  }
0xa7: {  	s6 =	sshll.u32 s26, $0x1;
	_ =	strace $0x80000046;
	[dreg:$0x1] =	wrdreg $0xFFFFFFFF  }
0xa8: {  	s28 =	simm.s32 $_size_execute0_lowered;
	s4 =	sadd.s32 s4, s6;
	[dreg:$0x0] =	wrdreg $0x0  }
0xa9: {  	s6 =	sshll.u32 s28, $0x1;
	[dreg:$0x2] =	wrdreg s4  }
0xaa: {  	[dreg:$0x3] =	wrdreg s6  }
0xab: {  	[dreg:$0x4] =	wrdreg $0xC0  }
0xac: {  	_ =	task [dreg:s8], $0x5FFFF  }
0xad: {  	[dreg:$0x1] =	wrdreg $0xFFFFFFFF  }
0xae: {  	[dreg:$0x0] =	wrdreg $0x60  }
0xaf: {  	[dreg:$0x2] =	wrdreg s18  }
0xb0: {  	[dreg:$0x3] =	wrdreg s24  }
0xb1: {  	[dreg:$0x4] =	wrdreg s2  }
0xb2: {  	[dreg:$0x5] =	wrdreg $0x9  }
0xb3: {  	_ =	task.clear_ibuf [dreg:s8], $0x6FFFF;
	_ =	strace $0x90000046  }
0xb4: {  	s29 =	simm.s32 $0x9;
	_ =	strace $0x80000048  }
0xb5: {  	_ =	swait.ge [sflag:s29], $0x1  }
0xb6: {  	[sflag:s29] =	ssyncadd.s32 $0xFFFFFFFF  }
0xb7: {  	_ =	strace $0x90000048  }
0xb8: {  	_ =	sfence  }
0xb9: {  	s30 =	sld [smem:$0x0];
	_ =	sdelay $0x2  }
0xba: {  	s31 =	sshll.u32 s1, $0xD;
	s1 =	sshrl.u32 s1, $0x2  }
0xbb: {  	s3 =	sand.u32 $0x4000, s31;
	s1 =	sadd.s32 s1, s30  }
0xbc: {  	s0 =	sor.u32 s3, s0;
	s1 =	sshll.u32 s1, $0x11  }
0xbd: {  	s0 =	sor.u32 s1, s0  }
0xbe: {  	s0 =	sadd.s32 $0x8F2B, s0  }
0xbf: {  	[sflag:s0] =	ssyncadd.remote.s32 $0x1  }
0xc0: {  	_ =	sfence.sel $0xFFFF  }
0xc1: {  	[dreg:$0x0] =	wrdreg $0xFFFFFFFF;
	(pc) =	sbr.abs _section_cstart, $3  }
0xc2: {  	[dreg:$0x1] =	wrdreg $0xFFFFFFFF  }
0xc3: {  	_ =	task.clear_ibuf [dreg:s8], $0x2FFFF;
	_ =	strace $0x9FFFFFFF  }
0xc4: {  	(tm) =	ssettm $0x7FFFFFFF  }
0xc5: {  	_ =	shalt  }
tec
execute0_lowered:
.L_overlay_start_1:
0x0: {  	(tag) =	ssettag $0x1  }
0x1: {  	s6 =	rddreg [dreg:$0x0]  }
0x2: {  	s2 =	rddreg [dreg:$0x1]  }
0x3: {  	s3 =	rddreg [dreg:$0x2]  }
0x4: {  	s4 =	srdreg.scid;
	s1 =	stileid.u32;
	s11 =	simm.s32 $0x800  }
0x5: {  	s12 =	simm.s32 $0x400;
	s13 =	simm.s32 $0x7A1400;
	s14 =	simm.s32 $0x4D00  }
0x6: {  	s15 =	simm.s32 $0x2;
	s16 =	simm.s32 $0xD00;
	s17 =	simm.s32 $0x3  }
0x7: {  	s18 =	simm.s32 $0x0;
	s5 =	sand.u32 $0x1, s4;
	s4 =	simm.s32 $0x0  }
0x8: {  	s7 =	sshll.u32 s1, $0x7;
	s8 =	sshll.u32 s5, $0x6;
	[smem:$0x7FF] =	sst s4  }
0x9: {  	s31 =	ssub.s32 $0x2, s5;
	s5 =	sadd.s32 $0x40800, s2;
	s7 =	sor.u32 s8, s7  }
0xa: {  	_ =	strace $0x80000047;
	s10 =	sshrl.u32 s31, $0x1;
	s9 =	sadd.s32 s7, s2  }
0xb: {  	v0 =	vimm.s32 $0xFFFFFFFF;
	v3 =	vlaneseq.u32;
	s8 =	ssub.s32 s31, s10;
	s6 =	sadd.s32 s6, s7;
	s10 =	simm.s32 $0x200  }
0xc: {  	v1 =	vimm.s32 $0x0;
	v2 =	vimm.s32 $0x2;
	v3 =	vmul.u32 $0x80, v3;
	s7 =	sadd.s32 $0x40000, s9;
	s8 =	smax.u32 s8, $0x1;
	s9 =	simm.s32 $0x4  }
.LBB2_1:
0xd: {  	[tilespmem:s4], [sflag:$0x4] =	stream.linear.gather [hbm4b:s6+s4], $0x200, $0x38;
	[tilespmem:$0x1CD00] =	vst v63  }
0xe: {  	_ =	swait.ge [sflag:s9], $0x200  }
0xf: {  	[sflag:s9] =	ssyncset.done $0x0  }
0x10: {  	[sflag:s9] =	ssyncadd.s32 $0xFFFFFE00  }
0x11: {  	[tilespmem:s10], [sflag:$0x4] =	stream.linear.gather [hbm4b:s7+s4], $0x200, $0x38;
	[tilespmem:$0x1CD00] =	vst v63  }
0x12: {  	_ =	swait.ge [sflag:s9], $0x200  }
0x13: {  	[sflag:s9] =	ssyncset.done $0x0  }
0x14: {  	[sflag:s9] =	ssyncadd.s32 $0xFFFFFE00  }
0x15: {  	v4 =	vld [tilespmem:$0x0]  }
0x16: {  	v5 =	vld [tilespmem:$0x10]  }
0x17: {  	v6 =	vld [tilespmem:$0x20]  }
0x18: {  	v7 =	vld [tilespmem:$0x30]  }
0x19: {  	v8 =	vld [tilespmem:$0x40]  }
0x1a: {  	v9 =	vld [tilespmem:$0x50]  }
0x1b: {  	[tilespmem:$0xA80] =	vst v0;
	v10 =	vld [tilespmem:$0x60];
	v4 =	vshrl.u32 v4, $0x7  }
0x1c: {  	v11 =	vld [tilespmem:$0x70];
	v5 =	vshrl.u32 v5, $0x7;
	[tilespmem:$0xA81] =	vst v4  }
0x1d: {  	v29 =	vld [tilespmem:$0x80];
	[tilespmem:$0xA91] =	vst v5;
	v5 =	vshrl.u32 v6, $0x7  }
0x1e: {  	v30 =	vld [tilespmem:$0x90];
	[tilespmem:$0xAA1] =	vst v5;
	v5 =	vshrl.u32 v7, $0x7  }
0x1f: {  	v45 =	vld [tilespmem:$0xA80];
	[tilespmem:$0xAB1] =	vst v5;
	v5 =	vshrl.u32 v8, $0x7  }
0x20: {  	[tilespmem:$0xAC1] =	vst v5;
	v5 =	vshrl.u32 v9, $0x7  }
0x21: {  	v31 =	vld [tilespmem:$0xA0];
	[tilespmem:$0xAD1] =	vst v5;
	v5 =	vshrl.u32 v10, $0x7  }
0x22: {  	v32 =	vld [tilespmem:$0xB0];
	[tilespmem:$0xAE1] =	vst v5;
	v5 =	vshrl.u32 v11, $0x7  }
0x23: {  	v33 =	vld [tilespmem:$0xC0];
	[tilespmem:$0xAF1] =	vst v5;
	v5 =	vshrl.u32 v29, $0x7  }
0x24: {  	v34 =	vld [tilespmem:$0xD0];
	vm0 =	vne.s32 v4, v45;
	[tilespmem:$0xB01] =	vst v5;
	v5 =	vshrl.u32 v30, $0x7  }
0x25: {  	v35 =	vld [tilespmem:$0xE0];
	v52 =	vsel vm0, $0x1, v1;
	[tilespmem:$0xB11] =	vst v5  }
0x26: {  	v36 =	vld [tilespmem:$0xF0];
	v5 =	vshrl.u32 v31, $0x7;
	[tilespmem:$0x600] =	vst v52  }
0x27: {  	v37 =	vld [tilespmem:$0x100];
	[tilespmem:$0xB21] =	vst v5;
	v5 =	vshrl.u32 v32, $0x7  }
0x28: {  	v38 =	vld [tilespmem:$0x110];
	[tilespmem:$0xB31] =	vst v5;
	v5 =	vshrl.u32 v33, $0x7  }
0x29: {  	v39 =	vld [tilespmem:$0x120];
	[tilespmem:$0xB41] =	vst v5;
	v5 =	vshrl.u32 v34, $0x7  }
0x2a: {  	v40 =	vld [tilespmem:$0x130];
	[tilespmem:$0xB51] =	vst v5;
	v5 =	vshrl.u32 v35, $0x7  }
0x2b: {  	v41 =	vld [tilespmem:$0x140];
	[tilespmem:$0xB61] =	vst v5;
	v5 =	vshrl.u32 v36, $0x7  }
0x2c: {  	v42 =	vld [tilespmem:$0x150];
	[tilespmem:$0xB71] =	vst v5;
	v5 =	vshrl.u32 v37, $0x7  }
0x2d: {  	v43 =	vld [tilespmem:$0x160];
	[tilespmem:$0xB81] =	vst v5;
	v5 =	vshrl.u32 v38, $0x7  }
0x2e: {  	v44 =	vld [tilespmem:$0x170];
	[tilespmem:$0xB91] =	vst v5;
	v5 =	vshrl.u32 v39, $0x7  }
0x2f: {  	v46 =	vld [tilespmem:$0x180];
	[tilespmem:$0xBA1] =	vst v5;
	v5 =	vshrl.u32 v40, $0x7  }
0x30: {  	v47 =	vld [tilespmem:$0x190];
	[tilespmem:$0xBB1] =	vst v5;
	v5 =	vshrl.u32 v41, $0x7  }
0x31: {  	v48 =	vld [tilespmem:$0x1A0];
	[tilespmem:$0xBC1] =	vst v5;
	v5 =	vshrl.u32 v42, $0x7  }
0x32: {  	v49 =	vld [tilespmem:$0x1B0];
	[tilespmem:$0xBD1] =	vst v5;
	v5 =	vshrl.u32 v43, $0x7  }
0x33: {  	v50 =	vld [tilespmem:$0x1C0];
	[tilespmem:$0xBE1] =	vst v5;
	v5 =	vshrl.u32 v44, $0x7  }
0x34: {  	v51 =	vld [tilespmem:$0x1D0];
	[tilespmem:$0xBF1] =	vst v5;
	v5 =	vshrl.u32 v46, $0x7  }
0x35: {  	v53 =	vld [tilespmem:$0x1E0];
	(xrf0) =	vadd.scan.msk.s32 $0xffff, v52;
	[tilespmem:$0xC01] =	vst v5;
	v5 =	vshrl.u32 v47, $0x7  }
0x36: {  	v54 =	vld [tilespmem:$0x1F0];
	[tilespmem:$0xC11] =	vst v5;
	v5 =	vshrl.u32 v48, $0x7  }
0x37: {  	[tilespmem:$0xC21] =	vst v5;
	v5 =	vshrl.u32 v49, $0x7  }
0x38: {  	[tilespmem:$0xC31] =	vst v5;
	v5 =	vshrl.u32 v50, $0x7  }
0x39: {  	[tilespmem:$0xC41] =	vst v5;
	v5 =	vshrl.u32 v51, $0x7  }
0x3a: {  	[tilespmem:$0xC51] =	vst v5;
	v5 =	vshrl.u32 v53, $0x7  }
0x3b: {  	v55, _, _ =	vpop (xrf0);
	[tilespmem:$0xC61] =	vst v5;
	v5 =	vshrl.u32 v54, $0x7  }
0x3c: {  	[tilespmem:$0xC71] =	vst v5;
	v5 =	vadd.s32 $0xFFFFFFFF, v55  }
0x3d: {  	[tilespmem:$0x400] =	vst v5  }
0x3e: {  	[tilespmem:s11+$0x0] =	vst.msk vm0, v4  }
0x3f: {  	v4 =	vld [tilespmem:$0xA91]  }
0x40: {  	v56 =	vld [tilespmem:$0xA90];
	_ =	sdelay $0x2  }
0x41: {  	(v2sf) =	vpush v55, $0xF;
	_ =	sdelay $0x1  }
0x42: {  	vm9 =	vne.s32 v4, v56  }
0x43: {  	v57 =	vsel vm9, $0x1, v1  }
0x44: {  	(xrf0) =	vadd.scan.msk.s32 $0xffff, v57;
	_ =	sdelay $0x5  }
0x45: {  	v58, _, _ =	vpop (xrf0)  }
0x46: {  	(v2sf) =	vpush v58, $0xF  }
0x47: {  	v5 =	vbroadcast v5, $0xF;
	_ =	sdelay $0x1  }
0x48: {  	[tilespmem:$0x610] =	vst v57;
	v5 =	vadd.s32 v58, v5  }
0x49: {  	s19 =	spop (v2sf);
	[tilespmem:$0x410] =	vst v5  }
0x4a: {  	[tilespmem:s19+$0x800] =	vst.msk vm9, v4  }
0x4b: {  	v4 =	vld [tilespmem:$0xAA1]  }
0x4c: {  	v5 =	vld [tilespmem:$0xAA0];
	_ =	sdelay $0x4  }
0x4d: {  	vm10 =	vne.s32 v4, v5  }
0x4e: {  	v5 =	vsel vm10, $0x1, v1  }
0x4f: {  	(xrf0) =	vadd.scan.msk.s32 $0xffff, v5  }
0x50: {  	s20 =	spop (v2sf)  }
0x51: {  	s19 =	sadd.s32 s19, s20  }
0x52: {  	v59 =	vmov s19  }
0x53: {  	v6 =	vadd.s32 $0xFFFFFFFF, v59  }
0x54: {  	v6 =	vbroadcast v6, $0x0  }
0x55: {  	v60, _, _ =	vpop (xrf0)  }
0x56: {  	[tilespmem:$0x620] =	vst v5;
	(v2sf) =	vpush v60, $0xF;
	v6 =	vadd.s32 v60, v6  }
0x57: {  	[tilespmem:$0x420] =	vst v6  }
0x58: {  	[tilespmem:s19+$0x800] =	vst.msk vm10, v4  }
0x59: {  	v4 =	vld [tilespmem:$0xAB1]  }
0x5a: {  	v5 =	vld [tilespmem:$0xAB0];
	_ =	sdelay $0x4  }
0x5b: {  	vm11 =	vne.s32 v4, v5  }
0x5c: {  	v5 =	vsel vm11, $0x1, v1  }
0x5d: {  	(xrf0) =	vadd.scan.msk.s32 $0xffff, v5;
	_ =	sdelay $0x3  }
0x5e: {  	s23 =	spop (v2sf)  }
0x5f: {  	s19 =	sadd.s32 s19, s23  }
0x60: {  	v61 =	vmov s19;
	v62, _, _ =	vpop (xrf0)  }
0x61: {  	v6 =	vadd.s32 $0xFFFFFFFF, v61;
	(v2sf) =	vpush v62, $0xF  }
0x62: {  	v6 =	vbroadcast v6, $0x0;
	_ =	sdelay $0x1  }
0x63: {  	[tilespmem:$0x630] =	vst v5;
	v6 =	vadd.s32 v62, v6  }
0x64: {  	[tilespmem:$0x430] =	vst v6  }
0x65: {  	[tilespmem:s19+$0x800] =	vst.msk vm11, v4  }
0x66: {  	v4 =	vld [tilespmem:$0xAC1]  }
0x67: {  	v5 =	vld [tilespmem:$0xAC0];
	_ =	sdelay $0x4  }
0x68: {  	vm12 =	vne.s32 v4, v5  }
0x69: {  	v5 =	vsel vm12, $0x1, v1  }
0x6a: {  	(xrf0) =	vadd.scan.msk.s32 $0xffff, v5  }
0x6b: {  	s24 =	spop (v2sf)  }
0x6c: {  	s19 =	sadd.s32 s19, s24  }
0x6d: {  	v63 =	vmov s19  }
0x6e: {  	v6 =	vadd.s32 $0xFFFFFFFF, v63  }
0x6f: {  	v6 =	vbroadcast v6, $0x0  }
0x70: {  	v9, _, _ =	vpop (xrf0)  }
0x71: {  	[tilespmem:$0x640] =	vst v5;
	(v2sf) =	vpush v9, $0xF;
	v6 =	vadd.s32 v9, v6  }
0x72: {  	[tilespmem:$0x440] =	vst v6  }
0x73: {  	[tilespmem:s19+$0x800] =	vst.msk vm12, v4  }
0x74: {  	v4 =	vld [tilespmem:$0xAD1]  }
0x75: {  	v5 =	vld [tilespmem:$0xAD0];
	_ =	sdelay $0x4  }
0x76: {  	vm13 =	vne.s32 v4, v5  }
0x77: {  	v5 =	vsel vm13, $0x1, v1  }
0x78: {  	(xrf0) =	vadd.scan.msk.s32 $0xffff, v5;
	_ =	sdelay $0x3  }
0x79: {  	s25 =	spop (v2sf)  }
0x7a: {  	s19 =	sadd.s32 s19, s25  }
0x7b: {  	v10 =	vmov s19;
	v11, _, _ =	vpop (xrf0)  }
0x7c: {  	v6 =	vadd.s32 $0xFFFFFFFF, v10;
	(v2sf) =	vpush v11, $0xF  }
0x7d: {  	v6 =	vbroadcast v6, $0x0;
	_ =	sdelay $0x1  }
0x7e: {  	[tilespmem:$0x650] =	vst v5;
	v6 =	vadd.s32 v11, v6  }
0x7f: {  	[tilespmem:$0x450] =	vst v6  }
0x80: {  	[tilespmem:s19+$0x800] =	vst.msk vm13, v4  }
0x81: {  	v4 =	vld [tilespmem:$0xAE1]  }
0x82: {  	v5 =	vld [tilespmem:$0xAE0];
	_ =	sdelay $0x4  }
0x83: {  	vm14 =	vne.s32 v4, v5  }
0x84: {  	v5 =	vsel vm14, $0x1, v1  }
0x85: {  	(xrf0) =	vadd.scan.msk.s32 $0xffff, v5  }
0x86: {  	s26 =	spop (v2sf)  }
0x87: {  	s19 =	sadd.s32 s19, s26  }
0x88: {  	v12 =	vmov s19  }
0x89: {  	v6 =	vadd.s32 $0xFFFFFFFF, v12  }
0x8a: {  	v6 =	vbroadcast v6, $0x0  }
0x8b: {  	v13, _, _ =	vpop (xrf0)  }
0x8c: {  	[tilespmem:$0x660] =	vst v5;
	(v2sf) =	vpush v13, $0xF;
	v6 =	vadd.s32 v13, v6  }
0x8d: {  	[tilespmem:$0x460] =	vst v6  }
0x8e: {  	[tilespmem:s19+$0x800] =	vst.msk vm14, v4  }
0x8f: {  	v4 =	vld [tilespmem:$0xAF1]  }
0x90: {  	v5 =	vld [tilespmem:$0xAF0];
	_ =	sdelay $0x4  }
0x91: {  	vm15 =	vne.s32 v4, v5  }
0x92: {  	v5 =	vsel vm15, $0x1, v1  }
0x93: {  	(xrf0) =	vadd.scan.msk.s32 $0xffff, v5;
	_ =	sdelay $0x3  }
0x94: {  	s28 =	spop (v2sf)  }
0x95: {  	s19 =	sadd.s32 s19, s28  }
0x96: {  	v14 =	vmov s19;
	v15, _, _ =	vpop (xrf0)  }
0x97: {  	v6 =	vadd.s32 $0xFFFFFFFF, v14;
	(v2sf) =	vpush v15, $0xF  }
0x98: {  	v6 =	vbroadcast v6, $0x0;
	_ =	sdelay $0x1  }
0x99: {  	[tilespmem:$0x670] =	vst v5;
	v6 =	vadd.s32 v15, v6  }
0x9a: {  	[tilespmem:$0x470] =	vst v6  }
0x9b: {  	[tilespmem:s19+$0x800] =	vst.msk vm15, v4  }
0x9c: {  	v4 =	vld [tilespmem:$0xB01]  }
0x9d: {  	v5 =	vld [tilespmem:$0xB00];
	_ =	sdelay $0x4  }
0x9e: {  	vm4 =	vne.s32 v4, v5  }
0x9f: {  	v5 =	vsel vm4, $0x1, v1  }
0xa0: {  	(xrf0) =	vadd.scan.msk.s32 $0xffff, v5  }
0xa1: {  	s29 =	spop (v2sf)  }
0xa2: {  	s19 =	sadd.s32 s19, s29  }
0xa3: {  	v16 =	vmov s19  }
0xa4: {  	v6 =	vadd.s32 $0xFFFFFFFF, v16  }
0xa5: {  	v6 =	vbroadcast v6, $0x0  }
0xa6: {  	v17, _, _ =	vpop (xrf0)  }
0xa7: {  	[tilespmem:$0x680] =	vst v5;
	(v2sf) =	vpush v17, $0xF;
	v6 =	vadd.s32 v17, v6  }
0xa8: {  	[tilespmem:$0x480] =	vst v6  }
0xa9: {  	[tilespmem:s19+$0x800] =	vst.msk vm4, v4  }
0xaa: {  	v4 =	vld [tilespmem:$0xB11]  }
0xab: {  	v5 =	vld [tilespmem:$0xB10];
	_ =	sdelay $0x4  }
0xac: {  	vm5 =	vne.s32 v4, v5  }
0xad: {  	v5 =	vsel vm5, $0x1, v1  }
0xae: {  	(xrf0) =	vadd.scan.msk.s32 $0xffff, v5;
	_ =	sdelay $0x3  }
0xaf: {  	s30 =	spop (v2sf)  }
0xb0: {  	s19 =	sadd.s32 s19, s30  }
0xb1: {  	v18 =	vmov s19;
	v19, _, _ =	vpop (xrf0)  }
0xb2: {  	v6 =	vadd.s32 $0xFFFFFFFF, v18;
	(v2sf) =	vpush v19, $0xF  }
0xb3: {  	v6 =	vbroadcast v6, $0x0;
	_ =	sdelay $0x1  }
0xb4: {  	[tilespmem:$0x690] =	vst v5;
	v6 =	vadd.s32 v19, v6  }
0xb5: {  	[tilespmem:$0x490] =	vst v6  }
0xb6: {  	[tilespmem:s19+$0x800] =	vst.msk vm5, v4  }
0xb7: {  	v4 =	vld [tilespmem:$0xB21]  }
0xb8: {  	v5 =	vld [tilespmem:$0xB20];
	_ =	sdelay $0x4  }
0xb9: {  	vm6 =	vne.s32 v4, v5  }
0xba: {  	v5 =	vsel vm6, $0x1, v1  }
0xbb: {  	(xrf0) =	vadd.scan.msk.s32 $0xffff, v5  }
0xbc: {  	s31 =	spop (v2sf)  }
0xbd: {  	s19 =	sadd.s32 s19, s31  }
0xbe: {  	v20 =	vmov s19  }
0xbf: {  	v6 =	vadd.s32 $0xFFFFFFFF, v20  }
0xc0: {  	v6 =	vbroadcast v6, $0x0  }
0xc1: {  	v21, _, _ =	vpop (xrf0)  }
0xc2: {  	[tilespmem:$0x6A0] =	vst v5;
	(v2sf) =	vpush v21, $0xF;
	v6 =	vadd.s32 v21, v6  }
0xc3: {  	[tilespmem:$0x4A0] =	vst v6  }
0xc4: {  	[tilespmem:s19+$0x800] =	vst.msk vm6, v4  }
0xc5: {  	v4 =	vld [tilespmem:$0xB31]  }
0xc6: {  	v5 =	vld [tilespmem:$0xB30];
	_ =	sdelay $0x4  }
0xc7: {  	vm7 =	vne.s32 v4, v5  }
0xc8: {  	v5 =	vsel vm7, $0x1, v1  }
0xc9: {  	(xrf0) =	vadd.scan.msk.s32 $0xffff, v5;
	_ =	sdelay $0x3  }
0xca: {  	s0 =	spop (v2sf)  }
0xcb: {  	s19 =	sadd.s32 s19, s0  }
0xcc: {  	v22 =	vmov s19;
	v23, _, _ =	vpop (xrf0)  }
0xcd: {  	v6 =	vadd.s32 $0xFFFFFFFF, v22;
	(v2sf) =	vpush v23, $0xF  }
0xce: {  	v6 =	vbroadcast v6, $0x0;
	_ =	sdelay $0x1  }
0xcf: {  	[tilespmem:$0x6B0] =	vst v5;
	v6 =	vadd.s32 v23, v6  }
0xd0: {  	[tilespmem:$0x4B0] =	vst v6  }
0xd1: {  	[tilespmem:s19+$0x800] =	vst.msk vm7, v4  }
0xd2: {  	v4 =	vld [tilespmem:$0xB41]  }
0xd3: {  	v5 =	vld [tilespmem:$0xB40];
	_ =	sdelay $0x4  }
0xd4: {  	vm8 =	vne.s32 v4, v5  }
0xd5: {  	v5 =	vsel vm8, $0x1, v1  }
0xd6: {  	(xrf0) =	vadd.scan.msk.s32 $0xffff, v5  }
0xd7: {  	s21 =	spop (v2sf)  }
0xd8: {  	s19 =	sadd.s32 s19, s21  }
0xd9: {  	v24 =	vmov s19  }
0xda: {  	v6 =	vadd.s32 $0xFFFFFFFF, v24  }
0xdb: {  	v6 =	vbroadcast v6, $0x0  }
0xdc: {  	v25, _, _ =	vpop (xrf0)  }
0xdd: {  	[tilespmem:$0x6C0] =	vst v5;
	(v2sf) =	vpush v25, $0xF;
	v6 =	vadd.s32 v25, v6  }
0xde: {  	[tilespmem:$0x4C0] =	vst v6  }
0xdf: {  	[tilespmem:s19+$0x800] =	vst.msk vm8, v4  }
0xe0: {  	v4 =	vld [tilespmem:$0xB51]  }
0xe1: {  	v5 =	vld [tilespmem:$0xB50];
	_ =	sdelay $0x4  }
0xe2: {  	vm9 =	vne.s32 v4, v5  }
0xe3: {  	v5 =	vsel vm9, $0x1, v1  }
0xe4: {  	(xrf0) =	vadd.scan.msk.s32 $0xffff, v5;
	_ =	sdelay $0x3  }
0xe5: {  	s22 =	spop (v2sf)  }
0xe6: {  	s19 =	sadd.s32 s19, s22  }
0xe7: {  	v26 =	vmov s19;
	v27, _, _ =	vpop (xrf0)  }
0xe8: {  	v6 =	vadd.s32 $0xFFFFFFFF, v26;
	(v2sf) =	vpush v27, $0xF  }
0xe9: {  	v6 =	vbroadcast v6, $0x0;
	_ =	sdelay $0x1  }
0xea: {  	[tilespmem:$0x6D0] =	vst v5;
	v6 =	vadd.s32 v27, v6  }
0xeb: {  	[tilespmem:$0x4D0] =	vst v6  }
0xec: {  	[tilespmem:s19+$0x800] =	vst.msk vm9, v4  }
0xed: {  	v4 =	vld [tilespmem:$0xB61]  }
0xee: {  	v5 =	vld [tilespmem:$0xB60];
	_ =	sdelay $0x4  }
0xef: {  	vm10 =	vne.s32 v4, v5  }
0xf0: {  	v5 =	vsel vm10, $0x1, v1  }
0xf1: {  	(xrf0) =	vadd.scan.msk.s32 $0xffff, v5  }
0xf2: {  	s23 =	spop (v2sf)  }
0xf3: {  	s19 =	sadd.s32 s19, s23  }
0xf4: {  	v28 =	vmov s19  }
0xf5: {  	v6 =	vadd.s32 $0xFFFFFFFF, v28  }
0xf6: {  	v6 =	vbroadcast v6, $0x0  }
0xf7: {  	v29, _, _ =	vpop (xrf0)  }
0xf8: {  	[tilespmem:$0x6E0] =	vst v5;
	(v2sf) =	vpush v29, $0xF;
	v6 =	vadd.s32 v29, v6  }
0xf9: {  	[tilespmem:$0x4E0] =	vst v6  }
0xfa: {  	[tilespmem:s19+$0x800] =	vst.msk vm10, v4  }
0xfb: {  	v4 =	vld [tilespmem:$0xB71]  }
0xfc: {  	v5 =	vld [tilespmem:$0xB70];
	_ =	sdelay $0x4  }
0xfd: {  	vm11 =	vne.s32 v4, v5  }
0xfe: {  	v5 =	vsel vm11, $0x1, v1  }
0xff: {  	(xrf0) =	vadd.scan.msk.s32 $0xffff, v5;
	_ =	sdelay $0x3  }
0x100: {  	s24 =	spop (v2sf)  }
0x101: {  	s19 =	sadd.s32 s19, s24  }
0x102: {  	v30 =	vmov s19;
	v31, _, _ =	vpop (xrf0)  }
0x103: {  	v6 =	vadd.s32 $0xFFFFFFFF, v30;
	(v2sf) =	vpush v31, $0xF  }
0x104: {  	v6 =	vbroadcast v6, $0x0;
	_ =	sdelay $0x1  }
0x105: {  	[tilespmem:$0x6F0] =	vst v5;
	v6 =	vadd.s32 v31, v6  }
0x106: {  	[tilespmem:$0x4F0] =	vst v6  }
0x107: {  	[tilespmem:s19+$0x800] =	vst.msk vm11, v4  }
0x108: {  	v4 =	vld [tilespmem:$0xB81]  }
0x109: {  	v5 =	vld [tilespmem:$0xB80];
	_ =	sdelay $0x4  }
0x10a: {  	vm12 =	vne.s32 v4, v5  }
0x10b: {  	v5 =	vsel vm12, $0x1, v1  }
0x10c: {  	(xrf0) =	vadd.scan.msk.s32 $0xffff, v5  }
0x10d: {  	s25 =	spop (v2sf)  }
0x10e: {  	s19 =	sadd.s32 s19, s25  }
0x10f: {  	v32 =	vmov s19  }
0x110: {  	v6 =	vadd.s32 $0xFFFFFFFF, v32  }
0x111: {  	v6 =	vbroadcast v6, $0x0  }
0x112: {  	v33, _, _ =	vpop (xrf0)  }
0x113: {  	[tilespmem:$0x700] =	vst v5;
	(v2sf) =	vpush v33, $0xF;
	v6 =	vadd.s32 v33, v6  }
0x114: {  	[tilespmem:$0x500] =	vst v6  }
0x115: {  	[tilespmem:s19+$0x800] =	vst.msk vm12, v4  }
0x116: {  	v4 =	vld [tilespmem:$0xB91]  }
0x117: {  	v5 =	vld [tilespmem:$0xB90];
	_ =	sdelay $0x4  }
0x118: {  	vm13 =	vne.s32 v4, v5  }
0x119: {  	v5 =	vsel vm13, $0x1, v1  }
0x11a: {  	(xrf0) =	vadd.scan.msk.s32 $0xffff, v5;
	_ =	sdelay $0x3  }
0x11b: {  	s26 =	spop (v2sf)  }
0x11c: {  	s19 =	sadd.s32 s19, s26  }
0x11d: {  	v34 =	vmov s19;
	v35, _, _ =	vpop (xrf0)  }
0x11e: {  	v6 =	vadd.s32 $0xFFFFFFFF, v34;
	(v2sf) =	vpush v35, $0xF  }
0x11f: {  	v6 =	vbroadcast v6, $0x0;
	_ =	sdelay $0x1  }
0x120: {  	[tilespmem:$0x710] =	vst v5;
	v6 =	vadd.s32 v35, v6  }
0x121: {  	[tilespmem:$0x510] =	vst v6  }
0x122: {  	[tilespmem:s19+$0x800] =	vst.msk vm13, v4  }
0x123: {  	v4 =	vld [tilespmem:$0xBA1]  }
0x124: {  	v5 =	vld [tilespmem:$0xBA0];
	_ =	sdelay $0x4  }
0x125: {  	vm14 =	vne.s32 v4, v5  }
0x126: {  	v5 =	vsel vm14, $0x1, v1  }
0x127: {  	(xrf0) =	vadd.scan.msk.s32 $0xffff, v5  }
0x128: {  	s28 =	spop (v2sf)  }
0x129: {  	s19 =	sadd.s32 s19, s28  }
0x12a: {  	v36 =	vmov s19  }
0x12b: {  	v6 =	vadd.s32 $0xFFFFFFFF, v36  }
0x12c: {  	v6 =	vbroadcast v6, $0x0  }
0x12d: {  	v37, _, _ =	vpop (xrf0)  }
0x12e: {  	[tilespmem:$0x720] =	vst v5;
	(v2sf) =	vpush v37, $0xF;
	v6 =	vadd.s32 v37, v6  }
0x12f: {  	[tilespmem:$0x520] =	vst v6  }
0x130: {  	[tilespmem:s19+$0x800] =	vst.msk vm14, v4  }
0x131: {  	v4 =	vld [tilespmem:$0xBB1]  }
0x132: {  	v5 =	vld [tilespmem:$0xBB0];
	_ =	sdelay $0x4  }
0x133: {  	vm15 =	vne.s32 v4, v5  }
0x134: {  	v5 =	vsel vm15, $0x1, v1  }
0x135: {  	(xrf0) =	vadd.scan.msk.s32 $0xffff, v5;
	_ =	sdelay $0x3  }
0x136: {  	s29 =	spop (v2sf)  }
0x137: {  	s19 =	sadd.s32 s19, s29  }
0x138: {  	v38 =	vmov s19;
	v39, _, _ =	vpop (xrf0)  }
0x139: {  	v6 =	vadd.s32 $0xFFFFFFFF, v38;
	(v2sf) =	vpush v39, $0xF  }
0x13a: {  	v6 =	vbroadcast v6, $0x0;
	_ =	sdelay $0x1  }
0x13b: {  	[tilespmem:$0x730] =	vst v5;
	v6 =	vadd.s32 v39, v6  }
0x13c: {  	[tilespmem:$0x530] =	vst v6  }
0x13d: {  	[tilespmem:s19+$0x800] =	vst.msk vm15, v4  }
0x13e: {  	v4 =	vld [tilespmem:$0xBC1]  }
0x13f: {  	v5 =	vld [tilespmem:$0xBC0];
	_ =	sdelay $0x4  }
0x140: {  	vm4 =	vne.s32 v4, v5  }
0x141: {  	v5 =	vsel vm4, $0x1, v1  }
0x142: {  	(xrf0) =	vadd.scan.msk.s32 $0xffff, v5  }
0x143: {  	s30 =	spop (v2sf)  }
0x144: {  	s19 =	sadd.s32 s19, s30  }
0x145: {  	v40 =	vmov s19  }
0x146: {  	v6 =	vadd.s32 $0xFFFFFFFF, v40  }
0x147: {  	v6 =	vbroadcast v6, $0x0  }
0x148: {  	v41, _, _ =	vpop (xrf0)  }
0x149: {  	[tilespmem:$0x740] =	vst v5;
	(v2sf) =	vpush v41, $0xF;
	v6 =	vadd.s32 v41, v6  }
0x14a: {  	[tilespmem:$0x540] =	vst v6  }
0x14b: {  	[tilespmem:s19+$0x800] =	vst.msk vm4, v4  }
0x14c: {  	v4 =	vld [tilespmem:$0xBD1]  }
0x14d: {  	v5 =	vld [tilespmem:$0xBD0];
	_ =	sdelay $0x4  }
0x14e: {  	vm5 =	vne.s32 v4, v5  }
0x14f: {  	v5 =	vsel vm5, $0x1, v1  }
0x150: {  	(xrf0) =	vadd.scan.msk.s32 $0xffff, v5;
	_ =	sdelay $0x3  }
0x151: {  	s31 =	spop (v2sf)  }
0x152: {  	s19 =	sadd.s32 s19, s31  }
0x153: {  	v42 =	vmov s19;
	v43, _, _ =	vpop (xrf0)  }
0x154: {  	v6 =	vadd.s32 $0xFFFFFFFF, v42;
	(v2sf) =	vpush v43, $0xF  }
0x155: {  	v6 =	vbroadcast v6, $0x0;
	_ =	sdelay $0x1  }
0x156: {  	[tilespmem:$0x750] =	vst v5;
	v6 =	vadd.s32 v43, v6  }
0x157: {  	[tilespmem:$0x550] =	vst v6  }
0x158: {  	[tilespmem:s19+$0x800] =	vst.msk vm5, v4  }
0x159: {  	v4 =	vld [tilespmem:$0xBE1]  }
0x15a: {  	v5 =	vld [tilespmem:$0xBE0];
	_ =	sdelay $0x4  }
0x15b: {  	vm6 =	vne.s32 v4, v5  }
0x15c: {  	v5 =	vsel vm6, $0x1, v1  }
0x15d: {  	(xrf0) =	vadd.scan.msk.s32 $0xffff, v5  }
0x15e: {  	s0 =	spop (v2sf)  }
0x15f: {  	s19 =	sadd.s32 s19, s0  }
0x160: {  	v44 =	vmov s19  }
0x161: {  	v6 =	vadd.s32 $0xFFFFFFFF, v44  }
0x162: {  	v6 =	vbroadcast v6, $0x0  }
0x163: {  	v45, _, _ =	vpop (xrf0)  }
0x164: {  	[tilespmem:$0x760] =	vst v5;
	(v2sf) =	vpush v45, $0xF;
	v6 =	vadd.s32 v45, v6  }
0x165: {  	[tilespmem:$0x560] =	vst v6  }
0x166: {  	[tilespmem:s19+$0x800] =	vst.msk vm6, v4  }
0x167: {  	v4 =	vld [tilespmem:$0xBF1]  }
0x168: {  	v5 =	vld [tilespmem:$0xBF0];
	_ =	sdelay $0x4  }
0x169: {  	vm7 =	vne.s32 v4, v5  }
0x16a: {  	v5 =	vsel vm7, $0x1, v1  }
0x16b: {  	(xrf0) =	vadd.scan.msk.s32 $0xffff, v5;
	_ =	sdelay $0x3  }
0x16c: {  	s21 =	spop (v2sf)  }
0x16d: {  	s19 =	sadd.s32 s19, s21  }
0x16e: {  	v46 =	vmov s19;
	v47, _, _ =	vpop (xrf0)  }
0x16f: {  	v6 =	vadd.s32 $0xFFFFFFFF, v46;
	(v2sf) =	vpush v47, $0xF  }
0x170: {  	v6 =	vbroadcast v6, $0x0;
	_ =	sdelay $0x1  }
0x171: {  	[tilespmem:$0x770] =	vst v5;
	v6 =	vadd.s32 v47, v6  }
0x172: {  	[tilespmem:$0x570] =	vst v6  }
0x173: {  	[tilespmem:s19+$0x800] =	vst.msk vm7, v4  }
0x174: {  	v4 =	vld [tilespmem:$0xC01]  }
0x175: {  	v5 =	vld [tilespmem:$0xC00];
	_ =	sdelay $0x4  }
0x176: {  	vm8 =	vne.s32 v4, v5  }
0x177: {  	v5 =	vsel vm8, $0x1, v1  }
0x178: {  	(xrf0) =	vadd.scan.msk.s32 $0xffff, v5  }
0x179: {  	s22 =	spop (v2sf)  }
0x17a: {  	s19 =	sadd.s32 s19, s22  }
0x17b: {  	v48 =	vmov s19  }
0x17c: {  	v6 =	vadd.s32 $0xFFFFFFFF, v48  }
0x17d: {  	v6 =	vbroadcast v6, $0x0  }
0x17e: {  	v49, _, _ =	vpop (xrf0)  }
0x17f: {  	[tilespmem:$0x780] =	vst v5;
	(v2sf) =	vpush v49, $0xF;
	v6 =	vadd.s32 v49, v6  }
0x180: {  	[tilespmem:$0x580] =	vst v6  }
0x181: {  	[tilespmem:s19+$0x800] =	vst.msk vm8, v4  }
0x182: {  	v4 =	vld [tilespmem:$0xC11]  }
0x183: {  	v5 =	vld [tilespmem:$0xC10];
	_ =	sdelay $0x4  }
0x184: {  	vm9 =	vne.s32 v4, v5  }
0x185: {  	v5 =	vsel vm9, $0x1, v1  }
0x186: {  	(xrf0) =	vadd.scan.msk.s32 $0xffff, v5;
	_ =	sdelay $0x3  }
0x187: {  	s23 =	spop (v2sf)  }
0x188: {  	s19 =	sadd.s32 s19, s23  }
0x189: {  	v50 =	vmov s19;
	v51, _, _ =	vpop (xrf0)  }
0x18a: {  	v6 =	vadd.s32 $0xFFFFFFFF, v50;
	(v2sf) =	vpush v51, $0xF  }
0x18b: {  	v6 =	vbroadcast v6, $0x0;
	_ =	sdelay $0x1  }
0x18c: {  	[tilespmem:$0x790] =	vst v5;
	v6 =	vadd.s32 v51, v6  }
0x18d: {  	[tilespmem:$0x590] =	vst v6  }
0x18e: {  	[tilespmem:s19+$0x800] =	vst.msk vm9, v4  }
0x18f: {  	v4 =	vld [tilespmem:$0xC21]  }
0x190: {  	v5 =	vld [tilespmem:$0xC20];
	_ =	sdelay $0x4  }
0x191: {  	vm10 =	vne.s32 v4, v5  }
0x192: {  	v5 =	vsel vm10, $0x1, v1  }
0x193: {  	(xrf0) =	vadd.scan.msk.s32 $0xffff, v5  }
0x194: {  	s24 =	spop (v2sf)  }
0x195: {  	s19 =	sadd.s32 s19, s24  }
0x196: {  	v52 =	vmov s19  }
0x197: {  	v6 =	vadd.s32 $0xFFFFFFFF, v52  }
0x198: {  	v6 =	vbroadcast v6, $0x0  }
0x199: {  	v53, _, _ =	vpop (xrf0)  }
0x19a: {  	[tilespmem:$0x7A0] =	vst v5;
	(v2sf) =	vpush v53, $0xF;
	v6 =	vadd.s32 v53, v6  }
0x19b: {  	[tilespmem:$0x5A0] =	vst v6  }
0x19c: {  	[tilespmem:s19+$0x800] =	vst.msk vm10, v4  }
0x19d: {  	v4 =	vld [tilespmem:$0xC31]  }
0x19e: {  	v5 =	vld [tilespmem:$0xC30];
	_ =	sdelay $0x4  }
0x19f: {  	vm11 =	vne.s32 v4, v5  }
0x1a0: {  	v5 =	vsel vm11, $0x1, v1  }
0x1a1: {  	(xrf0) =	vadd.scan.msk.s32 $0xffff, v5;
	_ =	sdelay $0x3  }
0x1a2: {  	s25 =	spop (v2sf)  }
0x1a3: {  	s19 =	sadd.s32 s19, s25  }
0x1a4: {  	v54 =	vmov s19;
	v55, _, _ =	vpop (xrf0)  }
0x1a5: {  	v6 =	vadd.s32 $0xFFFFFFFF, v54;
	(v2sf) =	vpush v55, $0xF  }
0x1a6: {  	v6 =	vbroadcast v6, $0x0;
	_ =	sdelay $0x1  }
0x1a7: {  	[tilespmem:$0x7B0] =	vst v5;
	v6 =	vadd.s32 v55, v6  }
0x1a8: {  	[tilespmem:$0x5B0] =	vst v6  }
0x1a9: {  	[tilespmem:s19+$0x800] =	vst.msk vm11, v4  }
0x1aa: {  	v4 =	vld [tilespmem:$0xC41]  }
0x1ab: {  	v5 =	vld [tilespmem:$0xC40];
	_ =	sdelay $0x4  }
0x1ac: {  	vm12 =	vne.s32 v4, v5  }
0x1ad: {  	v5 =	vsel vm12, $0x1, v1  }
0x1ae: {  	(xrf0) =	vadd.scan.msk.s32 $0xffff, v5  }
0x1af: {  	s26 =	spop (v2sf)  }
0x1b0: {  	s19 =	sadd.s32 s19, s26  }
0x1b1: {  	v56 =	vmov s19  }
0x1b2: {  	v6 =	vadd.s32 $0xFFFFFFFF, v56  }
0x1b3: {  	v6 =	vbroadcast v6, $0x0  }
0x1b4: {  	v57, _, _ =	vpop (xrf0)  }
0x1b5: {  	[tilespmem:$0x7C0] =	vst v5;
	(v2sf) =	vpush v57, $0xF;
	v6 =	vadd.s32 v57, v6  }
0x1b6: {  	[tilespmem:$0x5C0] =	vst v6  }
0x1b7: {  	[tilespmem:s19+$0x800] =	vst.msk vm12, v4  }
0x1b8: {  	v4 =	vld [tilespmem:$0xC51]  }
0x1b9: {  	v5 =	vld [tilespmem:$0xC50];
	_ =	sdelay $0x4  }
0x1ba: {  	vm13 =	vne.s32 v4, v5  }
0x1bb: {  	v5 =	vsel vm13, $0x1, v1  }
0x1bc: {  	(xrf0) =	vadd.scan.msk.s32 $0xffff, v5;
	_ =	sdelay $0x3  }
0x1bd: {  	s28 =	spop (v2sf)  }
0x1be: {  	s19 =	sadd.s32 s19, s28  }
0x1bf: {  	v58 =	vmov s19;
	v59, _, _ =	vpop (xrf0)  }
0x1c0: {  	v6 =	vadd.s32 $0xFFFFFFFF, v58;
	(v2sf) =	vpush v59, $0xF  }
0x1c1: {  	v6 =	vbroadcast v6, $0x0;
	_ =	sdelay $0x1  }
0x1c2: {  	[tilespmem:$0x7D0] =	vst v5;
	v6 =	vadd.s32 v59, v6  }
0x1c3: {  	[tilespmem:$0x5D0] =	vst v6  }
0x1c4: {  	[tilespmem:s19+$0x800] =	vst.msk vm13, v4  }
0x1c5: {  	v4 =	vld [tilespmem:$0xC61]  }
0x1c6: {  	v5 =	vld [tilespmem:$0xC60];
	_ =	sdelay $0x4  }
0x1c7: {  	vm14 =	vne.s32 v4, v5  }
0x1c8: {  	v5 =	vsel vm14, $0x1, v1  }
0x1c9: {  	(xrf0) =	vadd.scan.msk.s32 $0xffff, v5  }
0x1ca: {  	s29 =	spop (v2sf)  }
0x1cb: {  	s19 =	sadd.s32 s19, s29  }
0x1cc: {  	v60 =	vmov s19  }
0x1cd: {  	v6 =	vadd.s32 $0xFFFFFFFF, v60  }
0x1ce: {  	v6 =	vbroadcast v6, $0x0  }
0x1cf: {  	v61, _, _ =	vpop (xrf0)  }
0x1d0: {  	[tilespmem:$0x7E0] =	vst v5;
	v6 =	vadd.s32 v61, v6  }
0x1d1: {  	[tilespmem:$0x5E0] =	vst v6  }
0x1d2: {  	[tilespmem:s19+$0x800] =	vst.msk vm14, v4  }
0x1d3: {  	v4 =	vld [tilespmem:$0xC71]  }
0x1d4: {  	v5 =	vld [tilespmem:$0xC70];
	_ =	sdelay $0x4  }
0x1d5: {  	vm15 =	vne.s32 v4, v5  }
0x1d6: {  	v5 =	vsel vm15, $0x1, v1  }
0x1d7: {  	(xrf0) =	vadd.scan.msk.s32 $0xffff, v5  }
0x1d8: {  	(v2sf) =	vpush v61, $0xF;
	_ =	sdelay $0x4  }
0x1d9: {  	v62, _, _ =	vpop (xrf0)  }
0x1da: {  	(v2sf) =	vpush v62, $0xF;
	_ =	sdelay $0x8  }
0x1db: {  	s30 =	spop (v2sf)  }
0x1dc: {  	s20 =	sadd.s32 s19, s30  }
0x1dd: {  	v63 =	vmov s20  }
0x1de: {  	v7 =	vadd.s32 $0xFFFFFFFF, v63  }
0x1df: {  	v7 =	vbroadcast v7, $0x0;
	_ =	sdelay $0x1  }
0x1e0: {  	[tilespmem:$0x7F0] =	vst v5;
	v6 =	vadd.s32 v62, v7;
	s31 =	spop (v2sf)  }
0x1e1: {  	[tilespmem:$0x5F0] =	vst v6;
	s19 =	sadd.s32 s20, s31  }
0x1e2: {  	[tilespmem:s20+$0x800] =	vst.msk vm15, v4;
	p0 =	slt.s32 s19, $0x1  }
0x1e3: {  	v4 =	vld @!p0 [tilespmem:$0x800];
	_ =	sdelay $0x3  }
0x1e4: {  	v5 =	vimm.s32 @!p0 $0x0  }
0x1e5: {  	v4 =	vperm.xlane @!p0 v4, v5;
	_ =	sdelay $0x1  }
0x1e6: {  	(v2sf) =	vpush @!p0 v4, $0x0;
	_ =	sdelay $0xe  }
0x1e7: {  	s20 =	spop @!p0 (v2sf)  }
0x1e8: {  	s21 =	simm.s32 @!p0 $0x400;
	s20 =	sshll.u32 @!p0 s20, $0x7  }
0x1e9: {  	s22 =	simm.s32 @!p0 $0x7A1400;
	s20 =	sand.u32 @!p0 $0x1FFFFF80, s20  }
0x1ea: {  	s23 =	simm.s32 @!p0 $0xD00;
	p1 =	seq.s32 @!p0 s19, $0x1;
	s20 =	sadd.s32 @!p0 s3, s20  }
0x1eb: {  	[tilespmem:s23], [sflag:$0x1] =	stream.strided.gather @!p0 [hbm4b:s20+s21], $0x2000, s22, s21, $0x38;
	[tilespmem:$0x1CD00] =	vst v63  }
0x1ec: {  	p0 =	por p0, p1  }
0x1ed: {  	v4 =	vld @!p0 [tilespmem:$0x800];
	_ =	sdelay $0x3  }
0x1ee: {  	v5 =	vimm.s32 @!p0 $0x1  }
0x1ef: {  	v4 =	vperm.xlane @!p0 v4, v5;
	_ =	sdelay $0x1  }
0x1f0: {  	(v2sf) =	vpush @!p0 v4, $0x0;
	_ =	sdelay $0xe  }
0x1f1: {  	s20 =	spop @!p0 (v2sf)  }
0x1f2: {  	s21 =	simm.s32 @!p0 $0x400;
	s20 =	sshll.u32 @!p0 s20, $0x7  }
0x1f3: {  	s22 =	simm.s32 @!p0 $0x7A1400;
	s20 =	sand.u32 @!p0 $0x1FFFFF80, s20  }
0x1f4: {  	s23 =	simm.s32 @!p0 $0x2D00;
	p1 =	slt.u32 @!p0 s19, $0x3;
	s20 =	sadd.s32 @!p0 s3, s20  }
0x1f5: {  	[tilespmem:s23], [sflag:$0x1] =	stream.strided.gather @!p0 [hbm4b:s20+s21], $0x2000, s22, s21, $0x38;
	[tilespmem:$0x1CD00] =	vst v63  }
0x1f6: {  	p0 =	por p0, p1  }
.Ltmp0:
0x1f7: {  	_ = 	snop;
	(pc) =	sbr.rel @p0 .LBB2_3-.Ltmp0, $1  }
0x1f8: {  	_ =	sdelay $0x3  }
0x1f9: {  	v4 =	vld [tilespmem:$0x800];
	_ =	sdelay $0x4  }
0x1fa: {  	v4 =	vperm.xlane v4, v2;
	_ =	sdelay $0x1  }
0x1fb: {  	(v2sf) =	vpush v4, $0x0;
	_ =	sdelay $0xe  }
0x1fc: {  	s20 =	spop (v2sf)  }
0x1fd: {  	s20 =	sshll.u32 s20, $0x7  }
0x1fe: {  	s20 =	sand.u32 $0x1FFFFF80, s20  }
0x1ff: {  	p0 =	seq.s32 s19, $0x3;
	s20 =	sadd.s32 s3, s20  }
0x200: {  	[tilespmem:s14], [sflag:$0x1] =	stream.strided.gather [hbm4b:s20+s12], $0x2000, s13, s12, $0x38;
	[tilespmem:$0x1CD00] =	vst v63  }
0x201: {  	v4 =	vld @!p0 [tilespmem:$0x800];
	_ =	sdelay $0x3  }
0x202: {  	v5 =	vimm.s32 @!p0 $0x3  }
0x203: {  	v4 =	vperm.xlane @!p0 v4, v5;
	_ =	sdelay $0x1  }
0x204: {  	(v2sf) =	vpush @!p0 v4, $0x0;
	_ =	sdelay $0xe  }
0x205: {  	s20 =	spop @!p0 (v2sf)  }
0x206: {  	s21 =	simm.s32 @!p0 $0x400;
	s20 =	sshll.u32 @!p0 s20, $0x7  }
0x207: {  	s22 =	simm.s32 @!p0 $0x7A1400;
	p1 =	slt.u32 @!p0 s19, $0x5;
	s20 =	sand.u32 @!p0 $0x1FFFFF80, s20  }
0x208: {  	s23 =	simm.s32 @!p0 $0x6D00;
	p2 =	por p1, p0;
	s20 =	sadd.s32 @!p0 s3, s20  }
0x209: {  	[tilespmem:s23], [sflag:$0x1] =	stream.strided.gather @!p0 [hbm4b:s20+s21], $0x2000, s22, s21, $0x38;
	[tilespmem:$0x1CD00] =	vst v63  }
0x20a: {  	v4 =	vld @!p2 [tilespmem:$0x800];
	_ =	sdelay $0x3  }
0x20b: {  	v5 =	vimm.s32 @!p2 $0x4  }
0x20c: {  	v4 =	vperm.xlane @!p2 v4, v5;
	_ =	sdelay $0x1  }
0x20d: {  	(v2sf) =	vpush @!p2 v4, $0x0;
	_ =	sdelay $0xe  }
0x20e: {  	s20 =	spop @!p2 (v2sf)  }
0x20f: {  	s20 =	sshll.u32 @!p2 s20, $0x7  }
0x210: {  	s21 =	simm.s32 @!p2 $0x400;
	s20 =	sand.u32 @!p2 $0x1FFFFF80, s20  }
0x211: {  	s22 =	simm.s32 @!p2 $0x7A1400;
	s23 =	simm.s32 @!p2 $0x8D00;
	s20 =	sadd.s32 @!p2 s3, s20  }
0x212: {  	[tilespmem:s23], [sflag:$0x1] =	stream.strided.gather @!p2 [hbm4b:s20+s21], $0x2000, s22, s21, $0x38;
	[tilespmem:$0x1CD00] =	vst v63  }
0x213: {  	p2 =	seq.s32 @!p2 s19, $0x5  }
0x214: {  	p1 =	por @!p0 p2, p1  }
0x215: {  	p0 =	por p1, p0  }
0x216: {  	v4 =	vld @!p0 [tilespmem:$0x800];
	_ =	sdelay $0x3  }
0x217: {  	v5 =	vimm.s32 @!p0 $0x5  }
0x218: {  	v4 =	vperm.xlane @!p0 v4, v5;
	_ =	sdelay $0x1  }
0x219: {  	(v2sf) =	vpush @!p0 v4, $0x0;
	_ =	sdelay $0xe  }
0x21a: {  	s20 =	spop @!p0 (v2sf)  }
0x21b: {  	s20 =	sshll.u32 @!p0 s20, $0x7  }
0x21c: {  	s21 =	simm.s32 @!p0 $0x400;
	s20 =	sand.u32 @!p0 $0x1FFFFF80, s20  }
0x21d: {  	s22 =	simm.s32 @!p0 $0x7A1400;
	s23 =	simm.s32 @!p0 $0xAD00;
	s20 =	sadd.s32 @!p0 s3, s20  }
0x21e: {  	[tilespmem:s23], [sflag:$0x1] =	stream.strided.gather @!p0 [hbm4b:s20+s21], $0x2000, s22, s21, $0x38;
	[tilespmem:$0x1CD00] =	vst v63  }
.LBB2_3:
0x21f: {  	s21 =	simm.s32 $0x0  }
0x220: {  	s22 =	sand.u32 $0x70, s21  }
0x221: {  	v5 =	vld [tilespmem:s22+$0x200];
	_ =	sdelay $0x3  }
0x222: {  	v4 =	vmov s21  }
0x223: {  	v5 =	vperm.xlane v5, v4;
	_ =	sdelay $0x1  }
0x224: {  	(v2sf) =	vpush v5, $0x0;
	_ =	sdelay $0xe  }
0x225: {  	s20 =	spop (v2sf)  }
0x226: {  	s20 =	sshll.u32 s20, $0x4  }
0x227: {  	s23 =	sand.u32 $0x1FFFFFF0, s20  }
0x228: {  	s24 =	simm.s32 $0xCD00;
	s20 =	simm.s32 $0x1;
	s23 =	sadd.s32 s2, s23  }
0x229: {  	[tilespmem:s24], [sflag:$0x2] =	stream.linear.gather [hbm4b:s23+s21], $0x80, $0x38;
	[tilespmem:$0x1CD00] =	vst v63  }
0x22a: {  	s23 =	sand.u32 $0x70, s20  }
0x22b: {  	s25 =	simm.s32 $0x2;
	s26 =	simm.s32 $0x1;
	v5 =	vld [tilespmem:s23+$0x200]  }
.LBB2_4:
0x22c: {  	p0 =	sne.s32 s25, $0x7F;
	_ =	sdelay $0x2  }
0x22d: {  	v6 =	vmov s26;
	s26 =	smov.u32 s25  }
0x22e: {  	v5 =	vperm.xlane v5, v6;
	_ =	sdelay $0x1  }
0x22f: {  	(v2sf) =	vpush v5, $0x0;
	_ =	sdelay $0xe  }
0x230: {  	s28 =	spop (v2sf)  }
.Ltmp1:
0x231: {  	s28 =	sshll.u32 s28, $0x4;
	(pc) =	sbr.rel @p0 .LBB2_4-.Ltmp1, $4  }
0x232: {  	s28 =	sand.u32 $0x1FFFFFF0, s28  }
0x233: {  	s29 =	sand.u32 $0x70, s25;
	s24 =	sadd.s32 $0x80, s24;
	s28 =	sadd.s32 s2, s28  }
0x234: {  	[tilespmem:s24], [sflag:$0x2] =	stream.linear.gather [hbm4b:s28+s21], $0x80, $0x38;
	[tilespmem:$0x1CD00] =	vst v63  }
0x235: {  	s25 =	sadd.s32 $0x1, s25;
	v5 =	vld [tilespmem:s29+$0x200]  }
0x236: {  	_ =	sdelay $0x2  }
0x237: {  	v6 =	vmov s26  }
0x238: {  	v5 =	vperm.xlane v5, v6;
	_ =	sdelay $0x1  }
0x239: {  	(v2sf) =	vpush v5, $0x0;
	_ =	sdelay $0xe  }
0x23a: {  	s25 =	spop (v2sf)  }
0x23b: {  	s25 =	sshll.u32 s25, $0x4  }
0x23c: {  	s25 =	sand.u32 $0x1FFFFFF0, s25  }
0x23d: {  	s24 =	sadd.s32 $0x80, s24;
	s25 =	sadd.s32 s2, s25  }
0x23e: {  	[tilespmem:s24], [sflag:$0x2] =	stream.linear.gather [hbm4b:s25+s21], $0x80, $0x38;
	[tilespmem:$0x1CD00] =	vst v63  }
0x23f: {  	v5 =	vld [tilespmem:s22+$0x280];
	_ =	sdelay $0x4  }
0x240: {  	v4 =	vperm.xlane v5, v4;
	_ =	sdelay $0x1  }
0x241: {  	(v2sf) =	vpush v4, $0x0;
	_ =	sdelay $0xe  }
0x242: {  	s30 =	spop (v2sf)  }
0x243: {  	s21 =	sshll.u32 s30, $0x4  }
0x244: {  	s31 =	sand.u32 $0x1FFFFFF0, s21  }
0x245: {  	s21 =	simm.s32 $0x10D00;
	s22 =	sadd.s32 s2, s31  }
0x246: {  	[tilespmem:s21], [sflag:$0x2] =	stream.linear.gather [hbm4b:s22+s4], $0x80, $0x38;
	[tilespmem:$0x1CD00] =	vst v63  }
0x247: {  	s22 =	simm.s32 $0x2;
	v4 =	vld [tilespmem:s23+$0x280]  }
.LBB2_6:
0x248: {  	p0 =	sne.s32 s22, $0x7F;
	_ =	sdelay $0x2  }
0x249: {  	v5 =	vmov s20;
	s20 =	smov.u32 s22  }
0x24a: {  	v4 =	vperm.xlane v4, v5;
	_ =	sdelay $0x1  }
0x24b: {  	(v2sf) =	vpush v4, $0x0;
	_ =	sdelay $0xe  }
0x24c: {  	s23 =	spop (v2sf)  }
.Ltmp2:
0x24d: {  	s23 =	sshll.u32 s23, $0x4;
	(pc) =	sbr.rel @p0 .LBB2_6-.Ltmp2, $4  }
0x24e: {  	s23 =	sand.u32 $0x1FFFFFF0, s23  }
0x24f: {  	s24 =	sand.u32 $0x70, s22;
	s21 =	sadd.s32 $0x80, s21;
	s23 =	sadd.s32 s2, s23  }
0x250: {  	[tilespmem:s21], [sflag:$0x2] =	stream.linear.gather [hbm4b:s23+s4], $0x80, $0x38;
	[tilespmem:$0x1CD00] =	vst v63  }
0x251: {  	s22 =	sadd.s32 $0x1, s22;
	v4 =	vld [tilespmem:s24+$0x280]  }
0x252: {  	_ =	sdelay $0x2  }
0x253: {  	v5 =	vmov s20  }
0x254: {  	v4 =	vperm.xlane v4, v5;
	_ =	sdelay $0x1  }
0x255: {  	(v2sf) =	vpush v4, $0x0;
	_ =	sdelay $0xe  }
0x256: {  	s31 =	spop (v2sf)  }
0x257: {  	s20 =	sshll.u32 s31, $0x4  }
0x258: {  	s20 =	sand.u32 $0x1FFFFFF0, s20  }
0x259: {  	s21 =	sadd.s32 $0x80, s21;
	s20 =	sadd.s32 s2, s20  }
0x25a: {  	[tilespmem:s21], [sflag:$0x2] =	stream.linear.gather [hbm4b:s20+s4], $0x80, $0x38;
	[tilespmem:$0x1CD00] =	vst v63  }
0x25b: {  	_ =	swait.ge [sflag:s15], $0x4000  }
0x25c: {  	s22 =	simm.s32 $0xCD20;
	s23 =	simm.s32 $0x0;
	[sflag:s15] =	ssyncset.done $0x0  }
0x25d: {  	s20 =	simm.s32 $0x0;
	s21 =	simm.s32 $0x14D20;
	[sflag:s15] =	ssyncadd.s32 $0xFFFFC000  }
.LBB2_8:
0x25e: {  	s24 =	sand.u32 $0x70, s23  }
0x25f: {  	v4 =	vld [tilespmem:s24+$0x400]  }
0x260: {  	v5 =	vld [tilespmem:s24+$0x600];
	_ =	sdelay $0x1  }
0x261: {  	s25 =	sand.u32 $0xF, s23  }
0x262: {  	v6 =	vmov s25  }
0x263: {  	v4 =	vperm.xlane v4, v6  }
0x264: {  	v5 =	vperm.xlane v5, v6  }
0x265: {  	(v2sf) =	vpush v4, $0x0  }
0x266: {  	(v2sf) =	vpush v5, $0x0;
	_ =	sdelay $0xd  }
0x267: {  	s25 =	spop (v2sf)  }
0x268: {  	s26 =	spop (v2sf)  }
0x269: {  	p1 =	sne.s32 s26, $0x1  }
0x26a: {  	p0 =	slt.s32 @!p1 s25, $0x1  }
0x26b: {  	s26 =	sadd.s32 @!p1 $0x5, s25;
	p2 =	por p0, p1  }
0x26c: {  	s28 =	simm.s32 @!p1 $0x1;
	p2 =	sge.s32 @!p2 s26, s19  }
0x26d: {  	_ =	swait.ge @!p1 [sflag:s28], $0x2000;
	p0 =	por @!p1 p2, p0  }
0x26e: {  	[sflag:s28] =	ssyncset.done @!p1 $0x0;
	p0 =	por p0, p1  }
0x26f: {  	[sflag:s28] =	ssyncadd.s32 @!p1 $0xFFFFE000;
	s28 =	sand.u32 @!p0 $0xFFFFFFF0, s26  }
0x270: {  	v4 =	vld @!p0 [tilespmem:s28+$0x800];
	_ =	sdelay $0x3  }
0x271: {  	v5 =	vmov @!p0 s26  }
0x272: {  	v4 =	vperm.xlane @!p0 v4, v5;
	_ =	sdelay $0x1  }
0x273: {  	(v2sf) =	vpush @!p0 v4, $0x0;
	_ =	sdelay $0x8  }
0x274: {  	s26 =	sadd.s32 @!p0 $0xFFFFFFFF, s25  }
0x275: {  	s28 =	smulhi.u32 @!p0 $0xAAAAAAAB, s26;
	_ =	sdelay $0x1  }
0x276: {  	s28 =	sshrl.u32 @!p0 s28, $0x2  }
0x277: {  	s28 =	smul.u32 @!p0 $0x6, s28;
	_ =	sdelay $0x1  }
0x278: {  	s26 =	ssub.s32 @!p0 s26, s28;
	s28 =	spop @!p0 (v2sf)  }
0x279: {  	s28 =	sshll.u32 @!p0 s28, $0x7  }
0x27a: {  	s29 =	simm.s32 @!p0 $0x400;
	s26 =	sshll.u32 @!p0 s26, $0xD;
	s28 =	sand.u32 @!p0 $0x1FFFFF80, s28  }
0x27b: {  	s30 =	simm.s32 @!p0 $0x7A1400;
	s26 =	sor.u32 @!p0 $0xD00, s26;
	s28 =	sadd.s32 @!p0 s3, s28  }
0x27c: {  	[tilespmem:s26], [sflag:$0x1] =	stream.strided.gather @!p0 [hbm4b:s28+s29], $0x2000, s30, s29, $0x38;
	[tilespmem:$0x1CD00] =	vst v63  }
0x27d: {  	s29 =	smulhi.u32 $0x2AAAAAAB, s25;
	s30 =	sshra.s32 s25, $0x1F  }
0x27e: {  	s28 =	smul.u32 $0x2AAAAAAB, s30  }
0x27f: {  	v4 =	vld [tilespmem:s24+$0x0]  }
0x280: {  	s31 =	sadd.s32 s28, s29  }
0x281: {  	s26 =	sshrl.u32 s31, $0x1F  }
0x282: {  	s24 =	sadd.s32 s26, s31  }
0x283: {  	s24 =	smul.u32 $0x6, s24  }
0x284: {  	v4 =	vperm.xlane v4, v6  }
0x285: {  	s24 =	ssub.s32 s25, s24  }
0x286: {  	v4 =	vand.u32 $0x7F, v4;
	s24 =	sshll.u32 s24, $0xD  }
0x287: {  	v7 =	vor.u32 s24, v4  }
0x288: {  	v4 =	vor.u32 v3, v7;
	_ =	sdelay $0x3  }
0x289: {  	v6 =	vld [tilespmem:s22+$0xFFFFFFE0]  }
0x28a: {  	v5 =	vld.idx.msk [tilespmem:v4+s16+$0x0], $0xffff;
	_ =	sdelay $0x1  }
0x28b: {  	v4 =	vor.u32 $0x800, v3  }
0x28c: {  	v8 =	vor.u32 v4, v7;
	_ =	sdelay $0x1  }
0x28d: {  	v5 =	vmul.f32 v6, v5;
	_ =	sdelay $0x1  }
0x28e: {  	[tilespmem:s21+$0xFFFFFFE0] =	vst v5  }
0x28f: {  	v6 =	vld.idx.msk [tilespmem:v8+s16+$0x0], $0xffff  }
0x290: {  	v8 =	vld [tilespmem:s22+$0xFFFFFFF0];
	_ =	sdelay $0x1  }
0x291: {  	v5 =	vor.u32 $0x1000, v3  }
0x292: {  	v9 =	vor.u32 v5, v7;
	_ =	sdelay $0x1  }
0x293: {  	v6 =	vmul.f32 v8, v6;
	_ =	sdelay $0x1  }
0x294: {  	[tilespmem:s21+$0xFFFFFFF0] =	vst v6  }
0x295: {  	v8 =	vld.idx.msk [tilespmem:v9+s16+$0x0], $0xffff  }
0x296: {  	v63 =	vld [tilespmem:s22+$0x0];
	_ =	sdelay $0x1  }
0x297: {  	v6 =	vor.u32 $0x1800, v3  }
0x298: {  	v7 =	vor.u32 v6, v7;
	_ =	sdelay $0x1  }
0x299: {  	v8 =	vmul.f32 v63, v8;
	_ =	sdelay $0x1  }
0x29a: {  	[tilespmem:s21+$0x0] =	vst v8  }
0x29b: {  	v7 =	vld.idx.msk [tilespmem:v7+s16+$0x0], $0xffff  }
0x29c: {  	v8 =	vld [tilespmem:s22+$0x10]  }
0x29d: {  	s23 =	sadd.s32 $0x1, s23  }
0x29e: {  	p0 =	sne.s32 s23, $0x80  }
.Ltmp3:
0x29f: {  	_ = 	snop;
	(pc) =	sbr.rel @p0 .LBB2_8-.Ltmp3, $3  }
0x2a0: {  	_ = 	snop  }
0x2a1: {  	v7 =	vmul.f32 v8, v7;
	_ =	sdelay $0x1  }
0x2a2: {  	s22 =	sadd.s32 $0x80, s22;
	[tilespmem:s21+$0x10] =	vst v7;
	s21 =	sadd.s32 $0x80, s21  }
0x2a3: {  	s21 =	sand.u32 $0x70, s20  }
0x2a4: {  	v7 =	vld [tilespmem:s21+$0x200];
	_ =	sdelay $0x3  }
0x2a5: {  	v8 =	vmov s20  }
0x2a6: {  	v7 =	vperm.xlane v7, v8;
	_ =	sdelay $0x1  }
0x2a7: {  	(v2sf) =	vpush v7, $0x0;
	_ =	sdelay $0xe  }
0x2a8: {  	s29 =	spop (v2sf)  }
0x2a9: {  	s30 =	sshll.u32 s29, $0x4  }
0x2aa: {  	s20 =	simm.s32 $0x14D00;
	s21 =	simm.s32 $0x1;
	s22 =	sand.u32 $0x1FFFFFF0, s30  }
0x2ab: {  	s31 =	sand.u32 $0x70, s21;
	s23 =	sadd.s32 s5, s22;
	s22 =	simm.s32 $0x0  }
0x2ac: {  	[hbm4b:s23+s22] =	stream.linear.scatter [tilespmem:s20], [sflag:$0x3], $0x80, $0x38;
	[tilespmem:$0x1CD00] =	vst v63  }
0x2ad: {  	s23 =	simm.s32 $0x2;
	v7 =	vld [tilespmem:s31+$0x200]  }
.LBB2_10:
0x2ae: {  	p0 =	sne.s32 s23, $0x7F;
	_ =	sdelay $0x2  }
0x2af: {  	v8 =	vmov s21;
	s21 =	smov.u32 s23  }
0x2b0: {  	v7 =	vperm.xlane v7, v8;
	_ =	sdelay $0x1  }
0x2b1: {  	(v2sf) =	vpush v7, $0x0;
	_ =	sdelay $0xe  }
0x2b2: {  	s24 =	spop (v2sf)  }
.Ltmp4:
0x2b3: {  	s24 =	sshll.u32 s24, $0x4;
	(pc) =	sbr.rel @p0 .LBB2_10-.Ltmp4, $4  }
0x2b4: {  	s20 =	sadd.s32 $0x80, s20;
	s24 =	sand.u32 $0x1FFFFFF0, s24  }
0x2b5: {  	s25 =	sand.u32 $0x70, s23;
	s24 =	sadd.s32 s5, s24  }
0x2b6: {  	[hbm4b:s24+s22] =	stream.linear.scatter [tilespmem:s20], [sflag:$0x3], $0x80, $0x38;
	[tilespmem:$0x1CD00] =	vst v63  }
0x2b7: {  	s23 =	sadd.s32 $0x1, s23;
	v7 =	vld [tilespmem:s25+$0x200]  }
0x2b8: {  	_ =	sdelay $0x2  }
0x2b9: {  	v8 =	vmov s21  }
0x2ba: {  	v7 =	vperm.xlane v7, v8;
	_ =	sdelay $0x1  }
0x2bb: {  	(v2sf) =	vpush v7, $0x0;
	_ =	sdelay $0xe  }
0x2bc: {  	s31 =	spop (v2sf)  }
0x2bd: {  	p1 =	por $0x1, $0x1;
	s21 =	sshll.u32 s31, $0x4  }
.Ltmp5:
0x2be: {  	s21 =	sand.u32 $0x1FFFFFF0, s21;
	(pc) =	sbr.rel @!p1 .LBB2_12-.Ltmp5, $4  }
0x2bf: {  	s20 =	sadd.s32 $0x80, s20;
	s22 =	sadd.s32 s5, s21;
	s21 =	simm.s32 $0x0  }
0x2c0: {  	[hbm4b:s22+s21] =	stream.linear.scatter [tilespmem:s20], [sflag:$0x3], $0x80, $0x38;
	[tilespmem:$0x1CD00] =	vst v63  }
0x2c1: {  	s22 =	sand.u32 $0x70, s21  }
0x2c2: {  	s23 =	simm.s32 $0xCD00;
	p0 =	por $0x0, $0x0;
	s20 =	simm.s32 $0x1;
	v7 =	vld [tilespmem:s22+$0x300]  }
0x2c3: {  	_ =	sdelay $0x2  }
0x2c4: {  	v8 =	vmov s21  }
0x2c5: {  	v7 =	vperm.xlane v7, v8;
	_ =	sdelay $0x1  }
0x2c6: {  	(v2sf) =	vpush v7, $0x0;
	_ =	sdelay $0xe  }
0x2c7: {  	p1 =	por $0x1, $0x1;
	s24 =	spop (v2sf)  }
.Ltmp6:
0x2c8: {  	s24 =	sshll.u32 s24, $0x4;
	(pc) =	sbr.rel @!p1 .LBB2_14-.Ltmp6, $4  }
0x2c9: {  	s24 =	sand.u32 $0x1FFFFFF0, s24  }
0x2ca: {  	s31 =	sand.u32 $0x70, s20;
	s26 =	simm.s32 $0x2;
	s24 =	sadd.s32 s2, s24  }
0x2cb: {  	[tilespmem:s23], [sflag:$0x2] =	stream.linear.gather [hbm4b:s24+s4], $0x80, $0x38;
	[tilespmem:$0x1CD00] =	vst v63  }
0x2cc: {  	p0 =	por $0x1, $0x1;
	s25 =	simm.s32 $0x1;
	s24 =	simm.s32 $0xCD00;
	v7 =	vld [tilespmem:s31+$0x300]  }
.LBB2_15:
0x2cd: {  	p1 =	sne.s32 s26, $0x7F;
	_ =	sdelay $0x2  }
0x2ce: {  	v8 =	vmov s25;
	s25 =	smov.u32 s26  }
0x2cf: {  	v7 =	vperm.xlane v7, v8;
	_ =	sdelay $0x1  }
0x2d0: {  	(v2sf) =	vpush v7, $0x0;
	_ =	sdelay $0xe  }
0x2d1: {  	s28 =	spop (v2sf)  }
.Ltmp7:
0x2d2: {  	s28 =	sshll.u32 s28, $0x4;
	(pc) =	sbr.rel @p1 .LBB2_15-.Ltmp7, $4  }
0x2d3: {  	s28 =	sand.u32 $0x1FFFFFF0, s28  }
0x2d4: {  	s29 =	sand.u32 $0x70, s26;
	s24 =	sadd.s32 $0x80, s24;
	s28 =	sadd.s32 s2, s28  }
0x2d5: {  	[tilespmem:s24], [sflag:$0x2] =	stream.linear.gather [hbm4b:s28+s4], $0x80, $0x38;
	[tilespmem:$0x1CD00] =	vst v63  }
0x2d6: {  	s26 =	sadd.s32 $0x1, s26;
	v7 =	vld [tilespmem:s29+$0x300]  }
.LBB2_16:
0x2d7: {  	_ =	sdelay $0x2  }
0x2d8: {  	v8 =	vmov s25  }
0x2d9: {  	v7 =	vperm.xlane v7, v8;
	_ =	sdelay $0x1  }
0x2da: {  	(v2sf) =	vpush v7, $0x0;
	_ =	sdelay $0xe  }
0x2db: {  	s31 =	spop (v2sf)  }
0x2dc: {  	s25 =	sshll.u32 s31, $0x4  }
0x2dd: {  	s24 =	sadd.s32 @p0 $0x80, s24;
	s25 =	sand.u32 $0x1FFFFFF0, s25  }
0x2de: {  	s23 =	smov.u32 @p0 s24;
	s25 =	sadd.s32 s2, s25  }
0x2df: {  	[tilespmem:s23], [sflag:$0x2] =	stream.linear.gather [hbm4b:s25+s4], $0x80, $0x38;
	[tilespmem:$0x1CD00] =	vst v63  }
0x2e0: {  	_ =	swait.ge [sflag:s15], $0x4000  }
0x2e1: {  	[sflag:s15] =	ssyncset.done $0x0  }
0x2e2: {  	s24 =	simm.s32 $0x0;
	s23 =	simm.s32 $0x0;
	[sflag:s15] =	ssyncadd.s32 $0xFFFFC000  }
.LBB2_17:
0x2e3: {  	s25 =	sand.u32 $0x70, s24  }
0x2e4: {  	v7 =	vld [tilespmem:s25+$0x480]  }
0x2e5: {  	v8 =	vld [tilespmem:s25+$0x680];
	_ =	sdelay $0x1  }
0x2e6: {  	s26 =	sand.u32 $0xF, s24  }
0x2e7: {  	v9 =	vmov s26  }
0x2e8: {  	v7 =	vperm.xlane v7, v9  }
0x2e9: {  	v8 =	vperm.xlane v8, v9  }
0x2ea: {  	(v2sf) =	vpush v7, $0x0  }
0x2eb: {  	(v2sf) =	vpush v8, $0x0;
	_ =	sdelay $0xd  }
0x2ec: {  	s26 =	spop (v2sf)  }
0x2ed: {  	s28 =	spop (v2sf)  }
0x2ee: {  	p1 =	sne.s32 s28, $0x1  }
0x2ef: {  	p0 =	slt.s32 @!p1 s26, $0x1  }
0x2f0: {  	s28 =	sadd.s32 @!p1 $0x5, s26;
	p2 =	por p0, p1  }
0x2f1: {  	s29 =	simm.s32 @!p1 $0x1;
	p2 =	sge.s32 @!p2 s28, s19  }
0x2f2: {  	_ =	swait.ge @!p1 [sflag:s29], $0x2000;
	p0 =	por @!p1 p2, p0  }
0x2f3: {  	[sflag:s29] =	ssyncset.done @!p1 $0x0;
	p0 =	por p0, p1  }
0x2f4: {  	[sflag:s29] =	ssyncadd.s32 @!p1 $0xFFFFE000;
	s29 =	sand.u32 @!p0 $0xFFFFFFF0, s28  }
0x2f5: {  	v7 =	vld @!p0 [tilespmem:s29+$0x800];
	_ =	sdelay $0x3  }
0x2f6: {  	v8 =	vmov @!p0 s28  }
0x2f7: {  	v7 =	vperm.xlane @!p0 v7, v8;
	_ =	sdelay $0x1  }
0x2f8: {  	(v2sf) =	vpush @!p0 v7, $0x0;
	_ =	sdelay $0x8  }
0x2f9: {  	s28 =	sadd.s32 @!p0 $0xFFFFFFFF, s26  }
0x2fa: {  	s29 =	smulhi.u32 @!p0 $0xAAAAAAAB, s28;
	_ =	sdelay $0x1  }
0x2fb: {  	s29 =	sshrl.u32 @!p0 s29, $0x2  }
0x2fc: {  	s29 =	smul.u32 @!p0 $0x6, s29;
	_ =	sdelay $0x1  }
0x2fd: {  	s28 =	ssub.s32 @!p0 s28, s29;
	s29 =	spop @!p0 (v2sf)  }
0x2fe: {  	s29 =	sshll.u32 @!p0 s29, $0x7  }
0x2ff: {  	s30 =	simm.s32 @!p0 $0x400;
	s28 =	sshll.u32 @!p0 s28, $0xD;
	s29 =	sand.u32 @!p0 $0x1FFFFF80, s29  }
0x300: {  	s31 =	simm.s32 @!p0 $0x7A1400;
	s28 =	sor.u32 @!p0 $0xD00, s28;
	s29 =	sadd.s32 @!p0 s3, s29  }
0x301: {  	[tilespmem:s28], [sflag:$0x1] =	stream.strided.gather @!p0 [hbm4b:s29+s30], $0x2000, s31, s30, $0x38;
	[tilespmem:$0x1CD00] =	vst v63  }
0x302: {  	s0 =	sshra.s32 s26, $0x1F;
	s31 =	smulhi.u32 $0x2AAAAAAB, s26  }
0x303: {  	s25 =	sor.u32 $0x80, s25;
	s29 =	smul.u32 $0x2AAAAAAB, s0  }
0x304: {  	v7 =	vld [tilespmem:s25+$0x0]  }
0x305: {  	s30 =	sadd.s32 s29, s31  }
0x306: {  	s28 =	sshrl.u32 s30, $0x1F  }
0x307: {  	s25 =	sadd.s32 s28, s30  }
0x308: {  	s25 =	smul.u32 $0x6, s25  }
0x309: {  	v7 =	vperm.xlane v7, v9  }
0x30a: {  	s25 =	ssub.s32 s26, s25  }
0x30b: {  	v7 =	vand.u32 $0x7F, v7;
	s25 =	sshll.u32 s25, $0xD  }
0x30c: {  	v7 =	vor.u32 s25, v7  }
0x30d: {  	v8 =	vor.u32 v3, v7;
	_ =	sdelay $0x2  }
0x30e: {  	s31 =	sshra.s32 s23, $0x2  }
0x30f: {  	v60 =	vld [tilespmem:s31+$0x10D00]  }
0x310: {  	v8 =	vld.idx.msk [tilespmem:v8+s16+$0x0], $0xffff;
	_ =	sdelay $0x2  }
0x311: {  	v10 =	vor.u32 v4, v7;
	_ =	sdelay $0x1  }
0x312: {  	v8 =	vmul.f32 v60, v8;
	_ =	sdelay $0x1  }
0x313: {  	v61 =	vld [tilespmem:s31+$0x10D10];
	[tilespmem:s31+$0x18D00] =	vst v8  }
0x314: {  	v8 =	vld.idx.msk [tilespmem:v10+s16+$0x0], $0xffff;
	_ =	sdelay $0x2  }
0x315: {  	v62 =	vor.u32 v5, v7;
	_ =	sdelay $0x1  }
0x316: {  	v8 =	vmul.f32 v61, v8;
	_ =	sdelay $0x1  }
0x317: {  	v63 =	vld [tilespmem:s31+$0x10D20];
	[tilespmem:s31+$0x18D10] =	vst v8  }
0x318: {  	v8 =	vld.idx.msk [tilespmem:v62+s16+$0x0], $0xffff;
	_ =	sdelay $0x2  }
0x319: {  	v7 =	vor.u32 v6, v7;
	_ =	sdelay $0x1  }
0x31a: {  	v8 =	vmul.f32 v63, v8;
	_ =	sdelay $0x1  }
0x31b: {  	[tilespmem:s31+$0x18D20] =	vst v8;
	v8 =	vld [tilespmem:s31+$0x10D30]  }
0x31c: {  	v7 =	vld.idx.msk [tilespmem:v7+s16+$0x0], $0xffff  }
0x31d: {  	s23 =	sadd.s32 $0x200, s23  }
0x31e: {  	p0 =	sne.s32 s23, $0x10000  }
.Ltmp8:
0x31f: {  	_ = 	snop;
	(pc) =	sbr.rel @p0 .LBB2_17-.Ltmp8, $3  }
0x320: {  	_ = 	snop  }
0x321: {  	v7 =	vmul.f32 v8, v7;
	_ =	sdelay $0x1  }
0x322: {  	s24 =	sadd.s32 $0x1, s24;
	[tilespmem:s31+$0x18D30] =	vst v7  }
0x323: {  	v7 =	vld [tilespmem:s22+$0x280];
	_ =	sdelay $0x3  }
0x324: {  	v8 =	vmov s21  }
0x325: {  	v7 =	vperm.xlane v7, v8;
	_ =	sdelay $0x1  }
0x326: {  	(v2sf) =	vpush v7, $0x0;
	_ =	sdelay $0xe  }
0x327: {  	s29 =	spop (v2sf)  }
0x328: {  	s21 =	sshll.u32 s29, $0x4  }
0x329: {  	s22 =	simm.s32 $0x0;
	s30 =	sand.u32 $0x1FFFFFF0, s21  }
0x32a: {  	s31 =	sand.u32 $0x70, s20;
	s21 =	simm.s32 $0x18D00;
	s23 =	sadd.s32 s5, s30  }
0x32b: {  	[hbm4b:s23+s22] =	stream.linear.scatter [tilespmem:s21], [sflag:$0x3], $0x80, $0x38;
	[tilespmem:$0x1CD00] =	vst v63  }
0x32c: {  	s23 =	simm.s32 $0x2;
	v7 =	vld [tilespmem:s31+$0x280]  }
.LBB2_19:
0x32d: {  	p0 =	sne.s32 s23, $0x7F;
	_ =	sdelay $0x2  }
0x32e: {  	v8 =	vmov s20;
	s20 =	smov.u32 s23  }
0x32f: {  	v7 =	vperm.xlane v7, v8;
	_ =	sdelay $0x1  }
0x330: {  	(v2sf) =	vpush v7, $0x0;
	_ =	sdelay $0xe  }
0x331: {  	s24 =	spop (v2sf)  }
.Ltmp9:
0x332: {  	s24 =	sshll.u32 s24, $0x4;
	(pc) =	sbr.rel @p0 .LBB2_19-.Ltmp9, $4  }
0x333: {  	s21 =	sadd.s32 $0x80, s21;
	s24 =	sand.u32 $0x1FFFFFF0, s24  }
0x334: {  	s25 =	sand.u32 $0x70, s23;
	s24 =	sadd.s32 s5, s24  }
0x335: {  	[hbm4b:s24+s22] =	stream.linear.scatter [tilespmem:s21], [sflag:$0x3], $0x80, $0x38;
	[tilespmem:$0x1CD00] =	vst v63  }
0x336: {  	s23 =	sadd.s32 $0x1, s23;
	v7 =	vld [tilespmem:s25+$0x280]  }
0x337: {  	_ =	sdelay $0x2  }
0x338: {  	v8 =	vmov s20  }
0x339: {  	v7 =	vperm.xlane v7, v8;
	_ =	sdelay $0x1  }
0x33a: {  	(v2sf) =	vpush v7, $0x0;
	_ =	sdelay $0xe  }
0x33b: {  	s31 =	spop (v2sf)  }
0x33c: {  	p1 =	por $0x1, $0x1;
	s20 =	sshll.u32 s31, $0x4  }
.Ltmp10:
0x33d: {  	s20 =	sand.u32 $0x1FFFFFF0, s20;
	(pc) =	sbr.rel @!p1 .LBB2_21-.Ltmp10, $4  }
0x33e: {  	s22 =	sadd.s32 $0x80, s21;
	s21 =	simm.s32 $0x0;
	s20 =	sadd.s32 s5, s20  }
0x33f: {  	[hbm4b:s20+s21] =	stream.linear.scatter [tilespmem:s22], [sflag:$0x3], $0x80, $0x38;
	[tilespmem:$0x1CD00] =	vst v63  }
0x340: {  	s22 =	sand.u32 $0x70, s21  }
0x341: {  	s23 =	simm.s32 $0x10D00;
	p0 =	por $0x0, $0x0;
	s20 =	simm.s32 $0x1;
	v7 =	vld [tilespmem:s22+$0x380]  }
0x342: {  	_ =	sdelay $0x2  }
0x343: {  	v8 =	vmov s21  }
0x344: {  	v7 =	vperm.xlane v7, v8;
	_ =	sdelay $0x1  }
0x345: {  	(v2sf) =	vpush v7, $0x0;
	_ =	sdelay $0xe  }
0x346: {  	p1 =	por $0x1, $0x1;
	s24 =	spop (v2sf)  }
.Ltmp11:
0x347: {  	s24 =	sshll.u32 s24, $0x4;
	(pc) =	sbr.rel @!p1 .LBB2_23-.Ltmp11, $4  }
0x348: {  	s24 =	sand.u32 $0x1FFFFFF0, s24  }
0x349: {  	s31 =	sand.u32 $0x70, s20;
	s26 =	simm.s32 $0x2;
	s24 =	sadd.s32 s2, s24  }
0x34a: {  	[tilespmem:s23], [sflag:$0x2] =	stream.linear.gather [hbm4b:s24+s4], $0x80, $0x38;
	[tilespmem:$0x1CD00] =	vst v63  }
0x34b: {  	p0 =	por $0x1, $0x1;
	s25 =	simm.s32 $0x1;
	s24 =	simm.s32 $0x10D00;
	v7 =	vld [tilespmem:s31+$0x380]  }
.LBB2_24:
0x34c: {  	p1 =	sne.s32 s26, $0x7F;
	_ =	sdelay $0x2  }
0x34d: {  	v8 =	vmov s25;
	s25 =	smov.u32 s26  }
0x34e: {  	v7 =	vperm.xlane v7, v8;
	_ =	sdelay $0x1  }
0x34f: {  	(v2sf) =	vpush v7, $0x0;
	_ =	sdelay $0xe  }
0x350: {  	s28 =	spop (v2sf)  }
.Ltmp12:
0x351: {  	s28 =	sshll.u32 s28, $0x4;
	(pc) =	sbr.rel @p1 .LBB2_24-.Ltmp12, $4  }
0x352: {  	s28 =	sand.u32 $0x1FFFFFF0, s28  }
0x353: {  	s29 =	sand.u32 $0x70, s26;
	s24 =	sadd.s32 $0x80, s24;
	s28 =	sadd.s32 s2, s28  }
0x354: {  	[tilespmem:s24], [sflag:$0x2] =	stream.linear.gather [hbm4b:s28+s4], $0x80, $0x38;
	[tilespmem:$0x1CD00] =	vst v63  }
0x355: {  	s26 =	sadd.s32 $0x1, s26;
	v7 =	vld [tilespmem:s29+$0x380]  }
.LBB2_25:
0x356: {  	_ =	sdelay $0x2  }
0x357: {  	v8 =	vmov s25  }
0x358: {  	v7 =	vperm.xlane v7, v8;
	_ =	sdelay $0x1  }
0x359: {  	(v2sf) =	vpush v7, $0x0;
	_ =	sdelay $0xe  }
0x35a: {  	s31 =	spop (v2sf)  }
0x35b: {  	s25 =	sshll.u32 s31, $0x4  }
0x35c: {  	s24 =	sadd.s32 @p0 $0x80, s24;
	s25 =	sand.u32 $0x1FFFFFF0, s25  }
0x35d: {  	s23 =	smov.u32 @p0 s24;
	s25 =	sadd.s32 s2, s25  }
0x35e: {  	[tilespmem:s23], [sflag:$0x2] =	stream.linear.gather [hbm4b:s25+s4], $0x80, $0x38;
	[tilespmem:$0x1CD00] =	vst v63  }
0x35f: {  	_ =	swait.ge [sflag:s15], $0x4000  }
0x360: {  	[sflag:s15] =	ssyncset.done $0x0  }
0x361: {  	[sflag:s15] =	ssyncadd.s32 $0xFFFFC000  }
0x362: {  	_ =	swait.ge [sflag:s17], $0x4000  }
0x363: {  	s24 =	simm.s32 $0xCD20;
	[sflag:s17] =	ssyncset.done $0x0  }
0x364: {  	s23 =	simm.s32 $0x14D20;
	s25 =	simm.s32 $0x0;
	[sflag:s17] =	ssyncadd.s32 $0xFFFFC000  }
.LBB2_26:
0x365: {  	s26 =	sand.u32 $0x70, s25  }
0x366: {  	v7 =	vld [tilespmem:s26+$0x500]  }
0x367: {  	v8 =	vld [tilespmem:s26+$0x700];
	_ =	sdelay $0x1  }
0x368: {  	s28 =	sand.u32 $0xF, s25  }
0x369: {  	v9 =	vmov s28  }
0x36a: {  	v7 =	vperm.xlane v7, v9  }
0x36b: {  	v8 =	vperm.xlane v8, v9  }
0x36c: {  	(v2sf) =	vpush v7, $0x0  }
0x36d: {  	(v2sf) =	vpush v8, $0x0;
	_ =	sdelay $0xd  }
0x36e: {  	s28 =	spop (v2sf)  }
0x36f: {  	s29 =	spop (v2sf)  }
0x370: {  	p1 =	sne.s32 s29, $0x1  }
0x371: {  	p0 =	slt.s32 @!p1 s28, $0x1  }
0x372: {  	s29 =	sadd.s32 @!p1 $0x5, s28;
	p2 =	por p0, p1  }
0x373: {  	s30 =	simm.s32 @!p1 $0x1;
	p2 =	sge.s32 @!p2 s29, s19  }
0x374: {  	_ =	swait.ge @!p1 [sflag:s30], $0x2000;
	p0 =	por @!p1 p2, p0  }
0x375: {  	[sflag:s30] =	ssyncset.done @!p1 $0x0;
	p0 =	por p0, p1  }
0x376: {  	[sflag:s30] =	ssyncadd.s32 @!p1 $0xFFFFE000;
	s30 =	sand.u32 @!p0 $0xFFFFFFF0, s29  }
0x377: {  	v7 =	vld @!p0 [tilespmem:s30+$0x800];
	_ =	sdelay $0x3  }
0x378: {  	v8 =	vmov @!p0 s29  }
0x379: {  	v7 =	vperm.xlane @!p0 v7, v8;
	_ =	sdelay $0x1  }
0x37a: {  	(v2sf) =	vpush @!p0 v7, $0x0;
	_ =	sdelay $0x8  }
0x37b: {  	s29 =	sadd.s32 @!p0 $0xFFFFFFFF, s28  }
0x37c: {  	s30 =	smulhi.u32 @!p0 $0xAAAAAAAB, s29;
	_ =	sdelay $0x1  }
0x37d: {  	s30 =	sshrl.u32 @!p0 s30, $0x2  }
0x37e: {  	s30 =	smul.u32 @!p0 $0x6, s30;
	_ =	sdelay $0x1  }
0x37f: {  	s29 =	ssub.s32 @!p0 s29, s30;
	s30 =	spop @!p0 (v2sf)  }
0x380: {  	s30 =	sshll.u32 @!p0 s30, $0x7  }
0x381: {  	s31 =	simm.s32 @!p0 $0x400;
	s29 =	sshll.u32 @!p0 s29, $0xD;
	s30 =	sand.u32 @!p0 $0x1FFFFF80, s30  }
0x382: {  	s0 =	simm.s32 @!p0 $0x7A1400;
	s29 =	sor.u32 @!p0 $0xD00, s29;
	s30 =	sadd.s32 @!p0 s3, s30  }
0x383: {  	[tilespmem:s29], [sflag:$0x1] =	stream.strided.gather @!p0 [hbm4b:s30+s31], $0x2000, s0, s31, $0x38;
	[tilespmem:$0x1CD00] =	vst v63  }
0x384: {  	s31 =	smulhi.u32 $0x2AAAAAAB, s28;
	s30 =	sshra.s32 s28, $0x1F  }
0x385: {  	s26 =	sor.u32 $0x100, s26;
	s29 =	smul.u32 $0x2AAAAAAB, s30  }
0x386: {  	v7 =	vld [tilespmem:s26+$0x0]  }
0x387: {  	s0 =	sadd.s32 s29, s31  }
0x388: {  	s31 =	sshrl.u32 s0, $0x1F  }
0x389: {  	s0 =	sadd.s32 s31, s0  }
0x38a: {  	s0 =	smul.u32 $0x6, s0  }
0x38b: {  	v7 =	vperm.xlane v7, v9  }
0x38c: {  	s0 =	ssub.s32 s28, s0  }
0x38d: {  	v7 =	vand.u32 $0x7F, v7;
	s0 =	sshll.u32 s0, $0xD  }
0x38e: {  	v7 =	vor.u32 s0, v7  }
0x38f: {  	v8 =	vor.u32 v3, v7;
	_ =	sdelay $0x3  }
0x390: {  	v60 =	vld [tilespmem:s24+$0xFFFFFFE0]  }
0x391: {  	v8 =	vld.idx.msk [tilespmem:v8+s16+$0x0], $0xffff;
	_ =	sdelay $0x2  }
0x392: {  	v10 =	vor.u32 v4, v7;
	_ =	sdelay $0x1  }
0x393: {  	v8 =	vmul.f32 v60, v8;
	_ =	sdelay $0x1  }
0x394: {  	[tilespmem:s23+$0xFFFFFFE0] =	vst v8  }
0x395: {  	v8 =	vld.idx.msk [tilespmem:v10+s16+$0x0], $0xffff  }
0x396: {  	v61 =	vld [tilespmem:s24+$0xFFFFFFF0];
	_ =	sdelay $0x2  }
0x397: {  	v62 =	vor.u32 v5, v7;
	_ =	sdelay $0x1  }
0x398: {  	v8 =	vmul.f32 v61, v8;
	_ =	sdelay $0x1  }
0x399: {  	[tilespmem:s23+$0xFFFFFFF0] =	vst v8  }
0x39a: {  	v8 =	vld.idx.msk [tilespmem:v62+s16+$0x0], $0xffff  }
0x39b: {  	v63 =	vld [tilespmem:s24+$0x0];
	_ =	sdelay $0x2  }
0x39c: {  	v7 =	vor.u32 v6, v7;
	_ =	sdelay $0x1  }
0x39d: {  	v8 =	vmul.f32 v63, v8;
	_ =	sdelay $0x1  }
0x39e: {  	[tilespmem:s23+$0x0] =	vst v8  }
0x39f: {  	v7 =	vld.idx.msk [tilespmem:v7+s16+$0x0], $0xffff  }
0x3a0: {  	v8 =	vld [tilespmem:s24+$0x10]  }
0x3a1: {  	s25 =	sadd.s32 $0x1, s25  }
0x3a2: {  	p0 =	sne.s32 s25, $0x80  }
.Ltmp13:
0x3a3: {  	_ = 	snop;
	(pc) =	sbr.rel @p0 .LBB2_26-.Ltmp13, $3  }
0x3a4: {  	_ = 	snop  }
0x3a5: {  	v7 =	vmul.f32 v8, v7;
	_ =	sdelay $0x1  }
0x3a6: {  	s24 =	sadd.s32 $0x80, s24;
	[tilespmem:s23+$0x10] =	vst v7;
	s23 =	sadd.s32 $0x80, s23  }
0x3a7: {  	v7 =	vld [tilespmem:s22+$0x300];
	_ =	sdelay $0x3  }
0x3a8: {  	v8 =	vmov s21  }
0x3a9: {  	v7 =	vperm.xlane v7, v8;
	_ =	sdelay $0x1  }
0x3aa: {  	(v2sf) =	vpush v7, $0x0;
	_ =	sdelay $0xe  }
0x3ab: {  	s0 =	spop (v2sf)  }
0x3ac: {  	s0 =	sshll.u32 s0, $0x4  }
0x3ad: {  	s0 =	sand.u32 $0x1FFFFFF0, s0  }
0x3ae: {  	s21 =	simm.s32 $0x14D00;
	s31 =	sand.u32 $0x70, s20;
	s0 =	sadd.s32 s5, s0  }
0x3af: {  	[hbm4b:s0+s4] =	stream.linear.scatter [tilespmem:s21], [sflag:$0x3], $0x80, $0x38;
	[tilespmem:$0x1CD00] =	vst v63  }
0x3b0: {  	s22 =	simm.s32 $0x2;
	v7 =	vld [tilespmem:s31+$0x300]  }
.LBB2_28:
0x3b1: {  	p0 =	sne.s32 s22, $0x7F;
	_ =	sdelay $0x2  }
0x3b2: {  	v8 =	vmov s20;
	s20 =	smov.u32 s22  }
0x3b3: {  	v7 =	vperm.xlane v7, v8;
	_ =	sdelay $0x1  }
0x3b4: {  	(v2sf) =	vpush v7, $0x0;
	_ =	sdelay $0xe  }
0x3b5: {  	s0 =	spop (v2sf)  }
.Ltmp14:
0x3b6: {  	s0 =	sshll.u32 s0, $0x4;
	(pc) =	sbr.rel @p0 .LBB2_28-.Ltmp14, $4  }
0x3b7: {  	s0 =	sand.u32 $0x1FFFFFF0, s0  }
0x3b8: {  	s23 =	sand.u32 $0x70, s22;
	s21 =	sadd.s32 $0x80, s21;
	s0 =	sadd.s32 s5, s0  }
0x3b9: {  	[hbm4b:s0+s4] =	stream.linear.scatter [tilespmem:s21], [sflag:$0x3], $0x80, $0x38;
	[tilespmem:$0x1CD00] =	vst v63  }
0x3ba: {  	s22 =	sadd.s32 $0x1, s22;
	v7 =	vld [tilespmem:s23+$0x300]  }
0x3bb: {  	_ =	sdelay $0x2  }
0x3bc: {  	v8 =	vmov s20  }
0x3bd: {  	v7 =	vperm.xlane v7, v8;
	_ =	sdelay $0x1  }
0x3be: {  	(v2sf) =	vpush v7, $0x0;
	_ =	sdelay $0xe  }
0x3bf: {  	s0 =	spop (v2sf)  }
0x3c0: {  	s0 =	sshll.u32 s0, $0x4  }
0x3c1: {  	s0 =	sand.u32 $0x1FFFFFF0, s0  }
0x3c2: {  	s31 =	sadd.s32 $0x80, s21;
	s0 =	sadd.s32 s5, s0  }
0x3c3: {  	[hbm4b:s0+s4] =	stream.linear.scatter [tilespmem:s31], [sflag:$0x3], $0x80, $0x38;
	[tilespmem:$0x1CD00] =	vst v63  }
0x3c4: {  	_ =	swait.ge [sflag:s15], $0x4000  }
0x3c5: {  	[sflag:s15] =	ssyncset.done $0x0  }
0x3c6: {  	[sflag:s15] =	ssyncadd.s32 $0xFFFFC000  }
0x3c7: {  	_ =	swait.ge [sflag:s17], $0x4000  }
0x3c8: {  	s20 =	simm.s32 $0x0;
	[sflag:s17] =	ssyncset.done $0x0  }
0x3c9: {  	s21 =	simm.s32 $0x0;
	s22 =	simm.s32 $0x0;
	[sflag:s17] =	ssyncadd.s32 $0xFFFFC000  }
.LBB2_30:
0x3ca: {  	s0 =	sand.u32 $0x70, s22  }
0x3cb: {  	v7 =	vld [tilespmem:s0+$0x580]  }
0x3cc: {  	v8 =	vld [tilespmem:s0+$0x780];
	_ =	sdelay $0x1  }
0x3cd: {  	s23 =	sand.u32 $0xF, s22  }
0x3ce: {  	v9 =	vmov s23  }
0x3cf: {  	v7 =	vperm.xlane v7, v9  }
0x3d0: {  	v8 =	vperm.xlane v8, v9  }
0x3d1: {  	(v2sf) =	vpush v7, $0x0  }
0x3d2: {  	(v2sf) =	vpush v8, $0x0;
	_ =	sdelay $0xd  }
0x3d3: {  	s23 =	spop (v2sf)  }
0x3d4: {  	s24 =	spop (v2sf)  }
0x3d5: {  	p1 =	sne.s32 s24, $0x1  }
0x3d6: {  	p0 =	slt.s32 @!p1 s23, $0x1  }
0x3d7: {  	s24 =	sadd.s32 @!p1 $0x5, s23;
	p2 =	por p0, p1  }
0x3d8: {  	s25 =	simm.s32 @!p1 $0x1;
	p2 =	sge.s32 @!p2 s24, s19  }
0x3d9: {  	_ =	swait.ge @!p1 [sflag:s25], $0x2000;
	p0 =	por @!p1 p2, p0  }
0x3da: {  	[sflag:s25] =	ssyncset.done @!p1 $0x0;
	p0 =	por p0, p1  }
0x3db: {  	[sflag:s25] =	ssyncadd.s32 @!p1 $0xFFFFE000;
	s25 =	sand.u32 @!p0 $0xFFFFFFF0, s24  }
0x3dc: {  	v7 =	vld @!p0 [tilespmem:s25+$0x800];
	_ =	sdelay $0x3  }
0x3dd: {  	v8 =	vmov @!p0 s24  }
0x3de: {  	v7 =	vperm.xlane @!p0 v7, v8;
	_ =	sdelay $0x1  }
0x3df: {  	(v2sf) =	vpush @!p0 v7, $0x0;
	_ =	sdelay $0x8  }
0x3e0: {  	s24 =	sadd.s32 @!p0 $0xFFFFFFFF, s23  }
0x3e1: {  	s25 =	smulhi.u32 @!p0 $0xAAAAAAAB, s24;
	_ =	sdelay $0x1  }
0x3e2: {  	s25 =	sshrl.u32 @!p0 s25, $0x2  }
0x3e3: {  	s25 =	smul.u32 @!p0 $0x6, s25;
	_ =	sdelay $0x1  }
0x3e4: {  	s24 =	ssub.s32 @!p0 s24, s25;
	s25 =	spop @!p0 (v2sf)  }
0x3e5: {  	s25 =	sshll.u32 @!p0 s25, $0x7  }
0x3e6: {  	s26 =	simm.s32 @!p0 $0x400;
	s24 =	sshll.u32 @!p0 s24, $0xD;
	s25 =	sand.u32 @!p0 $0x1FFFFF80, s25  }
0x3e7: {  	s28 =	simm.s32 @!p0 $0x7A1400;
	s24 =	sor.u32 @!p0 $0xD00, s24;
	s25 =	sadd.s32 @!p0 s3, s25  }
0x3e8: {  	[tilespmem:s24], [sflag:$0x1] =	stream.strided.gather @!p0 [hbm4b:s25+s26], $0x2000, s28, s26, $0x38;
	[tilespmem:$0x1CD00] =	vst v63  }
0x3e9: {  	s29 =	sshra.s32 s23, $0x1F;
	s28 =	smulhi.u32 $0x2AAAAAAB, s23  }
0x3ea: {  	s0 =	sor.u32 $0x180, s0;
	s25 =	smul.u32 $0x2AAAAAAB, s29  }
0x3eb: {  	v7 =	vld [tilespmem:s0+$0x0]  }
0x3ec: {  	s30 =	sadd.s32 s25, s28  }
0x3ed: {  	s24 =	sshrl.u32 s30, $0x1F  }
0x3ee: {  	s0 =	sadd.s32 s24, s30  }
0x3ef: {  	s0 =	smul.u32 $0x6, s0  }
0x3f0: {  	v7 =	vperm.xlane v7, v9  }
0x3f1: {  	s0 =	ssub.s32 s23, s0  }
0x3f2: {  	v7 =	vand.u32 $0x7F, v7;
	s0 =	sshll.u32 s0, $0xD  }
0x3f3: {  	v7 =	vor.u32 s0, v7  }
0x3f4: {  	v8 =	vor.u32 v3, v7;
	_ =	sdelay $0x2  }
0x3f5: {  	s31 =	sshra.s32 s21, $0x2  }
0x3f6: {  	v60 =	vld [tilespmem:s31+$0x10D00]  }
0x3f7: {  	v8 =	vld.idx.msk [tilespmem:v8+s16+$0x0], $0xffff;
	_ =	sdelay $0x2  }
0x3f8: {  	v10 =	vor.u32 v4, v7;
	_ =	sdelay $0x1  }
0x3f9: {  	v8 =	vmul.f32 v60, v8;
	_ =	sdelay $0x1  }
0x3fa: {  	v61 =	vld [tilespmem:s31+$0x10D10];
	[tilespmem:s31+$0x18D00] =	vst v8  }
0x3fb: {  	v8 =	vld.idx.msk [tilespmem:v10+s16+$0x0], $0xffff;
	_ =	sdelay $0x2  }
0x3fc: {  	v62 =	vor.u32 v5, v7;
	_ =	sdelay $0x1  }
0x3fd: {  	v8 =	vmul.f32 v61, v8;
	_ =	sdelay $0x1  }
0x3fe: {  	v63 =	vld [tilespmem:s31+$0x10D20];
	[tilespmem:s31+$0x18D10] =	vst v8  }
0x3ff: {  	v8 =	vld.idx.msk [tilespmem:v62+s16+$0x0], $0xffff;
	_ =	sdelay $0x2  }
0x400: {  	v7 =	vor.u32 v6, v7;
	_ =	sdelay $0x1  }
0x401: {  	v8 =	vmul.f32 v63, v8;
	_ =	sdelay $0x1  }
0x402: {  	[tilespmem:s31+$0x18D20] =	vst v8;
	v8 =	vld [tilespmem:s31+$0x10D30]  }
0x403: {  	v7 =	vld.idx.msk [tilespmem:v7+s16+$0x0], $0xffff  }
0x404: {  	s21 =	sadd.s32 $0x200, s21  }
0x405: {  	p0 =	sne.s32 s21, $0x10000  }
.Ltmp15:
0x406: {  	_ = 	snop;
	(pc) =	sbr.rel @p0 .LBB2_30-.Ltmp15, $3  }
0x407: {  	_ = 	snop  }
0x408: {  	v7 =	vmul.f32 v8, v7;
	_ =	sdelay $0x1  }
0x409: {  	s22 =	sadd.s32 $0x1, s22;
	[tilespmem:s31+$0x18D30] =	vst v7  }
0x40a: {  	s0 =	sand.u32 $0x70, s20  }
0x40b: {  	v4 =	vld [tilespmem:s0+$0x380];
	_ =	sdelay $0x3  }
0x40c: {  	v5 =	vmov s20  }
0x40d: {  	v4 =	vperm.xlane v4, v5;
	_ =	sdelay $0x1  }
0x40e: {  	(v2sf) =	vpush v4, $0x0;
	_ =	sdelay $0xe  }
0x40f: {  	s30 =	spop (v2sf)  }
0x410: {  	s0 =	sshll.u32 s30, $0x4  }
0x411: {  	s20 =	simm.s32 $0x1;
	s0 =	sand.u32 $0x1FFFFFF0, s0  }
0x412: {  	s19 =	simm.s32 $0x18D00;
	s31 =	sand.u32 $0x70, s20;
	s0 =	sadd.s32 s5, s0  }
0x413: {  	[hbm4b:s0+s4] =	stream.linear.scatter [tilespmem:s19], [sflag:$0x3], $0x80, $0x38;
	[tilespmem:$0x1CD00] =	vst v63  }
0x414: {  	s21 =	simm.s32 $0x2;
	v4 =	vld [tilespmem:s31+$0x380]  }
.LBB2_32:
0x415: {  	p0 =	sne.s32 s21, $0x7F;
	_ =	sdelay $0x2  }
0x416: {  	v5 =	vmov s20;
	s20 =	smov.u32 s21  }
0x417: {  	v4 =	vperm.xlane v4, v5;
	_ =	sdelay $0x1  }
0x418: {  	(v2sf) =	vpush v4, $0x0;
	_ =	sdelay $0xe  }
0x419: {  	s0 =	spop (v2sf)  }
.Ltmp16:
0x41a: {  	s0 =	sshll.u32 s0, $0x4;
	(pc) =	sbr.rel @p0 .LBB2_32-.Ltmp16, $4  }
0x41b: {  	s0 =	sand.u32 $0x1FFFFFF0, s0  }
0x41c: {  	s22 =	sand.u32 $0x70, s21;
	s19 =	sadd.s32 $0x80, s19;
	s0 =	sadd.s32 s5, s0  }
0x41d: {  	[hbm4b:s0+s4] =	stream.linear.scatter [tilespmem:s19], [sflag:$0x3], $0x80, $0x38;
	[tilespmem:$0x1CD00] =	vst v63  }
0x41e: {  	s21 =	sadd.s32 $0x1, s21;
	v4 =	vld [tilespmem:s22+$0x380]  }
0x41f: {  	_ =	sdelay $0x2  }
0x420: {  	v5 =	vmov s20  }
0x421: {  	v4 =	vperm.xlane v4, v5;
	_ =	sdelay $0x1  }
0x422: {  	(v2sf) =	vpush v4, $0x0;
	_ =	sdelay $0xe  }
0x423: {  	s0 =	spop (v2sf)  }
0x424: {  	s0 =	sshll.u32 s0, $0x4  }
0x425: {  	s0 =	sand.u32 $0x1FFFFFF0, s0  }
0x426: {  	s19 =	sadd.s32 $0x80, s19;
	s18 =	sadd.s32 $0x1, s18;
	s0 =	sadd.s32 s5, s0  }
0x427: {  	[hbm4b:s0+s4] =	stream.linear.scatter [tilespmem:s19], [sflag:$0x3], $0x80, $0x38;
	[tilespmem:$0x1CD00] =	vst v63  }
0x428: {  	p0 =	sne.s32 s18, s8;
	_ =	swait.ge [sflag:s17], $0x4000  }
.Ltmp17:
0x429: {  	[sflag:s17] =	ssyncset.done $0x0;
	(pc) =	sbr.rel @p0 .LBB2_1-.Ltmp17, $4  }
.Ltmp18:
0x42a: {  	[sflag:s17] =	ssyncadd.s32 $0xFFFFC000;
	(pc) =	sbr.rel @!p0 .LBB2_34-.Ltmp18, $4  }
0x42b: {  	_ =	swait.ge [sflag:s17], $0x4000  }
0x42c: {  	[sflag:s17] =	ssyncset.done $0x0  }
0x42d: {  	[sflag:s17] =	ssyncadd.s32 $0xFFFFC000  }
0x42e: {  	_ = 	snop  }
.LBB2_12:
.Ltmp19:
0x42f: {  	(pc) =	sbr.rel .LBB2_16-.Ltmp19, $2  }
0x430: {  	_ =	sdelay $0x2  }
0x431: {  	s25 =	simm.s32 $0x0;
	s24 =	simm.s32 $0xCD00  }
.LBB2_21:
.Ltmp20:
0x432: {  	(pc) =	sbr.rel .LBB2_25-.Ltmp20, $2  }
0x433: {  	_ =	sdelay $0x2  }
0x434: {  	s25 =	simm.s32 $0x0;
	s24 =	simm.s32 $0x10D00  }
.LBB2_14:
.Ltmp21:
0x435: {  	(pc) =	sbr.rel .LBB2_16-.Ltmp21, $2  }
0x436: {  	_ =	sdelay $0x2  }
0x437: {  	s25 =	simm.s32 $0x1;
	s24 =	simm.s32 $0xCD00  }
.LBB2_23:
.Ltmp22:
0x438: {  	(pc) =	sbr.rel .LBB2_25-.Ltmp22, $2  }
0x439: {  	_ =	sdelay $0x2  }
0x43a: {  	s25 =	simm.s32 $0x1;
	s24 =	simm.s32 $0x10D00  }
.LBB2_34:
0x43b: {  	_ =	sfence.sel $0x180000  }
0x43c: {  	[bflag:$0x0] =	sbarrier.arrive $0xFFFF  }
0x43d: {  	_ =	strace $0x90000047  }
0x43e: {  	[bflag:$0x2] =	sbarrier.arrive $0xFFFF  }
0x43f: {  	p0 =	sne.s32 s1, $0x0;
	s0 =	rddreg [dreg:$0x3]  }
0x440: {  	s0 =	sadd.s32 @!p0 $0x100000, s0  }
0x441: {  	[sflag:s0] =	ssyncadd.tile.s32 @!p0 $0x1;
	_ =	shalt  }
.Lfunc_end2:
_tile_overlayer_lowered:
.L_overlay_start_2:
0x442: {  	(tag) =	ssettag $0x2  }
0x443: {  	s0 =	rddreg [dreg:$0x0];
	s2 =	stileid.u32  }
0x444: {  	s1 =	rddreg [dreg:$0x1];
	p0 =	sne.s32 s2, $0x0  }
0x445: {  	s3 =	rddreg [dreg:$0x2];
	[bflag:$0x3] =	sbarrier.arrive $0xFFFF;
	s2 =	simm.s32 @!p0 $0x1C04  }
0x446: {  	[timem:s3], [sflag:s2] =	dma.local @!p0 [hbm:s0], s1  }
0x447: {  	s0 =	simm.s32 @!p0 $0x4  }
0x448: {  	_ =	swait.ge @!p0 [sflag:s0], s1  }
0x449: {  	s1 =	ssub.s32 @!p0 $0x0, s1;
	[sflag:s0] =	ssyncset.done @!p0 $0x0  }
0x44a: {  	[sflag:s0] =	ssyncadd.s32 @!p0 s1  }
0x44b: {  	[bflag:$0x3] =	sbarrier.arrive $0xFFFF  }
0x44c: {  	_ =	shalt  }

</sc_bundles>
